<compile_context>
chip_gen: v7x
topology: tpu7x:2x2x1
jax: 0.10.2.dev20260603
libtpu: 0.0.44.dev20260713+nightly
codegen_flags: <defaults>
</compile_context>

<pallas_src>
import functools

import jax
import jax.numpy as jnp
from jax import lax
from jax.experimental import pallas as pl
from jax.experimental.pallas import tpu as pltpu
from jax.experimental.pallas import tpu_sc as plsc

NC = 2
NS = 16
NW = NC * NS
LANES = 16
CHUNK = 128


def _sc_mesh():
    return plsc.VectorSubcoreMesh(core_axis_name="c", subcore_axis_name="s")


_SC_PARAMS = pltpu.CompilerParams(use_tc_tiling_on_sc=False)


DEGW = LANES


def _sc_degree(edge3d, zeros_tile, ones_chunk, n_acc):
    n_chunks = edge3d.shape[1]
    cpw = n_chunks // NW
    tail = n_chunks - cpw * NW
    orows = n_acc // NS
    wave = cpw
    for w in (32, 26, 24, 16, 13, 8):
        if cpw % w == 0:
            wave = w
            break
    nwaves = cpw // wave

    @functools.partial(
        pl.kernel,
        out_type=jax.ShapeDtypeStruct((NC, n_acc, DEGW), jnp.float32),
        mesh=_sc_mesh(),
        compiler_params=_SC_PARAMS,
        scratch_types=[
            pltpu.VMEM((cpw, CHUNK), jnp.int32),
            pltpu.VMEM((CHUNK, DEGW), jnp.float32),
            pltpu.VMEM((orows, DEGW), jnp.float32),
            pltpu.VMEM_SHARED((n_acc, DEGW), jnp.float32),
            pltpu.SemaphoreType.DMA((4,)),
        ],
    )
    def k(e_hbm, z_hbm, ones_hbm, out_hbm, dstv, ones_v, stage, acc, sems):
        cid = lax.axis_index("c")
        sid = lax.axis_index("s")
        wid = cid * NS + sid
        ssem = sems.at[3]

        cz = pltpu.async_copy(z_hbm, stage, sems.at[0])
        co = pltpu.async_copy(ones_hbm, ones_v, sems.at[1])
        cd = pltpu.async_copy(e_hbm.at[1, pl.ds(wid * cpw, cpw)], dstv,
                              sems.at[2])
        cz.wait()
        pltpu.sync_copy(stage, acc.at[pl.ds(sid * orows, orows)])
        co.wait()
        cd.wait()
        plsc.subcore_barrier()

        @pl.loop(0, nwaves)
        def _(j):
            base = j * wave

            @pl.loop(0, wave)
            def _(i):
                pltpu.async_copy(ones_v, acc.at[dstv.at[base + i]], ssem,
                                 add=True)

            @pl.loop(0, wave)
            def _(i):
                pltpu.make_async_copy(
                    ones_v, acc.at[dstv.at[base + i]], ssem).wait()

        if tail:
            @pl.when(wid >= NW - tail)
            def _():
                tcid = n_chunks - NW + wid
                pltpu.sync_copy(e_hbm.at[1, tcid], dstv.at[0])
                pltpu.sync_copy(ones_v, acc.at[dstv.at[0]], add=True)

        plsc.subcore_barrier()
        pltpu.sync_copy(acc.at[pl.ds(sid * orows, orows)],
                        out_hbm.at[cid, pl.ds(sid * orows, orows)])

    return k(edge3d, zeros_tile, ones_chunk)


def _sc_gather_scatter(g, edge3d, zeros_tile, n_acc):
    n_chunks = edge3d.shape[1]
    cpw = n_chunks // NW
    tail = n_chunks - cpw * NW
    orows = n_acc // NS
    nb = 1
    for cand in (16, 13, 12, 8, 6, 4, 2):
        if cpw % cand == 0:
            nb = cand
            break
    nring = cpw // nb

    @functools.partial(
        pl.kernel,
        out_type=jax.ShapeDtypeStruct((NC, n_acc, LANES), jnp.float32),
        mesh=_sc_mesh(),
        compiler_params=_SC_PARAMS,
        scratch_types=[
            pltpu.VMEM((cpw, CHUNK), jnp.int32),
            pltpu.VMEM((cpw, CHUNK), jnp.int32),
            [pltpu.VMEM((CHUNK, LANES), jnp.float32) for _ in range(nb)],
            pltpu.VMEM((orows, LANES), jnp.float32),
            pltpu.VMEM_SHARED((n_acc, LANES), jnp.float32),
            pltpu.SemaphoreType.DMA((nb,)),
            pltpu.SemaphoreType.DMA((nb,)),
        ],
    )
    def k(g_hbm, e_hbm, z_hbm, out_hbm, srcv, dstv, rows, stage,
          acc, gsem, ssem):
        cid = lax.axis_index("c")
        sid = lax.axis_index("s")
        wid = cid * NS + sid

        cz = pltpu.async_copy(z_hbm, stage, ssem.at[0])
        cs = pltpu.async_copy(e_hbm.at[0, pl.ds(wid * cpw, cpw)], srcv,
                              gsem.at[0])
        cd = pltpu.async_copy(e_hbm.at[1, pl.ds(wid * cpw, cpw)], dstv,
                              ssem.at[1])
        cs.wait()
        for b in range(nb):
            pltpu.async_copy(g_hbm.at[srcv.at[b]], rows[b], gsem.at[b])
        cz.wait()
        pltpu.sync_copy(stage, acc.at[pl.ds(sid * orows, orows)])
        cd.wait()
        plsc.subcore_barrier()

        @pl.loop(0, nring)
        def _(j):
            base = j * nb
            for b in range(nb):
                i = base + b
                pltpu.make_async_copy(
                    g_hbm.at[srcv.at[i]], rows[b], gsem.at[b]).wait()
                pltpu.async_copy(rows[b], acc.at[dstv.at[i]], ssem.at[b],
                                 add=True)

            @pl.when(j < nring - 1)
            def _():
                for b in range(nb):
                    i = base + b
                    pltpu.make_async_copy(
                        rows[b], acc.at[dstv.at[i]], ssem.at[b]).wait()
                    pltpu.async_copy(
                        g_hbm.at[srcv.at[i + nb]], rows[b], gsem.at[b])

        for b in range(nb):
            i = (nring - 1) * nb + b
            pltpu.make_async_copy(
                rows[b], acc.at[dstv.at[i]], ssem.at[b]).wait()

        if tail:
            @pl.when(wid >= NW - tail)
            def _():
                tcid = n_chunks - NW + wid
                pltpu.sync_copy(e_hbm.at[0, tcid], srcv.at[0])
                pltpu.sync_copy(e_hbm.at[1, tcid], dstv.at[0])
                pltpu.sync_copy(g_hbm.at[srcv.at[0]], rows[0])
                pltpu.sync_copy(rows[0], acc.at[dstv.at[0]], add=True)

        plsc.subcore_barrier()
        pltpu.sync_copy(acc.at[pl.ds(sid * orows, orows)],
                        out_hbm.at[cid, pl.ds(sid * orows, orows)])

    return k(g, edge3d, zeros_tile)


def _tc_call(body, out_shapes, *args):
    return pl.pallas_call(
        body,
        out_shape=[jax.ShapeDtypeStruct(s, jnp.float32) for s in out_shapes],
    )(*args)




def _mm_body(x_ref, w_ref, o_ref):
    o_ref[...] = jnp.dot(x_ref[...], w_ref[...],
                         preferred_element_type=jnp.float32)


def _norm_body(degp_ref, h_ref, b_ref, g_ref, disb_ref, a_ref):
    m = h_ref.shape[0]
    degp = degp_ref[...]
    deg = degp[0, :m] + degp[1, :m] + 1.0
    disb = 1.0 / jnp.sqrt(deg)
    h = h_ref[...]
    g_ref[...] = disb * h
    disb_ref[...] = disb
    a_ref[...] = disb * disb * h + b_ref[...]


def _mid_body(sp_ref, disb_ref, a_ref, w2_ref, b2_ref, g2_ref, a2_ref):
    m = disb_ref.shape[0]
    disb = disb_ref[...]
    sp = sp_ref[...]
    out1 = jnp.maximum(disb * (sp[0, :m] + sp[1, :m]) + a_ref[...], 0.0)
    h2 = jnp.dot(out1, w2_ref[...], preferred_element_type=jnp.float32)
    g2_ref[...] = disb * h2
    a2_ref[...] = disb * disb * h2 + b2_ref[...]


def _final_body(sp_ref, disb_ref, a2_ref, o_ref):
    m = disb_ref.shape[0]
    sp = sp_ref[...]
    out2 = disb_ref[...] * (sp[0, :m] + sp[1, :m]) + a2_ref[...]
    zs, ss = [], []
    for j in range(8):
        v = out2[:, 16 * j:16 * (j + 1)]
        z = v - jnp.max(v, axis=1, keepdims=True)
        zs.append(z)
        ss.append(jnp.broadcast_to(
            jnp.sum(jnp.exp(z), axis=1, keepdims=True), v.shape))
    z128 = jnp.concatenate(zs, axis=1)
    s128 = jnp.concatenate(ss, axis=1)
    o_ref[...] = z128 - jnp.log(s128)


@jax.jit
def _gcn(x, edge_index, W1, b1, W2, b2):
    n = x.shape[0]
    e = edge_index.shape[1]

    n_acc = -(-n // (NS * 8)) * NS * 8
    mp, ma = n // 8, n_acc // 8
    edge3d = edge_index.reshape(2, e // CHUNK, CHUNK)
    zeros_tile = jnp.zeros((n_acc // NS, LANES), jnp.float32)
    ones_chunk = jnp.ones((CHUNK, LANES), jnp.float32)
    b1p = jnp.tile(b1, 8).reshape(1, 128)
    b2p = jnp.tile(b2, 8).reshape(1, 128)
    eye8 = jnp.eye(8, dtype=jnp.float32)
    w1blk = jnp.reshape(
        eye8[:, None, :, None] * W1[None, :, None, :], (8 * 128, 128))
    w2blk = jnp.reshape(
        eye8[:, None, :, None] * W2[None, :, None, :], (128, 128))

    degp = _sc_degree(edge3d, zeros_tile, ones_chunk, n_acc)
    (h1p,) = _tc_call(_mm_body, [(mp, 128)], x.reshape(mp, 8 * 128), w1blk)
    g1p, disbp, a1p = _tc_call(_norm_body, [(mp, 128)] * 3,
                               degp.reshape(NC, ma, 128), h1p, b1p)
    s1p = _sc_gather_scatter(g1p.reshape(n, LANES), edge3d, zeros_tile, n_acc)
    g2p, a2p = _tc_call(_mid_body, [(mp, 128)] * 2,
                        s1p.reshape(NC, ma, 128), disbp, a1p, w2blk, b2p)
    s2p = _sc_gather_scatter(g2p.reshape(n, LANES), edge3d, zeros_tile, n_acc)
    (outp,) = _tc_call(_final_body, [(mp, 128)],
                       s2p.reshape(NC, ma, 128), disbp, a2p)
    return outp.reshape(n, LANES)


def kernel(x, edge_index, W1, b1, W2, b2):
    return _gcn(x, edge_index, W1, b1, W2, b2)

# --- scband reference (transcript-rebuilt; emitter-appended) ---
"""Pipeline reference for scband-gcn-71313636982801 (READ-ONLY COPY).

The authoritative reference and input builder live on the scoring server;
editing this copy changes nothing except your own understanding.
"""

import jax, jax.numpy as jnp
import numpy as np

N = 10000
E = 320000
D_IN = 128
D_HID = 16
N_CLASSES = 16


def _gcn_conv(x, src, dst, W, b, num_nodes):
    # symmetric-normalized GCN convolution (self-loops already appended to src/dst)
    deg = jnp.zeros((num_nodes,), jnp.float32).at[dst].add(1.0)
    deg_inv_sqrt = jnp.where(deg > 0, 1.0 / jnp.sqrt(deg), 0.0)
    norm = deg_inv_sqrt[src] * deg_inv_sqrt[dst]
    h = x @ W
    msg = h[src] * norm[:, None]
    out = jnp.zeros((num_nodes, W.shape[1]), jnp.float32).at[dst].add(msg)
    return out + b


def setup_inputs(seed: int = 0):
    key = jax.random.key(seed)
    k1, k2, k3, k4 = jax.random.split(key, 4)
    x = jax.random.normal(k1, (N, D_IN), jnp.float32)
    edge_index = jax.random.randint(k2, (2, E), 0, N, jnp.int32)
    W1 = jax.random.normal(k3, (D_IN, D_HID), jnp.float32) / np.sqrt(D_IN)
    b1 = jnp.zeros((D_HID,), jnp.float32)
    W2 = jax.random.normal(k4, (D_HID, N_CLASSES), jnp.float32) / np.sqrt(D_HID)
    b2 = jnp.zeros((N_CLASSES,), jnp.float32)
    return {"x": x, "edge_index": edge_index, "W1": W1, "b1": b1, "W2": W2, "b2": b2}


def reference(x, edge_index, W1, b1, W2, b2):
    num_nodes = x.shape[0]
    loop = jnp.arange(num_nodes, dtype=edge_index.dtype)
    src = jnp.concatenate([edge_index[0], loop])
    dst = jnp.concatenate([edge_index[1], loop])
    h = jax.nn.relu(_gcn_conv(x, src, dst, W1, b1, num_nodes))
    # dropout(p=0.5) is identity in eval mode
    out = _gcn_conv(h, src, dst, W2, b2, num_nodes)
    return jax.nn.log_softmax(out, axis=1)

if __name__ == "__main__":
    import jax
    _d = setup_inputs()
    print(jax.jit(kernel)(*tuple(_d.values())))

</pallas_src>

<mosaic_0001>
#map = affine_map<(d0, d1) -> (0, 0)>
#map1 = affine_map<(d0, d1) -> (0, 0, 0)>
module attributes {stable_mosaic.version = 14 : i64} {
  func.func @k(%arg0: i32, %arg1: i32, %arg2: memref<10000x16xf32, #tpu.memory_space<hbm>>, %arg3: memref<2x2500x128xi32, #tpu.memory_space<hbm>>, %arg4: memref<632x16xf32, #tpu.memory_space<hbm>>, %arg5: memref<2x10112x16xf32, #tpu.memory_space<hbm>>, %arg6: memref<78x128xi32, #tpu.memory_space<vmem>>, %arg7: memref<78x128xi32, #tpu.memory_space<vmem>>, %arg8: memref<128x16xf32, #tpu.memory_space<vmem>>, %arg9: memref<128x16xf32, #tpu.memory_space<vmem>>, %arg10: memref<128x16xf32, #tpu.memory_space<vmem>>, %arg11: memref<128x16xf32, #tpu.memory_space<vmem>>, %arg12: memref<128x16xf32, #tpu.memory_space<vmem>>, %arg13: memref<128x16xf32, #tpu.memory_space<vmem>>, %arg14: memref<128x16xf32, #tpu.memory_space<vmem>>, %arg15: memref<128x16xf32, #tpu.memory_space<vmem>>, %arg16: memref<128x16xf32, #tpu.memory_space<vmem>>, %arg17: memref<128x16xf32, #tpu.memory_space<vmem>>, %arg18: memref<128x16xf32, #tpu.memory_space<vmem>>, %arg19: memref<128x16xf32, #tpu.memory_space<vmem>>, %arg20: memref<128x16xf32, #tpu.memory_space<vmem>>, %arg21: memref<632x16xf32, #tpu.memory_space<vmem>>, %arg22: memref<10112x16xf32, #tpu.memory_space<vmem_shared>>, %arg23: memref<13x!tpu.dma_semaphore, #tpu.memory_space<semaphore_mem>>, %arg24: memref<13x!tpu.dma_semaphore, #tpu.memory_space<semaphore_mem>>) attributes {dimension_semantics = [#tpu.dimension_semantics<core_parallel>, #tpu.dimension_semantics<subcore_parallel>], iteration_bounds = array<i64: 2, 16>, scalar_prefetch = 0 : i64, scratch_operands = 19 : i64, tpu.core_type = #tpu.core_type<sc_vector_subcore>, window_params = [{transform_indices = #map}, {transform_indices = #map1}, {transform_indices = #map}, {transform_indices = #map1}]} {
    %mul3A = arith.constant 16 : i32
    %mul3A_0 = arith.muli %arg0, %mul3A : i32
    %add3A = arith.addi %mul3A_0, %arg1 : i32
    %dma_start3A = arith.constant 0 : i32
    %dma_start3A_1 = tpu.memref_slice %arg24[%dma_start3A] : memref<13x!tpu.dma_semaphore, #tpu.memory_space<semaphore_mem>> -> memref<1x!tpu.dma_semaphore, #tpu.memory_space<semaphore_mem>>
    %dma_start3A_2 = tpu.memref_squeeze %dma_start3A_1 : memref<1x!tpu.dma_semaphore, #tpu.memory_space<semaphore_mem>> -> memref<!tpu.dma_semaphore, #tpu.memory_space<semaphore_mem>>
    tpu.enqueue_dma source(%arg4 : memref<632x16xf32, #tpu.memory_space<hbm>>) target(%arg21 : memref<632x16xf32, #tpu.memory_space<vmem>>) target_semaphore(%dma_start3A_2 : memref<!tpu.dma_semaphore, #tpu.memory_space<semaphore_mem>>)
    %mul3A_3 = arith.constant 78 : i32
    %mul3A_4 = arith.muli %add3A, %mul3A_3 : i32
    %dma_start3A_5 = arith.constant 0 : i32
    %dma_start3A_6 = arith.constant 0 : i32
    %dma_start3A_7 = arith.constant 0 : i32
    %dma_start3A_8 = tpu.memref_slice %arg3[%dma_start3A_5, %mul3A_4, %dma_start3A_7] : memref<2x2500x128xi32, #tpu.memory_space<hbm>> -> memref<1x78x128xi32, #tpu.memory_space<hbm>>
    %dma_start3A_9 = tpu.memref_squeeze %dma_start3A_8 : memref<1x78x128xi32, #tpu.memory_space<hbm>> -> memref<78x128xi32, #tpu.memory_space<hbm>>
    %dma_start3A_10 = tpu.memref_slice %arg23[%dma_start3A_6] : memref<13x!tpu.dma_semaphore, #tpu.memory_space<semaphore_mem>> -> memref<1x!tpu.dma_semaphore, #tpu.memory_space<semaphore_mem>>
    %dma_start3A_11 = tpu.memref_squeeze %dma_start3A_10 : memref<1x!tpu.dma_semaphore, #tpu.memory_space<semaphore_mem>> -> memref<!tpu.dma_semaphore, #tpu.memory_space<semaphore_mem>>
    %dma_start3A_12 = arith.constant 0 : i32
    %dma_start3A_13 = tpu.memref_slice %arg3[%dma_start3A_5, %mul3A_4, %dma_start3A_12] : memref<2x2500x128xi32, #tpu.memory_space<hbm>> -> memref<1x78x128xi32, #tpu.memory_space<hbm>>
    %dma_start3A_14 = tpu.memref_squeeze %dma_start3A_13 : memref<1x78x128xi32, #tpu.memory_space<hbm>> -> memref<78x128xi32, #tpu.memory_space<hbm>>
    tpu.enqueue_dma source(%dma_start3A_14 : memref<78x128xi32, #tpu.memory_space<hbm>>) target(%arg6 : memref<78x128xi32, #tpu.memory_space<vmem>>) target_semaphore(%dma_start3A_11 : memref<!tpu.dma_semaphore, #tpu.memory_space<semaphore_mem>>)
    %mul3A_15 = arith.constant 78 : i32
    %mul3A_16 = arith.muli %add3A, %mul3A_15 : i32
    %dma_start3A_17 = arith.constant 1 : i32
    %dma_start3A_18 = arith.constant 1 : i32
    %dma_start3A_19 = arith.constant 0 : i32
    %dma_start3A_20 = tpu.memref_slice %arg3[%dma_start3A_17, %mul3A_16, %dma_start3A_19] : memref<2x2500x128xi32, #tpu.memory_space<hbm>> -> memref<1x78x128xi32, #tpu.memory_space<hbm>>
    %dma_start3A_21 = tpu.memref_squeeze %dma_start3A_20 : memref<1x78x128xi32, #tpu.memory_space<hbm>> -> memref<78x128xi32, #tpu.memory_space<hbm>>
    %dma_start3A_22 = tpu.memref_slice %arg24[%dma_start3A_18] : memref<13x!tpu.dma_semaphore, #tpu.memory_space<semaphore_mem>> -> memref<1x!tpu.dma_semaphore, #tpu.memory_space<semaphore_mem>>
    %dma_start3A_23 = tpu.memref_squeeze %dma_start3A_22 : memref<1x!tpu.dma_semaphore, #tpu.memory_space<semaphore_mem>> -> memref<!tpu.dma_semaphore, #tpu.memory_space<semaphore_mem>>
    %dma_start3A_24 = arith.constant 0 : i32
    %dma_start3A_25 = tpu.memref_slice %arg3[%dma_start3A_17, %mul3A_16, %dma_start3A_24] : memref<2x2500x128xi32, #tpu.memory_space<hbm>> -> memref<1x78x128xi32, #tpu.memory_space<hbm>>
    %dma_start3A_26 = tpu.memref_squeeze %dma_start3A_25 : memref<1x78x128xi32, #tpu.memory_space<hbm>> -> memref<78x128xi32, #tpu.memory_space<hbm>>
    tpu.enqueue_dma source(%dma_start3A_26 : memref<78x128xi32, #tpu.memory_space<hbm>>) target(%arg7 : memref<78x128xi32, #tpu.memory_space<vmem>>) target_semaphore(%dma_start3A_23 : memref<!tpu.dma_semaphore, #tpu.memory_space<semaphore_mem>>)
    %dma_wait3A = arith.constant 0 : i32
    %dma_wait3A_27 = arith.constant 0 : i32
    %dma_wait3A_28 = arith.constant 0 : i32
    %dma_wait3A_29 = tpu.memref_slice %arg3[%dma_wait3A, %mul3A_4, %dma_wait3A_28] : memref<2x2500x128xi32, #tpu.memory_space<hbm>> -> memref<1x78x128xi32, #tpu.memory_space<hbm>>
    %dma_wait3A_30 = tpu.memref_squeeze %dma_wait3A_29 : memref<1x78x128xi32, #tpu.memory_space<hbm>> -> memref<78x128xi32, #tpu.memory_space<hbm>>
    %dma_wait3A_31 = tpu.memref_slice %arg23[%dma_wait3A_27] : memref<13x!tpu.dma_semaphore, #tpu.memory_space<semaphore_mem>> -> memref<1x!tpu.dma_semaphore, #tpu.memory_space<semaphore_mem>>
    %dma_wait3A_32 = tpu.memref_squeeze %dma_wait3A_31 : memref<1x!tpu.dma_semaphore, #tpu.memory_space<semaphore_mem>> -> memref<!tpu.dma_semaphore, #tpu.memory_space<semaphore_mem>>
    %dma_wait3A_33 = arith.constant 0 : i32
    %dma_wait3A_34 = tpu.memref_slice %arg3[%dma_wait3A, %mul3A_4, %dma_wait3A_33] : memref<2x2500x128xi32, #tpu.memory_space<hbm>> -> memref<1x78x128xi32, #tpu.memory_space<hbm>>
    %dma_wait3A_35 = tpu.memref_squeeze %dma_wait3A_34 : memref<1x78x128xi32, #tpu.memory_space<hbm>> -> memref<78x128xi32, #tpu.memory_space<hbm>>
    tpu.wait_dma2 semaphore(%dma_wait3A_32 : memref<!tpu.dma_semaphore, #tpu.memory_space<semaphore_mem>>) src(%dma_wait3A_35 : memref<78x128xi32, #tpu.memory_space<hbm>>) dst(%arg6 : memref<78x128xi32, #tpu.memory_space<vmem>>)
    %dma_start3A_36 = arith.constant 0 : i32
    %dma_start3A_37 = arith.constant 0 : i32
    %dma_start3A_38 = arith.constant 0 : i32
    %dma_start3A_39 = tpu.memref_slice %arg6[%dma_start3A_36, %dma_start3A_38] : memref<78x128xi32, #tpu.memory_space<vmem>> -> memref<1x128xi32, #tpu.memory_space<vmem>>
    %dma_start3A_40 = tpu.memref_squeeze %dma_start3A_39 : memref<1x128xi32, #tpu.memory_space<vmem>> -> memref<128xi32, #tpu.memory_space<vmem>>
    %dma_start3A_41 = arith.constant 0 : i32
    %dma_start3A_42 = arith.constant 0 : i32
    %dma_start3A_43 = tpu.memref_slice %arg2[%dma_start3A_41, %dma_start3A_42] : memref<10000x16xf32, #tpu.memory_space<hbm>> -> memref<10000x16xf32, #tpu.memory_space<hbm>>
    %dma_start3A_44 = tpu.memref_slice %arg23[%dma_start3A_37] : memref<13x!tpu.dma_semaphore, #tpu.memory_space<semaphore_mem>> -> memref<1x!tpu.dma_semaphore, #tpu.memory_space<semaphore_mem>>
    %dma_start3A_45 = tpu.memref_squeeze %dma_start3A_44 : memref<1x!tpu.dma_semaphore, #tpu.memory_space<semaphore_mem>> -> memref<!tpu.dma_semaphore, #tpu.memory_space<semaphore_mem>>
    tpu.enqueue_indirect_dma source(%dma_start3A_43 : memref<10000x16xf32, #tpu.memory_space<hbm>>) target(%arg8 : memref<128x16xf32, #tpu.memory_space<vmem>>) offsets(%dma_start3A_40 : memref<128xi32, #tpu.memory_space<vmem>>) semaphore(%dma_start3A_45 : memref<!tpu.dma_semaphore, #tpu.memory_space<semaphore_mem>>)
    %dma_start3A_46 = arith.constant 1 : i32
    %dma_start3A_47 = arith.constant 1 : i32
    %dma_start3A_48 = arith.constant 0 : i32
    %dma_start3A_49 = tpu.memref_slice %arg6[%dma_start3A_46, %dma_start3A_48] : memref<78x128xi32, #tpu.memory_space<vmem>> -> memref<1x128xi32, #tpu.memory_space<vmem>>
    %dma_start3A_50 = tpu.memref_squeeze %dma_start3A_49 : memref<1x128xi32, #tpu.memory_space<vmem>> -> memref<128xi32, #tpu.memory_space<vmem>>
    %dma_start3A_51 = arith.constant 0 : i32
    %dma_start3A_52 = arith.constant 0 : i32
    %dma_start3A_53 = tpu.memref_slice %arg2[%dma_start3A_51, %dma_start3A_52] : memref<10000x16xf32, #tpu.memory_space<hbm>> -> memref<10000x16xf32, #tpu.memory_space<hbm>>
    %dma_start3A_54 = tpu.memref_slice %arg23[%dma_start3A_47] : memref<13x!tpu.dma_semaphore, #tpu.memory_space<semaphore_mem>> -> memref<1x!tpu.dma_semaphore, #tpu.memory_space<semaphore_mem>>
    %dma_start3A_55 = tpu.memref_squeeze %dma_start3A_54 : memref<1x!tpu.dma_semaphore, #tpu.memory_space<semaphore_mem>> -> memref<!tpu.dma_semaphore, #tpu.memory_space<semaphore_mem>>
    tpu.enqueue_indirect_dma source(%dma_start3A_53 : memref<10000x16xf32, #tpu.memory_space<hbm>>) target(%arg9 : memref<128x16xf32, #tpu.memory_space<vmem>>) offsets(%dma_start3A_50 : memref<128xi32, #tpu.memory_space<vmem>>) semaphore(%dma_start3A_55 : memref<!tpu.dma_semaphore, #tpu.memory_space<semaphore_mem>>)
    %dma_start3A_56 = arith.constant 2 : i32
    %dma_start3A_57 = arith.constant 2 : i32
    %dma_start3A_58 = arith.constant 0 : i32
    %dma_start3A_59 = tpu.memref_slice %arg6[%dma_start3A_56, %dma_start3A_58] : memref<78x128xi32, #tpu.memory_space<vmem>> -> memref<1x128xi32, #tpu.memory_space<vmem>>
    %dma_start3A_60 = tpu.memref_squeeze %dma_start3A_59 : memref<1x128xi32, #tpu.memory_space<vmem>> -> memref<128xi32, #tpu.memory_space<vmem>>
    %dma_start3A_61 = arith.constant 0 : i32
    %dma_start3A_62 = arith.constant 0 : i32
    %dma_start3A_63 = tpu.memref_slice %arg2[%dma_start3A_61, %dma_start3A_62] : memref<10000x16xf32, #tpu.memory_space<hbm>> -> memref<10000x16xf32, #tpu.memory_space<hbm>>
    %dma_start3A_64 = tpu.memref_slice %arg23[%dma_start3A_57] : memref<13x!tpu.dma_semaphore, #tpu.memory_space<semaphore_mem>> -> memref<1x!tpu.dma_semaphore, #tpu.memory_space<semaphore_mem>>
    %dma_start3A_65 = tpu.memref_squeeze %dma_start3A_64 : memref<1x!tpu.dma_semaphore, #tpu.memory_space<semaphore_mem>> -> memref<!tpu.dma_semaphore, #tpu.memory_space<semaphore_mem>>
    tpu.enqueue_indirect_dma source(%dma_start3A_63 : memref<10000x16xf32, #tpu.memory_space<hbm>>) target(%arg10 : memref<128x16xf32, #tpu.memory_space<vmem>>) offsets(%dma_start3A_60 : memref<128xi32, #tpu.memory_space<vmem>>) semaphore(%dma_start3A_65 : memref<!tpu.dma_semaphore, #tpu.memory_space<semaphore_mem>>)
    %dma_start3A_66 = arith.constant 3 : i32
    %dma_start3A_67 = arith.constant 3 : i32
    %dma_start3A_68 = arith.constant 0 : i32
    %dma_start3A_69 = tpu.memref_slice %arg6[%dma_start3A_66, %dma_start3A_68] : memref<78x128xi32, #tpu.memory_space<vmem>> -> memref<1x128xi32, #tpu.memory_space<vmem>>
    %dma_start3A_70 = tpu.memref_squeeze %dma_start3A_69 : memref<1x128xi32, #tpu.memory_space<vmem>> -> memref<128xi32, #tpu.memory_space<vmem>>
    %dma_start3A_71 = arith.constant 0 : i32
    %dma_start3A_72 = arith.constant 0 : i32
    %dma_start3A_73 = tpu.memref_slice %arg2[%dma_start3A_71, %dma_start3A_72] : memref<10000x16xf32, #tpu.memory_space<hbm>> -> memref<10000x16xf32, #tpu.memory_space<hbm>>
    %dma_start3A_74 = tpu.memref_slice %arg23[%dma_start3A_67] : memref<13x!tpu.dma_semaphore, #tpu.memory_space<semaphore_mem>> -> memref<1x!tpu.dma_semaphore, #tpu.memory_space<semaphore_mem>>
    %dma_start3A_75 = tpu.memref_squeeze %dma_start3A_74 : memref<1x!tpu.dma_semaphore, #tpu.memory_space<semaphore_mem>> -> memref<!tpu.dma_semaphore, #tpu.memory_space<semaphore_mem>>
    tpu.enqueue_indirect_dma source(%dma_start3A_73 : memref<10000x16xf32, #tpu.memory_space<hbm>>) target(%arg11 : memref<128x16xf32, #tpu.memory_space<vmem>>) offsets(%dma_start3A_70 : memref<128xi32, #tpu.memory_space<vmem>>) semaphore(%dma_start3A_75 : memref<!tpu.dma_semaphore, #tpu.memory_space<semaphore_mem>>)
    %dma_start3A_76 = arith.constant 4 : i32
    %dma_start3A_77 = arith.constant 4 : i32
    %dma_start3A_78 = arith.constant 0 : i32
    %dma_start3A_79 = tpu.memref_slice %arg6[%dma_start3A_76, %dma_start3A_78] : memref<78x128xi32, #tpu.memory_space<vmem>> -> memref<1x128xi32, #tpu.memory_space<vmem>>
    %dma_start3A_80 = tpu.memref_squeeze %dma_start3A_79 : memref<1x128xi32, #tpu.memory_space<vmem>> -> memref<128xi32, #tpu.memory_space<vmem>>
    %dma_start3A_81 = arith.constant 0 : i32
    %dma_start3A_82 = arith.constant 0 : i32
    %dma_start3A_83 = tpu.memref_slice %arg2[%dma_start3A_81, %dma_start3A_82] : memref<10000x16xf32, #tpu.memory_space<hbm>> -> memref<10000x16xf32, #tpu.memory_space<hbm>>
    %dma_start3A_84 = tpu.memref_slice %arg23[%dma_start3A_77] : memref<13x!tpu.dma_semaphore, #tpu.memory_space<semaphore_mem>> -> memref<1x!tpu.dma_semaphore, #tpu.memory_space<semaphore_mem>>
    %dma_start3A_85 = tpu.memref_squeeze %dma_start3A_84 : memref<1x!tpu.dma_semaphore, #tpu.memory_space<semaphore_mem>> -> memref<!tpu.dma_semaphore, #tpu.memory_space<semaphore_mem>>
    tpu.enqueue_indirect_dma source(%dma_start3A_83 : memref<10000x16xf32, #tpu.memory_space<hbm>>) target(%arg12 : memref<128x16xf32, #tpu.memory_space<vmem>>) offsets(%dma_start3A_80 : memref<128xi32, #tpu.memory_space<vmem>>) semaphore(%dma_start3A_85 : memref<!tpu.dma_semaphore, #tpu.memory_space<semaphore_mem>>)
    %dma_start3A_86 = arith.constant 5 : i32
    %dma_start3A_87 = arith.constant 5 : i32
    %dma_start3A_88 = arith.constant 0 : i32
    %dma_start3A_89 = tpu.memref_slice %arg6[%dma_start3A_86, %dma_start3A_88] : memref<78x128xi32, #tpu.memory_space<vmem>> -> memref<1x128xi32, #tpu.memory_space<vmem>>
    %dma_start3A_90 = tpu.memref_squeeze %dma_start3A_89 : memref<1x128xi32, #tpu.memory_space<vmem>> -> memref<128xi32, #tpu.memory_space<vmem>>
    %dma_start3A_91 = arith.constant 0 : i32
    %dma_start3A_92 = arith.constant 0 : i32
    %dma_start3A_93 = tpu.memref_slice %arg2[%dma_start3A_91, %dma_start3A_92] : memref<10000x16xf32, #tpu.memory_space<hbm>> -> memref<10000x16xf32, #tpu.memory_space<hbm>>
    %dma_start3A_94 = tpu.memref_slice %arg23[%dma_start3A_87] : memref<13x!tpu.dma_semaphore, #tpu.memory_space<semaphore_mem>> -> memref<1x!tpu.dma_semaphore, #tpu.memory_space<semaphore_mem>>
    %dma_start3A_95 = tpu.memref_squeeze %dma_start3A_94 : memref<1x!tpu.dma_semaphore, #tpu.memory_space<semaphore_mem>> -> memref<!tpu.dma_semaphore, #tpu.memory_space<semaphore_mem>>
    tpu.enqueue_indirect_dma source(%dma_start3A_93 : memref<10000x16xf32, #tpu.memory_space<hbm>>) target(%arg13 : memref<128x16xf32, #tpu.memory_space<vmem>>) offsets(%dma_start3A_90 : memref<128xi32, #tpu.memory_space<vmem>>) semaphore(%dma_start3A_95 : memref<!tpu.dma_semaphore, #tpu.memory_space<semaphore_mem>>)
    %dma_start3A_96 = arith.constant 6 : i32
    %dma_start3A_97 = arith.constant 6 : i32
    %dma_start3A_98 = arith.constant 0 : i32
    %dma_start3A_99 = tpu.memref_slice %arg6[%dma_start3A_96, %dma_start3A_98] : memref<78x128xi32, #tpu.memory_space<vmem>> -> memref<1x128xi32, #tpu.memory_space<vmem>>
    %dma_start3A_100 = tpu.memref_squeeze %dma_start3A_99 : memref<1x128xi32, #tpu.memory_space<vmem>> -> memref<128xi32, #tpu.memory_space<vmem>>
    %dma_start3A_101 = arith.constant 0 : i32
    %dma_start3A_102 = arith.constant 0 : i32
    %dma_start3A_103 = tpu.memref_slice %arg2[%dma_start3A_101, %dma_start3A_102] : memref<10000x16xf32, #tpu.memory_space<hbm>> -> memref<10000x16xf32, #tpu.memory_space<hbm>>
    %dma_start3A_104 = tpu.memref_slice %arg23[%dma_start3A_97] : memref<13x!tpu.dma_semaphore, #tpu.memory_space<semaphore_mem>> -> memref<1x!tpu.dma_semaphore, #tpu.memory_space<semaphore_mem>>
    %dma_start3A_105 = tpu.memref_squeeze %dma_start3A_104 : memref<1x!tpu.dma_semaphore, #tpu.memory_space<semaphore_mem>> -> memref<!tpu.dma_semaphore, #tpu.memory_space<semaphore_mem>>
    tpu.enqueue_indirect_dma source(%dma_start3A_103 : memref<10000x16xf32, #tpu.memory_space<hbm>>) target(%arg14 : memref<128x16xf32, #tpu.memory_space<vmem>>) offsets(%dma_start3A_100 : memref<128xi32, #tpu.memory_space<vmem>>) semaphore(%dma_start3A_105 : memref<!tpu.dma_semaphore, #tpu.memory_space<semaphore_mem>>)
    %dma_start3A_106 = arith.constant 7 : i32
    %dma_start3A_107 = arith.constant 7 : i32
    %dma_start3A_108 = arith.constant 0 : i32
    %dma_start3A_109 = tpu.memref_slice %arg6[%dma_start3A_106, %dma_start3A_108] : memref<78x128xi32, #tpu.memory_space<vmem>> -> memref<1x128xi32, #tpu.memory_space<vmem>>
    %dma_start3A_110 = tpu.memref_squeeze %dma_start3A_109 : memref<1x128xi32, #tpu.memory_space<vmem>> -> memref<128xi32, #tpu.memory_space<vmem>>
    %dma_start3A_111 = arith.constant 0 : i32
    %dma_start3A_112 = arith.constant 0 : i32
    %dma_start3A_113 = tpu.memref_slice %arg2[%dma_start3A_111, %dma_start3A_112] : memref<10000x16xf32, #tpu.memory_space<hbm>> -> memref<10000x16xf32, #tpu.memory_space<hbm>>
    %dma_start3A_114 = tpu.memref_slice %arg23[%dma_start3A_107] : memref<13x!tpu.dma_semaphore, #tpu.memory_space<semaphore_mem>> -> memref<1x!tpu.dma_semaphore, #tpu.memory_space<semaphore_mem>>
    %dma_start3A_115 = tpu.memref_squeeze %dma_start3A_114 : memref<1x!tpu.dma_semaphore, #tpu.memory_space<semaphore_mem>> -> memref<!tpu.dma_semaphore, #tpu.memory_space<semaphore_mem>>
    tpu.enqueue_indirect_dma source(%dma_start3A_113 : memref<10000x16xf32, #tpu.memory_space<hbm>>) target(%arg15 : memref<128x16xf32, #tpu.memory_space<vmem>>) offsets(%dma_start3A_110 : memref<128xi32, #tpu.memory_space<vmem>>) semaphore(%dma_start3A_115 : memref<!tpu.dma_semaphore, #tpu.memory_space<semaphore_mem>>)
    %dma_start3A_116 = arith.constant 8 : i32
    %dma_start3A_117 = arith.constant 8 : i32
    %dma_start3A_118 = arith.constant 0 : i32
    %dma_start3A_119 = tpu.memref_slice %arg6[%dma_start3A_116, %dma_start3A_118] : memref<78x128xi32, #tpu.memory_space<vmem>> -> memref<1x128xi32, #tpu.memory_space<vmem>>
    %dma_start3A_120 = tpu.memref_squeeze %dma_start3A_119 : memref<1x128xi32, #tpu.memory_space<vmem>> -> memref<128xi32, #tpu.memory_space<vmem>>
    %dma_start3A_121 = arith.constant 0 : i32
    %dma_start3A_122 = arith.constant 0 : i32
    %dma_start3A_123 = tpu.memref_slice %arg2[%dma_start3A_121, %dma_start3A_122] : memref<10000x16xf32, #tpu.memory_space<hbm>> -> memref<10000x16xf32, #tpu.memory_space<hbm>>
    %dma_start3A_124 = tpu.memref_slice %arg23[%dma_start3A_117] : memref<13x!tpu.dma_semaphore, #tpu.memory_space<semaphore_mem>> -> memref<1x!tpu.dma_semaphore, #tpu.memory_space<semaphore_mem>>
    %dma_start3A_125 = tpu.memref_squeeze %dma_start3A_124 : memref<1x!tpu.dma_semaphore, #tpu.memory_space<semaphore_mem>> -> memref<!tpu.dma_semaphore, #tpu.memory_space<semaphore_mem>>
    tpu.enqueue_indirect_dma source(%dma_start3A_123 : memref<10000x16xf32, #tpu.memory_space<hbm>>) target(%arg16 : memref<128x16xf32, #tpu.memory_space<vmem>>) offsets(%dma_start3A_120 : memref<128xi32, #tpu.memory_space<vmem>>) semaphore(%dma_start3A_125 : memref<!tpu.dma_semaphore, #tpu.memory_space<semaphore_mem>>)
    %dma_start3A_126 = arith.constant 9 : i32
    %dma_start3A_127 = arith.constant 9 : i32
    %dma_start3A_128 = arith.constant 0 : i32
    %dma_start3A_129 = tpu.memref_slice %arg6[%dma_start3A_126, %dma_start3A_128] : memref<78x128xi32, #tpu.memory_space<vmem>> -> memref<1x128xi32, #tpu.memory_space<vmem>>
    %dma_start3A_130 = tpu.memref_squeeze %dma_start3A_129 : memref<1x128xi32, #tpu.memory_space<vmem>> -> memref<128xi32, #tpu.memory_space<vmem>>
    %dma_start3A_131 = arith.constant 0 : i32
    %dma_start3A_132 = arith.constant 0 : i32
    %dma_start3A_133 = tpu.memref_slice %arg2[%dma_start3A_131, %dma_start3A_132] : memref<10000x16xf32, #tpu.memory_space<hbm>> -> memref<10000x16xf32, #tpu.memory_space<hbm>>
    %dma_start3A_134 = tpu.memref_slice %arg23[%dma_start3A_127] : memref<13x!tpu.dma_semaphore, #tpu.memory_space<semaphore_mem>> -> memref<1x!tpu.dma_semaphore, #tpu.memory_space<semaphore_mem>>
    %dma_start3A_135 = tpu.memref_squeeze %dma_start3A_134 : memref<1x!tpu.dma_semaphore, #tpu.memory_space<semaphore_mem>> -> memref<!tpu.dma_semaphore, #tpu.memory_space<semaphore_mem>>
    tpu.enqueue_indirect_dma source(%dma_start3A_133 : memref<10000x16xf32, #tpu.memory_space<hbm>>) target(%arg17 : memref<128x16xf32, #tpu.memory_space<vmem>>) offsets(%dma_start3A_130 : memref<128xi32, #tpu.memory_space<vmem>>) semaphore(%dma_start3A_135 : memref<!tpu.dma_semaphore, #tpu.memory_space<semaphore_mem>>)
    %dma_start3A_136 = arith.constant 10 : i32
    %dma_start3A_137 = arith.constant 10 : i32
    %dma_start3A_138 = arith.constant 0 : i32
    %dma_start3A_139 = tpu.memref_slice %arg6[%dma_start3A_136, %dma_start3A_138] : memref<78x128xi32, #tpu.memory_space<vmem>> -> memref<1x128xi32, #tpu.memory_space<vmem>>
    %dma_start3A_140 = tpu.memref_squeeze %dma_start3A_139 : memref<1x128xi32, #tpu.memory_space<vmem>> -> memref<128xi32, #tpu.memory_space<vmem>>
    %dma_start3A_141 = arith.constant 0 : i32
    %dma_start3A_142 = arith.constant 0 : i32
    %dma_start3A_143 = tpu.memref_slice %arg2[%dma_start3A_141, %dma_start3A_142] : memref<10000x16xf32, #tpu.memory_space<hbm>> -> memref<10000x16xf32, #tpu.memory_space<hbm>>
    %dma_start3A_144 = tpu.memref_slice %arg23[%dma_start3A_137] : memref<13x!tpu.dma_semaphore, #tpu.memory_space<semaphore_mem>> -> memref<1x!tpu.dma_semaphore, #tpu.memory_space<semaphore_mem>>
    %dma_start3A_145 = tpu.memref_squeeze %dma_start3A_144 : memref<1x!tpu.dma_semaphore, #tpu.memory_space<semaphore_mem>> -> memref<!tpu.dma_semaphore, #tpu.memory_space<semaphore_mem>>
    tpu.enqueue_indirect_dma source(%dma_start3A_143 : memref<10000x16xf32, #tpu.memory_space<hbm>>) target(%arg18 : memref<128x16xf32, #tpu.memory_space<vmem>>) offsets(%dma_start3A_140 : memref<128xi32, #tpu.memory_space<vmem>>) semaphore(%dma_start3A_145 : memref<!tpu.dma_semaphore, #tpu.memory_space<semaphore_mem>>)
    %dma_start3A_146 = arith.constant 11 : i32
    %dma_start3A_147 = arith.constant 11 : i32
    %dma_start3A_148 = arith.constant 0 : i32
    %dma_start3A_149 = tpu.memref_slice %arg6[%dma_start3A_146, %dma_start3A_148] : memref<78x128xi32, #tpu.memory_space<vmem>> -> memref<1x128xi32, #tpu.memory_space<vmem>>
    %dma_start3A_150 = tpu.memref_squeeze %dma_start3A_149 : memref<1x128xi32, #tpu.memory_space<vmem>> -> memref<128xi32, #tpu.memory_space<vmem>>
    %dma_start3A_151 = arith.constant 0 : i32
    %dma_start3A_152 = arith.constant 0 : i32
    %dma_start3A_153 = tpu.memref_slice %arg2[%dma_start3A_151, %dma_start3A_152] : memref<10000x16xf32, #tpu.memory_space<hbm>> -> memref<10000x16xf32, #tpu.memory_space<hbm>>
    %dma_start3A_154 = tpu.memref_slice %arg23[%dma_start3A_147] : memref<13x!tpu.dma_semaphore, #tpu.memory_space<semaphore_mem>> -> memref<1x!tpu.dma_semaphore, #tpu.memory_space<semaphore_mem>>
    %dma_start3A_155 = tpu.memref_squeeze %dma_start3A_154 : memref<1x!tpu.dma_semaphore, #tpu.memory_space<semaphore_mem>> -> memref<!tpu.dma_semaphore, #tpu.memory_space<semaphore_mem>>
    tpu.enqueue_indirect_dma source(%dma_start3A_153 : memref<10000x16xf32, #tpu.memory_space<hbm>>) target(%arg19 : memref<128x16xf32, #tpu.memory_space<vmem>>) offsets(%dma_start3A_150 : memref<128xi32, #tpu.memory_space<vmem>>) semaphore(%dma_start3A_155 : memref<!tpu.dma_semaphore, #tpu.memory_space<semaphore_mem>>)
    %dma_start3A_156 = arith.constant 12 : i32
    %dma_start3A_157 = arith.constant 12 : i32
    %dma_start3A_158 = arith.constant 0 : i32
    %dma_start3A_159 = tpu.memref_slice %arg6[%dma_start3A_156, %dma_start3A_158] : memref<78x128xi32, #tpu.memory_space<vmem>> -> memref<1x128xi32, #tpu.memory_space<vmem>>
    %dma_start3A_160 = tpu.memref_squeeze %dma_start3A_159 : memref<1x128xi32, #tpu.memory_space<vmem>> -> memref<128xi32, #tpu.memory_space<vmem>>
    %dma_start3A_161 = arith.constant 0 : i32
    %dma_start3A_162 = arith.constant 0 : i32
    %dma_start3A_163 = tpu.memref_slice %arg2[%dma_start3A_161, %dma_start3A_162] : memref<10000x16xf32, #tpu.memory_space<hbm>> -> memref<10000x16xf32, #tpu.memory_space<hbm>>
    %dma_start3A_164 = tpu.memref_slice %arg23[%dma_start3A_157] : memref<13x!tpu.dma_semaphore, #tpu.memory_space<semaphore_mem>> -> memref<1x!tpu.dma_semaphore, #tpu.memory_space<semaphore_mem>>
    %dma_start3A_165 = tpu.memref_squeeze %dma_start3A_164 : memref<1x!tpu.dma_semaphore, #tpu.memory_space<semaphore_mem>> -> memref<!tpu.dma_semaphore, #tpu.memory_space<semaphore_mem>>
    tpu.enqueue_indirect_dma source(%dma_start3A_163 : memref<10000x16xf32, #tpu.memory_space<hbm>>) target(%arg20 : memref<128x16xf32, #tpu.memory_space<vmem>>) offsets(%dma_start3A_160 : memref<128xi32, #tpu.memory_space<vmem>>) semaphore(%dma_start3A_165 : memref<!tpu.dma_semaphore, #tpu.memory_space<semaphore_mem>>)
    %dma_wait3A_166 = arith.constant 0 : i32
    %dma_wait3A_167 = tpu.memref_slice %arg24[%dma_wait3A_166] : memref<13x!tpu.dma_semaphore, #tpu.memory_space<semaphore_mem>> -> memref<1x!tpu.dma_semaphore, #tpu.memory_space<semaphore_mem>>
    %dma_wait3A_168 = tpu.memref_squeeze %dma_wait3A_167 : memref<1x!tpu.dma_semaphore, #tpu.memory_space<semaphore_mem>> -> memref<!tpu.dma_semaphore, #tpu.memory_space<semaphore_mem>>
    tpu.wait_dma2 semaphore(%dma_wait3A_168 : memref<!tpu.dma_semaphore, #tpu.memory_space<semaphore_mem>>) src(%arg4 : memref<632x16xf32, #tpu.memory_space<hbm>>) dst(%arg21 : memref<632x16xf32, #tpu.memory_space<vmem>>)
    %mul3A_169 = arith.constant 632 : i32
    %mul3A_170 = arith.muli %arg1, %mul3A_169 : i32
    "tpu.region"() ({
      %run_scoped3A = tpu.sem_alloc : memref<!tpu.dma_semaphore, #tpu.memory_space<semaphore_mem>>
      %dma_start3A_322 = arith.constant 0 : i32
      %dma_start3A_323 = tpu.memref_slice %arg22[%mul3A_170, %dma_start3A_322] : memref<10112x16xf32, #tpu.memory_space<vmem_shared>> -> memref<632x16xf32, #tpu.memory_space<vmem_shared>>
      %dma_start3A_324 = arith.constant 0 : i32
      %dma_start3A_325 = tpu.memref_slice %arg22[%mul3A_170, %dma_start3A_324] : memref<10112x16xf32, #tpu.memory_space<vmem_shared>> -> memref<632x16xf32, #tpu.memory_space<vmem_shared>>
      tpu.enqueue_dma source(%arg21 : memref<632x16xf32, #tpu.memory_space<vmem>>) target(%dma_start3A_325 : memref<632x16xf32, #tpu.memory_space<vmem_shared>>) target_semaphore(%run_scoped3A : memref<!tpu.dma_semaphore, #tpu.memory_space<semaphore_mem>>)
      %dma_wait3A_326 = arith.constant 0 : i32
      %dma_wait3A_327 = tpu.memref_slice %arg22[%mul3A_170, %dma_wait3A_326] : memref<10112x16xf32, #tpu.memory_space<vmem_shared>> -> memref<632x16xf32, #tpu.memory_space<vmem_shared>>
      %dma_wait3A_328 = arith.constant 0 : i32
      %dma_wait3A_329 = tpu.memref_slice %arg22[%mul3A_170, %dma_wait3A_328] : memref<10112x16xf32, #tpu.memory_space<vmem_shared>> -> memref<632x16xf32, #tpu.memory_space<vmem_shared>>
      tpu.wait_dma2 semaphore(%run_scoped3A : memref<!tpu.dma_semaphore, #tpu.memory_space<semaphore_mem>>) src(%arg21 : memref<632x16xf32, #tpu.memory_space<vmem>>) dst(%dma_wait3A_329 : memref<632x16xf32, #tpu.memory_space<vmem_shared>>)
      tpu.yield
    }) : () -> ()
    %dma_wait3A_171 = arith.constant 1 : i32
    %dma_wait3A_172 = arith.constant 1 : i32
    %dma_wait3A_173 = arith.constant 0 : i32
    %dma_wait3A_174 = tpu.memref_slice %arg3[%dma_wait3A_171, %mul3A_16, %dma_wait3A_173] : memref<2x2500x128xi32, #tpu.memory_space<hbm>> -> memref<1x78x128xi32, #tpu.memory_space<hbm>>
    %dma_wait3A_175 = tpu.memref_squeeze %dma_wait3A_174 : memref<1x78x128xi32, #tpu.memory_space<hbm>> -> memref<78x128xi32, #tpu.memory_space<hbm>>
    %dma_wait3A_176 = tpu.memref_slice %arg24[%dma_wait3A_172] : memref<13x!tpu.dma_semaphore, #tpu.memory_space<semaphore_mem>> -> memref<1x!tpu.dma_semaphore, #tpu.memory_space<semaphore_mem>>
    %dma_wait3A_177 = tpu.memref_squeeze %dma_wait3A_176 : memref<1x!tpu.dma_semaphore, #tpu.memory_space<semaphore_mem>> -> memref<!tpu.dma_semaphore, #tpu.memory_space<semaphore_mem>>
    %dma_wait3A_178 = arith.constant 0 : i32
    %dma_wait3A_179 = tpu.memref_slice %arg3[%dma_wait3A_171, %mul3A_16, %dma_wait3A_178] : memref<2x2500x128xi32, #tpu.memory_space<hbm>> -> memref<1x78x128xi32, #tpu.memory_space<hbm>>
    %dma_wait3A_180 = tpu.memref_squeeze %dma_wait3A_179 : memref<1x78x128xi32, #tpu.memory_space<hbm>> -> memref<78x128xi32, #tpu.memory_space<hbm>>
    tpu.wait_dma2 semaphore(%dma_wait3A_177 : memref<!tpu.dma_semaphore, #tpu.memory_space<semaphore_mem>>) src(%dma_wait3A_180 : memref<78x128xi32, #tpu.memory_space<hbm>>) dst(%arg7 : memref<78x128xi32, #tpu.memory_space<vmem>>)
    %barrier3A = arith.constant 0 : index
    tpu.barrier barrier_id(%barrier3A)
    %scan3A = arith.constant 0 : i32
    %scan3A_181 = arith.constant 6 : i32
    %scan3A_182 = arith.addi %scan3A, %scan3A_181 : i32
    %scan3A_183 = arith.constant 1 : i32
    scf.for %scan3A_322 = %scan3A to %scan3A_182 step %scan3A_183  : i32 {
      %mul3A_323 = arith.constant 1 : i32
      %mul3A_324 = arith.muli %scan3A_322, %mul3A_323 : i32
      %add3A_325 = arith.constant 0 : i32
      %add3A_326 = arith.addi %add3A_325, %mul3A_324 : i32
      %mul3A_327 = arith.constant 13 : i32
      %mul3A_328 = arith.muli %add3A_326, %mul3A_327 : i32
      %add3A_329 = arith.constant 0 : i32
      %add3A_330 = arith.addi %mul3A_328, %add3A_329 : i32
      %dma_wait3A_331 = arith.constant 0 : i32
      %dma_wait3A_332 = arith.constant 0 : i32
      %dma_wait3A_333 = tpu.memref_slice %arg6[%add3A_330, %dma_wait3A_332] : memref<78x128xi32, #tpu.memory_space<vmem>> -> memref<1x128xi32, #tpu.memory_space<vmem>>
      %dma_wait3A_334 = tpu.memref_squeeze %dma_wait3A_333 : memref<1x128xi32, #tpu.memory_space<vmem>> -> memref<128xi32, #tpu.memory_space<vmem>>
      %dma_wait3A_335 = arith.constant 0 : i32
      %dma_wait3A_336 = arith.constant 0 : i32
      %dma_wait3A_337 = tpu.memref_slice %arg2[%dma_wait3A_335, %dma_wait3A_336] : memref<10000x16xf32, #tpu.memory_space<hbm>> -> memref<10000x16xf32, #tpu.memory_space<hbm>>
      %dma_wait3A_338 = tpu.memref_slice %arg23[%dma_wait3A_331] : memref<13x!tpu.dma_semaphore, #tpu.memory_space<semaphore_mem>> -> memref<1x!tpu.dma_semaphore, #tpu.memory_space<semaphore_mem>>
      %dma_wait3A_339 = tpu.memref_squeeze %dma_wait3A_338 : memref<1x!tpu.dma_semaphore, #tpu.memory_space<semaphore_mem>> -> memref<!tpu.dma_semaphore, #tpu.memory_space<semaphore_mem>>
      tpu.wait_indirect_dma semaphore(%dma_wait3A_339 : memref<!tpu.dma_semaphore, #tpu.memory_space<semaphore_mem>>) src(%dma_wait3A_337 : memref<10000x16xf32, #tpu.memory_space<hbm>>) dst(%arg8 : memref<128x16xf32, #tpu.memory_space<vmem>>)
      %dma_start3A_340 = arith.constant 0 : i32
      %dma_start3A_341 = arith.constant 0 : i32
      %dma_start3A_342 = tpu.memref_slice %arg7[%add3A_330, %dma_start3A_341] : memref<78x128xi32, #tpu.memory_space<vmem>> -> memref<1x128xi32, #tpu.memory_space<vmem>>
      %dma_start3A_343 = tpu.memref_squeeze %dma_start3A_342 : memref<1x128xi32, #tpu.memory_space<vmem>> -> memref<128xi32, #tpu.memory_space<vmem>>
      %dma_start3A_344 = arith.constant 0 : i32
      %dma_start3A_345 = arith.constant 0 : i32
      %dma_start3A_346 = tpu.memref_slice %arg22[%dma_start3A_344, %dma_start3A_345] : memref<10112x16xf32, #tpu.memory_space<vmem_shared>> -> memref<10112x16xf32, #tpu.memory_space<vmem_shared>>
      %dma_start3A_347 = tpu.memref_slice %arg24[%dma_start3A_340] : memref<13x!tpu.dma_semaphore, #tpu.memory_space<semaphore_mem>> -> memref<1x!tpu.dma_semaphore, #tpu.memory_space<semaphore_mem>>
      %dma_start3A_348 = tpu.memref_squeeze %dma_start3A_347 : memref<1x!tpu.dma_semaphore, #tpu.memory_space<semaphore_mem>> -> memref<!tpu.dma_semaphore, #tpu.memory_space<semaphore_mem>>
      tpu.enqueue_indirect_dma source(%arg8 : memref<128x16xf32, #tpu.memory_space<vmem>>) target(%dma_start3A_346 : memref<10112x16xf32, #tpu.memory_space<vmem_shared>>) offsets(%dma_start3A_343 : memref<128xi32, #tpu.memory_space<vmem>>) semaphore(%dma_start3A_348 : memref<!tpu.dma_semaphore, #tpu.memory_space<semaphore_mem>>) {add = true}
      %add3A_349 = arith.constant 1 : i32
      %add3A_350 = arith.addi %mul3A_328, %add3A_349 : i32
      %dma_wait3A_351 = arith.constant 1 : i32
      %dma_wait3A_352 = arith.constant 0 : i32
      %dma_wait3A_353 = tpu.memref_slice %arg6[%add3A_350, %dma_wait3A_352] : memref<78x128xi32, #tpu.memory_space<vmem>> -> memref<1x128xi32, #tpu.memory_space<vmem>>
      %dma_wait3A_354 = tpu.memref_squeeze %dma_wait3A_353 : memref<1x128xi32, #tpu.memory_space<vmem>> -> memref<128xi32, #tpu.memory_space<vmem>>
      %dma_wait3A_355 = arith.constant 0 : i32
      %dma_wait3A_356 = arith.constant 0 : i32
      %dma_wait3A_357 = tpu.memref_slice %arg2[%dma_wait3A_355, %dma_wait3A_356] : memref<10000x16xf32, #tpu.memory_space<hbm>> -> memref<10000x16xf32, #tpu.memory_space<hbm>>
      %dma_wait3A_358 = tpu.memref_slice %arg23[%dma_wait3A_351] : memref<13x!tpu.dma_semaphore, #tpu.memory_space<semaphore_mem>> -> memref<1x!tpu.dma_semaphore, #tpu.memory_space<semaphore_mem>>
      %dma_wait3A_359 = tpu.memref_squeeze %dma_wait3A_358 : memref<1x!tpu.dma_semaphore, #tpu.memory_space<semaphore_mem>> -> memref<!tpu.dma_semaphore, #tpu.memory_space<semaphore_mem>>
      tpu.wait_indirect_dma semaphore(%dma_wait3A_359 : memref<!tpu.dma_semaphore, #tpu.memory_space<semaphore_mem>>) src(%dma_wait3A_357 : memref<10000x16xf32, #tpu.memory_space<hbm>>) dst(%arg9 : memref<128x16xf32, #tpu.memory_space<vmem>>)
      %dma_start3A_360 = arith.constant 1 : i32
      %dma_start3A_361 = arith.constant 0 : i32
      %dma_start3A_362 = tpu.memref_slice %arg7[%add3A_350, %dma_start3A_361] : memref<78x128xi32, #tpu.memory_space<vmem>> -> memref<1x128xi32, #tpu.memory_space<vmem>>
      %dma_start3A_363 = tpu.memref_squeeze %dma_start3A_362 : memref<1x128xi32, #tpu.memory_space<vmem>> -> memref<128xi32, #tpu.memory_space<vmem>>
      %dma_start3A_364 = arith.constant 0 : i32
      %dma_start3A_365 = arith.constant 0 : i32
      %dma_start3A_366 = tpu.memref_slice %arg22[%dma_start3A_364, %dma_start3A_365] : memref<10112x16xf32, #tpu.memory_space<vmem_shared>> -> memref<10112x16xf32, #tpu.memory_space<vmem_shared>>
      %dma_start3A_367 = tpu.memref_slice %arg24[%dma_start3A_360] : memref<13x!tpu.dma_semaphore, #tpu.memory_space<semaphore_mem>> -> memref<1x!tpu.dma_semaphore, #tpu.memory_space<semaphore_mem>>
      %dma_start3A_368 = tpu.memref_squeeze %dma_start3A_367 : memref<1x!tpu.dma_semaphore, #tpu.memory_space<semaphore_mem>> -> memref<!tpu.dma_semaphore, #tpu.memory_space<semaphore_mem>>
      tpu.enqueue_indirect_dma source(%arg9 : memref<128x16xf32, #tpu.memory_space<vmem>>) target(%dma_start3A_366 : memref<10112x16xf32, #tpu.memory_space<vmem_shared>>) offsets(%dma_start3A_363 : memref<128xi32, #tpu.memory_space<vmem>>) semaphore(%dma_start3A_368 : memref<!tpu.dma_semaphore, #tpu.memory_space<semaphore_mem>>) {add = true}
      %add3A_369 = arith.constant 2 : i32
      %add3A_370 = arith.addi %mul3A_328, %add3A_369 : i32
      %dma_wait3A_371 = arith.constant 2 : i32
      %dma_wait3A_372 = arith.constant 0 : i32
      %dma_wait3A_373 = tpu.memref_slice %arg6[%add3A_370, %dma_wait3A_372] : memref<78x128xi32, #tpu.memory_space<vmem>> -> memref<1x128xi32, #tpu.memory_space<vmem>>
      %dma_wait3A_374 = tpu.memref_squeeze %dma_wait3A_373 : memref<1x128xi32, #tpu.memory_space<vmem>> -> memref<128xi32, #tpu.memory_space<vmem>>
      %dma_wait3A_375 = arith.constant 0 : i32
      %dma_wait3A_376 = arith.constant 0 : i32
      %dma_wait3A_377 = tpu.memref_slice %arg2[%dma_wait3A_375, %dma_wait3A_376] : memref<10000x16xf32, #tpu.memory_space<hbm>> -> memref<10000x16xf32, #tpu.memory_space<hbm>>
      %dma_wait3A_378 = tpu.memref_slice %arg23[%dma_wait3A_371] : memref<13x!tpu.dma_semaphore, #tpu.memory_space<semaphore_mem>> -> memref<1x!tpu.dma_semaphore, #tpu.memory_space<semaphore_mem>>
      %dma_wait3A_379 = tpu.memref_squeeze %dma_wait3A_378 : memref<1x!tpu.dma_semaphore, #tpu.memory_space<semaphore_mem>> -> memref<!tpu.dma_semaphore, #tpu.memory_space<semaphore_mem>>
      tpu.wait_indirect_dma semaphore(%dma_wait3A_379 : memref<!tpu.dma_semaphore, #tpu.memory_space<semaphore_mem>>) src(%dma_wait3A_377 : memref<10000x16xf32, #tpu.memory_space<hbm>>) dst(%arg10 : memref<128x16xf32, #tpu.memory_space<vmem>>)
      %dma_start3A_380 = arith.constant 2 : i32
      %dma_start3A_381 = arith.constant 0 : i32
      %dma_start3A_382 = tpu.memref_slice %arg7[%add3A_370, %dma_start3A_381] : memref<78x128xi32, #tpu.memory_space<vmem>> -> memref<1x128xi32, #tpu.memory_space<vmem>>
      %dma_start3A_383 = tpu.memref_squeeze %dma_start3A_382 : memref<1x128xi32, #tpu.memory_space<vmem>> -> memref<128xi32, #tpu.memory_space<vmem>>
      %dma_start3A_384 = arith.constant 0 : i32
      %dma_start3A_385 = arith.constant 0 : i32
      %dma_start3A_386 = tpu.memref_slice %arg22[%dma_start3A_384, %dma_start3A_385] : memref<10112x16xf32, #tpu.memory_space<vmem_shared>> -> memref<10112x16xf32, #tpu.memory_space<vmem_shared>>
      %dma_start3A_387 = tpu.memref_slice %arg24[%dma_start3A_380] : memref<13x!tpu.dma_semaphore, #tpu.memory_space<semaphore_mem>> -> memref<1x!tpu.dma_semaphore, #tpu.memory_space<semaphore_mem>>
      %dma_start3A_388 = tpu.memref_squeeze %dma_start3A_387 : memref<1x!tpu.dma_semaphore, #tpu.memory_space<semaphore_mem>> -> memref<!tpu.dma_semaphore, #tpu.memory_space<semaphore_mem>>
      tpu.enqueue_indirect_dma source(%arg10 : memref<128x16xf32, #tpu.memory_space<vmem>>) target(%dma_start3A_386 : memref<10112x16xf32, #tpu.memory_space<vmem_shared>>) offsets(%dma_start3A_383 : memref<128xi32, #tpu.memory_space<vmem>>) semaphore(%dma_start3A_388 : memref<!tpu.dma_semaphore, #tpu.memory_space<semaphore_mem>>) {add = true}
      %add3A_389 = arith.constant 3 : i32
      %add3A_390 = arith.addi %mul3A_328, %add3A_389 : i32
      %dma_wait3A_391 = arith.constant 3 : i32
      %dma_wait3A_392 = arith.constant 0 : i32
      %dma_wait3A_393 = tpu.memref_slice %arg6[%add3A_390, %dma_wait3A_392] : memref<78x128xi32, #tpu.memory_space<vmem>> -> memref<1x128xi32, #tpu.memory_space<vmem>>
      %dma_wait3A_394 = tpu.memref_squeeze %dma_wait3A_393 : memref<1x128xi32, #tpu.memory_space<vmem>> -> memref<128xi32, #tpu.memory_space<vmem>>
      %dma_wait3A_395 = arith.constant 0 : i32
      %dma_wait3A_396 = arith.constant 0 : i32
      %dma_wait3A_397 = tpu.memref_slice %arg2[%dma_wait3A_395, %dma_wait3A_396] : memref<10000x16xf32, #tpu.memory_space<hbm>> -> memref<10000x16xf32, #tpu.memory_space<hbm>>
      %dma_wait3A_398 = tpu.memref_slice %arg23[%dma_wait3A_391] : memref<13x!tpu.dma_semaphore, #tpu.memory_space<semaphore_mem>> -> memref<1x!tpu.dma_semaphore, #tpu.memory_space<semaphore_mem>>
      %dma_wait3A_399 = tpu.memref_squeeze %dma_wait3A_398 : memref<1x!tpu.dma_semaphore, #tpu.memory_space<semaphore_mem>> -> memref<!tpu.dma_semaphore, #tpu.memory_space<semaphore_mem>>
      tpu.wait_indirect_dma semaphore(%dma_wait3A_399 : memref<!tpu.dma_semaphore, #tpu.memory_space<semaphore_mem>>) src(%dma_wait3A_397 : memref<10000x16xf32, #tpu.memory_space<hbm>>) dst(%arg11 : memref<128x16xf32, #tpu.memory_space<vmem>>)
      %dma_start3A_400 = arith.constant 3 : i32
      %dma_start3A_401 = arith.constant 0 : i32
      %dma_start3A_402 = tpu.memref_slice %arg7[%add3A_390, %dma_start3A_401] : memref<78x128xi32, #tpu.memory_space<vmem>> -> memref<1x128xi32, #tpu.memory_space<vmem>>
      %dma_start3A_403 = tpu.memref_squeeze %dma_start3A_402 : memref<1x128xi32, #tpu.memory_space<vmem>> -> memref<128xi32, #tpu.memory_space<vmem>>
      %dma_start3A_404 = arith.constant 0 : i32
      %dma_start3A_405 = arith.constant 0 : i32
      %dma_start3A_406 = tpu.memref_slice %arg22[%dma_start3A_404, %dma_start3A_405] : memref<10112x16xf32, #tpu.memory_space<vmem_shared>> -> memref<10112x16xf32, #tpu.memory_space<vmem_shared>>
      %dma_start3A_407 = tpu.memref_slice %arg24[%dma_start3A_400] : memref<13x!tpu.dma_semaphore, #tpu.memory_space<semaphore_mem>> -> memref<1x!tpu.dma_semaphore, #tpu.memory_space<semaphore_mem>>
      %dma_start3A_408 = tpu.memref_squeeze %dma_start3A_407 : memref<1x!tpu.dma_semaphore, #tpu.memory_space<semaphore_mem>> -> memref<!tpu.dma_semaphore, #tpu.memory_space<semaphore_mem>>
      tpu.enqueue_indirect_dma source(%arg11 : memref<128x16xf32, #tpu.memory_space<vmem>>) target(%dma_start3A_406 : memref<10112x16xf32, #tpu.memory_space<vmem_shared>>) offsets(%dma_start3A_403 : memref<128xi32, #tpu.memory_space<vmem>>) semaphore(%dma_start3A_408 : memref<!tpu.dma_semaphore, #tpu.memory_space<semaphore_mem>>) {add = true}
      %add3A_409 = arith.constant 4 : i32
      %add3A_410 = arith.addi %mul3A_328, %add3A_409 : i32
      %dma_wait3A_411 = arith.constant 4 : i32
      %dma_wait3A_412 = arith.constant 0 : i32
      %dma_wait3A_413 = tpu.memref_slice %arg6[%add3A_410, %dma_wait3A_412] : memref<78x128xi32, #tpu.memory_space<vmem>> -> memref<1x128xi32, #tpu.memory_space<vmem>>
      %dma_wait3A_414 = tpu.memref_squeeze %dma_wait3A_413 : memref<1x128xi32, #tpu.memory_space<vmem>> -> memref<128xi32, #tpu.memory_space<vmem>>
      %dma_wait3A_415 = arith.constant 0 : i32
      %dma_wait3A_416 = arith.constant 0 : i32
      %dma_wait3A_417 = tpu.memref_slice %arg2[%dma_wait3A_415, %dma_wait3A_416] : memref<10000x16xf32, #tpu.memory_space<hbm>> -> memref<10000x16xf32, #tpu.memory_space<hbm>>
      %dma_wait3A_418 = tpu.memref_slice %arg23[%dma_wait3A_411] : memref<13x!tpu.dma_semaphore, #tpu.memory_space<semaphore_mem>> -> memref<1x!tpu.dma_semaphore, #tpu.memory_space<semaphore_mem>>
      %dma_wait3A_419 = tpu.memref_squeeze %dma_wait3A_418 : memref<1x!tpu.dma_semaphore, #tpu.memory_space<semaphore_mem>> -> memref<!tpu.dma_semaphore, #tpu.memory_space<semaphore_mem>>
      tpu.wait_indirect_dma semaphore(%dma_wait3A_419 : memref<!tpu.dma_semaphore, #tpu.memory_space<semaphore_mem>>) src(%dma_wait3A_417 : memref<10000x16xf32, #tpu.memory_space<hbm>>) dst(%arg12 : memref<128x16xf32, #tpu.memory_space<vmem>>)
      %dma_start3A_420 = arith.constant 4 : i32
      %dma_start3A_421 = arith.constant 0 : i32
      %dma_start3A_422 = tpu.memref_slice %arg7[%add3A_410, %dma_start3A_421] : memref<78x128xi32, #tpu.memory_space<vmem>> -> memref<1x128xi32, #tpu.memory_space<vmem>>
      %dma_start3A_423 = tpu.memref_squeeze %dma_start3A_422 : memref<1x128xi32, #tpu.memory_space<vmem>> -> memref<128xi32, #tpu.memory_space<vmem>>
      %dma_start3A_424 = arith.constant 0 : i32
      %dma_start3A_425 = arith.constant 0 : i32
      %dma_start3A_426 = tpu.memref_slice %arg22[%dma_start3A_424, %dma_start3A_425] : memref<10112x16xf32, #tpu.memory_space<vmem_shared>> -> memref<10112x16xf32, #tpu.memory_space<vmem_shared>>
      %dma_start3A_427 = tpu.memref_slice %arg24[%dma_start3A_420] : memref<13x!tpu.dma_semaphore, #tpu.memory_space<semaphore_mem>> -> memref<1x!tpu.dma_semaphore, #tpu.memory_space<semaphore_mem>>
      %dma_start3A_428 = tpu.memref_squeeze %dma_start3A_427 : memref<1x!tpu.dma_semaphore, #tpu.memory_space<semaphore_mem>> -> memref<!tpu.dma_semaphore, #tpu.memory_space<semaphore_mem>>
      tpu.enqueue_indirect_dma source(%arg12 : memref<128x16xf32, #tpu.memory_space<vmem>>) target(%dma_start3A_426 : memref<10112x16xf32, #tpu.memory_space<vmem_shared>>) offsets(%dma_start3A_423 : memref<128xi32, #tpu.memory_space<vmem>>) semaphore(%dma_start3A_428 : memref<!tpu.dma_semaphore, #tpu.memory_space<semaphore_mem>>) {add = true}
      %add3A_429 = arith.constant 5 : i32
      %add3A_430 = arith.addi %mul3A_328, %add3A_429 : i32
      %dma_wait3A_431 = arith.constant 5 : i32
      %dma_wait3A_432 = arith.constant 0 : i32
      %dma_wait3A_433 = tpu.memref_slice %arg6[%add3A_430, %dma_wait3A_432] : memref<78x128xi32, #tpu.memory_space<vmem>> -> memref<1x128xi32, #tpu.memory_space<vmem>>
      %dma_wait3A_434 = tpu.memref_squeeze %dma_wait3A_433 : memref<1x128xi32, #tpu.memory_space<vmem>> -> memref<128xi32, #tpu.memory_space<vmem>>
      %dma_wait3A_435 = arith.constant 0 : i32
      %dma_wait3A_436 = arith.constant 0 : i32
      %dma_wait3A_437 = tpu.memref_slice %arg2[%dma_wait3A_435, %dma_wait3A_436] : memref<10000x16xf32, #tpu.memory_space<hbm>> -> memref<10000x16xf32, #tpu.memory_space<hbm>>
      %dma_wait3A_438 = tpu.memref_slice %arg23[%dma_wait3A_431] : memref<13x!tpu.dma_semaphore, #tpu.memory_space<semaphore_mem>> -> memref<1x!tpu.dma_semaphore, #tpu.memory_space<semaphore_mem>>
      %dma_wait3A_439 = tpu.memref_squeeze %dma_wait3A_438 : memref<1x!tpu.dma_semaphore, #tpu.memory_space<semaphore_mem>> -> memref<!tpu.dma_semaphore, #tpu.memory_space<semaphore_mem>>
      tpu.wait_indirect_dma semaphore(%dma_wait3A_439 : memref<!tpu.dma_semaphore, #tpu.memory_space<semaphore_mem>>) src(%dma_wait3A_437 : memref<10000x16xf32, #tpu.memory_space<hbm>>) dst(%arg13 : memref<128x16xf32, #tpu.memory_space<vmem>>)
      %dma_start3A_440 = arith.constant 5 : i32
      %dma_start3A_441 = arith.constant 0 : i32
      %dma_start3A_442 = tpu.memref_slice %arg7[%add3A_430, %dma_start3A_441] : memref<78x128xi32, #tpu.memory_space<vmem>> -> memref<1x128xi32, #tpu.memory_space<vmem>>
      %dma_start3A_443 = tpu.memref_squeeze %dma_start3A_442 : memref<1x128xi32, #tpu.memory_space<vmem>> -> memref<128xi32, #tpu.memory_space<vmem>>
      %dma_start3A_444 = arith.constant 0 : i32
      %dma_start3A_445 = arith.constant 0 : i32
      %dma_start3A_446 = tpu.memref_slice %arg22[%dma_start3A_444, %dma_start3A_445] : memref<10112x16xf32, #tpu.memory_space<vmem_shared>> -> memref<10112x16xf32, #tpu.memory_space<vmem_shared>>
      %dma_start3A_447 = tpu.memref_slice %arg24[%dma_start3A_440] : memref<13x!tpu.dma_semaphore, #tpu.memory_space<semaphore_mem>> -> memref<1x!tpu.dma_semaphore, #tpu.memory_space<semaphore_mem>>
      %dma_start3A_448 = tpu.memref_squeeze %dma_start3A_447 : memref<1x!tpu.dma_semaphore, #tpu.memory_space<semaphore_mem>> -> memref<!tpu.dma_semaphore, #tpu.memory_space<semaphore_mem>>
      tpu.enqueue_indirect_dma source(%arg13 : memref<128x16xf32, #tpu.memory_space<vmem>>) target(%dma_start3A_446 : memref<10112x16xf32, #tpu.memory_space<vmem_shared>>) offsets(%dma_start3A_443 : memref<128xi32, #tpu.memory_space<vmem>>) semaphore(%dma_start3A_448 : memref<!tpu.dma_semaphore, #tpu.memory_space<semaphore_mem>>) {add = true}
      %add3A_449 = arith.constant 6 : i32
      %add3A_450 = arith.addi %mul3A_328, %add3A_449 : i32
      %dma_wait3A_451 = arith.constant 6 : i32
      %dma_wait3A_452 = arith.constant 0 : i32
      %dma_wait3A_453 = tpu.memref_slice %arg6[%add3A_450, %dma_wait3A_452] : memref<78x128xi32, #tpu.memory_space<vmem>> -> memref<1x128xi32, #tpu.memory_space<vmem>>
      %dma_wait3A_454 = tpu.memref_squeeze %dma_wait3A_453 : memref<1x128xi32, #tpu.memory_space<vmem>> -> memref<128xi32, #tpu.memory_space<vmem>>
      %dma_wait3A_455 = arith.constant 0 : i32
      %dma_wait3A_456 = arith.constant 0 : i32
      %dma_wait3A_457 = tpu.memref_slice %arg2[%dma_wait3A_455, %dma_wait3A_456] : memref<10000x16xf32, #tpu.memory_space<hbm>> -> memref<10000x16xf32, #tpu.memory_space<hbm>>
      %dma_wait3A_458 = tpu.memref_slice %arg23[%dma_wait3A_451] : memref<13x!tpu.dma_semaphore, #tpu.memory_space<semaphore_mem>> -> memref<1x!tpu.dma_semaphore, #tpu.memory_space<semaphore_mem>>
      %dma_wait3A_459 = tpu.memref_squeeze %dma_wait3A_458 : memref<1x!tpu.dma_semaphore, #tpu.memory_space<semaphore_mem>> -> memref<!tpu.dma_semaphore, #tpu.memory_space<semaphore_mem>>
      tpu.wait_indirect_dma semaphore(%dma_wait3A_459 : memref<!tpu.dma_semaphore, #tpu.memory_space<semaphore_mem>>) src(%dma_wait3A_457 : memref<10000x16xf32, #tpu.memory_space<hbm>>) dst(%arg14 : memref<128x16xf32, #tpu.memory_space<vmem>>)
      %dma_start3A_460 = arith.constant 6 : i32
      %dma_start3A_461 = arith.constant 0 : i32
      %dma_start3A_462 = tpu.memref_slice %arg7[%add3A_450, %dma_start3A_461] : memref<78x128xi32, #tpu.memory_space<vmem>> -> memref<1x128xi32, #tpu.memory_space<vmem>>
      %dma_start3A_463 = tpu.memref_squeeze %dma_start3A_462 : memref<1x128xi32, #tpu.memory_space<vmem>> -> memref<128xi32, #tpu.memory_space<vmem>>
      %dma_start3A_464 = arith.constant 0 : i32
      %dma_start3A_465 = arith.constant 0 : i32
      %dma_start3A_466 = tpu.memref_slice %arg22[%dma_start3A_464, %dma_start3A_465] : memref<10112x16xf32, #tpu.memory_space<vmem_shared>> -> memref<10112x16xf32, #tpu.memory_space<vmem_shared>>
      %dma_start3A_467 = tpu.memref_slice %arg24[%dma_start3A_460] : memref<13x!tpu.dma_semaphore, #tpu.memory_space<semaphore_mem>> -> memref<1x!tpu.dma_semaphore, #tpu.memory_space<semaphore_mem>>
      %dma_start3A_468 = tpu.memref_squeeze %dma_start3A_467 : memref<1x!tpu.dma_semaphore, #tpu.memory_space<semaphore_mem>> -> memref<!tpu.dma_semaphore, #tpu.memory_space<semaphore_mem>>
      tpu.enqueue_indirect_dma source(%arg14 : memref<128x16xf32, #tpu.memory_space<vmem>>) target(%dma_start3A_466 : memref<10112x16xf32, #tpu.memory_space<vmem_shared>>) offsets(%dma_start3A_463 : memref<128xi32, #tpu.memory_space<vmem>>) semaphore(%dma_start3A_468 : memref<!tpu.dma_semaphore, #tpu.memory_space<semaphore_mem>>) {add = true}
      %add3A_469 = arith.constant 7 : i32
      %add3A_470 = arith.addi %mul3A_328, %add3A_469 : i32
      %dma_wait3A_471 = arith.constant 7 : i32
      %dma_wait3A_472 = arith.constant 0 : i32
      %dma_wait3A_473 = tpu.memref_slice %arg6[%add3A_470, %dma_wait3A_472] : memref<78x128xi32, #tpu.memory_space<vmem>> -> memref<1x128xi32, #tpu.memory_space<vmem>>
      %dma_wait3A_474 = tpu.memref_squeeze %dma_wait3A_473 : memref<1x128xi32, #tpu.memory_space<vmem>> -> memref<128xi32, #tpu.memory_space<vmem>>
      %dma_wait3A_475 = arith.constant 0 : i32
      %dma_wait3A_476 = arith.constant 0 : i32
      %dma_wait3A_477 = tpu.memref_slice %arg2[%dma_wait3A_475, %dma_wait3A_476] : memref<10000x16xf32, #tpu.memory_space<hbm>> -> memref<10000x16xf32, #tpu.memory_space<hbm>>
      %dma_wait3A_478 = tpu.memref_slice %arg23[%dma_wait3A_471] : memref<13x!tpu.dma_semaphore, #tpu.memory_space<semaphore_mem>> -> memref<1x!tpu.dma_semaphore, #tpu.memory_space<semaphore_mem>>
      %dma_wait3A_479 = tpu.memref_squeeze %dma_wait3A_478 : memref<1x!tpu.dma_semaphore, #tpu.memory_space<semaphore_mem>> -> memref<!tpu.dma_semaphore, #tpu.memory_space<semaphore_mem>>
      tpu.wait_indirect_dma semaphore(%dma_wait3A_479 : memref<!tpu.dma_semaphore, #tpu.memory_space<semaphore_mem>>) src(%dma_wait3A_477 : memref<10000x16xf32, #tpu.memory_space<hbm>>) dst(%arg15 : memref<128x16xf32, #tpu.memory_space<vmem>>)
      %dma_start3A_480 = arith.constant 7 : i32
      %dma_start3A_481 = arith.constant 0 : i32
      %dma_start3A_482 = tpu.memref_slice %arg7[%add3A_470, %dma_start3A_481] : memref<78x128xi32, #tpu.memory_space<vmem>> -> memref<1x128xi32, #tpu.memory_space<vmem>>
      %dma_start3A_483 = tpu.memref_squeeze %dma_start3A_482 : memref<1x128xi32, #tpu.memory_space<vmem>> -> memref<128xi32, #tpu.memory_space<vmem>>
      %dma_start3A_484 = arith.constant 0 : i32
      %dma_start3A_485 = arith.constant 0 : i32
      %dma_start3A_486 = tpu.memref_slice %arg22[%dma_start3A_484, %dma_start3A_485] : memref<10112x16xf32, #tpu.memory_space<vmem_shared>> -> memref<10112x16xf32, #tpu.memory_space<vmem_shared>>
      %dma_start3A_487 = tpu.memref_slice %arg24[%dma_start3A_480] : memref<13x!tpu.dma_semaphore, #tpu.memory_space<semaphore_mem>> -> memref<1x!tpu.dma_semaphore, #tpu.memory_space<semaphore_mem>>
      %dma_start3A_488 = tpu.memref_squeeze %dma_start3A_487 : memref<1x!tpu.dma_semaphore, #tpu.memory_space<semaphore_mem>> -> memref<!tpu.dma_semaphore, #tpu.memory_space<semaphore_mem>>
      tpu.enqueue_indirect_dma source(%arg15 : memref<128x16xf32, #tpu.memory_space<vmem>>) target(%dma_start3A_486 : memref<10112x16xf32, #tpu.memory_space<vmem_shared>>) offsets(%dma_start3A_483 : memref<128xi32, #tpu.memory_space<vmem>>) semaphore(%dma_start3A_488 : memref<!tpu.dma_semaphore, #tpu.memory_space<semaphore_mem>>) {add = true}
      %add3A_489 = arith.constant 8 : i32
      %add3A_490 = arith.addi %mul3A_328, %add3A_489 : i32
      %dma_wait3A_491 = arith.constant 8 : i32
      %dma_wait3A_492 = arith.constant 0 : i32
      %dma_wait3A_493 = tpu.memref_slice %arg6[%add3A_490, %dma_wait3A_492] : memref<78x128xi32, #tpu.memory_space<vmem>> -> memref<1x128xi32, #tpu.memory_space<vmem>>
      %dma_wait3A_494 = tpu.memref_squeeze %dma_wait3A_493 : memref<1x128xi32, #tpu.memory_space<vmem>> -> memref<128xi32, #tpu.memory_space<vmem>>
      %dma_wait3A_495 = arith.constant 0 : i32
      %dma_wait3A_496 = arith.constant 0 : i32
      %dma_wait3A_497 = tpu.memref_slice %arg2[%dma_wait3A_495, %dma_wait3A_496] : memref<10000x16xf32, #tpu.memory_space<hbm>> -> memref<10000x16xf32, #tpu.memory_space<hbm>>
      %dma_wait3A_498 = tpu.memref_slice %arg23[%dma_wait3A_491] : memref<13x!tpu.dma_semaphore, #tpu.memory_space<semaphore_mem>> -> memref<1x!tpu.dma_semaphore, #tpu.memory_space<semaphore_mem>>
      %dma_wait3A_499 = tpu.memref_squeeze %dma_wait3A_498 : memref<1x!tpu.dma_semaphore, #tpu.memory_space<semaphore_mem>> -> memref<!tpu.dma_semaphore, #tpu.memory_space<semaphore_mem>>
      tpu.wait_indirect_dma semaphore(%dma_wait3A_499 : memref<!tpu.dma_semaphore, #tpu.memory_space<semaphore_mem>>) src(%dma_wait3A_497 : memref<10000x16xf32, #tpu.memory_space<hbm>>) dst(%arg16 : memref<128x16xf32, #tpu.memory_space<vmem>>)
      %dma_start3A_500 = arith.constant 8 : i32
      %dma_start3A_501 = arith.constant 0 : i32
      %dma_start3A_502 = tpu.memref_slice %arg7[%add3A_490, %dma_start3A_501] : memref<78x128xi32, #tpu.memory_space<vmem>> -> memref<1x128xi32, #tpu.memory_space<vmem>>
      %dma_start3A_503 = tpu.memref_squeeze %dma_start3A_502 : memref<1x128xi32, #tpu.memory_space<vmem>> -> memref<128xi32, #tpu.memory_space<vmem>>
      %dma_start3A_504 = arith.constant 0 : i32
      %dma_start3A_505 = arith.constant 0 : i32
      %dma_start3A_506 = tpu.memref_slice %arg22[%dma_start3A_504, %dma_start3A_505] : memref<10112x16xf32, #tpu.memory_space<vmem_shared>> -> memref<10112x16xf32, #tpu.memory_space<vmem_shared>>
      %dma_start3A_507 = tpu.memref_slice %arg24[%dma_start3A_500] : memref<13x!tpu.dma_semaphore, #tpu.memory_space<semaphore_mem>> -> memref<1x!tpu.dma_semaphore, #tpu.memory_space<semaphore_mem>>
      %dma_start3A_508 = tpu.memref_squeeze %dma_start3A_507 : memref<1x!tpu.dma_semaphore, #tpu.memory_space<semaphore_mem>> -> memref<!tpu.dma_semaphore, #tpu.memory_space<semaphore_mem>>
      tpu.enqueue_indirect_dma source(%arg16 : memref<128x16xf32, #tpu.memory_space<vmem>>) target(%dma_start3A_506 : memref<10112x16xf32, #tpu.memory_space<vmem_shared>>) offsets(%dma_start3A_503 : memref<128xi32, #tpu.memory_space<vmem>>) semaphore(%dma_start3A_508 : memref<!tpu.dma_semaphore, #tpu.memory_space<semaphore_mem>>) {add = true}
      %add3A_509 = arith.constant 9 : i32
      %add3A_510 = arith.addi %mul3A_328, %add3A_509 : i32
      %dma_wait3A_511 = arith.constant 9 : i32
      %dma_wait3A_512 = arith.constant 0 : i32
      %dma_wait3A_513 = tpu.memref_slice %arg6[%add3A_510, %dma_wait3A_512] : memref<78x128xi32, #tpu.memory_space<vmem>> -> memref<1x128xi32, #tpu.memory_space<vmem>>
      %dma_wait3A_514 = tpu.memref_squeeze %dma_wait3A_513 : memref<1x128xi32, #tpu.memory_space<vmem>> -> memref<128xi32, #tpu.memory_space<vmem>>
      %dma_wait3A_515 = arith.constant 0 : i32
      %dma_wait3A_516 = arith.constant 0 : i32
      %dma_wait3A_517 = tpu.memref_slice %arg2[%dma_wait3A_515, %dma_wait3A_516] : memref<10000x16xf32, #tpu.memory_space<hbm>> -> memref<10000x16xf32, #tpu.memory_space<hbm>>
      %dma_wait3A_518 = tpu.memref_slice %arg23[%dma_wait3A_511] : memref<13x!tpu.dma_semaphore, #tpu.memory_space<semaphore_mem>> -> memref<1x!tpu.dma_semaphore, #tpu.memory_space<semaphore_mem>>
      %dma_wait3A_519 = tpu.memref_squeeze %dma_wait3A_518 : memref<1x!tpu.dma_semaphore, #tpu.memory_space<semaphore_mem>> -> memref<!tpu.dma_semaphore, #tpu.memory_space<semaphore_mem>>
      tpu.wait_indirect_dma semaphore(%dma_wait3A_519 : memref<!tpu.dma_semaphore, #tpu.memory_space<semaphore_mem>>) src(%dma_wait3A_517 : memref<10000x16xf32, #tpu.memory_space<hbm>>) dst(%arg17 : memref<128x16xf32, #tpu.memory_space<vmem>>)
      %dma_start3A_520 = arith.constant 9 : i32
      %dma_start3A_521 = arith.constant 0 : i32
      %dma_start3A_522 = tpu.memref_slice %arg7[%add3A_510, %dma_start3A_521] : memref<78x128xi32, #tpu.memory_space<vmem>> -> memref<1x128xi32, #tpu.memory_space<vmem>>
      %dma_start3A_523 = tpu.memref_squeeze %dma_start3A_522 : memref<1x128xi32, #tpu.memory_space<vmem>> -> memref<128xi32, #tpu.memory_space<vmem>>
      %dma_start3A_524 = arith.constant 0 : i32
      %dma_start3A_525 = arith.constant 0 : i32
      %dma_start3A_526 = tpu.memref_slice %arg22[%dma_start3A_524, %dma_start3A_525] : memref<10112x16xf32, #tpu.memory_space<vmem_shared>> -> memref<10112x16xf32, #tpu.memory_space<vmem_shared>>
      %dma_start3A_527 = tpu.memref_slice %arg24[%dma_start3A_520] : memref<13x!tpu.dma_semaphore, #tpu.memory_space<semaphore_mem>> -> memref<1x!tpu.dma_semaphore, #tpu.memory_space<semaphore_mem>>
      %dma_start3A_528 = tpu.memref_squeeze %dma_start3A_527 : memref<1x!tpu.dma_semaphore, #tpu.memory_space<semaphore_mem>> -> memref<!tpu.dma_semaphore, #tpu.memory_space<semaphore_mem>>
      tpu.enqueue_indirect_dma source(%arg17 : memref<128x16xf32, #tpu.memory_space<vmem>>) target(%dma_start3A_526 : memref<10112x16xf32, #tpu.memory_space<vmem_shared>>) offsets(%dma_start3A_523 : memref<128xi32, #tpu.memory_space<vmem>>) semaphore(%dma_start3A_528 : memref<!tpu.dma_semaphore, #tpu.memory_space<semaphore_mem>>) {add = true}
      %add3A_529 = arith.constant 10 : i32
      %add3A_530 = arith.addi %mul3A_328, %add3A_529 : i32
      %dma_wait3A_531 = arith.constant 10 : i32
      %dma_wait3A_532 = arith.constant 0 : i32
      %dma_wait3A_533 = tpu.memref_slice %arg6[%add3A_530, %dma_wait3A_532] : memref<78x128xi32, #tpu.memory_space<vmem>> -> memref<1x128xi32, #tpu.memory_space<vmem>>
      %dma_wait3A_534 = tpu.memref_squeeze %dma_wait3A_533 : memref<1x128xi32, #tpu.memory_space<vmem>> -> memref<128xi32, #tpu.memory_space<vmem>>
      %dma_wait3A_535 = arith.constant 0 : i32
      %dma_wait3A_536 = arith.constant 0 : i32
      %dma_wait3A_537 = tpu.memref_slice %arg2[%dma_wait3A_535, %dma_wait3A_536] : memref<10000x16xf32, #tpu.memory_space<hbm>> -> memref<10000x16xf32, #tpu.memory_space<hbm>>
      %dma_wait3A_538 = tpu.memref_slice %arg23[%dma_wait3A_531] : memref<13x!tpu.dma_semaphore, #tpu.memory_space<semaphore_mem>> -> memref<1x!tpu.dma_semaphore, #tpu.memory_space<semaphore_mem>>
      %dma_wait3A_539 = tpu.memref_squeeze %dma_wait3A_538 : memref<1x!tpu.dma_semaphore, #tpu.memory_space<semaphore_mem>> -> memref<!tpu.dma_semaphore, #tpu.memory_space<semaphore_mem>>
      tpu.wait_indirect_dma semaphore(%dma_wait3A_539 : memref<!tpu.dma_semaphore, #tpu.memory_space<semaphore_mem>>) src(%dma_wait3A_537 : memref<10000x16xf32, #tpu.memory_space<hbm>>) dst(%arg18 : memref<128x16xf32, #tpu.memory_space<vmem>>)
      %dma_start3A_540 = arith.constant 10 : i32
      %dma_start3A_541 = arith.constant 0 : i32
      %dma_start3A_542 = tpu.memref_slice %arg7[%add3A_530, %dma_start3A_541] : memref<78x128xi32, #tpu.memory_space<vmem>> -> memref<1x128xi32, #tpu.memory_space<vmem>>
      %dma_start3A_543 = tpu.memref_squeeze %dma_start3A_542 : memref<1x128xi32, #tpu.memory_space<vmem>> -> memref<128xi32, #tpu.memory_space<vmem>>
      %dma_start3A_544 = arith.constant 0 : i32
      %dma_start3A_545 = arith.constant 0 : i32
      %dma_start3A_546 = tpu.memref_slice %arg22[%dma_start3A_544, %dma_start3A_545] : memref<10112x16xf32, #tpu.memory_space<vmem_shared>> -> memref<10112x16xf32, #tpu.memory_space<vmem_shared>>
      %dma_start3A_547 = tpu.memref_slice %arg24[%dma_start3A_540] : memref<13x!tpu.dma_semaphore, #tpu.memory_space<semaphore_mem>> -> memref<1x!tpu.dma_semaphore, #tpu.memory_space<semaphore_mem>>
      %dma_start3A_548 = tpu.memref_squeeze %dma_start3A_547 : memref<1x!tpu.dma_semaphore, #tpu.memory_space<semaphore_mem>> -> memref<!tpu.dma_semaphore, #tpu.memory_space<semaphore_mem>>
      tpu.enqueue_indirect_dma source(%arg18 : memref<128x16xf32, #tpu.memory_space<vmem>>) target(%dma_start3A_546 : memref<10112x16xf32, #tpu.memory_space<vmem_shared>>) offsets(%dma_start3A_543 : memref<128xi32, #tpu.memory_space<vmem>>) semaphore(%dma_start3A_548 : memref<!tpu.dma_semaphore, #tpu.memory_space<semaphore_mem>>) {add = true}
      %add3A_549 = arith.constant 11 : i32
      %add3A_550 = arith.addi %mul3A_328, %add3A_549 : i32
      %dma_wait3A_551 = arith.constant 11 : i32
      %dma_wait3A_552 = arith.constant 0 : i32
      %dma_wait3A_553 = tpu.memref_slice %arg6[%add3A_550, %dma_wait3A_552] : memref<78x128xi32, #tpu.memory_space<vmem>> -> memref<1x128xi32, #tpu.memory_space<vmem>>
      %dma_wait3A_554 = tpu.memref_squeeze %dma_wait3A_553 : memref<1x128xi32, #tpu.memory_space<vmem>> -> memref<128xi32, #tpu.memory_space<vmem>>
      %dma_wait3A_555 = arith.constant 0 : i32
      %dma_wait3A_556 = arith.constant 0 : i32
      %dma_wait3A_557 = tpu.memref_slice %arg2[%dma_wait3A_555, %dma_wait3A_556] : memref<10000x16xf32, #tpu.memory_space<hbm>> -> memref<10000x16xf32, #tpu.memory_space<hbm>>
      %dma_wait3A_558 = tpu.memref_slice %arg23[%dma_wait3A_551] : memref<13x!tpu.dma_semaphore, #tpu.memory_space<semaphore_mem>> -> memref<1x!tpu.dma_semaphore, #tpu.memory_space<semaphore_mem>>
      %dma_wait3A_559 = tpu.memref_squeeze %dma_wait3A_558 : memref<1x!tpu.dma_semaphore, #tpu.memory_space<semaphore_mem>> -> memref<!tpu.dma_semaphore, #tpu.memory_space<semaphore_mem>>
      tpu.wait_indirect_dma semaphore(%dma_wait3A_559 : memref<!tpu.dma_semaphore, #tpu.memory_space<semaphore_mem>>) src(%dma_wait3A_557 : memref<10000x16xf32, #tpu.memory_space<hbm>>) dst(%arg19 : memref<128x16xf32, #tpu.memory_space<vmem>>)
      %dma_start3A_560 = arith.constant 11 : i32
      %dma_start3A_561 = arith.constant 0 : i32
      %dma_start3A_562 = tpu.memref_slice %arg7[%add3A_550, %dma_start3A_561] : memref<78x128xi32, #tpu.memory_space<vmem>> -> memref<1x128xi32, #tpu.memory_space<vmem>>
      %dma_start3A_563 = tpu.memref_squeeze %dma_start3A_562 : memref<1x128xi32, #tpu.memory_space<vmem>> -> memref<128xi32, #tpu.memory_space<vmem>>
      %dma_start3A_564 = arith.constant 0 : i32
      %dma_start3A_565 = arith.constant 0 : i32
      %dma_start3A_566 = tpu.memref_slice %arg22[%dma_start3A_564, %dma_start3A_565] : memref<10112x16xf32, #tpu.memory_space<vmem_shared>> -> memref<10112x16xf32, #tpu.memory_space<vmem_shared>>
      %dma_start3A_567 = tpu.memref_slice %arg24[%dma_start3A_560] : memref<13x!tpu.dma_semaphore, #tpu.memory_space<semaphore_mem>> -> memref<1x!tpu.dma_semaphore, #tpu.memory_space<semaphore_mem>>
      %dma_start3A_568 = tpu.memref_squeeze %dma_start3A_567 : memref<1x!tpu.dma_semaphore, #tpu.memory_space<semaphore_mem>> -> memref<!tpu.dma_semaphore, #tpu.memory_space<semaphore_mem>>
      tpu.enqueue_indirect_dma source(%arg19 : memref<128x16xf32, #tpu.memory_space<vmem>>) target(%dma_start3A_566 : memref<10112x16xf32, #tpu.memory_space<vmem_shared>>) offsets(%dma_start3A_563 : memref<128xi32, #tpu.memory_space<vmem>>) semaphore(%dma_start3A_568 : memref<!tpu.dma_semaphore, #tpu.memory_space<semaphore_mem>>) {add = true}
      %add3A_569 = arith.constant 12 : i32
      %add3A_570 = arith.addi %mul3A_328, %add3A_569 : i32
      %dma_wait3A_571 = arith.constant 12 : i32
      %dma_wait3A_572 = arith.constant 0 : i32
      %dma_wait3A_573 = tpu.memref_slice %arg6[%add3A_570, %dma_wait3A_572] : memref<78x128xi32, #tpu.memory_space<vmem>> -> memref<1x128xi32, #tpu.memory_space<vmem>>
      %dma_wait3A_574 = tpu.memref_squeeze %dma_wait3A_573 : memref<1x128xi32, #tpu.memory_space<vmem>> -> memref<128xi32, #tpu.memory_space<vmem>>
      %dma_wait3A_575 = arith.constant 0 : i32
      %dma_wait3A_576 = arith.constant 0 : i32
      %dma_wait3A_577 = tpu.memref_slice %arg2[%dma_wait3A_575, %dma_wait3A_576] : memref<10000x16xf32, #tpu.memory_space<hbm>> -> memref<10000x16xf32, #tpu.memory_space<hbm>>
      %dma_wait3A_578 = tpu.memref_slice %arg23[%dma_wait3A_571] : memref<13x!tpu.dma_semaphore, #tpu.memory_space<semaphore_mem>> -> memref<1x!tpu.dma_semaphore, #tpu.memory_space<semaphore_mem>>
      %dma_wait3A_579 = tpu.memref_squeeze %dma_wait3A_578 : memref<1x!tpu.dma_semaphore, #tpu.memory_space<semaphore_mem>> -> memref<!tpu.dma_semaphore, #tpu.memory_space<semaphore_mem>>
      tpu.wait_indirect_dma semaphore(%dma_wait3A_579 : memref<!tpu.dma_semaphore, #tpu.memory_space<semaphore_mem>>) src(%dma_wait3A_577 : memref<10000x16xf32, #tpu.memory_space<hbm>>) dst(%arg20 : memref<128x16xf32, #tpu.memory_space<vmem>>)
      %dma_start3A_580 = arith.constant 12 : i32
      %dma_start3A_581 = arith.constant 0 : i32
      %dma_start3A_582 = tpu.memref_slice %arg7[%add3A_570, %dma_start3A_581] : memref<78x128xi32, #tpu.memory_space<vmem>> -> memref<1x128xi32, #tpu.memory_space<vmem>>
      %dma_start3A_583 = tpu.memref_squeeze %dma_start3A_582 : memref<1x128xi32, #tpu.memory_space<vmem>> -> memref<128xi32, #tpu.memory_space<vmem>>
      %dma_start3A_584 = arith.constant 0 : i32
      %dma_start3A_585 = arith.constant 0 : i32
      %dma_start3A_586 = tpu.memref_slice %arg22[%dma_start3A_584, %dma_start3A_585] : memref<10112x16xf32, #tpu.memory_space<vmem_shared>> -> memref<10112x16xf32, #tpu.memory_space<vmem_shared>>
      %dma_start3A_587 = tpu.memref_slice %arg24[%dma_start3A_580] : memref<13x!tpu.dma_semaphore, #tpu.memory_space<semaphore_mem>> -> memref<1x!tpu.dma_semaphore, #tpu.memory_space<semaphore_mem>>
      %dma_start3A_588 = tpu.memref_squeeze %dma_start3A_587 : memref<1x!tpu.dma_semaphore, #tpu.memory_space<semaphore_mem>> -> memref<!tpu.dma_semaphore, #tpu.memory_space<semaphore_mem>>
      tpu.enqueue_indirect_dma source(%arg20 : memref<128x16xf32, #tpu.memory_space<vmem>>) target(%dma_start3A_586 : memref<10112x16xf32, #tpu.memory_space<vmem_shared>>) offsets(%dma_start3A_583 : memref<128xi32, #tpu.memory_space<vmem>>) semaphore(%dma_start3A_588 : memref<!tpu.dma_semaphore, #tpu.memory_space<semaphore_mem>>) {add = true}
      %lt3A = arith.constant 5 : i32
      %lt3A_589 = arith.cmpi slt, %add3A_326, %lt3A : i32
      %convert_element_type3A_590 = arith.extui %lt3A_589 : i1 to i32
      %cond3A_591 = arith.constant 0 : i32
      %cond3A_592 = arith.cmpi ne, %convert_element_type3A_590, %cond3A_591 : i32
      scf.if %cond3A_592 {
        %add3A_593 = arith.constant 0 : i32
        %add3A_594 = arith.addi %mul3A_328, %add3A_593 : i32
        %dma_wait3A_595 = arith.constant 0 : i32
        %dma_wait3A_596 = arith.constant 0 : i32
        %dma_wait3A_597 = tpu.memref_slice %arg7[%add3A_594, %dma_wait3A_596] : memref<78x128xi32, #tpu.memory_space<vmem>> -> memref<1x128xi32, #tpu.memory_space<vmem>>
        %dma_wait3A_598 = tpu.memref_squeeze %dma_wait3A_597 : memref<1x128xi32, #tpu.memory_space<vmem>> -> memref<128xi32, #tpu.memory_space<vmem>>
        %dma_wait3A_599 = arith.constant 0 : i32
        %dma_wait3A_600 = arith.constant 0 : i32
        %dma_wait3A_601 = tpu.memref_slice %arg22[%dma_wait3A_599, %dma_wait3A_600] : memref<10112x16xf32, #tpu.memory_space<vmem_shared>> -> memref<10112x16xf32, #tpu.memory_space<vmem_shared>>
        %dma_wait3A_602 = tpu.memref_slice %arg24[%dma_wait3A_595] : memref<13x!tpu.dma_semaphore, #tpu.memory_space<semaphore_mem>> -> memref<1x!tpu.dma_semaphore, #tpu.memory_space<semaphore_mem>>
        %dma_wait3A_603 = tpu.memref_squeeze %dma_wait3A_602 : memref<1x!tpu.dma_semaphore, #tpu.memory_space<semaphore_mem>> -> memref<!tpu.dma_semaphore, #tpu.memory_space<semaphore_mem>>
        tpu.wait_indirect_dma semaphore(%dma_wait3A_603 : memref<!tpu.dma_semaphore, #tpu.memory_space<semaphore_mem>>) src(%arg8 : memref<128x16xf32, #tpu.memory_space<vmem>>) dst(%dma_wait3A_601 : memref<10112x16xf32, #tpu.memory_space<vmem_shared>>)
        %add3A_604 = arith.constant 13 : i32
        %add3A_605 = arith.addi %add3A_594, %add3A_604 : i32
        %dma_start3A_606 = arith.constant 0 : i32
        %dma_start3A_607 = arith.constant 0 : i32
        %dma_start3A_608 = tpu.memref_slice %arg6[%add3A_605, %dma_start3A_607] : memref<78x128xi32, #tpu.memory_space<vmem>> -> memref<1x128xi32, #tpu.memory_space<vmem>>
        %dma_start3A_609 = tpu.memref_squeeze %dma_start3A_608 : memref<1x128xi32, #tpu.memory_space<vmem>> -> memref<128xi32, #tpu.memory_space<vmem>>
        %dma_start3A_610 = arith.constant 0 : i32
        %dma_start3A_611 = arith.constant 0 : i32
        %dma_start3A_612 = tpu.memref_slice %arg2[%dma_start3A_610, %dma_start3A_611] : memref<10000x16xf32, #tpu.memory_space<hbm>> -> memref<10000x16xf32, #tpu.memory_space<hbm>>
        %dma_start3A_613 = tpu.memref_slice %arg23[%dma_start3A_606] : memref<13x!tpu.dma_semaphore, #tpu.memory_space<semaphore_mem>> -> memref<1x!tpu.dma_semaphore, #tpu.memory_space<semaphore_mem>>
        %dma_start3A_614 = tpu.memref_squeeze %dma_start3A_613 : memref<1x!tpu.dma_semaphore, #tpu.memory_space<semaphore_mem>> -> memref<!tpu.dma_semaphore, #tpu.memory_space<semaphore_mem>>
        tpu.enqueue_indirect_dma source(%dma_start3A_612 : memref<10000x16xf32, #tpu.memory_space<hbm>>) target(%arg8 : memref<128x16xf32, #tpu.memory_space<vmem>>) offsets(%dma_start3A_609 : memref<128xi32, #tpu.memory_space<vmem>>) semaphore(%dma_start3A_614 : memref<!tpu.dma_semaphore, #tpu.memory_space<semaphore_mem>>)
        %add3A_615 = arith.constant 1 : i32
        %add3A_616 = arith.addi %mul3A_328, %add3A_615 : i32
        %dma_wait3A_617 = arith.constant 1 : i32
        %dma_wait3A_618 = arith.constant 0 : i32
        %dma_wait3A_619 = tpu.memref_slice %arg7[%add3A_616, %dma_wait3A_618] : memref<78x128xi32, #tpu.memory_space<vmem>> -> memref<1x128xi32, #tpu.memory_space<vmem>>
        %dma_wait3A_620 = tpu.memref_squeeze %dma_wait3A_619 : memref<1x128xi32, #tpu.memory_space<vmem>> -> memref<128xi32, #tpu.memory_space<vmem>>
        %dma_wait3A_621 = arith.constant 0 : i32
        %dma_wait3A_622 = arith.constant 0 : i32
        %dma_wait3A_623 = tpu.memref_slice %arg22[%dma_wait3A_621, %dma_wait3A_622] : memref<10112x16xf32, #tpu.memory_space<vmem_shared>> -> memref<10112x16xf32, #tpu.memory_space<vmem_shared>>
        %dma_wait3A_624 = tpu.memref_slice %arg24[%dma_wait3A_617] : memref<13x!tpu.dma_semaphore, #tpu.memory_space<semaphore_mem>> -> memref<1x!tpu.dma_semaphore, #tpu.memory_space<semaphore_mem>>
        %dma_wait3A_625 = tpu.memref_squeeze %dma_wait3A_624 : memref<1x!tpu.dma_semaphore, #tpu.memory_space<semaphore_mem>> -> memref<!tpu.dma_semaphore, #tpu.memory_space<semaphore_mem>>
        tpu.wait_indirect_dma semaphore(%dma_wait3A_625 : memref<!tpu.dma_semaphore, #tpu.memory_space<semaphore_mem>>) src(%arg9 : memref<128x16xf32, #tpu.memory_space<vmem>>) dst(%dma_wait3A_623 : memref<10112x16xf32, #tpu.memory_space<vmem_shared>>)
        %add3A_626 = arith.constant 13 : i32
        %add3A_627 = arith.addi %add3A_616, %add3A_626 : i32
        %dma_start3A_628 = arith.constant 1 : i32
        %dma_start3A_629 = arith.constant 0 : i32
        %dma_start3A_630 = tpu.memref_slice %arg6[%add3A_627, %dma_start3A_629] : memref<78x128xi32, #tpu.memory_space<vmem>> -> memref<1x128xi32, #tpu.memory_space<vmem>>
        %dma_start3A_631 = tpu.memref_squeeze %dma_start3A_630 : memref<1x128xi32, #tpu.memory_space<vmem>> -> memref<128xi32, #tpu.memory_space<vmem>>
        %dma_start3A_632 = arith.constant 0 : i32
        %dma_start3A_633 = arith.constant 0 : i32
        %dma_start3A_634 = tpu.memref_slice %arg2[%dma_start3A_632, %dma_start3A_633] : memref<10000x16xf32, #tpu.memory_space<hbm>> -> memref<10000x16xf32, #tpu.memory_space<hbm>>
        %dma_start3A_635 = tpu.memref_slice %arg23[%dma_start3A_628] : memref<13x!tpu.dma_semaphore, #tpu.memory_space<semaphore_mem>> -> memref<1x!tpu.dma_semaphore, #tpu.memory_space<semaphore_mem>>
        %dma_start3A_636 = tpu.memref_squeeze %dma_start3A_635 : memref<1x!tpu.dma_semaphore, #tpu.memory_space<semaphore_mem>> -> memref<!tpu.dma_semaphore, #tpu.memory_space<semaphore_mem>>
        tpu.enqueue_indirect_dma source(%dma_start3A_634 : memref<10000x16xf32, #tpu.memory_space<hbm>>) target(%arg9 : memref<128x16xf32, #tpu.memory_space<vmem>>) offsets(%dma_start3A_631 : memref<128xi32, #tpu.memory_space<vmem>>) semaphore(%dma_start3A_636 : memref<!tpu.dma_semaphore, #tpu.memory_space<semaphore_mem>>)
        %add3A_637 = arith.constant 2 : i32
        %add3A_638 = arith.addi %mul3A_328, %add3A_637 : i32
        %dma_wait3A_639 = arith.constant 2 : i32
        %dma_wait3A_640 = arith.constant 0 : i32
        %dma_wait3A_641 = tpu.memref_slice %arg7[%add3A_638, %dma_wait3A_640] : memref<78x128xi32, #tpu.memory_space<vmem>> -> memref<1x128xi32, #tpu.memory_space<vmem>>
        %dma_wait3A_642 = tpu.memref_squeeze %dma_wait3A_641 : memref<1x128xi32, #tpu.memory_space<vmem>> -> memref<128xi32, #tpu.memory_space<vmem>>
        %dma_wait3A_643 = arith.constant 0 : i32
        %dma_wait3A_644 = arith.constant 0 : i32
        %dma_wait3A_645 = tpu.memref_slice %arg22[%dma_wait3A_643, %dma_wait3A_644] : memref<10112x16xf32, #tpu.memory_space<vmem_shared>> -> memref<10112x16xf32, #tpu.memory_space<vmem_shared>>
        %dma_wait3A_646 = tpu.memref_slice %arg24[%dma_wait3A_639] : memref<13x!tpu.dma_semaphore, #tpu.memory_space<semaphore_mem>> -> memref<1x!tpu.dma_semaphore, #tpu.memory_space<semaphore_mem>>
        %dma_wait3A_647 = tpu.memref_squeeze %dma_wait3A_646 : memref<1x!tpu.dma_semaphore, #tpu.memory_space<semaphore_mem>> -> memref<!tpu.dma_semaphore, #tpu.memory_space<semaphore_mem>>
        tpu.wait_indirect_dma semaphore(%dma_wait3A_647 : memref<!tpu.dma_semaphore, #tpu.memory_space<semaphore_mem>>) src(%arg10 : memref<128x16xf32, #tpu.memory_space<vmem>>) dst(%dma_wait3A_645 : memref<10112x16xf32, #tpu.memory_space<vmem_shared>>)
        %add3A_648 = arith.constant 13 : i32
        %add3A_649 = arith.addi %add3A_638, %add3A_648 : i32
        %dma_start3A_650 = arith.constant 2 : i32
        %dma_start3A_651 = arith.constant 0 : i32
        %dma_start3A_652 = tpu.memref_slice %arg6[%add3A_649, %dma_start3A_651] : memref<78x128xi32, #tpu.memory_space<vmem>> -> memref<1x128xi32, #tpu.memory_space<vmem>>
        %dma_start3A_653 = tpu.memref_squeeze %dma_start3A_652 : memref<1x128xi32, #tpu.memory_space<vmem>> -> memref<128xi32, #tpu.memory_space<vmem>>
        %dma_start3A_654 = arith.constant 0 : i32
        %dma_start3A_655 = arith.constant 0 : i32
        %dma_start3A_656 = tpu.memref_slice %arg2[%dma_start3A_654, %dma_start3A_655] : memref<10000x16xf32, #tpu.memory_space<hbm>> -> memref<10000x16xf32, #tpu.memory_space<hbm>>
        %dma_start3A_657 = tpu.memref_slice %arg23[%dma_start3A_650] : memref<13x!tpu.dma_semaphore, #tpu.memory_space<semaphore_mem>> -> memref<1x!tpu.dma_semaphore, #tpu.memory_space<semaphore_mem>>
        %dma_start3A_658 = tpu.memref_squeeze %dma_start3A_657 : memref<1x!tpu.dma_semaphore, #tpu.memory_space<semaphore_mem>> -> memref<!tpu.dma_semaphore, #tpu.memory_space<semaphore_mem>>
        tpu.enqueue_indirect_dma source(%dma_start3A_656 : memref<10000x16xf32, #tpu.memory_space<hbm>>) target(%arg10 : memref<128x16xf32, #tpu.memory_space<vmem>>) offsets(%dma_start3A_653 : memref<128xi32, #tpu.memory_space<vmem>>) semaphore(%dma_start3A_658 : memref<!tpu.dma_semaphore, #tpu.memory_space<semaphore_mem>>)
        %add3A_659 = arith.constant 3 : i32
        %add3A_660 = arith.addi %mul3A_328, %add3A_659 : i32
        %dma_wait3A_661 = arith.constant 3 : i32
        %dma_wait3A_662 = arith.constant 0 : i32
        %dma_wait3A_663 = tpu.memref_slice %arg7[%add3A_660, %dma_wait3A_662] : memref<78x128xi32, #tpu.memory_space<vmem>> -> memref<1x128xi32, #tpu.memory_space<vmem>>
        %dma_wait3A_664 = tpu.memref_squeeze %dma_wait3A_663 : memref<1x128xi32, #tpu.memory_space<vmem>> -> memref<128xi32, #tpu.memory_space<vmem>>
        %dma_wait3A_665 = arith.constant 0 : i32
        %dma_wait3A_666 = arith.constant 0 : i32
        %dma_wait3A_667 = tpu.memref_slice %arg22[%dma_wait3A_665, %dma_wait3A_666] : memref<10112x16xf32, #tpu.memory_space<vmem_shared>> -> memref<10112x16xf32, #tpu.memory_space<vmem_shared>>
        %dma_wait3A_668 = tpu.memref_slice %arg24[%dma_wait3A_661] : memref<13x!tpu.dma_semaphore, #tpu.memory_space<semaphore_mem>> -> memref<1x!tpu.dma_semaphore, #tpu.memory_space<semaphore_mem>>
        %dma_wait3A_669 = tpu.memref_squeeze %dma_wait3A_668 : memref<1x!tpu.dma_semaphore, #tpu.memory_space<semaphore_mem>> -> memref<!tpu.dma_semaphore, #tpu.memory_space<semaphore_mem>>
        tpu.wait_indirect_dma semaphore(%dma_wait3A_669 : memref<!tpu.dma_semaphore, #tpu.memory_space<semaphore_mem>>) src(%arg11 : memref<128x16xf32, #tpu.memory_space<vmem>>) dst(%dma_wait3A_667 : memref<10112x16xf32, #tpu.memory_space<vmem_shared>>)
        %add3A_670 = arith.constant 13 : i32
        %add3A_671 = arith.addi %add3A_660, %add3A_670 : i32
        %dma_start3A_672 = arith.constant 3 : i32
        %dma_start3A_673 = arith.constant 0 : i32
        %dma_start3A_674 = tpu.memref_slice %arg6[%add3A_671, %dma_start3A_673] : memref<78x128xi32, #tpu.memory_space<vmem>> -> memref<1x128xi32, #tpu.memory_space<vmem>>
        %dma_start3A_675 = tpu.memref_squeeze %dma_start3A_674 : memref<1x128xi32, #tpu.memory_space<vmem>> -> memref<128xi32, #tpu.memory_space<vmem>>
        %dma_start3A_676 = arith.constant 0 : i32
        %dma_start3A_677 = arith.constant 0 : i32
        %dma_start3A_678 = tpu.memref_slice %arg2[%dma_start3A_676, %dma_start3A_677] : memref<10000x16xf32, #tpu.memory_space<hbm>> -> memref<10000x16xf32, #tpu.memory_space<hbm>>
        %dma_start3A_679 = tpu.memref_slice %arg23[%dma_start3A_672] : memref<13x!tpu.dma_semaphore, #tpu.memory_space<semaphore_mem>> -> memref<1x!tpu.dma_semaphore, #tpu.memory_space<semaphore_mem>>
        %dma_start3A_680 = tpu.memref_squeeze %dma_start3A_679 : memref<1x!tpu.dma_semaphore, #tpu.memory_space<semaphore_mem>> -> memref<!tpu.dma_semaphore, #tpu.memory_space<semaphore_mem>>
        tpu.enqueue_indirect_dma source(%dma_start3A_678 : memref<10000x16xf32, #tpu.memory_space<hbm>>) target(%arg11 : memref<128x16xf32, #tpu.memory_space<vmem>>) offsets(%dma_start3A_675 : memref<128xi32, #tpu.memory_space<vmem>>) semaphore(%dma_start3A_680 : memref<!tpu.dma_semaphore, #tpu.memory_space<semaphore_mem>>)
        %add3A_681 = arith.constant 4 : i32
        %add3A_682 = arith.addi %mul3A_328, %add3A_681 : i32
        %dma_wait3A_683 = arith.constant 4 : i32
        %dma_wait3A_684 = arith.constant 0 : i32
        %dma_wait3A_685 = tpu.memref_slice %arg7[%add3A_682, %dma_wait3A_684] : memref<78x128xi32, #tpu.memory_space<vmem>> -> memref<1x128xi32, #tpu.memory_space<vmem>>
        %dma_wait3A_686 = tpu.memref_squeeze %dma_wait3A_685 : memref<1x128xi32, #tpu.memory_space<vmem>> -> memref<128xi32, #tpu.memory_space<vmem>>
        %dma_wait3A_687 = arith.constant 0 : i32
        %dma_wait3A_688 = arith.constant 0 : i32
        %dma_wait3A_689 = tpu.memref_slice %arg22[%dma_wait3A_687, %dma_wait3A_688] : memref<10112x16xf32, #tpu.memory_space<vmem_shared>> -> memref<10112x16xf32, #tpu.memory_space<vmem_shared>>
        %dma_wait3A_690 = tpu.memref_slice %arg24[%dma_wait3A_683] : memref<13x!tpu.dma_semaphore, #tpu.memory_space<semaphore_mem>> -> memref<1x!tpu.dma_semaphore, #tpu.memory_space<semaphore_mem>>
        %dma_wait3A_691 = tpu.memref_squeeze %dma_wait3A_690 : memref<1x!tpu.dma_semaphore, #tpu.memory_space<semaphore_mem>> -> memref<!tpu.dma_semaphore, #tpu.memory_space<semaphore_mem>>
        tpu.wait_indirect_dma semaphore(%dma_wait3A_691 : memref<!tpu.dma_semaphore, #tpu.memory_space<semaphore_mem>>) src(%arg12 : memref<128x16xf32, #tpu.memory_space<vmem>>) dst(%dma_wait3A_689 : memref<10112x16xf32, #tpu.memory_space<vmem_shared>>)
        %add3A_692 = arith.constant 13 : i32
        %add3A_693 = arith.addi %add3A_682, %add3A_692 : i32
        %dma_start3A_694 = arith.constant 4 : i32
        %dma_start3A_695 = arith.constant 0 : i32
        %dma_start3A_696 = tpu.memref_slice %arg6[%add3A_693, %dma_start3A_695] : memref<78x128xi32, #tpu.memory_space<vmem>> -> memref<1x128xi32, #tpu.memory_space<vmem>>
        %dma_start3A_697 = tpu.memref_squeeze %dma_start3A_696 : memref<1x128xi32, #tpu.memory_space<vmem>> -> memref<128xi32, #tpu.memory_space<vmem>>
        %dma_start3A_698 = arith.constant 0 : i32
        %dma_start3A_699 = arith.constant 0 : i32
        %dma_start3A_700 = tpu.memref_slice %arg2[%dma_start3A_698, %dma_start3A_699] : memref<10000x16xf32, #tpu.memory_space<hbm>> -> memref<10000x16xf32, #tpu.memory_space<hbm>>
        %dma_start3A_701 = tpu.memref_slice %arg23[%dma_start3A_694] : memref<13x!tpu.dma_semaphore, #tpu.memory_space<semaphore_mem>> -> memref<1x!tpu.dma_semaphore, #tpu.memory_space<semaphore_mem>>
        %dma_start3A_702 = tpu.memref_squeeze %dma_start3A_701 : memref<1x!tpu.dma_semaphore, #tpu.memory_space<semaphore_mem>> -> memref<!tpu.dma_semaphore, #tpu.memory_space<semaphore_mem>>
        tpu.enqueue_indirect_dma source(%dma_start3A_700 : memref<10000x16xf32, #tpu.memory_space<hbm>>) target(%arg12 : memref<128x16xf32, #tpu.memory_space<vmem>>) offsets(%dma_start3A_697 : memref<128xi32, #tpu.memory_space<vmem>>) semaphore(%dma_start3A_702 : memref<!tpu.dma_semaphore, #tpu.memory_space<semaphore_mem>>)
        %add3A_703 = arith.constant 5 : i32
        %add3A_704 = arith.addi %mul3A_328, %add3A_703 : i32
        %dma_wait3A_705 = arith.constant 5 : i32
        %dma_wait3A_706 = arith.constant 0 : i32
        %dma_wait3A_707 = tpu.memref_slice %arg7[%add3A_704, %dma_wait3A_706] : memref<78x128xi32, #tpu.memory_space<vmem>> -> memref<1x128xi32, #tpu.memory_space<vmem>>
        %dma_wait3A_708 = tpu.memref_squeeze %dma_wait3A_707 : memref<1x128xi32, #tpu.memory_space<vmem>> -> memref<128xi32, #tpu.memory_space<vmem>>
        %dma_wait3A_709 = arith.constant 0 : i32
        %dma_wait3A_710 = arith.constant 0 : i32
        %dma_wait3A_711 = tpu.memref_slice %arg22[%dma_wait3A_709, %dma_wait3A_710] : memref<10112x16xf32, #tpu.memory_space<vmem_shared>> -> memref<10112x16xf32, #tpu.memory_space<vmem_shared>>
        %dma_wait3A_712 = tpu.memref_slice %arg24[%dma_wait3A_705] : memref<13x!tpu.dma_semaphore, #tpu.memory_space<semaphore_mem>> -> memref<1x!tpu.dma_semaphore, #tpu.memory_space<semaphore_mem>>
        %dma_wait3A_713 = tpu.memref_squeeze %dma_wait3A_712 : memref<1x!tpu.dma_semaphore, #tpu.memory_space<semaphore_mem>> -> memref<!tpu.dma_semaphore, #tpu.memory_space<semaphore_mem>>
        tpu.wait_indirect_dma semaphore(%dma_wait3A_713 : memref<!tpu.dma_semaphore, #tpu.memory_space<semaphore_mem>>) src(%arg13 : memref<128x16xf32, #tpu.memory_space<vmem>>) dst(%dma_wait3A_711 : memref<10112x16xf32, #tpu.memory_space<vmem_shared>>)
        %add3A_714 = arith.constant 13 : i32
        %add3A_715 = arith.addi %add3A_704, %add3A_714 : i32
        %dma_start3A_716 = arith.constant 5 : i32
        %dma_start3A_717 = arith.constant 0 : i32
        %dma_start3A_718 = tpu.memref_slice %arg6[%add3A_715, %dma_start3A_717] : memref<78x128xi32, #tpu.memory_space<vmem>> -> memref<1x128xi32, #tpu.memory_space<vmem>>
        %dma_start3A_719 = tpu.memref_squeeze %dma_start3A_718 : memref<1x128xi32, #tpu.memory_space<vmem>> -> memref<128xi32, #tpu.memory_space<vmem>>
        %dma_start3A_720 = arith.constant 0 : i32
        %dma_start3A_721 = arith.constant 0 : i32
        %dma_start3A_722 = tpu.memref_slice %arg2[%dma_start3A_720, %dma_start3A_721] : memref<10000x16xf32, #tpu.memory_space<hbm>> -> memref<10000x16xf32, #tpu.memory_space<hbm>>
        %dma_start3A_723 = tpu.memref_slice %arg23[%dma_start3A_716] : memref<13x!tpu.dma_semaphore, #tpu.memory_space<semaphore_mem>> -> memref<1x!tpu.dma_semaphore, #tpu.memory_space<semaphore_mem>>
        %dma_start3A_724 = tpu.memref_squeeze %dma_start3A_723 : memref<1x!tpu.dma_semaphore, #tpu.memory_space<semaphore_mem>> -> memref<!tpu.dma_semaphore, #tpu.memory_space<semaphore_mem>>
        tpu.enqueue_indirect_dma source(%dma_start3A_722 : memref<10000x16xf32, #tpu.memory_space<hbm>>) target(%arg13 : memref<128x16xf32, #tpu.memory_space<vmem>>) offsets(%dma_start3A_719 : memref<128xi32, #tpu.memory_space<vmem>>) semaphore(%dma_start3A_724 : memref<!tpu.dma_semaphore, #tpu.memory_space<semaphore_mem>>)
        %add3A_725 = arith.constant 6 : i32
        %add3A_726 = arith.addi %mul3A_328, %add3A_725 : i32
        %dma_wait3A_727 = arith.constant 6 : i32
        %dma_wait3A_728 = arith.constant 0 : i32
        %dma_wait3A_729 = tpu.memref_slice %arg7[%add3A_726, %dma_wait3A_728] : memref<78x128xi32, #tpu.memory_space<vmem>> -> memref<1x128xi32, #tpu.memory_space<vmem>>
        %dma_wait3A_730 = tpu.memref_squeeze %dma_wait3A_729 : memref<1x128xi32, #tpu.memory_space<vmem>> -> memref<128xi32, #tpu.memory_space<vmem>>
        %dma_wait3A_731 = arith.constant 0 : i32
        %dma_wait3A_732 = arith.constant 0 : i32
        %dma_wait3A_733 = tpu.memref_slice %arg22[%dma_wait3A_731, %dma_wait3A_732] : memref<10112x16xf32, #tpu.memory_space<vmem_shared>> -> memref<10112x16xf32, #tpu.memory_space<vmem_shared>>
        %dma_wait3A_734 = tpu.memref_slice %arg24[%dma_wait3A_727] : memref<13x!tpu.dma_semaphore, #tpu.memory_space<semaphore_mem>> -> memref<1x!tpu.dma_semaphore, #tpu.memory_space<semaphore_mem>>
        %dma_wait3A_735 = tpu.memref_squeeze %dma_wait3A_734 : memref<1x!tpu.dma_semaphore, #tpu.memory_space<semaphore_mem>> -> memref<!tpu.dma_semaphore, #tpu.memory_space<semaphore_mem>>
        tpu.wait_indirect_dma semaphore(%dma_wait3A_735 : memref<!tpu.dma_semaphore, #tpu.memory_space<semaphore_mem>>) src(%arg14 : memref<128x16xf32, #tpu.memory_space<vmem>>) dst(%dma_wait3A_733 : memref<10112x16xf32, #tpu.memory_space<vmem_shared>>)
        %add3A_736 = arith.constant 13 : i32
        %add3A_737 = arith.addi %add3A_726, %add3A_736 : i32
        %dma_start3A_738 = arith.constant 6 : i32
        %dma_start3A_739 = arith.constant 0 : i32
        %dma_start3A_740 = tpu.memref_slice %arg6[%add3A_737, %dma_start3A_739] : memref<78x128xi32, #tpu.memory_space<vmem>> -> memref<1x128xi32, #tpu.memory_space<vmem>>
        %dma_start3A_741 = tpu.memref_squeeze %dma_start3A_740 : memref<1x128xi32, #tpu.memory_space<vmem>> -> memref<128xi32, #tpu.memory_space<vmem>>
        %dma_start3A_742 = arith.constant 0 : i32
        %dma_start3A_743 = arith.constant 0 : i32
        %dma_start3A_744 = tpu.memref_slice %arg2[%dma_start3A_742, %dma_start3A_743] : memref<10000x16xf32, #tpu.memory_space<hbm>> -> memref<10000x16xf32, #tpu.memory_space<hbm>>
        %dma_start3A_745 = tpu.memref_slice %arg23[%dma_start3A_738] : memref<13x!tpu.dma_semaphore, #tpu.memory_space<semaphore_mem>> -> memref<1x!tpu.dma_semaphore, #tpu.memory_space<semaphore_mem>>
        %dma_start3A_746 = tpu.memref_squeeze %dma_start3A_745 : memref<1x!tpu.dma_semaphore, #tpu.memory_space<semaphore_mem>> -> memref<!tpu.dma_semaphore, #tpu.memory_space<semaphore_mem>>
        tpu.enqueue_indirect_dma source(%dma_start3A_744 : memref<10000x16xf32, #tpu.memory_space<hbm>>) target(%arg14 : memref<128x16xf32, #tpu.memory_space<vmem>>) offsets(%dma_start3A_741 : memref<128xi32, #tpu.memory_space<vmem>>) semaphore(%dma_start3A_746 : memref<!tpu.dma_semaphore, #tpu.memory_space<semaphore_mem>>)
        %add3A_747 = arith.constant 7 : i32
        %add3A_748 = arith.addi %mul3A_328, %add3A_747 : i32
        %dma_wait3A_749 = arith.constant 7 : i32
        %dma_wait3A_750 = arith.constant 0 : i32
        %dma_wait3A_751 = tpu.memref_slice %arg7[%add3A_748, %dma_wait3A_750] : memref<78x128xi32, #tpu.memory_space<vmem>> -> memref<1x128xi32, #tpu.memory_space<vmem>>
        %dma_wait3A_752 = tpu.memref_squeeze %dma_wait3A_751 : memref<1x128xi32, #tpu.memory_space<vmem>> -> memref<128xi32, #tpu.memory_space<vmem>>
        %dma_wait3A_753 = arith.constant 0 : i32
        %dma_wait3A_754 = arith.constant 0 : i32
        %dma_wait3A_755 = tpu.memref_slice %arg22[%dma_wait3A_753, %dma_wait3A_754] : memref<10112x16xf32, #tpu.memory_space<vmem_shared>> -> memref<10112x16xf32, #tpu.memory_space<vmem_shared>>
        %dma_wait3A_756 = tpu.memref_slice %arg24[%dma_wait3A_749] : memref<13x!tpu.dma_semaphore, #tpu.memory_space<semaphore_mem>> -> memref<1x!tpu.dma_semaphore, #tpu.memory_space<semaphore_mem>>
        %dma_wait3A_757 = tpu.memref_squeeze %dma_wait3A_756 : memref<1x!tpu.dma_semaphore, #tpu.memory_space<semaphore_mem>> -> memref<!tpu.dma_semaphore, #tpu.memory_space<semaphore_mem>>
        tpu.wait_indirect_dma semaphore(%dma_wait3A_757 : memref<!tpu.dma_semaphore, #tpu.memory_space<semaphore_mem>>) src(%arg15 : memref<128x16xf32, #tpu.memory_space<vmem>>) dst(%dma_wait3A_755 : memref<10112x16xf32, #tpu.memory_space<vmem_shared>>)
        %add3A_758 = arith.constant 13 : i32
        %add3A_759 = arith.addi %add3A_748, %add3A_758 : i32
        %dma_start3A_760 = arith.constant 7 : i32
        %dma_start3A_761 = arith.constant 0 : i32
        %dma_start3A_762 = tpu.memref_slice %arg6[%add3A_759, %dma_start3A_761] : memref<78x128xi32, #tpu.memory_space<vmem>> -> memref<1x128xi32, #tpu.memory_space<vmem>>
        %dma_start3A_763 = tpu.memref_squeeze %dma_start3A_762 : memref<1x128xi32, #tpu.memory_space<vmem>> -> memref<128xi32, #tpu.memory_space<vmem>>
        %dma_start3A_764 = arith.constant 0 : i32
        %dma_start3A_765 = arith.constant 0 : i32
        %dma_start3A_766 = tpu.memref_slice %arg2[%dma_start3A_764, %dma_start3A_765] : memref<10000x16xf32, #tpu.memory_space<hbm>> -> memref<10000x16xf32, #tpu.memory_space<hbm>>
        %dma_start3A_767 = tpu.memref_slice %arg23[%dma_start3A_760] : memref<13x!tpu.dma_semaphore, #tpu.memory_space<semaphore_mem>> -> memref<1x!tpu.dma_semaphore, #tpu.memory_space<semaphore_mem>>
        %dma_start3A_768 = tpu.memref_squeeze %dma_start3A_767 : memref<1x!tpu.dma_semaphore, #tpu.memory_space<semaphore_mem>> -> memref<!tpu.dma_semaphore, #tpu.memory_space<semaphore_mem>>
        tpu.enqueue_indirect_dma source(%dma_start3A_766 : memref<10000x16xf32, #tpu.memory_space<hbm>>) target(%arg15 : memref<128x16xf32, #tpu.memory_space<vmem>>) offsets(%dma_start3A_763 : memref<128xi32, #tpu.memory_space<vmem>>) semaphore(%dma_start3A_768 : memref<!tpu.dma_semaphore, #tpu.memory_space<semaphore_mem>>)
        %add3A_769 = arith.constant 8 : i32
        %add3A_770 = arith.addi %mul3A_328, %add3A_769 : i32
        %dma_wait3A_771 = arith.constant 8 : i32
        %dma_wait3A_772 = arith.constant 0 : i32
        %dma_wait3A_773 = tpu.memref_slice %arg7[%add3A_770, %dma_wait3A_772] : memref<78x128xi32, #tpu.memory_space<vmem>> -> memref<1x128xi32, #tpu.memory_space<vmem>>
        %dma_wait3A_774 = tpu.memref_squeeze %dma_wait3A_773 : memref<1x128xi32, #tpu.memory_space<vmem>> -> memref<128xi32, #tpu.memory_space<vmem>>
        %dma_wait3A_775 = arith.constant 0 : i32
        %dma_wait3A_776 = arith.constant 0 : i32
        %dma_wait3A_777 = tpu.memref_slice %arg22[%dma_wait3A_775, %dma_wait3A_776] : memref<10112x16xf32, #tpu.memory_space<vmem_shared>> -> memref<10112x16xf32, #tpu.memory_space<vmem_shared>>
        %dma_wait3A_778 = tpu.memref_slice %arg24[%dma_wait3A_771] : memref<13x!tpu.dma_semaphore, #tpu.memory_space<semaphore_mem>> -> memref<1x!tpu.dma_semaphore, #tpu.memory_space<semaphore_mem>>
        %dma_wait3A_779 = tpu.memref_squeeze %dma_wait3A_778 : memref<1x!tpu.dma_semaphore, #tpu.memory_space<semaphore_mem>> -> memref<!tpu.dma_semaphore, #tpu.memory_space<semaphore_mem>>
        tpu.wait_indirect_dma semaphore(%dma_wait3A_779 : memref<!tpu.dma_semaphore, #tpu.memory_space<semaphore_mem>>) src(%arg16 : memref<128x16xf32, #tpu.memory_space<vmem>>) dst(%dma_wait3A_777 : memref<10112x16xf32, #tpu.memory_space<vmem_shared>>)
        %add3A_780 = arith.constant 13 : i32
        %add3A_781 = arith.addi %add3A_770, %add3A_780 : i32
        %dma_start3A_782 = arith.constant 8 : i32
        %dma_start3A_783 = arith.constant 0 : i32
        %dma_start3A_784 = tpu.memref_slice %arg6[%add3A_781, %dma_start3A_783] : memref<78x128xi32, #tpu.memory_space<vmem>> -> memref<1x128xi32, #tpu.memory_space<vmem>>
        %dma_start3A_785 = tpu.memref_squeeze %dma_start3A_784 : memref<1x128xi32, #tpu.memory_space<vmem>> -> memref<128xi32, #tpu.memory_space<vmem>>
        %dma_start3A_786 = arith.constant 0 : i32
        %dma_start3A_787 = arith.constant 0 : i32
        %dma_start3A_788 = tpu.memref_slice %arg2[%dma_start3A_786, %dma_start3A_787] : memref<10000x16xf32, #tpu.memory_space<hbm>> -> memref<10000x16xf32, #tpu.memory_space<hbm>>
        %dma_start3A_789 = tpu.memref_slice %arg23[%dma_start3A_782] : memref<13x!tpu.dma_semaphore, #tpu.memory_space<semaphore_mem>> -> memref<1x!tpu.dma_semaphore, #tpu.memory_space<semaphore_mem>>
        %dma_start3A_790 = tpu.memref_squeeze %dma_start3A_789 : memref<1x!tpu.dma_semaphore, #tpu.memory_space<semaphore_mem>> -> memref<!tpu.dma_semaphore, #tpu.memory_space<semaphore_mem>>
        tpu.enqueue_indirect_dma source(%dma_start3A_788 : memref<10000x16xf32, #tpu.memory_space<hbm>>) target(%arg16 : memref<128x16xf32, #tpu.memory_space<vmem>>) offsets(%dma_start3A_785 : memref<128xi32, #tpu.memory_space<vmem>>) semaphore(%dma_start3A_790 : memref<!tpu.dma_semaphore, #tpu.memory_space<semaphore_mem>>)
        %add3A_791 = arith.constant 9 : i32
        %add3A_792 = arith.addi %mul3A_328, %add3A_791 : i32
        %dma_wait3A_793 = arith.constant 9 : i32
        %dma_wait3A_794 = arith.constant 0 : i32
        %dma_wait3A_795 = tpu.memref_slice %arg7[%add3A_792, %dma_wait3A_794] : memref<78x128xi32, #tpu.memory_space<vmem>> -> memref<1x128xi32, #tpu.memory_space<vmem>>
        %dma_wait3A_796 = tpu.memref_squeeze %dma_wait3A_795 : memref<1x128xi32, #tpu.memory_space<vmem>> -> memref<128xi32, #tpu.memory_space<vmem>>
        %dma_wait3A_797 = arith.constant 0 : i32
        %dma_wait3A_798 = arith.constant 0 : i32
        %dma_wait3A_799 = tpu.memref_slice %arg22[%dma_wait3A_797, %dma_wait3A_798] : memref<10112x16xf32, #tpu.memory_space<vmem_shared>> -> memref<10112x16xf32, #tpu.memory_space<vmem_shared>>
        %dma_wait3A_800 = tpu.memref_slice %arg24[%dma_wait3A_793] : memref<13x!tpu.dma_semaphore, #tpu.memory_space<semaphore_mem>> -> memref<1x!tpu.dma_semaphore, #tpu.memory_space<semaphore_mem>>
        %dma_wait3A_801 = tpu.memref_squeeze %dma_wait3A_800 : memref<1x!tpu.dma_semaphore, #tpu.memory_space<semaphore_mem>> -> memref<!tpu.dma_semaphore, #tpu.memory_space<semaphore_mem>>
        tpu.wait_indirect_dma semaphore(%dma_wait3A_801 : memref<!tpu.dma_semaphore, #tpu.memory_space<semaphore_mem>>) src(%arg17 : memref<128x16xf32, #tpu.memory_space<vmem>>) dst(%dma_wait3A_799 : memref<10112x16xf32, #tpu.memory_space<vmem_shared>>)
        %add3A_802 = arith.constant 13 : i32
        %add3A_803 = arith.addi %add3A_792, %add3A_802 : i32
        %dma_start3A_804 = arith.constant 9 : i32
        %dma_start3A_805 = arith.constant 0 : i32
        %dma_start3A_806 = tpu.memref_slice %arg6[%add3A_803, %dma_start3A_805] : memref<78x128xi32, #tpu.memory_space<vmem>> -> memref<1x128xi32, #tpu.memory_space<vmem>>
        %dma_start3A_807 = tpu.memref_squeeze %dma_start3A_806 : memref<1x128xi32, #tpu.memory_space<vmem>> -> memref<128xi32, #tpu.memory_space<vmem>>
        %dma_start3A_808 = arith.constant 0 : i32
        %dma_start3A_809 = arith.constant 0 : i32
        %dma_start3A_810 = tpu.memref_slice %arg2[%dma_start3A_808, %dma_start3A_809] : memref<10000x16xf32, #tpu.memory_space<hbm>> -> memref<10000x16xf32, #tpu.memory_space<hbm>>
        %dma_start3A_811 = tpu.memref_slice %arg23[%dma_start3A_804] : memref<13x!tpu.dma_semaphore, #tpu.memory_space<semaphore_mem>> -> memref<1x!tpu.dma_semaphore, #tpu.memory_space<semaphore_mem>>
        %dma_start3A_812 = tpu.memref_squeeze %dma_start3A_811 : memref<1x!tpu.dma_semaphore, #tpu.memory_space<semaphore_mem>> -> memref<!tpu.dma_semaphore, #tpu.memory_space<semaphore_mem>>
        tpu.enqueue_indirect_dma source(%dma_start3A_810 : memref<10000x16xf32, #tpu.memory_space<hbm>>) target(%arg17 : memref<128x16xf32, #tpu.memory_space<vmem>>) offsets(%dma_start3A_807 : memref<128xi32, #tpu.memory_space<vmem>>) semaphore(%dma_start3A_812 : memref<!tpu.dma_semaphore, #tpu.memory_space<semaphore_mem>>)
        %add3A_813 = arith.constant 10 : i32
        %add3A_814 = arith.addi %mul3A_328, %add3A_813 : i32
        %dma_wait3A_815 = arith.constant 10 : i32
        %dma_wait3A_816 = arith.constant 0 : i32
        %dma_wait3A_817 = tpu.memref_slice %arg7[%add3A_814, %dma_wait3A_816] : memref<78x128xi32, #tpu.memory_space<vmem>> -> memref<1x128xi32, #tpu.memory_space<vmem>>
        %dma_wait3A_818 = tpu.memref_squeeze %dma_wait3A_817 : memref<1x128xi32, #tpu.memory_space<vmem>> -> memref<128xi32, #tpu.memory_space<vmem>>
        %dma_wait3A_819 = arith.constant 0 : i32
        %dma_wait3A_820 = arith.constant 0 : i32
        %dma_wait3A_821 = tpu.memref_slice %arg22[%dma_wait3A_819, %dma_wait3A_820] : memref<10112x16xf32, #tpu.memory_space<vmem_shared>> -> memref<10112x16xf32, #tpu.memory_space<vmem_shared>>
        %dma_wait3A_822 = tpu.memref_slice %arg24[%dma_wait3A_815] : memref<13x!tpu.dma_semaphore, #tpu.memory_space<semaphore_mem>> -> memref<1x!tpu.dma_semaphore, #tpu.memory_space<semaphore_mem>>
        %dma_wait3A_823 = tpu.memref_squeeze %dma_wait3A_822 : memref<1x!tpu.dma_semaphore, #tpu.memory_space<semaphore_mem>> -> memref<!tpu.dma_semaphore, #tpu.memory_space<semaphore_mem>>
        tpu.wait_indirect_dma semaphore(%dma_wait3A_823 : memref<!tpu.dma_semaphore, #tpu.memory_space<semaphore_mem>>) src(%arg18 : memref<128x16xf32, #tpu.memory_space<vmem>>) dst(%dma_wait3A_821 : memref<10112x16xf32, #tpu.memory_space<vmem_shared>>)
        %add3A_824 = arith.constant 13 : i32
        %add3A_825 = arith.addi %add3A_814, %add3A_824 : i32
        %dma_start3A_826 = arith.constant 10 : i32
        %dma_start3A_827 = arith.constant 0 : i32
        %dma_start3A_828 = tpu.memref_slice %arg6[%add3A_825, %dma_start3A_827] : memref<78x128xi32, #tpu.memory_space<vmem>> -> memref<1x128xi32, #tpu.memory_space<vmem>>
        %dma_start3A_829 = tpu.memref_squeeze %dma_start3A_828 : memref<1x128xi32, #tpu.memory_space<vmem>> -> memref<128xi32, #tpu.memory_space<vmem>>
        %dma_start3A_830 = arith.constant 0 : i32
        %dma_start3A_831 = arith.constant 0 : i32
        %dma_start3A_832 = tpu.memref_slice %arg2[%dma_start3A_830, %dma_start3A_831] : memref<10000x16xf32, #tpu.memory_space<hbm>> -> memref<10000x16xf32, #tpu.memory_space<hbm>>
        %dma_start3A_833 = tpu.memref_slice %arg23[%dma_start3A_826] : memref<13x!tpu.dma_semaphore, #tpu.memory_space<semaphore_mem>> -> memref<1x!tpu.dma_semaphore, #tpu.memory_space<semaphore_mem>>
        %dma_start3A_834 = tpu.memref_squeeze %dma_start3A_833 : memref<1x!tpu.dma_semaphore, #tpu.memory_space<semaphore_mem>> -> memref<!tpu.dma_semaphore, #tpu.memory_space<semaphore_mem>>
        tpu.enqueue_indirect_dma source(%dma_start3A_832 : memref<10000x16xf32, #tpu.memory_space<hbm>>) target(%arg18 : memref<128x16xf32, #tpu.memory_space<vmem>>) offsets(%dma_start3A_829 : memref<128xi32, #tpu.memory_space<vmem>>) semaphore(%dma_start3A_834 : memref<!tpu.dma_semaphore, #tpu.memory_space<semaphore_mem>>)
        %add3A_835 = arith.constant 11 : i32
        %add3A_836 = arith.addi %mul3A_328, %add3A_835 : i32
        %dma_wait3A_837 = arith.constant 11 : i32
        %dma_wait3A_838 = arith.constant 0 : i32
        %dma_wait3A_839 = tpu.memref_slice %arg7[%add3A_836, %dma_wait3A_838] : memref<78x128xi32, #tpu.memory_space<vmem>> -> memref<1x128xi32, #tpu.memory_space<vmem>>
        %dma_wait3A_840 = tpu.memref_squeeze %dma_wait3A_839 : memref<1x128xi32, #tpu.memory_space<vmem>> -> memref<128xi32, #tpu.memory_space<vmem>>
        %dma_wait3A_841 = arith.constant 0 : i32
        %dma_wait3A_842 = arith.constant 0 : i32
        %dma_wait3A_843 = tpu.memref_slice %arg22[%dma_wait3A_841, %dma_wait3A_842] : memref<10112x16xf32, #tpu.memory_space<vmem_shared>> -> memref<10112x16xf32, #tpu.memory_space<vmem_shared>>
        %dma_wait3A_844 = tpu.memref_slice %arg24[%dma_wait3A_837] : memref<13x!tpu.dma_semaphore, #tpu.memory_space<semaphore_mem>> -> memref<1x!tpu.dma_semaphore, #tpu.memory_space<semaphore_mem>>
        %dma_wait3A_845 = tpu.memref_squeeze %dma_wait3A_844 : memref<1x!tpu.dma_semaphore, #tpu.memory_space<semaphore_mem>> -> memref<!tpu.dma_semaphore, #tpu.memory_space<semaphore_mem>>
        tpu.wait_indirect_dma semaphore(%dma_wait3A_845 : memref<!tpu.dma_semaphore, #tpu.memory_space<semaphore_mem>>) src(%arg19 : memref<128x16xf32, #tpu.memory_space<vmem>>) dst(%dma_wait3A_843 : memref<10112x16xf32, #tpu.memory_space<vmem_shared>>)
        %add3A_846 = arith.constant 13 : i32
        %add3A_847 = arith.addi %add3A_836, %add3A_846 : i32
        %dma_start3A_848 = arith.constant 11 : i32
        %dma_start3A_849 = arith.constant 0 : i32
        %dma_start3A_850 = tpu.memref_slice %arg6[%add3A_847, %dma_start3A_849] : memref<78x128xi32, #tpu.memory_space<vmem>> -> memref<1x128xi32, #tpu.memory_space<vmem>>
        %dma_start3A_851 = tpu.memref_squeeze %dma_start3A_850 : memref<1x128xi32, #tpu.memory_space<vmem>> -> memref<128xi32, #tpu.memory_space<vmem>>
        %dma_start3A_852 = arith.constant 0 : i32
        %dma_start3A_853 = arith.constant 0 : i32
        %dma_start3A_854 = tpu.memref_slice %arg2[%dma_start3A_852, %dma_start3A_853] : memref<10000x16xf32, #tpu.memory_space<hbm>> -> memref<10000x16xf32, #tpu.memory_space<hbm>>
        %dma_start3A_855 = tpu.memref_slice %arg23[%dma_start3A_848] : memref<13x!tpu.dma_semaphore, #tpu.memory_space<semaphore_mem>> -> memref<1x!tpu.dma_semaphore, #tpu.memory_space<semaphore_mem>>
        %dma_start3A_856 = tpu.memref_squeeze %dma_start3A_855 : memref<1x!tpu.dma_semaphore, #tpu.memory_space<semaphore_mem>> -> memref<!tpu.dma_semaphore, #tpu.memory_space<semaphore_mem>>
        tpu.enqueue_indirect_dma source(%dma_start3A_854 : memref<10000x16xf32, #tpu.memory_space<hbm>>) target(%arg19 : memref<128x16xf32, #tpu.memory_space<vmem>>) offsets(%dma_start3A_851 : memref<128xi32, #tpu.memory_space<vmem>>) semaphore(%dma_start3A_856 : memref<!tpu.dma_semaphore, #tpu.memory_space<semaphore_mem>>)
        %add3A_857 = arith.constant 12 : i32
        %add3A_858 = arith.addi %mul3A_328, %add3A_857 : i32
        %dma_wait3A_859 = arith.constant 12 : i32
        %dma_wait3A_860 = arith.constant 0 : i32
        %dma_wait3A_861 = tpu.memref_slice %arg7[%add3A_858, %dma_wait3A_860] : memref<78x128xi32, #tpu.memory_space<vmem>> -> memref<1x128xi32, #tpu.memory_space<vmem>>
        %dma_wait3A_862 = tpu.memref_squeeze %dma_wait3A_861 : memref<1x128xi32, #tpu.memory_space<vmem>> -> memref<128xi32, #tpu.memory_space<vmem>>
        %dma_wait3A_863 = arith.constant 0 : i32
        %dma_wait3A_864 = arith.constant 0 : i32
        %dma_wait3A_865 = tpu.memref_slice %arg22[%dma_wait3A_863, %dma_wait3A_864] : memref<10112x16xf32, #tpu.memory_space<vmem_shared>> -> memref<10112x16xf32, #tpu.memory_space<vmem_shared>>
        %dma_wait3A_866 = tpu.memref_slice %arg24[%dma_wait3A_859] : memref<13x!tpu.dma_semaphore, #tpu.memory_space<semaphore_mem>> -> memref<1x!tpu.dma_semaphore, #tpu.memory_space<semaphore_mem>>
        %dma_wait3A_867 = tpu.memref_squeeze %dma_wait3A_866 : memref<1x!tpu.dma_semaphore, #tpu.memory_space<semaphore_mem>> -> memref<!tpu.dma_semaphore, #tpu.memory_space<semaphore_mem>>
        tpu.wait_indirect_dma semaphore(%dma_wait3A_867 : memref<!tpu.dma_semaphore, #tpu.memory_space<semaphore_mem>>) src(%arg20 : memref<128x16xf32, #tpu.memory_space<vmem>>) dst(%dma_wait3A_865 : memref<10112x16xf32, #tpu.memory_space<vmem_shared>>)
        %add3A_868 = arith.constant 13 : i32
        %add3A_869 = arith.addi %add3A_858, %add3A_868 : i32
        %dma_start3A_870 = arith.constant 12 : i32
        %dma_start3A_871 = arith.constant 0 : i32
        %dma_start3A_872 = tpu.memref_slice %arg6[%add3A_869, %dma_start3A_871] : memref<78x128xi32, #tpu.memory_space<vmem>> -> memref<1x128xi32, #tpu.memory_space<vmem>>
        %dma_start3A_873 = tpu.memref_squeeze %dma_start3A_872 : memref<1x128xi32, #tpu.memory_space<vmem>> -> memref<128xi32, #tpu.memory_space<vmem>>
        %dma_start3A_874 = arith.constant 0 : i32
        %dma_start3A_875 = arith.constant 0 : i32
        %dma_start3A_876 = tpu.memref_slice %arg2[%dma_start3A_874, %dma_start3A_875] : memref<10000x16xf32, #tpu.memory_space<hbm>> -> memref<10000x16xf32, #tpu.memory_space<hbm>>
        %dma_start3A_877 = tpu.memref_slice %arg23[%dma_start3A_870] : memref<13x!tpu.dma_semaphore, #tpu.memory_space<semaphore_mem>> -> memref<1x!tpu.dma_semaphore, #tpu.memory_space<semaphore_mem>>
        %dma_start3A_878 = tpu.memref_squeeze %dma_start3A_877 : memref<1x!tpu.dma_semaphore, #tpu.memory_space<semaphore_mem>> -> memref<!tpu.dma_semaphore, #tpu.memory_space<semaphore_mem>>
        tpu.enqueue_indirect_dma source(%dma_start3A_876 : memref<10000x16xf32, #tpu.memory_space<hbm>>) target(%arg20 : memref<128x16xf32, #tpu.memory_space<vmem>>) offsets(%dma_start3A_873 : memref<128xi32, #tpu.memory_space<vmem>>) semaphore(%dma_start3A_878 : memref<!tpu.dma_semaphore, #tpu.memory_space<semaphore_mem>>)
      } else {
      }
    }
    %scan3A_184 = arith.constant 6 : i32
    %dma_wait3A_185 = arith.constant 65 : i32
    %dma_wait3A_186 = arith.constant 0 : i32
    %dma_wait3A_187 = arith.constant 0 : i32
    %dma_wait3A_188 = tpu.memref_slice %arg7[%dma_wait3A_185, %dma_wait3A_187] : memref<78x128xi32, #tpu.memory_space<vmem>> -> memref<1x128xi32, #tpu.memory_space<vmem>>
    %dma_wait3A_189 = tpu.memref_squeeze %dma_wait3A_188 : memref<1x128xi32, #tpu.memory_space<vmem>> -> memref<128xi32, #tpu.memory_space<vmem>>
    %dma_wait3A_190 = arith.constant 0 : i32
    %dma_wait3A_191 = arith.constant 0 : i32
    %dma_wait3A_192 = tpu.memref_slice %arg22[%dma_wait3A_190, %dma_wait3A_191] : memref<10112x16xf32, #tpu.memory_space<vmem_shared>> -> memref<10112x16xf32, #tpu.memory_space<vmem_shared>>
    %dma_wait3A_193 = tpu.memref_slice %arg24[%dma_wait3A_186] : memref<13x!tpu.dma_semaphore, #tpu.memory_space<semaphore_mem>> -> memref<1x!tpu.dma_semaphore, #tpu.memory_space<semaphore_mem>>
    %dma_wait3A_194 = tpu.memref_squeeze %dma_wait3A_193 : memref<1x!tpu.dma_semaphore, #tpu.memory_space<semaphore_mem>> -> memref<!tpu.dma_semaphore, #tpu.memory_space<semaphore_mem>>
    tpu.wait_indirect_dma semaphore(%dma_wait3A_194 : memref<!tpu.dma_semaphore, #tpu.memory_space<semaphore_mem>>) src(%arg8 : memref<128x16xf32, #tpu.memory_space<vmem>>) dst(%dma_wait3A_192 : memref<10112x16xf32, #tpu.memory_space<vmem_shared>>)
    %dma_wait3A_195 = arith.constant 66 : i32
    %dma_wait3A_196 = arith.constant 1 : i32
    %dma_wait3A_197 = arith.constant 0 : i32
    %dma_wait3A_198 = tpu.memref_slice %arg7[%dma_wait3A_195, %dma_wait3A_197] : memref<78x128xi32, #tpu.memory_space<vmem>> -> memref<1x128xi32, #tpu.memory_space<vmem>>
    %dma_wait3A_199 = tpu.memref_squeeze %dma_wait3A_198 : memref<1x128xi32, #tpu.memory_space<vmem>> -> memref<128xi32, #tpu.memory_space<vmem>>
    %dma_wait3A_200 = arith.constant 0 : i32
    %dma_wait3A_201 = arith.constant 0 : i32
    %dma_wait3A_202 = tpu.memref_slice %arg22[%dma_wait3A_200, %dma_wait3A_201] : memref<10112x16xf32, #tpu.memory_space<vmem_shared>> -> memref<10112x16xf32, #tpu.memory_space<vmem_shared>>
    %dma_wait3A_203 = tpu.memref_slice %arg24[%dma_wait3A_196] : memref<13x!tpu.dma_semaphore, #tpu.memory_space<semaphore_mem>> -> memref<1x!tpu.dma_semaphore, #tpu.memory_space<semaphore_mem>>
    %dma_wait3A_204 = tpu.memref_squeeze %dma_wait3A_203 : memref<1x!tpu.dma_semaphore, #tpu.memory_space<semaphore_mem>> -> memref<!tpu.dma_semaphore, #tpu.memory_space<semaphore_mem>>
    tpu.wait_indirect_dma semaphore(%dma_wait3A_204 : memref<!tpu.dma_semaphore, #tpu.memory_space<semaphore_mem>>) src(%arg9 : memref<128x16xf32, #tpu.memory_space<vmem>>) dst(%dma_wait3A_202 : memref<10112x16xf32, #tpu.memory_space<vmem_shared>>)
    %dma_wait3A_205 = arith.constant 67 : i32
    %dma_wait3A_206 = arith.constant 2 : i32
    %dma_wait3A_207 = arith.constant 0 : i32
    %dma_wait3A_208 = tpu.memref_slice %arg7[%dma_wait3A_205, %dma_wait3A_207] : memref<78x128xi32, #tpu.memory_space<vmem>> -> memref<1x128xi32, #tpu.memory_space<vmem>>
    %dma_wait3A_209 = tpu.memref_squeeze %dma_wait3A_208 : memref<1x128xi32, #tpu.memory_space<vmem>> -> memref<128xi32, #tpu.memory_space<vmem>>
    %dma_wait3A_210 = arith.constant 0 : i32
    %dma_wait3A_211 = arith.constant 0 : i32
    %dma_wait3A_212 = tpu.memref_slice %arg22[%dma_wait3A_210, %dma_wait3A_211] : memref<10112x16xf32, #tpu.memory_space<vmem_shared>> -> memref<10112x16xf32, #tpu.memory_space<vmem_shared>>
    %dma_wait3A_213 = tpu.memref_slice %arg24[%dma_wait3A_206] : memref<13x!tpu.dma_semaphore, #tpu.memory_space<semaphore_mem>> -> memref<1x!tpu.dma_semaphore, #tpu.memory_space<semaphore_mem>>
    %dma_wait3A_214 = tpu.memref_squeeze %dma_wait3A_213 : memref<1x!tpu.dma_semaphore, #tpu.memory_space<semaphore_mem>> -> memref<!tpu.dma_semaphore, #tpu.memory_space<semaphore_mem>>
    tpu.wait_indirect_dma semaphore(%dma_wait3A_214 : memref<!tpu.dma_semaphore, #tpu.memory_space<semaphore_mem>>) src(%arg10 : memref<128x16xf32, #tpu.memory_space<vmem>>) dst(%dma_wait3A_212 : memref<10112x16xf32, #tpu.memory_space<vmem_shared>>)
    %dma_wait3A_215 = arith.constant 68 : i32
    %dma_wait3A_216 = arith.constant 3 : i32
    %dma_wait3A_217 = arith.constant 0 : i32
    %dma_wait3A_218 = tpu.memref_slice %arg7[%dma_wait3A_215, %dma_wait3A_217] : memref<78x128xi32, #tpu.memory_space<vmem>> -> memref<1x128xi32, #tpu.memory_space<vmem>>
    %dma_wait3A_219 = tpu.memref_squeeze %dma_wait3A_218 : memref<1x128xi32, #tpu.memory_space<vmem>> -> memref<128xi32, #tpu.memory_space<vmem>>
    %dma_wait3A_220 = arith.constant 0 : i32
    %dma_wait3A_221 = arith.constant 0 : i32
    %dma_wait3A_222 = tpu.memref_slice %arg22[%dma_wait3A_220, %dma_wait3A_221] : memref<10112x16xf32, #tpu.memory_space<vmem_shared>> -> memref<10112x16xf32, #tpu.memory_space<vmem_shared>>
    %dma_wait3A_223 = tpu.memref_slice %arg24[%dma_wait3A_216] : memref<13x!tpu.dma_semaphore, #tpu.memory_space<semaphore_mem>> -> memref<1x!tpu.dma_semaphore, #tpu.memory_space<semaphore_mem>>
    %dma_wait3A_224 = tpu.memref_squeeze %dma_wait3A_223 : memref<1x!tpu.dma_semaphore, #tpu.memory_space<semaphore_mem>> -> memref<!tpu.dma_semaphore, #tpu.memory_space<semaphore_mem>>
    tpu.wait_indirect_dma semaphore(%dma_wait3A_224 : memref<!tpu.dma_semaphore, #tpu.memory_space<semaphore_mem>>) src(%arg11 : memref<128x16xf32, #tpu.memory_space<vmem>>) dst(%dma_wait3A_222 : memref<10112x16xf32, #tpu.memory_space<vmem_shared>>)
    %dma_wait3A_225 = arith.constant 69 : i32
    %dma_wait3A_226 = arith.constant 4 : i32
    %dma_wait3A_227 = arith.constant 0 : i32
    %dma_wait3A_228 = tpu.memref_slice %arg7[%dma_wait3A_225, %dma_wait3A_227] : memref<78x128xi32, #tpu.memory_space<vmem>> -> memref<1x128xi32, #tpu.memory_space<vmem>>
    %dma_wait3A_229 = tpu.memref_squeeze %dma_wait3A_228 : memref<1x128xi32, #tpu.memory_space<vmem>> -> memref<128xi32, #tpu.memory_space<vmem>>
    %dma_wait3A_230 = arith.constant 0 : i32
    %dma_wait3A_231 = arith.constant 0 : i32
    %dma_wait3A_232 = tpu.memref_slice %arg22[%dma_wait3A_230, %dma_wait3A_231] : memref<10112x16xf32, #tpu.memory_space<vmem_shared>> -> memref<10112x16xf32, #tpu.memory_space<vmem_shared>>
    %dma_wait3A_233 = tpu.memref_slice %arg24[%dma_wait3A_226] : memref<13x!tpu.dma_semaphore, #tpu.memory_space<semaphore_mem>> -> memref<1x!tpu.dma_semaphore, #tpu.memory_space<semaphore_mem>>
    %dma_wait3A_234 = tpu.memref_squeeze %dma_wait3A_233 : memref<1x!tpu.dma_semaphore, #tpu.memory_space<semaphore_mem>> -> memref<!tpu.dma_semaphore, #tpu.memory_space<semaphore_mem>>
    tpu.wait_indirect_dma semaphore(%dma_wait3A_234 : memref<!tpu.dma_semaphore, #tpu.memory_space<semaphore_mem>>) src(%arg12 : memref<128x16xf32, #tpu.memory_space<vmem>>) dst(%dma_wait3A_232 : memref<10112x16xf32, #tpu.memory_space<vmem_shared>>)
    %dma_wait3A_235 = arith.constant 70 : i32
    %dma_wait3A_236 = arith.constant 5 : i32
    %dma_wait3A_237 = arith.constant 0 : i32
    %dma_wait3A_238 = tpu.memref_slice %arg7[%dma_wait3A_235, %dma_wait3A_237] : memref<78x128xi32, #tpu.memory_space<vmem>> -> memref<1x128xi32, #tpu.memory_space<vmem>>
    %dma_wait3A_239 = tpu.memref_squeeze %dma_wait3A_238 : memref<1x128xi32, #tpu.memory_space<vmem>> -> memref<128xi32, #tpu.memory_space<vmem>>
    %dma_wait3A_240 = arith.constant 0 : i32
    %dma_wait3A_241 = arith.constant 0 : i32
    %dma_wait3A_242 = tpu.memref_slice %arg22[%dma_wait3A_240, %dma_wait3A_241] : memref<10112x16xf32, #tpu.memory_space<vmem_shared>> -> memref<10112x16xf32, #tpu.memory_space<vmem_shared>>
    %dma_wait3A_243 = tpu.memref_slice %arg24[%dma_wait3A_236] : memref<13x!tpu.dma_semaphore, #tpu.memory_space<semaphore_mem>> -> memref<1x!tpu.dma_semaphore, #tpu.memory_space<semaphore_mem>>
    %dma_wait3A_244 = tpu.memref_squeeze %dma_wait3A_243 : memref<1x!tpu.dma_semaphore, #tpu.memory_space<semaphore_mem>> -> memref<!tpu.dma_semaphore, #tpu.memory_space<semaphore_mem>>
    tpu.wait_indirect_dma semaphore(%dma_wait3A_244 : memref<!tpu.dma_semaphore, #tpu.memory_space<semaphore_mem>>) src(%arg13 : memref<128x16xf32, #tpu.memory_space<vmem>>) dst(%dma_wait3A_242 : memref<10112x16xf32, #tpu.memory_space<vmem_shared>>)
    %dma_wait3A_245 = arith.constant 71 : i32
    %dma_wait3A_246 = arith.constant 6 : i32
    %dma_wait3A_247 = arith.constant 0 : i32
    %dma_wait3A_248 = tpu.memref_slice %arg7[%dma_wait3A_245, %dma_wait3A_247] : memref<78x128xi32, #tpu.memory_space<vmem>> -> memref<1x128xi32, #tpu.memory_space<vmem>>
    %dma_wait3A_249 = tpu.memref_squeeze %dma_wait3A_248 : memref<1x128xi32, #tpu.memory_space<vmem>> -> memref<128xi32, #tpu.memory_space<vmem>>
    %dma_wait3A_250 = arith.constant 0 : i32
    %dma_wait3A_251 = arith.constant 0 : i32
    %dma_wait3A_252 = tpu.memref_slice %arg22[%dma_wait3A_250, %dma_wait3A_251] : memref<10112x16xf32, #tpu.memory_space<vmem_shared>> -> memref<10112x16xf32, #tpu.memory_space<vmem_shared>>
    %dma_wait3A_253 = tpu.memref_slice %arg24[%dma_wait3A_246] : memref<13x!tpu.dma_semaphore, #tpu.memory_space<semaphore_mem>> -> memref<1x!tpu.dma_semaphore, #tpu.memory_space<semaphore_mem>>
    %dma_wait3A_254 = tpu.memref_squeeze %dma_wait3A_253 : memref<1x!tpu.dma_semaphore, #tpu.memory_space<semaphore_mem>> -> memref<!tpu.dma_semaphore, #tpu.memory_space<semaphore_mem>>
    tpu.wait_indirect_dma semaphore(%dma_wait3A_254 : memref<!tpu.dma_semaphore, #tpu.memory_space<semaphore_mem>>) src(%arg14 : memref<128x16xf32, #tpu.memory_space<vmem>>) dst(%dma_wait3A_252 : memref<10112x16xf32, #tpu.memory_space<vmem_shared>>)
    %dma_wait3A_255 = arith.constant 72 : i32
    %dma_wait3A_256 = arith.constant 7 : i32
    %dma_wait3A_257 = arith.constant 0 : i32
    %dma_wait3A_258 = tpu.memref_slice %arg7[%dma_wait3A_255, %dma_wait3A_257] : memref<78x128xi32, #tpu.memory_space<vmem>> -> memref<1x128xi32, #tpu.memory_space<vmem>>
    %dma_wait3A_259 = tpu.memref_squeeze %dma_wait3A_258 : memref<1x128xi32, #tpu.memory_space<vmem>> -> memref<128xi32, #tpu.memory_space<vmem>>
    %dma_wait3A_260 = arith.constant 0 : i32
    %dma_wait3A_261 = arith.constant 0 : i32
    %dma_wait3A_262 = tpu.memref_slice %arg22[%dma_wait3A_260, %dma_wait3A_261] : memref<10112x16xf32, #tpu.memory_space<vmem_shared>> -> memref<10112x16xf32, #tpu.memory_space<vmem_shared>>
    %dma_wait3A_263 = tpu.memref_slice %arg24[%dma_wait3A_256] : memref<13x!tpu.dma_semaphore, #tpu.memory_space<semaphore_mem>> -> memref<1x!tpu.dma_semaphore, #tpu.memory_space<semaphore_mem>>
    %dma_wait3A_264 = tpu.memref_squeeze %dma_wait3A_263 : memref<1x!tpu.dma_semaphore, #tpu.memory_space<semaphore_mem>> -> memref<!tpu.dma_semaphore, #tpu.memory_space<semaphore_mem>>
    tpu.wait_indirect_dma semaphore(%dma_wait3A_264 : memref<!tpu.dma_semaphore, #tpu.memory_space<semaphore_mem>>) src(%arg15 : memref<128x16xf32, #tpu.memory_space<vmem>>) dst(%dma_wait3A_262 : memref<10112x16xf32, #tpu.memory_space<vmem_shared>>)
    %dma_wait3A_265 = arith.constant 73 : i32
    %dma_wait3A_266 = arith.constant 8 : i32
    %dma_wait3A_267 = arith.constant 0 : i32
    %dma_wait3A_268 = tpu.memref_slice %arg7[%dma_wait3A_265, %dma_wait3A_267] : memref<78x128xi32, #tpu.memory_space<vmem>> -> memref<1x128xi32, #tpu.memory_space<vmem>>
    %dma_wait3A_269 = tpu.memref_squeeze %dma_wait3A_268 : memref<1x128xi32, #tpu.memory_space<vmem>> -> memref<128xi32, #tpu.memory_space<vmem>>
    %dma_wait3A_270 = arith.constant 0 : i32
    %dma_wait3A_271 = arith.constant 0 : i32
    %dma_wait3A_272 = tpu.memref_slice %arg22[%dma_wait3A_270, %dma_wait3A_271] : memref<10112x16xf32, #tpu.memory_space<vmem_shared>> -> memref<10112x16xf32, #tpu.memory_space<vmem_shared>>
    %dma_wait3A_273 = tpu.memref_slice %arg24[%dma_wait3A_266] : memref<13x!tpu.dma_semaphore, #tpu.memory_space<semaphore_mem>> -> memref<1x!tpu.dma_semaphore, #tpu.memory_space<semaphore_mem>>
    %dma_wait3A_274 = tpu.memref_squeeze %dma_wait3A_273 : memref<1x!tpu.dma_semaphore, #tpu.memory_space<semaphore_mem>> -> memref<!tpu.dma_semaphore, #tpu.memory_space<semaphore_mem>>
    tpu.wait_indirect_dma semaphore(%dma_wait3A_274 : memref<!tpu.dma_semaphore, #tpu.memory_space<semaphore_mem>>) src(%arg16 : memref<128x16xf32, #tpu.memory_space<vmem>>) dst(%dma_wait3A_272 : memref<10112x16xf32, #tpu.memory_space<vmem_shared>>)
    %dma_wait3A_275 = arith.constant 74 : i32
    %dma_wait3A_276 = arith.constant 9 : i32
    %dma_wait3A_277 = arith.constant 0 : i32
    %dma_wait3A_278 = tpu.memref_slice %arg7[%dma_wait3A_275, %dma_wait3A_277] : memref<78x128xi32, #tpu.memory_space<vmem>> -> memref<1x128xi32, #tpu.memory_space<vmem>>
    %dma_wait3A_279 = tpu.memref_squeeze %dma_wait3A_278 : memref<1x128xi32, #tpu.memory_space<vmem>> -> memref<128xi32, #tpu.memory_space<vmem>>
    %dma_wait3A_280 = arith.constant 0 : i32
    %dma_wait3A_281 = arith.constant 0 : i32
    %dma_wait3A_282 = tpu.memref_slice %arg22[%dma_wait3A_280, %dma_wait3A_281] : memref<10112x16xf32, #tpu.memory_space<vmem_shared>> -> memref<10112x16xf32, #tpu.memory_space<vmem_shared>>
    %dma_wait3A_283 = tpu.memref_slice %arg24[%dma_wait3A_276] : memref<13x!tpu.dma_semaphore, #tpu.memory_space<semaphore_mem>> -> memref<1x!tpu.dma_semaphore, #tpu.memory_space<semaphore_mem>>
    %dma_wait3A_284 = tpu.memref_squeeze %dma_wait3A_283 : memref<1x!tpu.dma_semaphore, #tpu.memory_space<semaphore_mem>> -> memref<!tpu.dma_semaphore, #tpu.memory_space<semaphore_mem>>
    tpu.wait_indirect_dma semaphore(%dma_wait3A_284 : memref<!tpu.dma_semaphore, #tpu.memory_space<semaphore_mem>>) src(%arg17 : memref<128x16xf32, #tpu.memory_space<vmem>>) dst(%dma_wait3A_282 : memref<10112x16xf32, #tpu.memory_space<vmem_shared>>)
    %dma_wait3A_285 = arith.constant 75 : i32
    %dma_wait3A_286 = arith.constant 10 : i32
    %dma_wait3A_287 = arith.constant 0 : i32
    %dma_wait3A_288 = tpu.memref_slice %arg7[%dma_wait3A_285, %dma_wait3A_287] : memref<78x128xi32, #tpu.memory_space<vmem>> -> memref<1x128xi32, #tpu.memory_space<vmem>>
    %dma_wait3A_289 = tpu.memref_squeeze %dma_wait3A_288 : memref<1x128xi32, #tpu.memory_space<vmem>> -> memref<128xi32, #tpu.memory_space<vmem>>
    %dma_wait3A_290 = arith.constant 0 : i32
    %dma_wait3A_291 = arith.constant 0 : i32
    %dma_wait3A_292 = tpu.memref_slice %arg22[%dma_wait3A_290, %dma_wait3A_291] : memref<10112x16xf32, #tpu.memory_space<vmem_shared>> -> memref<10112x16xf32, #tpu.memory_space<vmem_shared>>
    %dma_wait3A_293 = tpu.memref_slice %arg24[%dma_wait3A_286] : memref<13x!tpu.dma_semaphore, #tpu.memory_space<semaphore_mem>> -> memref<1x!tpu.dma_semaphore, #tpu.memory_space<semaphore_mem>>
    %dma_wait3A_294 = tpu.memref_squeeze %dma_wait3A_293 : memref<1x!tpu.dma_semaphore, #tpu.memory_space<semaphore_mem>> -> memref<!tpu.dma_semaphore, #tpu.memory_space<semaphore_mem>>
    tpu.wait_indirect_dma semaphore(%dma_wait3A_294 : memref<!tpu.dma_semaphore, #tpu.memory_space<semaphore_mem>>) src(%arg18 : memref<128x16xf32, #tpu.memory_space<vmem>>) dst(%dma_wait3A_292 : memref<10112x16xf32, #tpu.memory_space<vmem_shared>>)
    %dma_wait3A_295 = arith.constant 76 : i32
    %dma_wait3A_296 = arith.constant 11 : i32
    %dma_wait3A_297 = arith.constant 0 : i32
    %dma_wait3A_298 = tpu.memref_slice %arg7[%dma_wait3A_295, %dma_wait3A_297] : memref<78x128xi32, #tpu.memory_space<vmem>> -> memref<1x128xi32, #tpu.memory_space<vmem>>
    %dma_wait3A_299 = tpu.memref_squeeze %dma_wait3A_298 : memref<1x128xi32, #tpu.memory_space<vmem>> -> memref<128xi32, #tpu.memory_space<vmem>>
    %dma_wait3A_300 = arith.constant 0 : i32
    %dma_wait3A_301 = arith.constant 0 : i32
    %dma_wait3A_302 = tpu.memref_slice %arg22[%dma_wait3A_300, %dma_wait3A_301] : memref<10112x16xf32, #tpu.memory_space<vmem_shared>> -> memref<10112x16xf32, #tpu.memory_space<vmem_shared>>
    %dma_wait3A_303 = tpu.memref_slice %arg24[%dma_wait3A_296] : memref<13x!tpu.dma_semaphore, #tpu.memory_space<semaphore_mem>> -> memref<1x!tpu.dma_semaphore, #tpu.memory_space<semaphore_mem>>
    %dma_wait3A_304 = tpu.memref_squeeze %dma_wait3A_303 : memref<1x!tpu.dma_semaphore, #tpu.memory_space<semaphore_mem>> -> memref<!tpu.dma_semaphore, #tpu.memory_space<semaphore_mem>>
    tpu.wait_indirect_dma semaphore(%dma_wait3A_304 : memref<!tpu.dma_semaphore, #tpu.memory_space<semaphore_mem>>) src(%arg19 : memref<128x16xf32, #tpu.memory_space<vmem>>) dst(%dma_wait3A_302 : memref<10112x16xf32, #tpu.memory_space<vmem_shared>>)
    %dma_wait3A_305 = arith.constant 77 : i32
    %dma_wait3A_306 = arith.constant 12 : i32
    %dma_wait3A_307 = arith.constant 0 : i32
    %dma_wait3A_308 = tpu.memref_slice %arg7[%dma_wait3A_305, %dma_wait3A_307] : memref<78x128xi32, #tpu.memory_space<vmem>> -> memref<1x128xi32, #tpu.memory_space<vmem>>
    %dma_wait3A_309 = tpu.memref_squeeze %dma_wait3A_308 : memref<1x128xi32, #tpu.memory_space<vmem>> -> memref<128xi32, #tpu.memory_space<vmem>>
    %dma_wait3A_310 = arith.constant 0 : i32
    %dma_wait3A_311 = arith.constant 0 : i32
    %dma_wait3A_312 = tpu.memref_slice %arg22[%dma_wait3A_310, %dma_wait3A_311] : memref<10112x16xf32, #tpu.memory_space<vmem_shared>> -> memref<10112x16xf32, #tpu.memory_space<vmem_shared>>
    %dma_wait3A_313 = tpu.memref_slice %arg24[%dma_wait3A_306] : memref<13x!tpu.dma_semaphore, #tpu.memory_space<semaphore_mem>> -> memref<1x!tpu.dma_semaphore, #tpu.memory_space<semaphore_mem>>
    %dma_wait3A_314 = tpu.memref_squeeze %dma_wait3A_313 : memref<1x!tpu.dma_semaphore, #tpu.memory_space<semaphore_mem>> -> memref<!tpu.dma_semaphore, #tpu.memory_space<semaphore_mem>>
    tpu.wait_indirect_dma semaphore(%dma_wait3A_314 : memref<!tpu.dma_semaphore, #tpu.memory_space<semaphore_mem>>) src(%arg20 : memref<128x16xf32, #tpu.memory_space<vmem>>) dst(%dma_wait3A_312 : memref<10112x16xf32, #tpu.memory_space<vmem_shared>>)
    %ge3A = arith.constant 28 : i32
    %ge3A_315 = arith.cmpi sge, %add3A, %ge3A : i32
    %convert_element_type3A = arith.extui %ge3A_315 : i1 to i32
    %cond3A = arith.constant 0 : i32
    %cond3A_316 = arith.cmpi ne, %convert_element_type3A, %cond3A : i32
    scf.if %cond3A_316 {
      %add3A_322 = arith.constant 2468 : i32
      %add3A_323 = arith.addi %add3A_322, %add3A : i32
      %run_scoped3A = arith.constant 0 : i32
      %run_scoped3A_324 = arith.constant 0 : i32
      "tpu.region"() ({
        %run_scoped3A_329 = tpu.sem_alloc : memref<!tpu.dma_semaphore, #tpu.memory_space<semaphore_mem>>
        %dma_start3A_330 = arith.constant 0 : i32
        %dma_start3A_331 = tpu.memref_slice %arg6[%run_scoped3A_324, %dma_start3A_330] : memref<78x128xi32, #tpu.memory_space<vmem>> -> memref<1x128xi32, #tpu.memory_space<vmem>>
        %dma_start3A_332 = tpu.memref_squeeze %dma_start3A_331 : memref<1x128xi32, #tpu.memory_space<vmem>> -> memref<128xi32, #tpu.memory_space<vmem>>
        %dma_start3A_333 = arith.constant 0 : i32
        %dma_start3A_334 = tpu.memref_slice %arg3[%run_scoped3A, %add3A_323, %dma_start3A_333] : memref<2x2500x128xi32, #tpu.memory_space<hbm>> -> memref<1x1x128xi32, #tpu.memory_space<hbm>>
        %dma_start3A_335 = tpu.memref_squeeze %dma_start3A_334 : memref<1x1x128xi32, #tpu.memory_space<hbm>> -> memref<128xi32, #tpu.memory_space<hbm>>
        %dma_start3A_336 = arith.constant 0 : i32
        %dma_start3A_337 = tpu.memref_slice %arg6[%run_scoped3A_324, %dma_start3A_336] : memref<78x128xi32, #tpu.memory_space<vmem>> -> memref<1x128xi32, #tpu.memory_space<vmem>>
        %dma_start3A_338 = tpu.memref_squeeze %dma_start3A_337 : memref<1x128xi32, #tpu.memory_space<vmem>> -> memref<128xi32, #tpu.memory_space<vmem>>
        %dma_start3A_339 = arith.constant 0 : i32
        %dma_start3A_340 = tpu.memref_slice %arg3[%run_scoped3A, %add3A_323, %dma_start3A_339] : memref<2x2500x128xi32, #tpu.memory_space<hbm>> -> memref<1x1x128xi32, #tpu.memory_space<hbm>>
        %dma_start3A_341 = tpu.memref_squeeze %dma_start3A_340 : memref<1x1x128xi32, #tpu.memory_space<hbm>> -> memref<128xi32, #tpu.memory_space<hbm>>
        tpu.enqueue_dma source(%dma_start3A_341 : memref<128xi32, #tpu.memory_space<hbm>>) target(%dma_start3A_338 : memref<128xi32, #tpu.memory_space<vmem>>) target_semaphore(%run_scoped3A_329 : memref<!tpu.dma_semaphore, #tpu.memory_space<semaphore_mem>>)
        %dma_wait3A_342 = arith.constant 0 : i32
        %dma_wait3A_343 = tpu.memref_slice %arg6[%run_scoped3A_324, %dma_wait3A_342] : memref<78x128xi32, #tpu.memory_space<vmem>> -> memref<1x128xi32, #tpu.memory_space<vmem>>
        %dma_wait3A_344 = tpu.memref_squeeze %dma_wait3A_343 : memref<1x128xi32, #tpu.memory_space<vmem>> -> memref<128xi32, #tpu.memory_space<vmem>>
        %dma_wait3A_345 = arith.constant 0 : i32
        %dma_wait3A_346 = tpu.memref_slice %arg3[%run_scoped3A, %add3A_323, %dma_wait3A_345] : memref<2x2500x128xi32, #tpu.memory_space<hbm>> -> memref<1x1x128xi32, #tpu.memory_space<hbm>>
        %dma_wait3A_347 = tpu.memref_squeeze %dma_wait3A_346 : memref<1x1x128xi32, #tpu.memory_space<hbm>> -> memref<128xi32, #tpu.memory_space<hbm>>
        %dma_wait3A_348 = arith.constant 0 : i32
        %dma_wait3A_349 = tpu.memref_slice %arg6[%run_scoped3A_324, %dma_wait3A_348] : memref<78x128xi32, #tpu.memory_space<vmem>> -> memref<1x128xi32, #tpu.memory_space<vmem>>
        %dma_wait3A_350 = tpu.memref_squeeze %dma_wait3A_349 : memref<1x128xi32, #tpu.memory_space<vmem>> -> memref<128xi32, #tpu.memory_space<vmem>>
        %dma_wait3A_351 = arith.constant 0 : i32
        %dma_wait3A_352 = tpu.memref_slice %arg3[%run_scoped3A, %add3A_323, %dma_wait3A_351] : memref<2x2500x128xi32, #tpu.memory_space<hbm>> -> memref<1x1x128xi32, #tpu.memory_space<hbm>>
        %dma_wait3A_353 = tpu.memref_squeeze %dma_wait3A_352 : memref<1x1x128xi32, #tpu.memory_space<hbm>> -> memref<128xi32, #tpu.memory_space<hbm>>
        tpu.wait_dma2 semaphore(%run_scoped3A_329 : memref<!tpu.dma_semaphore, #tpu.memory_space<semaphore_mem>>) src(%dma_wait3A_353 : memref<128xi32, #tpu.memory_space<hbm>>) dst(%dma_wait3A_350 : memref<128xi32, #tpu.memory_space<vmem>>)
        tpu.yield
      }) : () -> ()
      %run_scoped3A_325 = arith.constant 1 : i32
      %run_scoped3A_326 = arith.constant 0 : i32
      "tpu.region"() ({
        %run_scoped3A_329 = tpu.sem_alloc : memref<!tpu.dma_semaphore, #tpu.memory_space<semaphore_mem>>
        %dma_start3A_330 = arith.constant 0 : i32
        %dma_start3A_331 = tpu.memref_slice %arg7[%run_scoped3A_326, %dma_start3A_330] : memref<78x128xi32, #tpu.memory_space<vmem>> -> memref<1x128xi32, #tpu.memory_space<vmem>>
        %dma_start3A_332 = tpu.memref_squeeze %dma_start3A_331 : memref<1x128xi32, #tpu.memory_space<vmem>> -> memref<128xi32, #tpu.memory_space<vmem>>
        %dma_start3A_333 = arith.constant 0 : i32
        %dma_start3A_334 = tpu.memref_slice %arg3[%run_scoped3A_325, %add3A_323, %dma_start3A_333] : memref<2x2500x128xi32, #tpu.memory_space<hbm>> -> memref<1x1x128xi32, #tpu.memory_space<hbm>>
        %dma_start3A_335 = tpu.memref_squeeze %dma_start3A_334 : memref<1x1x128xi32, #tpu.memory_space<hbm>> -> memref<128xi32, #tpu.memory_space<hbm>>
        %dma_start3A_336 = arith.constant 0 : i32
        %dma_start3A_337 = tpu.memref_slice %arg7[%run_scoped3A_326, %dma_start3A_336] : memref<78x128xi32, #tpu.memory_space<vmem>> -> memref<1x128xi32, #tpu.memory_space<vmem>>
        %dma_start3A_338 = tpu.memref_squeeze %dma_start3A_337 : memref<1x128xi32, #tpu.memory_space<vmem>> -> memref<128xi32, #tpu.memory_space<vmem>>
        %dma_start3A_339 = arith.constant 0 : i32
        %dma_start3A_340 = tpu.memref_slice %arg3[%run_scoped3A_325, %add3A_323, %dma_start3A_339] : memref<2x2500x128xi32, #tpu.memory_space<hbm>> -> memref<1x1x128xi32, #tpu.memory_space<hbm>>
        %dma_start3A_341 = tpu.memref_squeeze %dma_start3A_340 : memref<1x1x128xi32, #tpu.memory_space<hbm>> -> memref<128xi32, #tpu.memory_space<hbm>>
        tpu.enqueue_dma source(%dma_start3A_341 : memref<128xi32, #tpu.memory_space<hbm>>) target(%dma_start3A_338 : memref<128xi32, #tpu.memory_space<vmem>>) target_semaphore(%run_scoped3A_329 : memref<!tpu.dma_semaphore, #tpu.memory_space<semaphore_mem>>)
        %dma_wait3A_342 = arith.constant 0 : i32
        %dma_wait3A_343 = tpu.memref_slice %arg7[%run_scoped3A_326, %dma_wait3A_342] : memref<78x128xi32, #tpu.memory_space<vmem>> -> memref<1x128xi32, #tpu.memory_space<vmem>>
        %dma_wait3A_344 = tpu.memref_squeeze %dma_wait3A_343 : memref<1x128xi32, #tpu.memory_space<vmem>> -> memref<128xi32, #tpu.memory_space<vmem>>
        %dma_wait3A_345 = arith.constant 0 : i32
        %dma_wait3A_346 = tpu.memref_slice %arg3[%run_scoped3A_325, %add3A_323, %dma_wait3A_345] : memref<2x2500x128xi32, #tpu.memory_space<hbm>> -> memref<1x1x128xi32, #tpu.memory_space<hbm>>
        %dma_wait3A_347 = tpu.memref_squeeze %dma_wait3A_346 : memref<1x1x128xi32, #tpu.memory_space<hbm>> -> memref<128xi32, #tpu.memory_space<hbm>>
        %dma_wait3A_348 = arith.constant 0 : i32
        %dma_wait3A_349 = tpu.memref_slice %arg7[%run_scoped3A_326, %dma_wait3A_348] : memref<78x128xi32, #tpu.memory_space<vmem>> -> memref<1x128xi32, #tpu.memory_space<vmem>>
        %dma_wait3A_350 = tpu.memref_squeeze %dma_wait3A_349 : memref<1x128xi32, #tpu.memory_space<vmem>> -> memref<128xi32, #tpu.memory_space<vmem>>
        %dma_wait3A_351 = arith.constant 0 : i32
        %dma_wait3A_352 = tpu.memref_slice %arg3[%run_scoped3A_325, %add3A_323, %dma_wait3A_351] : memref<2x2500x128xi32, #tpu.memory_space<hbm>> -> memref<1x1x128xi32, #tpu.memory_space<hbm>>
        %dma_wait3A_353 = tpu.memref_squeeze %dma_wait3A_352 : memref<1x1x128xi32, #tpu.memory_space<hbm>> -> memref<128xi32, #tpu.memory_space<hbm>>
        tpu.wait_dma2 semaphore(%run_scoped3A_329 : memref<!tpu.dma_semaphore, #tpu.memory_space<semaphore_mem>>) src(%dma_wait3A_353 : memref<128xi32, #tpu.memory_space<hbm>>) dst(%dma_wait3A_350 : memref<128xi32, #tpu.memory_space<vmem>>)
        tpu.yield
      }) : () -> ()
      %run_scoped3A_327 = arith.constant 0 : i32
      "tpu.region"() ({
        %run_scoped3A_329 = tpu.sem_alloc : memref<!tpu.dma_semaphore, #tpu.memory_space<semaphore_mem>>
        %dma_start3A_330 = arith.constant 0 : i32
        %dma_start3A_331 = tpu.memref_slice %arg6[%run_scoped3A_327, %dma_start3A_330] : memref<78x128xi32, #tpu.memory_space<vmem>> -> memref<1x128xi32, #tpu.memory_space<vmem>>
        %dma_start3A_332 = tpu.memref_squeeze %dma_start3A_331 : memref<1x128xi32, #tpu.memory_space<vmem>> -> memref<128xi32, #tpu.memory_space<vmem>>
        %dma_start3A_333 = arith.constant 0 : i32
        %dma_start3A_334 = arith.constant 0 : i32
        %dma_start3A_335 = tpu.memref_slice %arg2[%dma_start3A_333, %dma_start3A_334] : memref<10000x16xf32, #tpu.memory_space<hbm>> -> memref<10000x16xf32, #tpu.memory_space<hbm>>
        tpu.enqueue_indirect_dma source(%dma_start3A_335 : memref<10000x16xf32, #tpu.memory_space<hbm>>) target(%arg8 : memref<128x16xf32, #tpu.memory_space<vmem>>) offsets(%dma_start3A_332 : memref<128xi32, #tpu.memory_space<vmem>>) semaphore(%run_scoped3A_329 : memref<!tpu.dma_semaphore, #tpu.memory_space<semaphore_mem>>)
        %dma_wait3A_336 = arith.constant 0 : i32
        %dma_wait3A_337 = tpu.memref_slice %arg6[%run_scoped3A_327, %dma_wait3A_336] : memref<78x128xi32, #tpu.memory_space<vmem>> -> memref<1x128xi32, #tpu.memory_space<vmem>>
        %dma_wait3A_338 = tpu.memref_squeeze %dma_wait3A_337 : memref<1x128xi32, #tpu.memory_space<vmem>> -> memref<128xi32, #tpu.memory_space<vmem>>
        %dma_wait3A_339 = arith.constant 0 : i32
        %dma_wait3A_340 = arith.constant 0 : i32
        %dma_wait3A_341 = tpu.memref_slice %arg2[%dma_wait3A_339, %dma_wait3A_340] : memref<10000x16xf32, #tpu.memory_space<hbm>> -> memref<10000x16xf32, #tpu.memory_space<hbm>>
        tpu.wait_indirect_dma semaphore(%run_scoped3A_329 : memref<!tpu.dma_semaphore, #tpu.memory_space<semaphore_mem>>) src(%dma_wait3A_341 : memref<10000x16xf32, #tpu.memory_space<hbm>>) dst(%arg8 : memref<128x16xf32, #tpu.memory_space<vmem>>)
        tpu.yield
      }) : () -> ()
      %run_scoped3A_328 = arith.constant 0 : i32
      "tpu.region"() ({
        %run_scoped3A_329 = tpu.sem_alloc : memref<!tpu.dma_semaphore, #tpu.memory_space<semaphore_mem>>
        %dma_start3A_330 = arith.constant 0 : i32
        %dma_start3A_331 = tpu.memref_slice %arg7[%run_scoped3A_328, %dma_start3A_330] : memref<78x128xi32, #tpu.memory_space<vmem>> -> memref<1x128xi32, #tpu.memory_space<vmem>>
        %dma_start3A_332 = tpu.memref_squeeze %dma_start3A_331 : memref<1x128xi32, #tpu.memory_space<vmem>> -> memref<128xi32, #tpu.memory_space<vmem>>
        %dma_start3A_333 = arith.constant 0 : i32
        %dma_start3A_334 = arith.constant 0 : i32
        %dma_start3A_335 = tpu.memref_slice %arg22[%dma_start3A_333, %dma_start3A_334] : memref<10112x16xf32, #tpu.memory_space<vmem_shared>> -> memref<10112x16xf32, #tpu.memory_space<vmem_shared>>
        tpu.enqueue_indirect_dma source(%arg8 : memref<128x16xf32, #tpu.memory_space<vmem>>) target(%dma_start3A_335 : memref<10112x16xf32, #tpu.memory_space<vmem_shared>>) offsets(%dma_start3A_332 : memref<128xi32, #tpu.memory_space<vmem>>) semaphore(%run_scoped3A_329 : memref<!tpu.dma_semaphore, #tpu.memory_space<semaphore_mem>>) {add = true}
        %dma_wait3A_336 = arith.constant 0 : i32
        %dma_wait3A_337 = tpu.memref_slice %arg7[%run_scoped3A_328, %dma_wait3A_336] : memref<78x128xi32, #tpu.memory_space<vmem>> -> memref<1x128xi32, #tpu.memory_space<vmem>>
        %dma_wait3A_338 = tpu.memref_squeeze %dma_wait3A_337 : memref<1x128xi32, #tpu.memory_space<vmem>> -> memref<128xi32, #tpu.memory_space<vmem>>
        %dma_wait3A_339 = arith.constant 0 : i32
        %dma_wait3A_340 = arith.constant 0 : i32
        %dma_wait3A_341 = tpu.memref_slice %arg22[%dma_wait3A_339, %dma_wait3A_340] : memref<10112x16xf32, #tpu.memory_space<vmem_shared>> -> memref<10112x16xf32, #tpu.memory_space<vmem_shared>>
        tpu.wait_indirect_dma semaphore(%run_scoped3A_329 : memref<!tpu.dma_semaphore, #tpu.memory_space<semaphore_mem>>) src(%arg8 : memref<128x16xf32, #tpu.memory_space<vmem>>) dst(%dma_wait3A_341 : memref<10112x16xf32, #tpu.memory_space<vmem_shared>>)
        tpu.yield
      }) : () -> ()
    } else {
    }
    %barrier3A_317 = arith.constant 0 : index
    tpu.barrier barrier_id(%barrier3A_317)
    %mul3A_318 = arith.constant 632 : i32
    %mul3A_319 = arith.muli %arg1, %mul3A_318 : i32
    %mul3A_320 = arith.constant 632 : i32
    %mul3A_321 = arith.muli %arg1, %mul3A_320 : i32
    "tpu.region"() ({
      %run_scoped3A = tpu.sem_alloc : memref<!tpu.dma_semaphore, #tpu.memory_space<semaphore_mem>>
      %dma_start3A_322 = arith.constant 0 : i32
      %dma_start3A_323 = tpu.memref_slice %arg5[%arg0, %mul3A_321, %dma_start3A_322] : memref<2x10112x16xf32, #tpu.memory_space<hbm>> -> memref<1x632x16xf32, #tpu.memory_space<hbm>>
      %dma_start3A_324 = tpu.memref_squeeze %dma_start3A_323 : memref<1x632x16xf32, #tpu.memory_space<hbm>> -> memref<632x16xf32, #tpu.memory_space<hbm>>
      %dma_start3A_325 = arith.constant 0 : i32
      %dma_start3A_326 = tpu.memref_slice %arg22[%mul3A_319, %dma_start3A_325] : memref<10112x16xf32, #tpu.memory_space<vmem_shared>> -> memref<632x16xf32, #tpu.memory_space<vmem_shared>>
      tpu.enqueue_dma source(%dma_start3A_326 : memref<632x16xf32, #tpu.memory_space<vmem_shared>>) target(%dma_start3A_324 : memref<632x16xf32, #tpu.memory_space<hbm>>) target_semaphore(%run_scoped3A : memref<!tpu.dma_semaphore, #tpu.memory_space<semaphore_mem>>)
      %dma_wait3A_327 = arith.constant 0 : i32
      %dma_wait3A_328 = tpu.memref_slice %arg5[%arg0, %mul3A_321, %dma_wait3A_327] : memref<2x10112x16xf32, #tpu.memory_space<hbm>> -> memref<1x632x16xf32, #tpu.memory_space<hbm>>
      %dma_wait3A_329 = tpu.memref_squeeze %dma_wait3A_328 : memref<1x632x16xf32, #tpu.memory_space<hbm>> -> memref<632x16xf32, #tpu.memory_space<hbm>>
      %dma_wait3A_330 = arith.constant 0 : i32
      %dma_wait3A_331 = tpu.memref_slice %arg22[%mul3A_319, %dma_wait3A_330] : memref<10112x16xf32, #tpu.memory_space<vmem_shared>> -> memref<632x16xf32, #tpu.memory_space<vmem_shared>>
      tpu.wait_dma2 semaphore(%run_scoped3A : memref<!tpu.dma_semaphore, #tpu.memory_space<semaphore_mem>>) src(%dma_wait3A_331 : memref<632x16xf32, #tpu.memory_space<vmem_shared>>) dst(%dma_wait3A_329 : memref<632x16xf32, #tpu.memory_space<hbm>>)
      tpu.yield
    }) : () -> ()
    return
  }
}

#map = affine_map<(d0, d1) -> (0, 0, 0)>
#map1 = affine_map<(d0, d1) -> (0, 0)>
module attributes {stable_mosaic.version = 14 : i64} {
  func.func @k(%arg0: i32, %arg1: i32, %arg2: memref<2x2500x128xi32, #tpu.memory_space<hbm>>, %arg3: memref<632x16xf32, #tpu.memory_space<hbm>>, %arg4: memref<128x16xf32, #tpu.memory_space<hbm>>, %arg5: memref<2x10112x16xf32, #tpu.memory_space<hbm>>, %arg6: memref<78x128xi32, #tpu.memory_space<vmem>>, %arg7: memref<128x16xf32, #tpu.memory_space<vmem>>, %arg8: memref<632x16xf32, #tpu.memory_space<vmem>>, %arg9: memref<10112x16xf32, #tpu.memory_space<vmem_shared>>, %arg10: memref<4x!tpu.dma_semaphore, #tpu.memory_space<semaphore_mem>>) attributes {dimension_semantics = [#tpu.dimension_semantics<core_parallel>, #tpu.dimension_semantics<subcore_parallel>], iteration_bounds = array<i64: 2, 16>, scalar_prefetch = 0 : i64, scratch_operands = 5 : i64, tpu.core_type = #tpu.core_type<sc_vector_subcore>, window_params = [{transform_indices = #map}, {transform_indices = #map1}, {transform_indices = #map1}, {transform_indices = #map}]} {
    %mul3A = arith.constant 16 : i32
    %mul3A_0 = arith.muli %arg0, %mul3A : i32
    %add3A = arith.addi %mul3A_0, %arg1 : i32
    %dma_start3A = arith.constant 0 : i32
    %dma_start3A_1 = tpu.memref_slice %arg10[%dma_start3A] : memref<4x!tpu.dma_semaphore, #tpu.memory_space<semaphore_mem>> -> memref<1x!tpu.dma_semaphore, #tpu.memory_space<semaphore_mem>>
    %dma_start3A_2 = tpu.memref_squeeze %dma_start3A_1 : memref<1x!tpu.dma_semaphore, #tpu.memory_space<semaphore_mem>> -> memref<!tpu.dma_semaphore, #tpu.memory_space<semaphore_mem>>
    tpu.enqueue_dma source(%arg3 : memref<632x16xf32, #tpu.memory_space<hbm>>) target(%arg8 : memref<632x16xf32, #tpu.memory_space<vmem>>) target_semaphore(%dma_start3A_2 : memref<!tpu.dma_semaphore, #tpu.memory_space<semaphore_mem>>)
    %dma_start3A_3 = arith.constant 1 : i32
    %dma_start3A_4 = tpu.memref_slice %arg10[%dma_start3A_3] : memref<4x!tpu.dma_semaphore, #tpu.memory_space<semaphore_mem>> -> memref<1x!tpu.dma_semaphore, #tpu.memory_space<semaphore_mem>>
    %dma_start3A_5 = tpu.memref_squeeze %dma_start3A_4 : memref<1x!tpu.dma_semaphore, #tpu.memory_space<semaphore_mem>> -> memref<!tpu.dma_semaphore, #tpu.memory_space<semaphore_mem>>
    tpu.enqueue_dma source(%arg4 : memref<128x16xf32, #tpu.memory_space<hbm>>) target(%arg7 : memref<128x16xf32, #tpu.memory_space<vmem>>) target_semaphore(%dma_start3A_5 : memref<!tpu.dma_semaphore, #tpu.memory_space<semaphore_mem>>)
    %mul3A_6 = arith.constant 78 : i32
    %mul3A_7 = arith.muli %add3A, %mul3A_6 : i32
    %dma_start3A_8 = arith.constant 1 : i32
    %dma_start3A_9 = arith.constant 2 : i32
    %dma_start3A_10 = arith.constant 0 : i32
    %dma_start3A_11 = tpu.memref_slice %arg2[%dma_start3A_8, %mul3A_7, %dma_start3A_10] : memref<2x2500x128xi32, #tpu.memory_space<hbm>> -> memref<1x78x128xi32, #tpu.memory_space<hbm>>
    %dma_start3A_12 = tpu.memref_squeeze %dma_start3A_11 : memref<1x78x128xi32, #tpu.memory_space<hbm>> -> memref<78x128xi32, #tpu.memory_space<hbm>>
    %dma_start3A_13 = tpu.memref_slice %arg10[%dma_start3A_9] : memref<4x!tpu.dma_semaphore, #tpu.memory_space<semaphore_mem>> -> memref<1x!tpu.dma_semaphore, #tpu.memory_space<semaphore_mem>>
    %dma_start3A_14 = tpu.memref_squeeze %dma_start3A_13 : memref<1x!tpu.dma_semaphore, #tpu.memory_space<semaphore_mem>> -> memref<!tpu.dma_semaphore, #tpu.memory_space<semaphore_mem>>
    %dma_start3A_15 = arith.constant 0 : i32
    %dma_start3A_16 = tpu.memref_slice %arg2[%dma_start3A_8, %mul3A_7, %dma_start3A_15] : memref<2x2500x128xi32, #tpu.memory_space<hbm>> -> memref<1x78x128xi32, #tpu.memory_space<hbm>>
    %dma_start3A_17 = tpu.memref_squeeze %dma_start3A_16 : memref<1x78x128xi32, #tpu.memory_space<hbm>> -> memref<78x128xi32, #tpu.memory_space<hbm>>
    tpu.enqueue_dma source(%dma_start3A_17 : memref<78x128xi32, #tpu.memory_space<hbm>>) target(%arg6 : memref<78x128xi32, #tpu.memory_space<vmem>>) target_semaphore(%dma_start3A_14 : memref<!tpu.dma_semaphore, #tpu.memory_space<semaphore_mem>>)
    %dma_wait3A = arith.constant 0 : i32
    %dma_wait3A_18 = tpu.memref_slice %arg10[%dma_wait3A] : memref<4x!tpu.dma_semaphore, #tpu.memory_space<semaphore_mem>> -> memref<1x!tpu.dma_semaphore, #tpu.memory_space<semaphore_mem>>
    %dma_wait3A_19 = tpu.memref_squeeze %dma_wait3A_18 : memref<1x!tpu.dma_semaphore, #tpu.memory_space<semaphore_mem>> -> memref<!tpu.dma_semaphore, #tpu.memory_space<semaphore_mem>>
    tpu.wait_dma2 semaphore(%dma_wait3A_19 : memref<!tpu.dma_semaphore, #tpu.memory_space<semaphore_mem>>) src(%arg3 : memref<632x16xf32, #tpu.memory_space<hbm>>) dst(%arg8 : memref<632x16xf32, #tpu.memory_space<vmem>>)
    %mul3A_20 = arith.constant 632 : i32
    %mul3A_21 = arith.muli %arg1, %mul3A_20 : i32
    "tpu.region"() ({
      %run_scoped3A = tpu.sem_alloc : memref<!tpu.dma_semaphore, #tpu.memory_space<semaphore_mem>>
      %dma_start3A_47 = arith.constant 0 : i32
      %dma_start3A_48 = tpu.memref_slice %arg9[%mul3A_21, %dma_start3A_47] : memref<10112x16xf32, #tpu.memory_space<vmem_shared>> -> memref<632x16xf32, #tpu.memory_space<vmem_shared>>
      %dma_start3A_49 = arith.constant 0 : i32
      %dma_start3A_50 = tpu.memref_slice %arg9[%mul3A_21, %dma_start3A_49] : memref<10112x16xf32, #tpu.memory_space<vmem_shared>> -> memref<632x16xf32, #tpu.memory_space<vmem_shared>>
      tpu.enqueue_dma source(%arg8 : memref<632x16xf32, #tpu.memory_space<vmem>>) target(%dma_start3A_50 : memref<632x16xf32, #tpu.memory_space<vmem_shared>>) target_semaphore(%run_scoped3A : memref<!tpu.dma_semaphore, #tpu.memory_space<semaphore_mem>>)
      %dma_wait3A_51 = arith.constant 0 : i32
      %dma_wait3A_52 = tpu.memref_slice %arg9[%mul3A_21, %dma_wait3A_51] : memref<10112x16xf32, #tpu.memory_space<vmem_shared>> -> memref<632x16xf32, #tpu.memory_space<vmem_shared>>
      %dma_wait3A_53 = arith.constant 0 : i32
      %dma_wait3A_54 = tpu.memref_slice %arg9[%mul3A_21, %dma_wait3A_53] : memref<10112x16xf32, #tpu.memory_space<vmem_shared>> -> memref<632x16xf32, #tpu.memory_space<vmem_shared>>
      tpu.wait_dma2 semaphore(%run_scoped3A : memref<!tpu.dma_semaphore, #tpu.memory_space<semaphore_mem>>) src(%arg8 : memref<632x16xf32, #tpu.memory_space<vmem>>) dst(%dma_wait3A_54 : memref<632x16xf32, #tpu.memory_space<vmem_shared>>)
      tpu.yield
    }) : () -> ()
    %dma_wait3A_22 = arith.constant 1 : i32
    %dma_wait3A_23 = tpu.memref_slice %arg10[%dma_wait3A_22] : memref<4x!tpu.dma_semaphore, #tpu.memory_space<semaphore_mem>> -> memref<1x!tpu.dma_semaphore, #tpu.memory_space<semaphore_mem>>
    %dma_wait3A_24 = tpu.memref_squeeze %dma_wait3A_23 : memref<1x!tpu.dma_semaphore, #tpu.memory_space<semaphore_mem>> -> memref<!tpu.dma_semaphore, #tpu.memory_space<semaphore_mem>>
    tpu.wait_dma2 semaphore(%dma_wait3A_24 : memref<!tpu.dma_semaphore, #tpu.memory_space<semaphore_mem>>) src(%arg4 : memref<128x16xf32, #tpu.memory_space<hbm>>) dst(%arg7 : memref<128x16xf32, #tpu.memory_space<vmem>>)
    %dma_wait3A_25 = arith.constant 1 : i32
    %dma_wait3A_26 = arith.constant 2 : i32
    %dma_wait3A_27 = arith.constant 0 : i32
    %dma_wait3A_28 = tpu.memref_slice %arg2[%dma_wait3A_25, %mul3A_7, %dma_wait3A_27] : memref<2x2500x128xi32, #tpu.memory_space<hbm>> -> memref<1x78x128xi32, #tpu.memory_space<hbm>>
    %dma_wait3A_29 = tpu.memref_squeeze %dma_wait3A_28 : memref<1x78x128xi32, #tpu.memory_space<hbm>> -> memref<78x128xi32, #tpu.memory_space<hbm>>
    %dma_wait3A_30 = tpu.memref_slice %arg10[%dma_wait3A_26] : memref<4x!tpu.dma_semaphore, #tpu.memory_space<semaphore_mem>> -> memref<1x!tpu.dma_semaphore, #tpu.memory_space<semaphore_mem>>
    %dma_wait3A_31 = tpu.memref_squeeze %dma_wait3A_30 : memref<1x!tpu.dma_semaphore, #tpu.memory_space<semaphore_mem>> -> memref<!tpu.dma_semaphore, #tpu.memory_space<semaphore_mem>>
    %dma_wait3A_32 = arith.constant 0 : i32
    %dma_wait3A_33 = tpu.memref_slice %arg2[%dma_wait3A_25, %mul3A_7, %dma_wait3A_32] : memref<2x2500x128xi32, #tpu.memory_space<hbm>> -> memref<1x78x128xi32, #tpu.memory_space<hbm>>
    %dma_wait3A_34 = tpu.memref_squeeze %dma_wait3A_33 : memref<1x78x128xi32, #tpu.memory_space<hbm>> -> memref<78x128xi32, #tpu.memory_space<hbm>>
    tpu.wait_dma2 semaphore(%dma_wait3A_31 : memref<!tpu.dma_semaphore, #tpu.memory_space<semaphore_mem>>) src(%dma_wait3A_34 : memref<78x128xi32, #tpu.memory_space<hbm>>) dst(%arg6 : memref<78x128xi32, #tpu.memory_space<vmem>>)
    %barrier3A = arith.constant 0 : index
    tpu.barrier barrier_id(%barrier3A)
    %scan3A = arith.constant 3 : i32
    %scan3A_35 = arith.constant 0 : i32
    %scan3A_36 = arith.constant 3 : i32
    %scan3A_37 = arith.addi %scan3A_35, %scan3A_36 : i32
    %scan3A_38 = arith.constant 1 : i32
    scf.for %scan3A_47 = %scan3A_35 to %scan3A_37 step %scan3A_38  : i32 {
      %mul3A_48 = arith.constant 1 : i32
      %mul3A_49 = arith.muli %scan3A_47, %mul3A_48 : i32
      %add3A_50 = arith.constant 0 : i32
      %add3A_51 = arith.addi %add3A_50, %mul3A_49 : i32
      %mul3A_52 = arith.constant 26 : i32
      %mul3A_53 = arith.muli %add3A_51, %mul3A_52 : i32
      %scan3A_54 = arith.constant 0 : i32
      %scan3A_55 = arith.constant 26 : i32
      %scan3A_56 = arith.addi %scan3A_54, %scan3A_55 : i32
      %scan3A_57 = arith.constant 1 : i32
      scf.for %scan3A_64 = %scan3A_54 to %scan3A_56 step %scan3A_57  : i32 {
        %mul3A_65 = arith.constant 1 : i32
        %mul3A_66 = arith.muli %scan3A_64, %mul3A_65 : i32
        %add3A_67 = arith.constant 0 : i32
        %add3A_68 = arith.addi %add3A_67, %mul3A_66 : i32
        %add3A_69 = arith.addi %mul3A_53, %add3A_68 : i32
        %dma_start3A_70 = arith.constant 0 : i32
        %dma_start3A_71 = tpu.memref_slice %arg6[%add3A_69, %dma_start3A_70] : memref<78x128xi32, #tpu.memory_space<vmem>> -> memref<1x128xi32, #tpu.memory_space<vmem>>
        %dma_start3A_72 = tpu.memref_squeeze %dma_start3A_71 : memref<1x128xi32, #tpu.memory_space<vmem>> -> memref<128xi32, #tpu.memory_space<vmem>>
        %dma_start3A_73 = arith.constant 0 : i32
        %dma_start3A_74 = arith.constant 0 : i32
        %dma_start3A_75 = tpu.memref_slice %arg9[%dma_start3A_73, %dma_start3A_74] : memref<10112x16xf32, #tpu.memory_space<vmem_shared>> -> memref<10112x16xf32, #tpu.memory_space<vmem_shared>>
        %dma_start3A_76 = tpu.memref_slice %arg10[%scan3A] : memref<4x!tpu.dma_semaphore, #tpu.memory_space<semaphore_mem>> -> memref<1x!tpu.dma_semaphore, #tpu.memory_space<semaphore_mem>>
        %dma_start3A_77 = tpu.memref_squeeze %dma_start3A_76 : memref<1x!tpu.dma_semaphore, #tpu.memory_space<semaphore_mem>> -> memref<!tpu.dma_semaphore, #tpu.memory_space<semaphore_mem>>
        tpu.enqueue_indirect_dma source(%arg7 : memref<128x16xf32, #tpu.memory_space<vmem>>) target(%dma_start3A_75 : memref<10112x16xf32, #tpu.memory_space<vmem_shared>>) offsets(%dma_start3A_72 : memref<128xi32, #tpu.memory_space<vmem>>) semaphore(%dma_start3A_77 : memref<!tpu.dma_semaphore, #tpu.memory_space<semaphore_mem>>) {add = true}
      }
      %scan3A_58 = arith.constant 26 : i32
      %scan3A_59 = arith.constant 0 : i32
      %scan3A_60 = arith.constant 26 : i32
      %scan3A_61 = arith.addi %scan3A_59, %scan3A_60 : i32
      %scan3A_62 = arith.constant 1 : i32
      scf.for %scan3A_64 = %scan3A_59 to %scan3A_61 step %scan3A_62  : i32 {
        %mul3A_65 = arith.constant 1 : i32
        %mul3A_66 = arith.muli %scan3A_64, %mul3A_65 : i32
        %add3A_67 = arith.constant 0 : i32
        %add3A_68 = arith.addi %add3A_67, %mul3A_66 : i32
        %add3A_69 = arith.addi %mul3A_53, %add3A_68 : i32
        %dma_wait3A_70 = arith.constant 0 : i32
        %dma_wait3A_71 = tpu.memref_slice %arg6[%add3A_69, %dma_wait3A_70] : memref<78x128xi32, #tpu.memory_space<vmem>> -> memref<1x128xi32, #tpu.memory_space<vmem>>
        %dma_wait3A_72 = tpu.memref_squeeze %dma_wait3A_71 : memref<1x128xi32, #tpu.memory_space<vmem>> -> memref<128xi32, #tpu.memory_space<vmem>>
        %dma_wait3A_73 = arith.constant 0 : i32
        %dma_wait3A_74 = arith.constant 0 : i32
        %dma_wait3A_75 = tpu.memref_slice %arg9[%dma_wait3A_73, %dma_wait3A_74] : memref<10112x16xf32, #tpu.memory_space<vmem_shared>> -> memref<10112x16xf32, #tpu.memory_space<vmem_shared>>
        %dma_wait3A_76 = tpu.memref_slice %arg10[%scan3A] : memref<4x!tpu.dma_semaphore, #tpu.memory_space<semaphore_mem>> -> memref<1x!tpu.dma_semaphore, #tpu.memory_space<semaphore_mem>>
        %dma_wait3A_77 = tpu.memref_squeeze %dma_wait3A_76 : memref<1x!tpu.dma_semaphore, #tpu.memory_space<semaphore_mem>> -> memref<!tpu.dma_semaphore, #tpu.memory_space<semaphore_mem>>
        tpu.wait_indirect_dma semaphore(%dma_wait3A_77 : memref<!tpu.dma_semaphore, #tpu.memory_space<semaphore_mem>>) src(%arg7 : memref<128x16xf32, #tpu.memory_space<vmem>>) dst(%dma_wait3A_75 : memref<10112x16xf32, #tpu.memory_space<vmem_shared>>)
      }
      %scan3A_63 = arith.constant 26 : i32
    }
    %scan3A_39 = arith.constant 3 : i32
    %ge3A = arith.constant 28 : i32
    %ge3A_40 = arith.cmpi sge, %add3A, %ge3A : i32
    %convert_element_type3A = arith.extui %ge3A_40 : i1 to i32
    %cond3A = arith.constant 0 : i32
    %cond3A_41 = arith.cmpi ne, %convert_element_type3A, %cond3A : i32
    scf.if %cond3A_41 {
      %add3A_47 = arith.constant 2468 : i32
      %add3A_48 = arith.addi %add3A_47, %add3A : i32
      %run_scoped3A = arith.constant 1 : i32
      %run_scoped3A_49 = arith.constant 0 : i32
      "tpu.region"() ({
        %run_scoped3A_51 = tpu.sem_alloc : memref<!tpu.dma_semaphore, #tpu.memory_space<semaphore_mem>>
        %dma_start3A_52 = arith.constant 0 : i32
        %dma_start3A_53 = tpu.memref_slice %arg6[%run_scoped3A_49, %dma_start3A_52] : memref<78x128xi32, #tpu.memory_space<vmem>> -> memref<1x128xi32, #tpu.memory_space<vmem>>
        %dma_start3A_54 = tpu.memref_squeeze %dma_start3A_53 : memref<1x128xi32, #tpu.memory_space<vmem>> -> memref<128xi32, #tpu.memory_space<vmem>>
        %dma_start3A_55 = arith.constant 0 : i32
        %dma_start3A_56 = tpu.memref_slice %arg2[%run_scoped3A, %add3A_48, %dma_start3A_55] : memref<2x2500x128xi32, #tpu.memory_space<hbm>> -> memref<1x1x128xi32, #tpu.memory_space<hbm>>
        %dma_start3A_57 = tpu.memref_squeeze %dma_start3A_56 : memref<1x1x128xi32, #tpu.memory_space<hbm>> -> memref<128xi32, #tpu.memory_space<hbm>>
        %dma_start3A_58 = arith.constant 0 : i32
        %dma_start3A_59 = tpu.memref_slice %arg6[%run_scoped3A_49, %dma_start3A_58] : memref<78x128xi32, #tpu.memory_space<vmem>> -> memref<1x128xi32, #tpu.memory_space<vmem>>
        %dma_start3A_60 = tpu.memref_squeeze %dma_start3A_59 : memref<1x128xi32, #tpu.memory_space<vmem>> -> memref<128xi32, #tpu.memory_space<vmem>>
        %dma_start3A_61 = arith.constant 0 : i32
        %dma_start3A_62 = tpu.memref_slice %arg2[%run_scoped3A, %add3A_48, %dma_start3A_61] : memref<2x2500x128xi32, #tpu.memory_space<hbm>> -> memref<1x1x128xi32, #tpu.memory_space<hbm>>
        %dma_start3A_63 = tpu.memref_squeeze %dma_start3A_62 : memref<1x1x128xi32, #tpu.memory_space<hbm>> -> memref<128xi32, #tpu.memory_space<hbm>>
        tpu.enqueue_dma source(%dma_start3A_63 : memref<128xi32, #tpu.memory_space<hbm>>) target(%dma_start3A_60 : memref<128xi32, #tpu.memory_space<vmem>>) target_semaphore(%run_scoped3A_51 : memref<!tpu.dma_semaphore, #tpu.memory_space<semaphore_mem>>)
        %dma_wait3A_64 = arith.constant 0 : i32
        %dma_wait3A_65 = tpu.memref_slice %arg6[%run_scoped3A_49, %dma_wait3A_64] : memref<78x128xi32, #tpu.memory_space<vmem>> -> memref<1x128xi32, #tpu.memory_space<vmem>>
        %dma_wait3A_66 = tpu.memref_squeeze %dma_wait3A_65 : memref<1x128xi32, #tpu.memory_space<vmem>> -> memref<128xi32, #tpu.memory_space<vmem>>
        %dma_wait3A_67 = arith.constant 0 : i32
        %dma_wait3A_68 = tpu.memref_slice %arg2[%run_scoped3A, %add3A_48, %dma_wait3A_67] : memref<2x2500x128xi32, #tpu.memory_space<hbm>> -> memref<1x1x128xi32, #tpu.memory_space<hbm>>
        %dma_wait3A_69 = tpu.memref_squeeze %dma_wait3A_68 : memref<1x1x128xi32, #tpu.memory_space<hbm>> -> memref<128xi32, #tpu.memory_space<hbm>>
        %dma_wait3A_70 = arith.constant 0 : i32
        %dma_wait3A_71 = tpu.memref_slice %arg6[%run_scoped3A_49, %dma_wait3A_70] : memref<78x128xi32, #tpu.memory_space<vmem>> -> memref<1x128xi32, #tpu.memory_space<vmem>>
        %dma_wait3A_72 = tpu.memref_squeeze %dma_wait3A_71 : memref<1x128xi32, #tpu.memory_space<vmem>> -> memref<128xi32, #tpu.memory_space<vmem>>
        %dma_wait3A_73 = arith.constant 0 : i32
        %dma_wait3A_74 = tpu.memref_slice %arg2[%run_scoped3A, %add3A_48, %dma_wait3A_73] : memref<2x2500x128xi32, #tpu.memory_space<hbm>> -> memref<1x1x128xi32, #tpu.memory_space<hbm>>
        %dma_wait3A_75 = tpu.memref_squeeze %dma_wait3A_74 : memref<1x1x128xi32, #tpu.memory_space<hbm>> -> memref<128xi32, #tpu.memory_space<hbm>>
        tpu.wait_dma2 semaphore(%run_scoped3A_51 : memref<!tpu.dma_semaphore, #tpu.memory_space<semaphore_mem>>) src(%dma_wait3A_75 : memref<128xi32, #tpu.memory_space<hbm>>) dst(%dma_wait3A_72 : memref<128xi32, #tpu.memory_space<vmem>>)
        tpu.yield
      }) : () -> ()
      %run_scoped3A_50 = arith.constant 0 : i32
      "tpu.region"() ({
        %run_scoped3A_51 = tpu.sem_alloc : memref<!tpu.dma_semaphore, #tpu.memory_space<semaphore_mem>>
        %dma_start3A_52 = arith.constant 0 : i32
        %dma_start3A_53 = tpu.memref_slice %arg6[%run_scoped3A_50, %dma_start3A_52] : memref<78x128xi32, #tpu.memory_space<vmem>> -> memref<1x128xi32, #tpu.memory_space<vmem>>
        %dma_start3A_54 = tpu.memref_squeeze %dma_start3A_53 : memref<1x128xi32, #tpu.memory_space<vmem>> -> memref<128xi32, #tpu.memory_space<vmem>>
        %dma_start3A_55 = arith.constant 0 : i32
        %dma_start3A_56 = arith.constant 0 : i32
        %dma_start3A_57 = tpu.memref_slice %arg9[%dma_start3A_55, %dma_start3A_56] : memref<10112x16xf32, #tpu.memory_space<vmem_shared>> -> memref<10112x16xf32, #tpu.memory_space<vmem_shared>>
        tpu.enqueue_indirect_dma source(%arg7 : memref<128x16xf32, #tpu.memory_space<vmem>>) target(%dma_start3A_57 : memref<10112x16xf32, #tpu.memory_space<vmem_shared>>) offsets(%dma_start3A_54 : memref<128xi32, #tpu.memory_space<vmem>>) semaphore(%run_scoped3A_51 : memref<!tpu.dma_semaphore, #tpu.memory_space<semaphore_mem>>) {add = true}
        %dma_wait3A_58 = arith.constant 0 : i32
        %dma_wait3A_59 = tpu.memref_slice %arg6[%run_scoped3A_50, %dma_wait3A_58] : memref<78x128xi32, #tpu.memory_space<vmem>> -> memref<1x128xi32, #tpu.memory_space<vmem>>
        %dma_wait3A_60 = tpu.memref_squeeze %dma_wait3A_59 : memref<1x128xi32, #tpu.memory_space<vmem>> -> memref<128xi32, #tpu.memory_space<vmem>>
        %dma_wait3A_61 = arith.constant 0 : i32
        %dma_wait3A_62 = arith.constant 0 : i32
        %dma_wait3A_63 = tpu.memref_slice %arg9[%dma_wait3A_61, %dma_wait3A_62] : memref<10112x16xf32, #tpu.memory_space<vmem_shared>> -> memref<10112x16xf32, #tpu.memory_space<vmem_shared>>
        tpu.wait_indirect_dma semaphore(%run_scoped3A_51 : memref<!tpu.dma_semaphore, #tpu.memory_space<semaphore_mem>>) src(%arg7 : memref<128x16xf32, #tpu.memory_space<vmem>>) dst(%dma_wait3A_63 : memref<10112x16xf32, #tpu.memory_space<vmem_shared>>)
        tpu.yield
      }) : () -> ()
    } else {
    }
    %barrier3A_42 = arith.constant 0 : index
    tpu.barrier barrier_id(%barrier3A_42)
    %mul3A_43 = arith.constant 632 : i32
    %mul3A_44 = arith.muli %arg1, %mul3A_43 : i32
    %mul3A_45 = arith.constant 632 : i32
    %mul3A_46 = arith.muli %arg1, %mul3A_45 : i32
    "tpu.region"() ({
      %run_scoped3A = tpu.sem_alloc : memref<!tpu.dma_semaphore, #tpu.memory_space<semaphore_mem>>
      %dma_start3A_47 = arith.constant 0 : i32
      %dma_start3A_48 = tpu.memref_slice %arg5[%arg0, %mul3A_46, %dma_start3A_47] : memref<2x10112x16xf32, #tpu.memory_space<hbm>> -> memref<1x632x16xf32, #tpu.memory_space<hbm>>
      %dma_start3A_49 = tpu.memref_squeeze %dma_start3A_48 : memref<1x632x16xf32, #tpu.memory_space<hbm>> -> memref<632x16xf32, #tpu.memory_space<hbm>>
      %dma_start3A_50 = arith.constant 0 : i32
      %dma_start3A_51 = tpu.memref_slice %arg9[%mul3A_44, %dma_start3A_50] : memref<10112x16xf32, #tpu.memory_space<vmem_shared>> -> memref<632x16xf32, #tpu.memory_space<vmem_shared>>
      tpu.enqueue_dma source(%dma_start3A_51 : memref<632x16xf32, #tpu.memory_space<vmem_shared>>) target(%dma_start3A_49 : memref<632x16xf32, #tpu.memory_space<hbm>>) target_semaphore(%run_scoped3A : memref<!tpu.dma_semaphore, #tpu.memory_space<semaphore_mem>>)
      %dma_wait3A_52 = arith.constant 0 : i32
      %dma_wait3A_53 = tpu.memref_slice %arg5[%arg0, %mul3A_46, %dma_wait3A_52] : memref<2x10112x16xf32, #tpu.memory_space<hbm>> -> memref<1x632x16xf32, #tpu.memory_space<hbm>>
      %dma_wait3A_54 = tpu.memref_squeeze %dma_wait3A_53 : memref<1x632x16xf32, #tpu.memory_space<hbm>> -> memref<632x16xf32, #tpu.memory_space<hbm>>
      %dma_wait3A_55 = arith.constant 0 : i32
      %dma_wait3A_56 = tpu.memref_slice %arg9[%mul3A_44, %dma_wait3A_55] : memref<10112x16xf32, #tpu.memory_space<vmem_shared>> -> memref<632x16xf32, #tpu.memory_space<vmem_shared>>
      tpu.wait_dma2 semaphore(%run_scoped3A : memref<!tpu.dma_semaphore, #tpu.memory_space<semaphore_mem>>) src(%dma_wait3A_56 : memref<632x16xf32, #tpu.memory_space<vmem_shared>>) dst(%dma_wait3A_54 : memref<632x16xf32, #tpu.memory_space<hbm>>)
      tpu.yield
    }) : () -> ()
    return
  }
}

#map = affine_map<(d0, d1) -> (0, 0)>
#map1 = affine_map<(d0, d1) -> (0, 0, 0)>
module attributes {stable_mosaic.version = 14 : i64} {
  func.func @k(%arg0: i32, %arg1: i32, %arg2: memref<10000x16xf32, #tpu.memory_space<hbm>>, %arg3: memref<2x2500x128xi32, #tpu.memory_space<hbm>>, %arg4: memref<632x16xf32, #tpu.memory_space<hbm>>, %arg5: memref<2x10112x16xf32, #tpu.memory_space<hbm>>, %arg6: memref<78x128xi32, #tpu.memory_space<vmem>>, %arg7: memref<78x128xi32, #tpu.memory_space<vmem>>, %arg8: memref<128x16xf32, #tpu.memory_space<vmem>>, %arg9: memref<128x16xf32, #tpu.memory_space<vmem>>, %arg10: memref<128x16xf32, #tpu.memory_space<vmem>>, %arg11: memref<128x16xf32, #tpu.memory_space<vmem>>, %arg12: memref<128x16xf32, #tpu.memory_space<vmem>>, %arg13: memref<128x16xf32, #tpu.memory_space<vmem>>, %arg14: memref<128x16xf32, #tpu.memory_space<vmem>>, %arg15: memref<128x16xf32, #tpu.memory_space<vmem>>, %arg16: memref<128x16xf32, #tpu.memory_space<vmem>>, %arg17: memref<128x16xf32, #tpu.memory_space<vmem>>, %arg18: memref<128x16xf32, #tpu.memory_space<vmem>>, %arg19: memref<128x16xf32, #tpu.memory_space<vmem>>, %arg20: memref<128x16xf32, #tpu.memory_space<vmem>>, %arg21: memref<632x16xf32, #tpu.memory_space<vmem>>, %arg22: memref<10112x16xf32, #tpu.memory_space<vmem_shared>>, %arg23: memref<13x!tpu.dma_semaphore, #tpu.memory_space<semaphore_mem>>, %arg24: memref<13x!tpu.dma_semaphore, #tpu.memory_space<semaphore_mem>>) attributes {dimension_semantics = [#tpu.dimension_semantics<core_parallel>, #tpu.dimension_semantics<subcore_parallel>], iteration_bounds = array<i64: 2, 16>, scalar_prefetch = 0 : i64, scratch_operands = 19 : i64, tpu.core_type = #tpu.core_type<sc_vector_subcore>, window_params = [{transform_indices = #map}, {transform_indices = #map1}, {transform_indices = #map}, {transform_indices = #map1}]} {
    %mul3A = arith.constant 16 : i32
    %mul3A_0 = arith.muli %arg0, %mul3A : i32
    %add3A = arith.addi %mul3A_0, %arg1 : i32
    %dma_start3A = arith.constant 0 : i32
    %dma_start3A_1 = tpu.memref_slice %arg24[%dma_start3A] : memref<13x!tpu.dma_semaphore, #tpu.memory_space<semaphore_mem>> -> memref<1x!tpu.dma_semaphore, #tpu.memory_space<semaphore_mem>>
    %dma_start3A_2 = tpu.memref_squeeze %dma_start3A_1 : memref<1x!tpu.dma_semaphore, #tpu.memory_space<semaphore_mem>> -> memref<!tpu.dma_semaphore, #tpu.memory_space<semaphore_mem>>
    tpu.enqueue_dma source(%arg4 : memref<632x16xf32, #tpu.memory_space<hbm>>) target(%arg21 : memref<632x16xf32, #tpu.memory_space<vmem>>) target_semaphore(%dma_start3A_2 : memref<!tpu.dma_semaphore, #tpu.memory_space<semaphore_mem>>)
    %mul3A_3 = arith.constant 78 : i32
    %mul3A_4 = arith.muli %add3A, %mul3A_3 : i32
    %dma_start3A_5 = arith.constant 0 : i32
    %dma_start3A_6 = arith.constant 0 : i32
    %dma_start3A_7 = arith.constant 0 : i32
    %dma_start3A_8 = tpu.memref_slice %arg3[%dma_start3A_5, %mul3A_4, %dma_start3A_7] : memref<2x2500x128xi32, #tpu.memory_space<hbm>> -> memref<1x78x128xi32, #tpu.memory_space<hbm>>
    %dma_start3A_9 = tpu.memref_squeeze %dma_start3A_8 : memref<1x78x128xi32, #tpu.memory_space<hbm>> -> memref<78x128xi32, #tpu.memory_space<hbm>>
    %dma_start3A_10 = tpu.memref_slice %arg23[%dma_start3A_6] : memref<13x!tpu.dma_semaphore, #tpu.memory_space<semaphore_mem>> -> memref<1x!tpu.dma_semaphore, #tpu.memory_space<semaphore_mem>>
    %dma_start3A_11 = tpu.memref_squeeze %dma_start3A_10 : memref<1x!tpu.dma_semaphore, #tpu.memory_space<semaphore_mem>> -> memref<!tpu.dma_semaphore, #tpu.memory_space<semaphore_mem>>
    %dma_start3A_12 = arith.constant 0 : i32
    %dma_start3A_13 = tpu.memref_slice %arg3[%dma_start3A_5, %mul3A_4, %dma_start3A_12] : memref<2x2500x128xi32, #tpu.memory_space<hbm>> -> memref<1x78x128xi32, #tpu.memory_space<hbm>>
    %dma_start3A_14 = tpu.memref_squeeze %dma_start3A_13 : memref<1x78x128xi32, #tpu.memory_space<hbm>> -> memref<78x128xi32, #tpu.memory_space<hbm>>
    tpu.enqueue_dma source(%dma_start3A_14 : memref<78x128xi32, #tpu.memory_space<hbm>>) target(%arg6 : memref<78x128xi32, #tpu.memory_space<vmem>>) target_semaphore(%dma_start3A_11 : memref<!tpu.dma_semaphore, #tpu.memory_space<semaphore_mem>>)
    %mul3A_15 = arith.constant 78 : i32
    %mul3A_16 = arith.muli %add3A, %mul3A_15 : i32
    %dma_start3A_17 = arith.constant 1 : i32
    %dma_start3A_18 = arith.constant 1 : i32
    %dma_start3A_19 = arith.constant 0 : i32
    %dma_start3A_20 = tpu.memref_slice %arg3[%dma_start3A_17, %mul3A_16, %dma_start3A_19] : memref<2x2500x128xi32, #tpu.memory_space<hbm>> -> memref<1x78x128xi32, #tpu.memory_space<hbm>>
    %dma_start3A_21 = tpu.memref_squeeze %dma_start3A_20 : memref<1x78x128xi32, #tpu.memory_space<hbm>> -> memref<78x128xi32, #tpu.memory_space<hbm>>
    %dma_start3A_22 = tpu.memref_slice %arg24[%dma_start3A_18] : memref<13x!tpu.dma_semaphore, #tpu.memory_space<semaphore_mem>> -> memref<1x!tpu.dma_semaphore, #tpu.memory_space<semaphore_mem>>
    %dma_start3A_23 = tpu.memref_squeeze %dma_start3A_22 : memref<1x!tpu.dma_semaphore, #tpu.memory_space<semaphore_mem>> -> memref<!tpu.dma_semaphore, #tpu.memory_space<semaphore_mem>>
    %dma_start3A_24 = arith.constant 0 : i32
    %dma_start3A_25 = tpu.memref_slice %arg3[%dma_start3A_17, %mul3A_16, %dma_start3A_24] : memref<2x2500x128xi32, #tpu.memory_space<hbm>> -> memref<1x78x128xi32, #tpu.memory_space<hbm>>
    %dma_start3A_26 = tpu.memref_squeeze %dma_start3A_25 : memref<1x78x128xi32, #tpu.memory_space<hbm>> -> memref<78x128xi32, #tpu.memory_space<hbm>>
    tpu.enqueue_dma source(%dma_start3A_26 : memref<78x128xi32, #tpu.memory_space<hbm>>) target(%arg7 : memref<78x128xi32, #tpu.memory_space<vmem>>) target_semaphore(%dma_start3A_23 : memref<!tpu.dma_semaphore, #tpu.memory_space<semaphore_mem>>)
    %dma_wait3A = arith.constant 0 : i32
    %dma_wait3A_27 = arith.constant 0 : i32
    %dma_wait3A_28 = arith.constant 0 : i32
    %dma_wait3A_29 = tpu.memref_slice %arg3[%dma_wait3A, %mul3A_4, %dma_wait3A_28] : memref<2x2500x128xi32, #tpu.memory_space<hbm>> -> memref<1x78x128xi32, #tpu.memory_space<hbm>>
    %dma_wait3A_30 = tpu.memref_squeeze %dma_wait3A_29 : memref<1x78x128xi32, #tpu.memory_space<hbm>> -> memref<78x128xi32, #tpu.memory_space<hbm>>
    %dma_wait3A_31 = tpu.memref_slice %arg23[%dma_wait3A_27] : memref<13x!tpu.dma_semaphore, #tpu.memory_space<semaphore_mem>> -> memref<1x!tpu.dma_semaphore, #tpu.memory_space<semaphore_mem>>
    %dma_wait3A_32 = tpu.memref_squeeze %dma_wait3A_31 : memref<1x!tpu.dma_semaphore, #tpu.memory_space<semaphore_mem>> -> memref<!tpu.dma_semaphore, #tpu.memory_space<semaphore_mem>>
    %dma_wait3A_33 = arith.constant 0 : i32
    %dma_wait3A_34 = tpu.memref_slice %arg3[%dma_wait3A, %mul3A_4, %dma_wait3A_33] : memref<2x2500x128xi32, #tpu.memory_space<hbm>> -> memref<1x78x128xi32, #tpu.memory_space<hbm>>
    %dma_wait3A_35 = tpu.memref_squeeze %dma_wait3A_34 : memref<1x78x128xi32, #tpu.memory_space<hbm>> -> memref<78x128xi32, #tpu.memory_space<hbm>>
    tpu.wait_dma2 semaphore(%dma_wait3A_32 : memref<!tpu.dma_semaphore, #tpu.memory_space<semaphore_mem>>) src(%dma_wait3A_35 : memref<78x128xi32, #tpu.memory_space<hbm>>) dst(%arg6 : memref<78x128xi32, #tpu.memory_space<vmem>>)
    %dma_start3A_36 = arith.constant 0 : i32
    %dma_start3A_37 = arith.constant 0 : i32
    %dma_start3A_38 = arith.constant 0 : i32
    %dma_start3A_39 = tpu.memref_slice %arg6[%dma_start3A_36, %dma_start3A_38] : memref<78x128xi32, #tpu.memory_space<vmem>> -> memref<1x128xi32, #tpu.memory_space<vmem>>
    %dma_start3A_40 = tpu.memref_squeeze %dma_start3A_39 : memref<1x128xi32, #tpu.memory_space<vmem>> -> memref<128xi32, #tpu.memory_space<vmem>>
    %dma_start3A_41 = arith.constant 0 : i32
    %dma_start3A_42 = arith.constant 0 : i32
    %dma_start3A_43 = tpu.memref_slice %arg2[%dma_start3A_41, %dma_start3A_42] : memref<10000x16xf32, #tpu.memory_space<hbm>> -> memref<10000x16xf32, #tpu.memory_space<hbm>>
    %dma_start3A_44 = tpu.memref_slice %arg23[%dma_start3A_37] : memref<13x!tpu.dma_semaphore, #tpu.memory_space<semaphore_mem>> -> memref<1x!tpu.dma_semaphore, #tpu.memory_space<semaphore_mem>>
    %dma_start3A_45 = tpu.memref_squeeze %dma_start3A_44 : memref<1x!tpu.dma_semaphore, #tpu.memory_space<semaphore_mem>> -> memref<!tpu.dma_semaphore, #tpu.memory_space<semaphore_mem>>
    tpu.enqueue_indirect_dma source(%dma_start3A_43 : memref<10000x16xf32, #tpu.memory_space<hbm>>) target(%arg8 : memref<128x16xf32, #tpu.memory_space<vmem>>) offsets(%dma_start3A_40 : memref<128xi32, #tpu.memory_space<vmem>>) semaphore(%dma_start3A_45 : memref<!tpu.dma_semaphore, #tpu.memory_space<semaphore_mem>>)
    %dma_start3A_46 = arith.constant 1 : i32
    %dma_start3A_47 = arith.constant 1 : i32
    %dma_start3A_48 = arith.constant 0 : i32
    %dma_start3A_49 = tpu.memref_slice %arg6[%dma_start3A_46, %dma_start3A_48] : memref<78x128xi32, #tpu.memory_space<vmem>> -> memref<1x128xi32, #tpu.memory_space<vmem>>
    %dma_start3A_50 = tpu.memref_squeeze %dma_start3A_49 : memref<1x128xi32, #tpu.memory_space<vmem>> -> memref<128xi32, #tpu.memory_space<vmem>>
    %dma_start3A_51 = arith.constant 0 : i32
    %dma_start3A_52 = arith.constant 0 : i32
    %dma_start3A_53 = tpu.memref_slice %arg2[%dma_start3A_51, %dma_start3A_52] : memref<10000x16xf32, #tpu.memory_space<hbm>> -> memref<10000x16xf32, #tpu.memory_space<hbm>>
    %dma_start3A_54 = tpu.memref_slice %arg23[%dma_start3A_47] : memref<13x!tpu.dma_semaphore, #tpu.memory_space<semaphore_mem>> -> memref<1x!tpu.dma_semaphore, #tpu.memory_space<semaphore_mem>>
    %dma_start3A_55 = tpu.memref_squeeze %dma_start3A_54 : memref<1x!tpu.dma_semaphore, #tpu.memory_space<semaphore_mem>> -> memref<!tpu.dma_semaphore, #tpu.memory_space<semaphore_mem>>
    tpu.enqueue_indirect_dma source(%dma_start3A_53 : memref<10000x16xf32, #tpu.memory_space<hbm>>) target(%arg9 : memref<128x16xf32, #tpu.memory_space<vmem>>) offsets(%dma_start3A_50 : memref<128xi32, #tpu.memory_space<vmem>>) semaphore(%dma_start3A_55 : memref<!tpu.dma_semaphore, #tpu.memory_space<semaphore_mem>>)
    %dma_start3A_56 = arith.constant 2 : i32
    %dma_start3A_57 = arith.constant 2 : i32
    %dma_start3A_58 = arith.constant 0 : i32
    %dma_start3A_59 = tpu.memref_slice %arg6[%dma_start3A_56, %dma_start3A_58] : memref<78x128xi32, #tpu.memory_space<vmem>> -> memref<1x128xi32, #tpu.memory_space<vmem>>
    %dma_start3A_60 = tpu.memref_squeeze %dma_start3A_59 : memref<1x128xi32, #tpu.memory_space<vmem>> -> memref<128xi32, #tpu.memory_space<vmem>>
    %dma_start3A_61 = arith.constant 0 : i32
    %dma_start3A_62 = arith.constant 0 : i32
    %dma_start3A_63 = tpu.memref_slice %arg2[%dma_start3A_61, %dma_start3A_62] : memref<10000x16xf32, #tpu.memory_space<hbm>> -> memref<10000x16xf32, #tpu.memory_space<hbm>>
    %dma_start3A_64 = tpu.memref_slice %arg23[%dma_start3A_57] : memref<13x!tpu.dma_semaphore, #tpu.memory_space<semaphore_mem>> -> memref<1x!tpu.dma_semaphore, #tpu.memory_space<semaphore_mem>>
    %dma_start3A_65 = tpu.memref_squeeze %dma_start3A_64 : memref<1x!tpu.dma_semaphore, #tpu.memory_space<semaphore_mem>> -> memref<!tpu.dma_semaphore, #tpu.memory_space<semaphore_mem>>
    tpu.enqueue_indirect_dma source(%dma_start3A_63 : memref<10000x16xf32, #tpu.memory_space<hbm>>) target(%arg10 : memref<128x16xf32, #tpu.memory_space<vmem>>) offsets(%dma_start3A_60 : memref<128xi32, #tpu.memory_space<vmem>>) semaphore(%dma_start3A_65 : memref<!tpu.dma_semaphore, #tpu.memory_space<semaphore_mem>>)
    %dma_start3A_66 = arith.constant 3 : i32
    %dma_start3A_67 = arith.constant 3 : i32
    %dma_start3A_68 = arith.constant 0 : i32
    %dma_start3A_69 = tpu.memref_slice %arg6[%dma_start3A_66, %dma_start3A_68] : memref<78x128xi32, #tpu.memory_space<vmem>> -> memref<1x128xi32, #tpu.memory_space<vmem>>
    %dma_start3A_70 = tpu.memref_squeeze %dma_start3A_69 : memref<1x128xi32, #tpu.memory_space<vmem>> -> memref<128xi32, #tpu.memory_space<vmem>>
    %dma_start3A_71 = arith.constant 0 : i32
    %dma_start3A_72 = arith.constant 0 : i32
    %dma_start3A_73 = tpu.memref_slice %arg2[%dma_start3A_71, %dma_start3A_72] : memref<10000x16xf32, #tpu.memory_space<hbm>> -> memref<10000x16xf32, #tpu.memory_space<hbm>>
    %dma_start3A_74 = tpu.memref_slice %arg23[%dma_start3A_67] : memref<13x!tpu.dma_semaphore, #tpu.memory_space<semaphore_mem>> -> memref<1x!tpu.dma_semaphore, #tpu.memory_space<semaphore_mem>>
    %dma_start3A_75 = tpu.memref_squeeze %dma_start3A_74 : memref<1x!tpu.dma_semaphore, #tpu.memory_space<semaphore_mem>> -> memref<!tpu.dma_semaphore, #tpu.memory_space<semaphore_mem>>
    tpu.enqueue_indirect_dma source(%dma_start3A_73 : memref<10000x16xf32, #tpu.memory_space<hbm>>) target(%arg11 : memref<128x16xf32, #tpu.memory_space<vmem>>) offsets(%dma_start3A_70 : memref<128xi32, #tpu.memory_space<vmem>>) semaphore(%dma_start3A_75 : memref<!tpu.dma_semaphore, #tpu.memory_space<semaphore_mem>>)
    %dma_start3A_76 = arith.constant 4 : i32
    %dma_start3A_77 = arith.constant 4 : i32
    %dma_start3A_78 = arith.constant 0 : i32
    %dma_start3A_79 = tpu.memref_slice %arg6[%dma_start3A_76, %dma_start3A_78] : memref<78x128xi32, #tpu.memory_space<vmem>> -> memref<1x128xi32, #tpu.memory_space<vmem>>
    %dma_start3A_80 = tpu.memref_squeeze %dma_start3A_79 : memref<1x128xi32, #tpu.memory_space<vmem>> -> memref<128xi32, #tpu.memory_space<vmem>>
    %dma_start3A_81 = arith.constant 0 : i32
    %dma_start3A_82 = arith.constant 0 : i32
    %dma_start3A_83 = tpu.memref_slice %arg2[%dma_start3A_81, %dma_start3A_82] : memref<10000x16xf32, #tpu.memory_space<hbm>> -> memref<10000x16xf32, #tpu.memory_space<hbm>>
    %dma_start3A_84 = tpu.memref_slice %arg23[%dma_start3A_77] : memref<13x!tpu.dma_semaphore, #tpu.memory_space<semaphore_mem>> -> memref<1x!tpu.dma_semaphore, #tpu.memory_space<semaphore_mem>>
    %dma_start3A_85 = tpu.memref_squeeze %dma_start3A_84 : memref<1x!tpu.dma_semaphore, #tpu.memory_space<semaphore_mem>> -> memref<!tpu.dma_semaphore, #tpu.memory_space<semaphore_mem>>
    tpu.enqueue_indirect_dma source(%dma_start3A_83 : memref<10000x16xf32, #tpu.memory_space<hbm>>) target(%arg12 : memref<128x16xf32, #tpu.memory_space<vmem>>) offsets(%dma_start3A_80 : memref<128xi32, #tpu.memory_space<vmem>>) semaphore(%dma_start3A_85 : memref<!tpu.dma_semaphore, #tpu.memory_space<semaphore_mem>>)
    %dma_start3A_86 = arith.constant 5 : i32
    %dma_start3A_87 = arith.constant 5 : i32
    %dma_start3A_88 = arith.constant 0 : i32
    %dma_start3A_89 = tpu.memref_slice %arg6[%dma_start3A_86, %dma_start3A_88] : memref<78x128xi32, #tpu.memory_space<vmem>> -> memref<1x128xi32, #tpu.memory_space<vmem>>
    %dma_start3A_90 = tpu.memref_squeeze %dma_start3A_89 : memref<1x128xi32, #tpu.memory_space<vmem>> -> memref<128xi32, #tpu.memory_space<vmem>>
    %dma_start3A_91 = arith.constant 0 : i32
    %dma_start3A_92 = arith.constant 0 : i32
    %dma_start3A_93 = tpu.memref_slice %arg2[%dma_start3A_91, %dma_start3A_92] : memref<10000x16xf32, #tpu.memory_space<hbm>> -> memref<10000x16xf32, #tpu.memory_space<hbm>>
    %dma_start3A_94 = tpu.memref_slice %arg23[%dma_start3A_87] : memref<13x!tpu.dma_semaphore, #tpu.memory_space<semaphore_mem>> -> memref<1x!tpu.dma_semaphore, #tpu.memory_space<semaphore_mem>>
    %dma_start3A_95 = tpu.memref_squeeze %dma_start3A_94 : memref<1x!tpu.dma_semaphore, #tpu.memory_space<semaphore_mem>> -> memref<!tpu.dma_semaphore, #tpu.memory_space<semaphore_mem>>
    tpu.enqueue_indirect_dma source(%dma_start3A_93 : memref<10000x16xf32, #tpu.memory_space<hbm>>) target(%arg13 : memref<128x16xf32, #tpu.memory_space<vmem>>) offsets(%dma_start3A_90 : memref<128xi32, #tpu.memory_space<vmem>>) semaphore(%dma_start3A_95 : memref<!tpu.dma_semaphore, #tpu.memory_space<semaphore_mem>>)
    %dma_start3A_96 = arith.constant 6 : i32
    %dma_start3A_97 = arith.constant 6 : i32
    %dma_start3A_98 = arith.constant 0 : i32
    %dma_start3A_99 = tpu.memref_slice %arg6[%dma_start3A_96, %dma_start3A_98] : memref<78x128xi32, #tpu.memory_space<vmem>> -> memref<1x128xi32, #tpu.memory_space<vmem>>
    %dma_start3A_100 = tpu.memref_squeeze %dma_start3A_99 : memref<1x128xi32, #tpu.memory_space<vmem>> -> memref<128xi32, #tpu.memory_space<vmem>>
    %dma_start3A_101 = arith.constant 0 : i32
    %dma_start3A_102 = arith.constant 0 : i32
    %dma_start3A_103 = tpu.memref_slice %arg2[%dma_start3A_101, %dma_start3A_102] : memref<10000x16xf32, #tpu.memory_space<hbm>> -> memref<10000x16xf32, #tpu.memory_space<hbm>>
    %dma_start3A_104 = tpu.memref_slice %arg23[%dma_start3A_97] : memref<13x!tpu.dma_semaphore, #tpu.memory_space<semaphore_mem>> -> memref<1x!tpu.dma_semaphore, #tpu.memory_space<semaphore_mem>>
    %dma_start3A_105 = tpu.memref_squeeze %dma_start3A_104 : memref<1x!tpu.dma_semaphore, #tpu.memory_space<semaphore_mem>> -> memref<!tpu.dma_semaphore, #tpu.memory_space<semaphore_mem>>
    tpu.enqueue_indirect_dma source(%dma_start3A_103 : memref<10000x16xf32, #tpu.memory_space<hbm>>) target(%arg14 : memref<128x16xf32, #tpu.memory_space<vmem>>) offsets(%dma_start3A_100 : memref<128xi32, #tpu.memory_space<vmem>>) semaphore(%dma_start3A_105 : memref<!tpu.dma_semaphore, #tpu.memory_space<semaphore_mem>>)
    %dma_start3A_106 = arith.constant 7 : i32
    %dma_start3A_107 = arith.constant 7 : i32
    %dma_start3A_108 = arith.constant 0 : i32
    %dma_start3A_109 = tpu.memref_slice %arg6[%dma_start3A_106, %dma_start3A_108] : memref<78x128xi32, #tpu.memory_space<vmem>> -> memref<1x128xi32, #tpu.memory_space<vmem>>
    %dma_start3A_110 = tpu.memref_squeeze %dma_start3A_109 : memref<1x128xi32, #tpu.memory_space<vmem>> -> memref<128xi32, #tpu.memory_space<vmem>>
    %dma_start3A_111 = arith.constant 0 : i32
    %dma_start3A_112 = arith.constant 0 : i32
    %dma_start3A_113 = tpu.memref_slice %arg2[%dma_start3A_111, %dma_start3A_112] : memref<10000x16xf32, #tpu.memory_space<hbm>> -> memref<10000x16xf32, #tpu.memory_space<hbm>>
    %dma_start3A_114 = tpu.memref_slice %arg23[%dma_start3A_107] : memref<13x!tpu.dma_semaphore, #tpu.memory_space<semaphore_mem>> -> memref<1x!tpu.dma_semaphore, #tpu.memory_space<semaphore_mem>>
    %dma_start3A_115 = tpu.memref_squeeze %dma_start3A_114 : memref<1x!tpu.dma_semaphore, #tpu.memory_space<semaphore_mem>> -> memref<!tpu.dma_semaphore, #tpu.memory_space<semaphore_mem>>
    tpu.enqueue_indirect_dma source(%dma_start3A_113 : memref<10000x16xf32, #tpu.memory_space<hbm>>) target(%arg15 : memref<128x16xf32, #tpu.memory_space<vmem>>) offsets(%dma_start3A_110 : memref<128xi32, #tpu.memory_space<vmem>>) semaphore(%dma_start3A_115 : memref<!tpu.dma_semaphore, #tpu.memory_space<semaphore_mem>>)
    %dma_start3A_116 = arith.constant 8 : i32
    %dma_start3A_117 = arith.constant 8 : i32
    %dma_start3A_118 = arith.constant 0 : i32
    %dma_start3A_119 = tpu.memref_slice %arg6[%dma_start3A_116, %dma_start3A_118] : memref<78x128xi32, #tpu.memory_space<vmem>> -> memref<1x128xi32, #tpu.memory_space<vmem>>
    %dma_start3A_120 = tpu.memref_squeeze %dma_start3A_119 : memref<1x128xi32, #tpu.memory_space<vmem>> -> memref<128xi32, #tpu.memory_space<vmem>>
    %dma_start3A_121 = arith.constant 0 : i32
    %dma_start3A_122 = arith.constant 0 : i32
    %dma_start3A_123 = tpu.memref_slice %arg2[%dma_start3A_121, %dma_start3A_122] : memref<10000x16xf32, #tpu.memory_space<hbm>> -> memref<10000x16xf32, #tpu.memory_space<hbm>>
    %dma_start3A_124 = tpu.memref_slice %arg23[%dma_start3A_117] : memref<13x!tpu.dma_semaphore, #tpu.memory_space<semaphore_mem>> -> memref<1x!tpu.dma_semaphore, #tpu.memory_space<semaphore_mem>>
    %dma_start3A_125 = tpu.memref_squeeze %dma_start3A_124 : memref<1x!tpu.dma_semaphore, #tpu.memory_space<semaphore_mem>> -> memref<!tpu.dma_semaphore, #tpu.memory_space<semaphore_mem>>
    tpu.enqueue_indirect_dma source(%dma_start3A_123 : memref<10000x16xf32, #tpu.memory_space<hbm>>) target(%arg16 : memref<128x16xf32, #tpu.memory_space<vmem>>) offsets(%dma_start3A_120 : memref<128xi32, #tpu.memory_space<vmem>>) semaphore(%dma_start3A_125 : memref<!tpu.dma_semaphore, #tpu.memory_space<semaphore_mem>>)
    %dma_start3A_126 = arith.constant 9 : i32
    %dma_start3A_127 = arith.constant 9 : i32
    %dma_start3A_128 = arith.constant 0 : i32
    %dma_start3A_129 = tpu.memref_slice %arg6[%dma_start3A_126, %dma_start3A_128] : memref<78x128xi32, #tpu.memory_space<vmem>> -> memref<1x128xi32, #tpu.memory_space<vmem>>
    %dma_start3A_130 = tpu.memref_squeeze %dma_start3A_129 : memref<1x128xi32, #tpu.memory_space<vmem>> -> memref<128xi32, #tpu.memory_space<vmem>>
    %dma_start3A_131 = arith.constant 0 : i32
    %dma_start3A_132 = arith.constant 0 : i32
    %dma_start3A_133 = tpu.memref_slice %arg2[%dma_start3A_131, %dma_start3A_132] : memref<10000x16xf32, #tpu.memory_space<hbm>> -> memref<10000x16xf32, #tpu.memory_space<hbm>>
    %dma_start3A_134 = tpu.memref_slice %arg23[%dma_start3A_127] : memref<13x!tpu.dma_semaphore, #tpu.memory_space<semaphore_mem>> -> memref<1x!tpu.dma_semaphore, #tpu.memory_space<semaphore_mem>>
    %dma_start3A_135 = tpu.memref_squeeze %dma_start3A_134 : memref<1x!tpu.dma_semaphore, #tpu.memory_space<semaphore_mem>> -> memref<!tpu.dma_semaphore, #tpu.memory_space<semaphore_mem>>
    tpu.enqueue_indirect_dma source(%dma_start3A_133 : memref<10000x16xf32, #tpu.memory_space<hbm>>) target(%arg17 : memref<128x16xf32, #tpu.memory_space<vmem>>) offsets(%dma_start3A_130 : memref<128xi32, #tpu.memory_space<vmem>>) semaphore(%dma_start3A_135 : memref<!tpu.dma_semaphore, #tpu.memory_space<semaphore_mem>>)
    %dma_start3A_136 = arith.constant 10 : i32
    %dma_start3A_137 = arith.constant 10 : i32
    %dma_start3A_138 = arith.constant 0 : i32
    %dma_start3A_139 = tpu.memref_slice %arg6[%dma_start3A_136, %dma_start3A_138] : memref<78x128xi32, #tpu.memory_space<vmem>> -> memref<1x128xi32, #tpu.memory_space<vmem>>
    %dma_start3A_140 = tpu.memref_squeeze %dma_start3A_139 : memref<1x128xi32, #tpu.memory_space<vmem>> -> memref<128xi32, #tpu.memory_space<vmem>>
    %dma_start3A_141 = arith.constant 0 : i32
    %dma_start3A_142 = arith.constant 0 : i32
    %dma_start3A_143 = tpu.memref_slice %arg2[%dma_start3A_141, %dma_start3A_142] : memref<10000x16xf32, #tpu.memory_space<hbm>> -> memref<10000x16xf32, #tpu.memory_space<hbm>>
    %dma_start3A_144 = tpu.memref_slice %arg23[%dma_start3A_137] : memref<13x!tpu.dma_semaphore, #tpu.memory_space<semaphore_mem>> -> memref<1x!tpu.dma_semaphore, #tpu.memory_space<semaphore_mem>>
    %dma_start3A_145 = tpu.memref_squeeze %dma_start3A_144 : memref<1x!tpu.dma_semaphore, #tpu.memory_space<semaphore_mem>> -> memref<!tpu.dma_semaphore, #tpu.memory_space<semaphore_mem>>
    tpu.enqueue_indirect_dma source(%dma_start3A_143 : memref<10000x16xf32, #tpu.memory_space<hbm>>) target(%arg18 : memref<128x16xf32, #tpu.memory_space<vmem>>) offsets(%dma_start3A_140 : memref<128xi32, #tpu.memory_space<vmem>>) semaphore(%dma_start3A_145 : memref<!tpu.dma_semaphore, #tpu.memory_space<semaphore_mem>>)
    %dma_start3A_146 = arith.constant 11 : i32
    %dma_start3A_147 = arith.constant 11 : i32
    %dma_start3A_148 = arith.constant 0 : i32
    %dma_start3A_149 = tpu.memref_slice %arg6[%dma_start3A_146, %dma_start3A_148] : memref<78x128xi32, #tpu.memory_space<vmem>> -> memref<1x128xi32, #tpu.memory_space<vmem>>
    %dma_start3A_150 = tpu.memref_squeeze %dma_start3A_149 : memref<1x128xi32, #tpu.memory_space<vmem>> -> memref<128xi32, #tpu.memory_space<vmem>>
    %dma_start3A_151 = arith.constant 0 : i32
    %dma_start3A_152 = arith.constant 0 : i32
    %dma_start3A_153 = tpu.memref_slice %arg2[%dma_start3A_151, %dma_start3A_152] : memref<10000x16xf32, #tpu.memory_space<hbm>> -> memref<10000x16xf32, #tpu.memory_space<hbm>>
    %dma_start3A_154 = tpu.memref_slice %arg23[%dma_start3A_147] : memref<13x!tpu.dma_semaphore, #tpu.memory_space<semaphore_mem>> -> memref<1x!tpu.dma_semaphore, #tpu.memory_space<semaphore_mem>>
    %dma_start3A_155 = tpu.memref_squeeze %dma_start3A_154 : memref<1x!tpu.dma_semaphore, #tpu.memory_space<semaphore_mem>> -> memref<!tpu.dma_semaphore, #tpu.memory_space<semaphore_mem>>
    tpu.enqueue_indirect_dma source(%dma_start3A_153 : memref<10000x16xf32, #tpu.memory_space<hbm>>) target(%arg19 : memref<128x16xf32, #tpu.memory_space<vmem>>) offsets(%dma_start3A_150 : memref<128xi32, #tpu.memory_space<vmem>>) semaphore(%dma_start3A_155 : memref<!tpu.dma_semaphore, #tpu.memory_space<semaphore_mem>>)
    %dma_start3A_156 = arith.constant 12 : i32
    %dma_start3A_157 = arith.constant 12 : i32
    %dma_start3A_158 = arith.constant 0 : i32
    %dma_start3A_159 = tpu.memref_slice %arg6[%dma_start3A_156, %dma_start3A_158] : memref<78x128xi32, #tpu.memory_space<vmem>> -> memref<1x128xi32, #tpu.memory_space<vmem>>
    %dma_start3A_160 = tpu.memref_squeeze %dma_start3A_159 : memref<1x128xi32, #tpu.memory_space<vmem>> -> memref<128xi32, #tpu.memory_space<vmem>>
    %dma_start3A_161 = arith.constant 0 : i32
    %dma_start3A_162 = arith.constant 0 : i32
    %dma_start3A_163 = tpu.memref_slice %arg2[%dma_start3A_161, %dma_start3A_162] : memref<10000x16xf32, #tpu.memory_space<hbm>> -> memref<10000x16xf32, #tpu.memory_space<hbm>>
    %dma_start3A_164 = tpu.memref_slice %arg23[%dma_start3A_157] : memref<13x!tpu.dma_semaphore, #tpu.memory_space<semaphore_mem>> -> memref<1x!tpu.dma_semaphore, #tpu.memory_space<semaphore_mem>>
    %dma_start3A_165 = tpu.memref_squeeze %dma_start3A_164 : memref<1x!tpu.dma_semaphore, #tpu.memory_space<semaphore_mem>> -> memref<!tpu.dma_semaphore, #tpu.memory_space<semaphore_mem>>
    tpu.enqueue_indirect_dma source(%dma_start3A_163 : memref<10000x16xf32, #tpu.memory_space<hbm>>) target(%arg20 : memref<128x16xf32, #tpu.memory_space<vmem>>) offsets(%dma_start3A_160 : memref<128xi32, #tpu.memory_space<vmem>>) semaphore(%dma_start3A_165 : memref<!tpu.dma_semaphore, #tpu.memory_space<semaphore_mem>>)
    %dma_wait3A_166 = arith.constant 0 : i32
    %dma_wait3A_167 = tpu.memref_slice %arg24[%dma_wait3A_166] : memref<13x!tpu.dma_semaphore, #tpu.memory_space<semaphore_mem>> -> memref<1x!tpu.dma_semaphore, #tpu.memory_space<semaphore_mem>>
    %dma_wait3A_168 = tpu.memref_squeeze %dma_wait3A_167 : memref<1x!tpu.dma_semaphore, #tpu.memory_space<semaphore_mem>> -> memref<!tpu.dma_semaphore, #tpu.memory_space<semaphore_mem>>
    tpu.wait_dma2 semaphore(%dma_wait3A_168 : memref<!tpu.dma_semaphore, #tpu.memory_space<semaphore_mem>>) src(%arg4 : memref<632x16xf32, #tpu.memory_space<hbm>>) dst(%arg21 : memref<632x16xf32, #tpu.memory_space<vmem>>)
    %mul3A_169 = arith.constant 632 : i32
    %mul3A_170 = arith.muli %arg1, %mul3A_169 : i32
    "tpu.region"() ({
      %run_scoped3A = tpu.sem_alloc : memref<!tpu.dma_semaphore, #tpu.memory_space<semaphore_mem>>
      %dma_start3A_322 = arith.constant 0 : i32
      %dma_start3A_323 = tpu.memref_slice %arg22[%mul3A_170, %dma_start3A_322] : memref<10112x16xf32, #tpu.memory_space<vmem_shared>> -> memref<632x16xf32, #tpu.memory_space<vmem_shared>>
      %dma_start3A_324 = arith.constant 0 : i32
      %dma_start3A_325 = tpu.memref_slice %arg22[%mul3A_170, %dma_start3A_324] : memref<10112x16xf32, #tpu.memory_space<vmem_shared>> -> memref<632x16xf32, #tpu.memory_space<vmem_shared>>
      tpu.enqueue_dma source(%arg21 : memref<632x16xf32, #tpu.memory_space<vmem>>) target(%dma_start3A_325 : memref<632x16xf32, #tpu.memory_space<vmem_shared>>) target_semaphore(%run_scoped3A : memref<!tpu.dma_semaphore, #tpu.memory_space<semaphore_mem>>)
      %dma_wait3A_326 = arith.constant 0 : i32
      %dma_wait3A_327 = tpu.memref_slice %arg22[%mul3A_170, %dma_wait3A_326] : memref<10112x16xf32, #tpu.memory_space<vmem_shared>> -> memref<632x16xf32, #tpu.memory_space<vmem_shared>>
      %dma_wait3A_328 = arith.constant 0 : i32
      %dma_wait3A_329 = tpu.memref_slice %arg22[%mul3A_170, %dma_wait3A_328] : memref<10112x16xf32, #tpu.memory_space<vmem_shared>> -> memref<632x16xf32, #tpu.memory_space<vmem_shared>>
      tpu.wait_dma2 semaphore(%run_scoped3A : memref<!tpu.dma_semaphore, #tpu.memory_space<semaphore_mem>>) src(%arg21 : memref<632x16xf32, #tpu.memory_space<vmem>>) dst(%dma_wait3A_329 : memref<632x16xf32, #tpu.memory_space<vmem_shared>>)
      tpu.yield
    }) : () -> ()
    %dma_wait3A_171 = arith.constant 1 : i32
    %dma_wait3A_172 = arith.constant 1 : i32
    %dma_wait3A_173 = arith.constant 0 : i32
    %dma_wait3A_174 = tpu.memref_slice %arg3[%dma_wait3A_171, %mul3A_16, %dma_wait3A_173] : memref<2x2500x128xi32, #tpu.memory_space<hbm>> -> memref<1x78x128xi32, #tpu.memory_space<hbm>>
    %dma_wait3A_175 = tpu.memref_squeeze %dma_wait3A_174 : memref<1x78x128xi32, #tpu.memory_space<hbm>> -> memref<78x128xi32, #tpu.memory_space<hbm>>
    %dma_wait3A_176 = tpu.memref_slice %arg24[%dma_wait3A_172] : memref<13x!tpu.dma_semaphore, #tpu.memory_space<semaphore_mem>> -> memref<1x!tpu.dma_semaphore, #tpu.memory_space<semaphore_mem>>
    %dma_wait3A_177 = tpu.memref_squeeze %dma_wait3A_176 : memref<1x!tpu.dma_semaphore, #tpu.memory_space<semaphore_mem>> -> memref<!tpu.dma_semaphore, #tpu.memory_space<semaphore_mem>>
    %dma_wait3A_178 = arith.constant 0 : i32
    %dma_wait3A_179 = tpu.memref_slice %arg3[%dma_wait3A_171, %mul3A_16, %dma_wait3A_178] : memref<2x2500x128xi32, #tpu.memory_space<hbm>> -> memref<1x78x128xi32, #tpu.memory_space<hbm>>
    %dma_wait3A_180 = tpu.memref_squeeze %dma_wait3A_179 : memref<1x78x128xi32, #tpu.memory_space<hbm>> -> memref<78x128xi32, #tpu.memory_space<hbm>>
    tpu.wait_dma2 semaphore(%dma_wait3A_177 : memref<!tpu.dma_semaphore, #tpu.memory_space<semaphore_mem>>) src(%dma_wait3A_180 : memref<78x128xi32, #tpu.memory_space<hbm>>) dst(%arg7 : memref<78x128xi32, #tpu.memory_space<vmem>>)
    %barrier3A = arith.constant 0 : index
    tpu.barrier barrier_id(%barrier3A)
    %scan3A = arith.constant 0 : i32
    %scan3A_181 = arith.constant 6 : i32
    %scan3A_182 = arith.addi %scan3A, %scan3A_181 : i32
    %scan3A_183 = arith.constant 1 : i32
    scf.for %scan3A_322 = %scan3A to %scan3A_182 step %scan3A_183  : i32 {
      %mul3A_323 = arith.constant 1 : i32
      %mul3A_324 = arith.muli %scan3A_322, %mul3A_323 : i32
      %add3A_325 = arith.constant 0 : i32
      %add3A_326 = arith.addi %add3A_325, %mul3A_324 : i32
      %mul3A_327 = arith.constant 13 : i32
      %mul3A_328 = arith.muli %add3A_326, %mul3A_327 : i32
      %add3A_329 = arith.constant 0 : i32
      %add3A_330 = arith.addi %mul3A_328, %add3A_329 : i32
      %dma_wait3A_331 = arith.constant 0 : i32
      %dma_wait3A_332 = arith.constant 0 : i32
      %dma_wait3A_333 = tpu.memref_slice %arg6[%add3A_330, %dma_wait3A_332] : memref<78x128xi32, #tpu.memory_space<vmem>> -> memref<1x128xi32, #tpu.memory_space<vmem>>
      %dma_wait3A_334 = tpu.memref_squeeze %dma_wait3A_333 : memref<1x128xi32, #tpu.memory_space<vmem>> -> memref<128xi32, #tpu.memory_space<vmem>>
      %dma_wait3A_335 = arith.constant 0 : i32
      %dma_wait3A_336 = arith.constant 0 : i32
      %dma_wait3A_337 = tpu.memref_slice %arg2[%dma_wait3A_335, %dma_wait3A_336] : memref<10000x16xf32, #tpu.memory_space<hbm>> -> memref<10000x16xf32, #tpu.memory_space<hbm>>
      %dma_wait3A_338 = tpu.memref_slice %arg23[%dma_wait3A_331] : memref<13x!tpu.dma_semaphore, #tpu.memory_space<semaphore_mem>> -> memref<1x!tpu.dma_semaphore, #tpu.memory_space<semaphore_mem>>
      %dma_wait3A_339 = tpu.memref_squeeze %dma_wait3A_338 : memref<1x!tpu.dma_semaphore, #tpu.memory_space<semaphore_mem>> -> memref<!tpu.dma_semaphore, #tpu.memory_space<semaphore_mem>>
      tpu.wait_indirect_dma semaphore(%dma_wait3A_339 : memref<!tpu.dma_semaphore, #tpu.memory_space<semaphore_mem>>) src(%dma_wait3A_337 : memref<10000x16xf32, #tpu.memory_space<hbm>>) dst(%arg8 : memref<128x16xf32, #tpu.memory_space<vmem>>)
      %dma_start3A_340 = arith.constant 0 : i32
      %dma_start3A_341 = arith.constant 0 : i32
      %dma_start3A_342 = tpu.memref_slice %arg7[%add3A_330, %dma_start3A_341] : memref<78x128xi32, #tpu.memory_space<vmem>> -> memref<1x128xi32, #tpu.memory_space<vmem>>
      %dma_start3A_343 = tpu.memref_squeeze %dma_start3A_342 : memref<1x128xi32, #tpu.memory_space<vmem>> -> memref<128xi32, #tpu.memory_space<vmem>>
      %dma_start3A_344 = arith.constant 0 : i32
      %dma_start3A_345 = arith.constant 0 : i32
      %dma_start3A_346 = tpu.memref_slice %arg22[%dma_start3A_344, %dma_start3A_345] : memref<10112x16xf32, #tpu.memory_space<vmem_shared>> -> memref<10112x16xf32, #tpu.memory_space<vmem_shared>>
      %dma_start3A_347 = tpu.memref_slice %arg24[%dma_start3A_340] : memref<13x!tpu.dma_semaphore, #tpu.memory_space<semaphore_mem>> -> memref<1x!tpu.dma_semaphore, #tpu.memory_space<semaphore_mem>>
      %dma_start3A_348 = tpu.memref_squeeze %dma_start3A_347 : memref<1x!tpu.dma_semaphore, #tpu.memory_space<semaphore_mem>> -> memref<!tpu.dma_semaphore, #tpu.memory_space<semaphore_mem>>
      tpu.enqueue_indirect_dma source(%arg8 : memref<128x16xf32, #tpu.memory_space<vmem>>) target(%dma_start3A_346 : memref<10112x16xf32, #tpu.memory_space<vmem_shared>>) offsets(%dma_start3A_343 : memref<128xi32, #tpu.memory_space<vmem>>) semaphore(%dma_start3A_348 : memref<!tpu.dma_semaphore, #tpu.memory_space<semaphore_mem>>) {add = true}
      %add3A_349 = arith.constant 1 : i32
      %add3A_350 = arith.addi %mul3A_328, %add3A_349 : i32
      %dma_wait3A_351 = arith.constant 1 : i32
      %dma_wait3A_352 = arith.constant 0 : i32
      %dma_wait3A_353 = tpu.memref_slice %arg6[%add3A_350, %dma_wait3A_352] : memref<78x128xi32, #tpu.memory_space<vmem>> -> memref<1x128xi32, #tpu.memory_space<vmem>>
      %dma_wait3A_354 = tpu.memref_squeeze %dma_wait3A_353 : memref<1x128xi32, #tpu.memory_space<vmem>> -> memref<128xi32, #tpu.memory_space<vmem>>
      %dma_wait3A_355 = arith.constant 0 : i32
      %dma_wait3A_356 = arith.constant 0 : i32
      %dma_wait3A_357 = tpu.memref_slice %arg2[%dma_wait3A_355, %dma_wait3A_356] : memref<10000x16xf32, #tpu.memory_space<hbm>> -> memref<10000x16xf32, #tpu.memory_space<hbm>>
      %dma_wait3A_358 = tpu.memref_slice %arg23[%dma_wait3A_351] : memref<13x!tpu.dma_semaphore, #tpu.memory_space<semaphore_mem>> -> memref<1x!tpu.dma_semaphore, #tpu.memory_space<semaphore_mem>>
      %dma_wait3A_359 = tpu.memref_squeeze %dma_wait3A_358 : memref<1x!tpu.dma_semaphore, #tpu.memory_space<semaphore_mem>> -> memref<!tpu.dma_semaphore, #tpu.memory_space<semaphore_mem>>
      tpu.wait_indirect_dma semaphore(%dma_wait3A_359 : memref<!tpu.dma_semaphore, #tpu.memory_space<semaphore_mem>>) src(%dma_wait3A_357 : memref<10000x16xf32, #tpu.memory_space<hbm>>) dst(%arg9 : memref<128x16xf32, #tpu.memory_space<vmem>>)
      %dma_start3A_360 = arith.constant 1 : i32
      %dma_start3A_361 = arith.constant 0 : i32
      %dma_start3A_362 = tpu.memref_slice %arg7[%add3A_350, %dma_start3A_361] : memref<78x128xi32, #tpu.memory_space<vmem>> -> memref<1x128xi32, #tpu.memory_space<vmem>>
      %dma_start3A_363 = tpu.memref_squeeze %dma_start3A_362 : memref<1x128xi32, #tpu.memory_space<vmem>> -> memref<128xi32, #tpu.memory_space<vmem>>
      %dma_start3A_364 = arith.constant 0 : i32
      %dma_start3A_365 = arith.constant 0 : i32
      %dma_start3A_366 = tpu.memref_slice %arg22[%dma_start3A_364, %dma_start3A_365] : memref<10112x16xf32, #tpu.memory_space<vmem_shared>> -> memref<10112x16xf32, #tpu.memory_space<vmem_shared>>
      %dma_start3A_367 = tpu.memref_slice %arg24[%dma_start3A_360] : memref<13x!tpu.dma_semaphore, #tpu.memory_space<semaphore_mem>> -> memref<1x!tpu.dma_semaphore, #tpu.memory_space<semaphore_mem>>
      %dma_start3A_368 = tpu.memref_squeeze %dma_start3A_367 : memref<1x!tpu.dma_semaphore, #tpu.memory_space<semaphore_mem>> -> memref<!tpu.dma_semaphore, #tpu.memory_space<semaphore_mem>>
      tpu.enqueue_indirect_dma source(%arg9 : memref<128x16xf32, #tpu.memory_space<vmem>>) target(%dma_start3A_366 : memref<10112x16xf32, #tpu.memory_space<vmem_shared>>) offsets(%dma_start3A_363 : memref<128xi32, #tpu.memory_space<vmem>>) semaphore(%dma_start3A_368 : memref<!tpu.dma_semaphore, #tpu.memory_space<semaphore_mem>>) {add = true}
      %add3A_369 = arith.constant 2 : i32
      %add3A_370 = arith.addi %mul3A_328, %add3A_369 : i32
      %dma_wait3A_371 = arith.constant 2 : i32
      %dma_wait3A_372 = arith.constant 0 : i32
      %dma_wait3A_373 = tpu.memref_slice %arg6[%add3A_370, %dma_wait3A_372] : memref<78x128xi32, #tpu.memory_space<vmem>> -> memref<1x128xi32, #tpu.memory_space<vmem>>
      %dma_wait3A_374 = tpu.memref_squeeze %dma_wait3A_373 : memref<1x128xi32, #tpu.memory_space<vmem>> -> memref<128xi32, #tpu.memory_space<vmem>>
      %dma_wait3A_375 = arith.constant 0 : i32
      %dma_wait3A_376 = arith.constant 0 : i32
      %dma_wait3A_377 = tpu.memref_slice %arg2[%dma_wait3A_375, %dma_wait3A_376] : memref<10000x16xf32, #tpu.memory_space<hbm>> -> memref<10000x16xf32, #tpu.memory_space<hbm>>
      %dma_wait3A_378 = tpu.memref_slice %arg23[%dma_wait3A_371] : memref<13x!tpu.dma_semaphore, #tpu.memory_space<semaphore_mem>> -> memref<1x!tpu.dma_semaphore, #tpu.memory_space<semaphore_mem>>
      %dma_wait3A_379 = tpu.memref_squeeze %dma_wait3A_378 : memref<1x!tpu.dma_semaphore, #tpu.memory_space<semaphore_mem>> -> memref<!tpu.dma_semaphore, #tpu.memory_space<semaphore_mem>>
      tpu.wait_indirect_dma semaphore(%dma_wait3A_379 : memref<!tpu.dma_semaphore, #tpu.memory_space<semaphore_mem>>) src(%dma_wait3A_377 : memref<10000x16xf32, #tpu.memory_space<hbm>>) dst(%arg10 : memref<128x16xf32, #tpu.memory_space<vmem>>)
      %dma_start3A_380 = arith.constant 2 : i32
      %dma_start3A_381 = arith.constant 0 : i32
      %dma_start3A_382 = tpu.memref_slice %arg7[%add3A_370, %dma_start3A_381] : memref<78x128xi32, #tpu.memory_space<vmem>> -> memref<1x128xi32, #tpu.memory_space<vmem>>
      %dma_start3A_383 = tpu.memref_squeeze %dma_start3A_382 : memref<1x128xi32, #tpu.memory_space<vmem>> -> memref<128xi32, #tpu.memory_space<vmem>>
      %dma_start3A_384 = arith.constant 0 : i32
      %dma_start3A_385 = arith.constant 0 : i32
      %dma_start3A_386 = tpu.memref_slice %arg22[%dma_start3A_384, %dma_start3A_385] : memref<10112x16xf32, #tpu.memory_space<vmem_shared>> -> memref<10112x16xf32, #tpu.memory_space<vmem_shared>>
      %dma_start3A_387 = tpu.memref_slice %arg24[%dma_start3A_380] : memref<13x!tpu.dma_semaphore, #tpu.memory_space<semaphore_mem>> -> memref<1x!tpu.dma_semaphore, #tpu.memory_space<semaphore_mem>>
      %dma_start3A_388 = tpu.memref_squeeze %dma_start3A_387 : memref<1x!tpu.dma_semaphore, #tpu.memory_space<semaphore_mem>> -> memref<!tpu.dma_semaphore, #tpu.memory_space<semaphore_mem>>
      tpu.enqueue_indirect_dma source(%arg10 : memref<128x16xf32, #tpu.memory_space<vmem>>) target(%dma_start3A_386 : memref<10112x16xf32, #tpu.memory_space<vmem_shared>>) offsets(%dma_start3A_383 : memref<128xi32, #tpu.memory_space<vmem>>) semaphore(%dma_start3A_388 : memref<!tpu.dma_semaphore, #tpu.memory_space<semaphore_mem>>) {add = true}
      %add3A_389 = arith.constant 3 : i32
      %add3A_390 = arith.addi %mul3A_328, %add3A_389 : i32
      %dma_wait3A_391 = arith.constant 3 : i32
      %dma_wait3A_392 = arith.constant 0 : i32
      %dma_wait3A_393 = tpu.memref_slice %arg6[%add3A_390, %dma_wait3A_392] : memref<78x128xi32, #tpu.memory_space<vmem>> -> memref<1x128xi32, #tpu.memory_space<vmem>>
      %dma_wait3A_394 = tpu.memref_squeeze %dma_wait3A_393 : memref<1x128xi32, #tpu.memory_space<vmem>> -> memref<128xi32, #tpu.memory_space<vmem>>
      %dma_wait3A_395 = arith.constant 0 : i32
      %dma_wait3A_396 = arith.constant 0 : i32
      %dma_wait3A_397 = tpu.memref_slice %arg2[%dma_wait3A_395, %dma_wait3A_396] : memref<10000x16xf32, #tpu.memory_space<hbm>> -> memref<10000x16xf32, #tpu.memory_space<hbm>>
      %dma_wait3A_398 = tpu.memref_slice %arg23[%dma_wait3A_391] : memref<13x!tpu.dma_semaphore, #tpu.memory_space<semaphore_mem>> -> memref<1x!tpu.dma_semaphore, #tpu.memory_space<semaphore_mem>>
      %dma_wait3A_399 = tpu.memref_squeeze %dma_wait3A_398 : memref<1x!tpu.dma_semaphore, #tpu.memory_space<semaphore_mem>> -> memref<!tpu.dma_semaphore, #tpu.memory_space<semaphore_mem>>
      tpu.wait_indirect_dma semaphore(%dma_wait3A_399 : memref<!tpu.dma_semaphore, #tpu.memory_space<semaphore_mem>>) src(%dma_wait3A_397 : memref<10000x16xf32, #tpu.memory_space<hbm>>) dst(%arg11 : memref<128x16xf32, #tpu.memory_space<vmem>>)
      %dma_start3A_400 = arith.constant 3 : i32
      %dma_start3A_401 = arith.constant 0 : i32
      %dma_start3A_402 = tpu.memref_slice %arg7[%add3A_390, %dma_start3A_401] : memref<78x128xi32, #tpu.memory_space<vmem>> -> memref<1x128xi32, #tpu.memory_space<vmem>>
      %dma_start3A_403 = tpu.memref_squeeze %dma_start3A_402 : memref<1x128xi32, #tpu.memory_space<vmem>> -> memref<128xi32, #tpu.memory_space<vmem>>
      %dma_start3A_404 = arith.constant 0 : i32
      %dma_start3A_405 = arith.constant 0 : i32
      %dma_start3A_406 = tpu.memref_slice %arg22[%dma_start3A_404, %dma_start3A_405] : memref<10112x16xf32, #tpu.memory_space<vmem_shared>> -> memref<10112x16xf32, #tpu.memory_space<vmem_shared>>
      %dma_start3A_407 = tpu.memref_slice %arg24[%dma_start3A_400] : memref<13x!tpu.dma_semaphore, #tpu.memory_space<semaphore_mem>> -> memref<1x!tpu.dma_semaphore, #tpu.memory_space<semaphore_mem>>
      %dma_start3A_408 = tpu.memref_squeeze %dma_start3A_407 : memref<1x!tpu.dma_semaphore, #tpu.memory_space<semaphore_mem>> -> memref<!tpu.dma_semaphore, #tpu.memory_space<semaphore_mem>>
      tpu.enqueue_indirect_dma source(%arg11 : memref<128x16xf32, #tpu.memory_space<vmem>>) target(%dma_start3A_406 : memref<10112x16xf32, #tpu.memory_space<vmem_shared>>) offsets(%dma_start3A_403 : memref<128xi32, #tpu.memory_space<vmem>>) semaphore(%dma_start3A_408 : memref<!tpu.dma_semaphore, #tpu.memory_space<semaphore_mem>>) {add = true}
      %add3A_409 = arith.constant 4 : i32
      %add3A_410 = arith.addi %mul3A_328, %add3A_409 : i32
      %dma_wait3A_411 = arith.constant 4 : i32
      %dma_wait3A_412 = arith.constant 0 : i32
      %dma_wait3A_413 = tpu.memref_slice %arg6[%add3A_410, %dma_wait3A_412] : memref<78x128xi32, #tpu.memory_space<vmem>> -> memref<1x128xi32, #tpu.memory_space<vmem>>
      %dma_wait3A_414 = tpu.memref_squeeze %dma_wait3A_413 : memref<1x128xi32, #tpu.memory_space<vmem>> -> memref<128xi32, #tpu.memory_space<vmem>>
      %dma_wait3A_415 = arith.constant 0 : i32
      %dma_wait3A_416 = arith.constant 0 : i32
      %dma_wait3A_417 = tpu.memref_slice %arg2[%dma_wait3A_415, %dma_wait3A_416] : memref<10000x16xf32, #tpu.memory_space<hbm>> -> memref<10000x16xf32, #tpu.memory_space<hbm>>
      %dma_wait3A_418 = tpu.memref_slice %arg23[%dma_wait3A_411] : memref<13x!tpu.dma_semaphore, #tpu.memory_space<semaphore_mem>> -> memref<1x!tpu.dma_semaphore, #tpu.memory_space<semaphore_mem>>
      %dma_wait3A_419 = tpu.memref_squeeze %dma_wait3A_418 : memref<1x!tpu.dma_semaphore, #tpu.memory_space<semaphore_mem>> -> memref<!tpu.dma_semaphore, #tpu.memory_space<semaphore_mem>>
      tpu.wait_indirect_dma semaphore(%dma_wait3A_419 : memref<!tpu.dma_semaphore, #tpu.memory_space<semaphore_mem>>) src(%dma_wait3A_417 : memref<10000x16xf32, #tpu.memory_space<hbm>>) dst(%arg12 : memref<128x16xf32, #tpu.memory_space<vmem>>)
      %dma_start3A_420 = arith.constant 4 : i32
      %dma_start3A_421 = arith.constant 0 : i32
      %dma_start3A_422 = tpu.memref_slice %arg7[%add3A_410, %dma_start3A_421] : memref<78x128xi32, #tpu.memory_space<vmem>> -> memref<1x128xi32, #tpu.memory_space<vmem>>
      %dma_start3A_423 = tpu.memref_squeeze %dma_start3A_422 : memref<1x128xi32, #tpu.memory_space<vmem>> -> memref<128xi32, #tpu.memory_space<vmem>>
      %dma_start3A_424 = arith.constant 0 : i32
      %dma_start3A_425 = arith.constant 0 : i32
      %dma_start3A_426 = tpu.memref_slice %arg22[%dma_start3A_424, %dma_start3A_425] : memref<10112x16xf32, #tpu.memory_space<vmem_shared>> -> memref<10112x16xf32, #tpu.memory_space<vmem_shared>>
      %dma_start3A_427 = tpu.memref_slice %arg24[%dma_start3A_420] : memref<13x!tpu.dma_semaphore, #tpu.memory_space<semaphore_mem>> -> memref<1x!tpu.dma_semaphore, #tpu.memory_space<semaphore_mem>>
      %dma_start3A_428 = tpu.memref_squeeze %dma_start3A_427 : memref<1x!tpu.dma_semaphore, #tpu.memory_space<semaphore_mem>> -> memref<!tpu.dma_semaphore, #tpu.memory_space<semaphore_mem>>
      tpu.enqueue_indirect_dma source(%arg12 : memref<128x16xf32, #tpu.memory_space<vmem>>) target(%dma_start3A_426 : memref<10112x16xf32, #tpu.memory_space<vmem_shared>>) offsets(%dma_start3A_423 : memref<128xi32, #tpu.memory_space<vmem>>) semaphore(%dma_start3A_428 : memref<!tpu.dma_semaphore, #tpu.memory_space<semaphore_mem>>) {add = true}
      %add3A_429 = arith.constant 5 : i32
      %add3A_430 = arith.addi %mul3A_328, %add3A_429 : i32
      %dma_wait3A_431 = arith.constant 5 : i32
      %dma_wait3A_432 = arith.constant 0 : i32
      %dma_wait3A_433 = tpu.memref_slice %arg6[%add3A_430, %dma_wait3A_432] : memref<78x128xi32, #tpu.memory_space<vmem>> -> memref<1x128xi32, #tpu.memory_space<vmem>>
      %dma_wait3A_434 = tpu.memref_squeeze %dma_wait3A_433 : memref<1x128xi32, #tpu.memory_space<vmem>> -> memref<128xi32, #tpu.memory_space<vmem>>
      %dma_wait3A_435 = arith.constant 0 : i32
      %dma_wait3A_436 = arith.constant 0 : i32
      %dma_wait3A_437 = tpu.memref_slice %arg2[%dma_wait3A_435, %dma_wait3A_436] : memref<10000x16xf32, #tpu.memory_space<hbm>> -> memref<10000x16xf32, #tpu.memory_space<hbm>>
      %dma_wait3A_438 = tpu.memref_slice %arg23[%dma_wait3A_431] : memref<13x!tpu.dma_semaphore, #tpu.memory_space<semaphore_mem>> -> memref<1x!tpu.dma_semaphore, #tpu.memory_space<semaphore_mem>>
      %dma_wait3A_439 = tpu.memref_squeeze %dma_wait3A_438 : memref<1x!tpu.dma_semaphore, #tpu.memory_space<semaphore_mem>> -> memref<!tpu.dma_semaphore, #tpu.memory_space<semaphore_mem>>
      tpu.wait_indirect_dma semaphore(%dma_wait3A_439 : memref<!tpu.dma_semaphore, #tpu.memory_space<semaphore_mem>>) src(%dma_wait3A_437 : memref<10000x16xf32, #tpu.memory_space<hbm>>) dst(%arg13 : memref<128x16xf32, #tpu.memory_space<vmem>>)
      %dma_start3A_440 = arith.constant 5 : i32
      %dma_start3A_441 = arith.constant 0 : i32
      %dma_start3A_442 = tpu.memref_slice %arg7[%add3A_430, %dma_start3A_441] : memref<78x128xi32, #tpu.memory_space<vmem>> -> memref<1x128xi32, #tpu.memory_space<vmem>>
      %dma_start3A_443 = tpu.memref_squeeze %dma_start3A_442 : memref<1x128xi32, #tpu.memory_space<vmem>> -> memref<128xi32, #tpu.memory_space<vmem>>
      %dma_start3A_444 = arith.constant 0 : i32
      %dma_start3A_445 = arith.constant 0 : i32
      %dma_start3A_446 = tpu.memref_slice %arg22[%dma_start3A_444, %dma_start3A_445] : memref<10112x16xf32, #tpu.memory_space<vmem_shared>> -> memref<10112x16xf32, #tpu.memory_space<vmem_shared>>
      %dma_start3A_447 = tpu.memref_slice %arg24[%dma_start3A_440] : memref<13x!tpu.dma_semaphore, #tpu.memory_space<semaphore_mem>> -> memref<1x!tpu.dma_semaphore, #tpu.memory_space<semaphore_mem>>
      %dma_start3A_448 = tpu.memref_squeeze %dma_start3A_447 : memref<1x!tpu.dma_semaphore, #tpu.memory_space<semaphore_mem>> -> memref<!tpu.dma_semaphore, #tpu.memory_space<semaphore_mem>>
      tpu.enqueue_indirect_dma source(%arg13 : memref<128x16xf32, #tpu.memory_space<vmem>>) target(%dma_start3A_446 : memref<10112x16xf32, #tpu.memory_space<vmem_shared>>) offsets(%dma_start3A_443 : memref<128xi32, #tpu.memory_space<vmem>>) semaphore(%dma_start3A_448 : memref<!tpu.dma_semaphore, #tpu.memory_space<semaphore_mem>>) {add = true}
      %add3A_449 = arith.constant 6 : i32
      %add3A_450 = arith.addi %mul3A_328, %add3A_449 : i32
      %dma_wait3A_451 = arith.constant 6 : i32
      %dma_wait3A_452 = arith.constant 0 : i32
      %dma_wait3A_453 = tpu.memref_slice %arg6[%add3A_450, %dma_wait3A_452] : memref<78x128xi32, #tpu.memory_space<vmem>> -> memref<1x128xi32, #tpu.memory_space<vmem>>
      %dma_wait3A_454 = tpu.memref_squeeze %dma_wait3A_453 : memref<1x128xi32, #tpu.memory_space<vmem>> -> memref<128xi32, #tpu.memory_space<vmem>>
      %dma_wait3A_455 = arith.constant 0 : i32
      %dma_wait3A_456 = arith.constant 0 : i32
      %dma_wait3A_457 = tpu.memref_slice %arg2[%dma_wait3A_455, %dma_wait3A_456] : memref<10000x16xf32, #tpu.memory_space<hbm>> -> memref<10000x16xf32, #tpu.memory_space<hbm>>
      %dma_wait3A_458 = tpu.memref_slice %arg23[%dma_wait3A_451] : memref<13x!tpu.dma_semaphore, #tpu.memory_space<semaphore_mem>> -> memref<1x!tpu.dma_semaphore, #tpu.memory_space<semaphore_mem>>
      %dma_wait3A_459 = tpu.memref_squeeze %dma_wait3A_458 : memref<1x!tpu.dma_semaphore, #tpu.memory_space<semaphore_mem>> -> memref<!tpu.dma_semaphore, #tpu.memory_space<semaphore_mem>>
      tpu.wait_indirect_dma semaphore(%dma_wait3A_459 : memref<!tpu.dma_semaphore, #tpu.memory_space<semaphore_mem>>) src(%dma_wait3A_457 : memref<10000x16xf32, #tpu.memory_space<hbm>>) dst(%arg14 : memref<128x16xf32, #tpu.memory_space<vmem>>)
      %dma_start3A_460 = arith.constant 6 : i32
      %dma_start3A_461 = arith.constant 0 : i32
      %dma_start3A_462 = tpu.memref_slice %arg7[%add3A_450, %dma_start3A_461] : memref<78x128xi32, #tpu.memory_space<vmem>> -> memref<1x128xi32, #tpu.memory_space<vmem>>
      %dma_start3A_463 = tpu.memref_squeeze %dma_start3A_462 : memref<1x128xi32, #tpu.memory_space<vmem>> -> memref<128xi32, #tpu.memory_space<vmem>>
      %dma_start3A_464 = arith.constant 0 : i32
      %dma_start3A_465 = arith.constant 0 : i32
      %dma_start3A_466 = tpu.memref_slice %arg22[%dma_start3A_464, %dma_start3A_465] : memref<10112x16xf32, #tpu.memory_space<vmem_shared>> -> memref<10112x16xf32, #tpu.memory_space<vmem_shared>>
      %dma_start3A_467 = tpu.memref_slice %arg24[%dma_start3A_460] : memref<13x!tpu.dma_semaphore, #tpu.memory_space<semaphore_mem>> -> memref<1x!tpu.dma_semaphore, #tpu.memory_space<semaphore_mem>>
      %dma_start3A_468 = tpu.memref_squeeze %dma_start3A_467 : memref<1x!tpu.dma_semaphore, #tpu.memory_space<semaphore_mem>> -> memref<!tpu.dma_semaphore, #tpu.memory_space<semaphore_mem>>
      tpu.enqueue_indirect_dma source(%arg14 : memref<128x16xf32, #tpu.memory_space<vmem>>) target(%dma_start3A_466 : memref<10112x16xf32, #tpu.memory_space<vmem_shared>>) offsets(%dma_start3A_463 : memref<128xi32, #tpu.memory_space<vmem>>) semaphore(%dma_start3A_468 : memref<!tpu.dma_semaphore, #tpu.memory_space<semaphore_mem>>) {add = true}
      %add3A_469 = arith.constant 7 : i32
      %add3A_470 = arith.addi %mul3A_328, %add3A_469 : i32
      %dma_wait3A_471 = arith.constant 7 : i32
      %dma_wait3A_472 = arith.constant 0 : i32
      %dma_wait3A_473 = tpu.memref_slice %arg6[%add3A_470, %dma_wait3A_472] : memref<78x128xi32, #tpu.memory_space<vmem>> -> memref<1x128xi32, #tpu.memory_space<vmem>>
      %dma_wait3A_474 = tpu.memref_squeeze %dma_wait3A_473 : memref<1x128xi32, #tpu.memory_space<vmem>> -> memref<128xi32, #tpu.memory_space<vmem>>
      %dma_wait3A_475 = arith.constant 0 : i32
      %dma_wait3A_476 = arith.constant 0 : i32
      %dma_wait3A_477 = tpu.memref_slice %arg2[%dma_wait3A_475, %dma_wait3A_476] : memref<10000x16xf32, #tpu.memory_space<hbm>> -> memref<10000x16xf32, #tpu.memory_space<hbm>>
      %dma_wait3A_478 = tpu.memref_slice %arg23[%dma_wait3A_471] : memref<13x!tpu.dma_semaphore, #tpu.memory_space<semaphore_mem>> -> memref<1x!tpu.dma_semaphore, #tpu.memory_space<semaphore_mem>>
      %dma_wait3A_479 = tpu.memref_squeeze %dma_wait3A_478 : memref<1x!tpu.dma_semaphore, #tpu.memory_space<semaphore_mem>> -> memref<!tpu.dma_semaphore, #tpu.memory_space<semaphore_mem>>
      tpu.wait_indirect_dma semaphore(%dma_wait3A_479 : memref<!tpu.dma_semaphore, #tpu.memory_space<semaphore_mem>>) src(%dma_wait3A_477 : memref<10000x16xf32, #tpu.memory_space<hbm>>) dst(%arg15 : memref<128x16xf32, #tpu.memory_space<vmem>>)
      %dma_start3A_480 = arith.constant 7 : i32
      %dma_start3A_481 = arith.constant 0 : i32
      %dma_start3A_482 = tpu.memref_slice %arg7[%add3A_470, %dma_start3A_481] : memref<78x128xi32, #tpu.memory_space<vmem>> -> memref<1x128xi32, #tpu.memory_space<vmem>>
      %dma_start3A_483 = tpu.memref_squeeze %dma_start3A_482 : memref<1x128xi32, #tpu.memory_space<vmem>> -> memref<128xi32, #tpu.memory_space<vmem>>
      %dma_start3A_484 = arith.constant 0 : i32
      %dma_start3A_485 = arith.constant 0 : i32
      %dma_start3A_486 = tpu.memref_slice %arg22[%dma_start3A_484, %dma_start3A_485] : memref<10112x16xf32, #tpu.memory_space<vmem_shared>> -> memref<10112x16xf32, #tpu.memory_space<vmem_shared>>
      %dma_start3A_487 = tpu.memref_slice %arg24[%dma_start3A_480] : memref<13x!tpu.dma_semaphore, #tpu.memory_space<semaphore_mem>> -> memref<1x!tpu.dma_semaphore, #tpu.memory_space<semaphore_mem>>
      %dma_start3A_488 = tpu.memref_squeeze %dma_start3A_487 : memref<1x!tpu.dma_semaphore, #tpu.memory_space<semaphore_mem>> -> memref<!tpu.dma_semaphore, #tpu.memory_space<semaphore_mem>>
      tpu.enqueue_indirect_dma source(%arg15 : memref<128x16xf32, #tpu.memory_space<vmem>>) target(%dma_start3A_486 : memref<10112x16xf32, #tpu.memory_space<vmem_shared>>) offsets(%dma_start3A_483 : memref<128xi32, #tpu.memory_space<vmem>>) semaphore(%dma_start3A_488 : memref<!tpu.dma_semaphore, #tpu.memory_space<semaphore_mem>>) {add = true}
      %add3A_489 = arith.constant 8 : i32
      %add3A_490 = arith.addi %mul3A_328, %add3A_489 : i32
      %dma_wait3A_491 = arith.constant 8 : i32
      %dma_wait3A_492 = arith.constant 0 : i32
      %dma_wait3A_493 = tpu.memref_slice %arg6[%add3A_490, %dma_wait3A_492] : memref<78x128xi32, #tpu.memory_space<vmem>> -> memref<1x128xi32, #tpu.memory_space<vmem>>
      %dma_wait3A_494 = tpu.memref_squeeze %dma_wait3A_493 : memref<1x128xi32, #tpu.memory_space<vmem>> -> memref<128xi32, #tpu.memory_space<vmem>>
      %dma_wait3A_495 = arith.constant 0 : i32
      %dma_wait3A_496 = arith.constant 0 : i32
      %dma_wait3A_497 = tpu.memref_slice %arg2[%dma_wait3A_495, %dma_wait3A_496] : memref<10000x16xf32, #tpu.memory_space<hbm>> -> memref<10000x16xf32, #tpu.memory_space<hbm>>
      %dma_wait3A_498 = tpu.memref_slice %arg23[%dma_wait3A_491] : memref<13x!tpu.dma_semaphore, #tpu.memory_space<semaphore_mem>> -> memref<1x!tpu.dma_semaphore, #tpu.memory_space<semaphore_mem>>
      %dma_wait3A_499 = tpu.memref_squeeze %dma_wait3A_498 : memref<1x!tpu.dma_semaphore, #tpu.memory_space<semaphore_mem>> -> memref<!tpu.dma_semaphore, #tpu.memory_space<semaphore_mem>>
      tpu.wait_indirect_dma semaphore(%dma_wait3A_499 : memref<!tpu.dma_semaphore, #tpu.memory_space<semaphore_mem>>) src(%dma_wait3A_497 : memref<10000x16xf32, #tpu.memory_space<hbm>>) dst(%arg16 : memref<128x16xf32, #tpu.memory_space<vmem>>)
      %dma_start3A_500 = arith.constant 8 : i32
      %dma_start3A_501 = arith.constant 0 : i32
      %dma_start3A_502 = tpu.memref_slice %arg7[%add3A_490, %dma_start3A_501] : memref<78x128xi32, #tpu.memory_space<vmem>> -> memref<1x128xi32, #tpu.memory_space<vmem>>
      %dma_start3A_503 = tpu.memref_squeeze %dma_start3A_502 : memref<1x128xi32, #tpu.memory_space<vmem>> -> memref<128xi32, #tpu.memory_space<vmem>>
      %dma_start3A_504 = arith.constant 0 : i32
      %dma_start3A_505 = arith.constant 0 : i32
      %dma_start3A_506 = tpu.memref_slice %arg22[%dma_start3A_504, %dma_start3A_505] : memref<10112x16xf32, #tpu.memory_space<vmem_shared>> -> memref<10112x16xf32, #tpu.memory_space<vmem_shared>>
      %dma_start3A_507 = tpu.memref_slice %arg24[%dma_start3A_500] : memref<13x!tpu.dma_semaphore, #tpu.memory_space<semaphore_mem>> -> memref<1x!tpu.dma_semaphore, #tpu.memory_space<semaphore_mem>>
      %dma_start3A_508 = tpu.memref_squeeze %dma_start3A_507 : memref<1x!tpu.dma_semaphore, #tpu.memory_space<semaphore_mem>> -> memref<!tpu.dma_semaphore, #tpu.memory_space<semaphore_mem>>
      tpu.enqueue_indirect_dma source(%arg16 : memref<128x16xf32, #tpu.memory_space<vmem>>) target(%dma_start3A_506 : memref<10112x16xf32, #tpu.memory_space<vmem_shared>>) offsets(%dma_start3A_503 : memref<128xi32, #tpu.memory_space<vmem>>) semaphore(%dma_start3A_508 : memref<!tpu.dma_semaphore, #tpu.memory_space<semaphore_mem>>) {add = true}
      %add3A_509 = arith.constant 9 : i32
      %add3A_510 = arith.addi %mul3A_328, %add3A_509 : i32
      %dma_wait3A_511 = arith.constant 9 : i32
      %dma_wait3A_512 = arith.constant 0 : i32
      %dma_wait3A_513 = tpu.memref_slice %arg6[%add3A_510, %dma_wait3A_512] : memref<78x128xi32, #tpu.memory_space<vmem>> -> memref<1x128xi32, #tpu.memory_space<vmem>>
      %dma_wait3A_514 = tpu.memref_squeeze %dma_wait3A_513 : memref<1x128xi32, #tpu.memory_space<vmem>> -> memref<128xi32, #tpu.memory_space<vmem>>
      %dma_wait3A_515 = arith.constant 0 : i32
      %dma_wait3A_516 = arith.constant 0 : i32
      %dma_wait3A_517 = tpu.memref_slice %arg2[%dma_wait3A_515, %dma_wait3A_516] : memref<10000x16xf32, #tpu.memory_space<hbm>> -> memref<10000x16xf32, #tpu.memory_space<hbm>>
      %dma_wait3A_518 = tpu.memref_slice %arg23[%dma_wait3A_511] : memref<13x!tpu.dma_semaphore, #tpu.memory_space<semaphore_mem>> -> memref<1x!tpu.dma_semaphore, #tpu.memory_space<semaphore_mem>>
      %dma_wait3A_519 = tpu.memref_squeeze %dma_wait3A_518 : memref<1x!tpu.dma_semaphore, #tpu.memory_space<semaphore_mem>> -> memref<!tpu.dma_semaphore, #tpu.memory_space<semaphore_mem>>
      tpu.wait_indirect_dma semaphore(%dma_wait3A_519 : memref<!tpu.dma_semaphore, #tpu.memory_space<semaphore_mem>>) src(%dma_wait3A_517 : memref<10000x16xf32, #tpu.memory_space<hbm>>) dst(%arg17 : memref<128x16xf32, #tpu.memory_space<vmem>>)
      %dma_start3A_520 = arith.constant 9 : i32
      %dma_start3A_521 = arith.constant 0 : i32
      %dma_start3A_522 = tpu.memref_slice %arg7[%add3A_510, %dma_start3A_521] : memref<78x128xi32, #tpu.memory_space<vmem>> -> memref<1x128xi32, #tpu.memory_space<vmem>>
      %dma_start3A_523 = tpu.memref_squeeze %dma_start3A_522 : memref<1x128xi32, #tpu.memory_space<vmem>> -> memref<128xi32, #tpu.memory_space<vmem>>
      %dma_start3A_524 = arith.constant 0 : i32
      %dma_start3A_525 = arith.constant 0 : i32
      %dma_start3A_526 = tpu.memref_slice %arg22[%dma_start3A_524, %dma_start3A_525] : memref<10112x16xf32, #tpu.memory_space<vmem_shared>> -> memref<10112x16xf32, #tpu.memory_space<vmem_shared>>
      %dma_start3A_527 = tpu.memref_slice %arg24[%dma_start3A_520] : memref<13x!tpu.dma_semaphore, #tpu.memory_space<semaphore_mem>> -> memref<1x!tpu.dma_semaphore, #tpu.memory_space<semaphore_mem>>
      %dma_start3A_528 = tpu.memref_squeeze %dma_start3A_527 : memref<1x!tpu.dma_semaphore, #tpu.memory_space<semaphore_mem>> -> memref<!tpu.dma_semaphore, #tpu.memory_space<semaphore_mem>>
      tpu.enqueue_indirect_dma source(%arg17 : memref<128x16xf32, #tpu.memory_space<vmem>>) target(%dma_start3A_526 : memref<10112x16xf32, #tpu.memory_space<vmem_shared>>) offsets(%dma_start3A_523 : memref<128xi32, #tpu.memory_space<vmem>>) semaphore(%dma_start3A_528 : memref<!tpu.dma_semaphore, #tpu.memory_space<semaphore_mem>>) {add = true}
      %add3A_529 = arith.constant 10 : i32
      %add3A_530 = arith.addi %mul3A_328, %add3A_529 : i32
      %dma_wait3A_531 = arith.constant 10 : i32
      %dma_wait3A_532 = arith.constant 0 : i32
      %dma_wait3A_533 = tpu.memref_slice %arg6[%add3A_530, %dma_wait3A_532] : memref<78x128xi32, #tpu.memory_space<vmem>> -> memref<1x128xi32, #tpu.memory_space<vmem>>
      %dma_wait3A_534 = tpu.memref_squeeze %dma_wait3A_533 : memref<1x128xi32, #tpu.memory_space<vmem>> -> memref<128xi32, #tpu.memory_space<vmem>>
      %dma_wait3A_535 = arith.constant 0 : i32
      %dma_wait3A_536 = arith.constant 0 : i32
      %dma_wait3A_537 = tpu.memref_slice %arg2[%dma_wait3A_535, %dma_wait3A_536] : memref<10000x16xf32, #tpu.memory_space<hbm>> -> memref<10000x16xf32, #tpu.memory_space<hbm>>
      %dma_wait3A_538 = tpu.memref_slice %arg23[%dma_wait3A_531] : memref<13x!tpu.dma_semaphore, #tpu.memory_space<semaphore_mem>> -> memref<1x!tpu.dma_semaphore, #tpu.memory_space<semaphore_mem>>
      %dma_wait3A_539 = tpu.memref_squeeze %dma_wait3A_538 : memref<1x!tpu.dma_semaphore, #tpu.memory_space<semaphore_mem>> -> memref<!tpu.dma_semaphore, #tpu.memory_space<semaphore_mem>>
      tpu.wait_indirect_dma semaphore(%dma_wait3A_539 : memref<!tpu.dma_semaphore, #tpu.memory_space<semaphore_mem>>) src(%dma_wait3A_537 : memref<10000x16xf32, #tpu.memory_space<hbm>>) dst(%arg18 : memref<128x16xf32, #tpu.memory_space<vmem>>)
      %dma_start3A_540 = arith.constant 10 : i32
      %dma_start3A_541 = arith.constant 0 : i32
      %dma_start3A_542 = tpu.memref_slice %arg7[%add3A_530, %dma_start3A_541] : memref<78x128xi32, #tpu.memory_space<vmem>> -> memref<1x128xi32, #tpu.memory_space<vmem>>
      %dma_start3A_543 = tpu.memref_squeeze %dma_start3A_542 : memref<1x128xi32, #tpu.memory_space<vmem>> -> memref<128xi32, #tpu.memory_space<vmem>>
      %dma_start3A_544 = arith.constant 0 : i32
      %dma_start3A_545 = arith.constant 0 : i32
      %dma_start3A_546 = tpu.memref_slice %arg22[%dma_start3A_544, %dma_start3A_545] : memref<10112x16xf32, #tpu.memory_space<vmem_shared>> -> memref<10112x16xf32, #tpu.memory_space<vmem_shared>>
      %dma_start3A_547 = tpu.memref_slice %arg24[%dma_start3A_540] : memref<13x!tpu.dma_semaphore, #tpu.memory_space<semaphore_mem>> -> memref<1x!tpu.dma_semaphore, #tpu.memory_space<semaphore_mem>>
      %dma_start3A_548 = tpu.memref_squeeze %dma_start3A_547 : memref<1x!tpu.dma_semaphore, #tpu.memory_space<semaphore_mem>> -> memref<!tpu.dma_semaphore, #tpu.memory_space<semaphore_mem>>
      tpu.enqueue_indirect_dma source(%arg18 : memref<128x16xf32, #tpu.memory_space<vmem>>) target(%dma_start3A_546 : memref<10112x16xf32, #tpu.memory_space<vmem_shared>>) offsets(%dma_start3A_543 : memref<128xi32, #tpu.memory_space<vmem>>) semaphore(%dma_start3A_548 : memref<!tpu.dma_semaphore, #tpu.memory_space<semaphore_mem>>) {add = true}
      %add3A_549 = arith.constant 11 : i32
      %add3A_550 = arith.addi %mul3A_328, %add3A_549 : i32
      %dma_wait3A_551 = arith.constant 11 : i32
      %dma_wait3A_552 = arith.constant 0 : i32
      %dma_wait3A_553 = tpu.memref_slice %arg6[%add3A_550, %dma_wait3A_552] : memref<78x128xi32, #tpu.memory_space<vmem>> -> memref<1x128xi32, #tpu.memory_space<vmem>>
      %dma_wait3A_554 = tpu.memref_squeeze %dma_wait3A_553 : memref<1x128xi32, #tpu.memory_space<vmem>> -> memref<128xi32, #tpu.memory_space<vmem>>
      %dma_wait3A_555 = arith.constant 0 : i32
      %dma_wait3A_556 = arith.constant 0 : i32
      %dma_wait3A_557 = tpu.memref_slice %arg2[%dma_wait3A_555, %dma_wait3A_556] : memref<10000x16xf32, #tpu.memory_space<hbm>> -> memref<10000x16xf32, #tpu.memory_space<hbm>>
      %dma_wait3A_558 = tpu.memref_slice %arg23[%dma_wait3A_551] : memref<13x!tpu.dma_semaphore, #tpu.memory_space<semaphore_mem>> -> memref<1x!tpu.dma_semaphore, #tpu.memory_space<semaphore_mem>>
      %dma_wait3A_559 = tpu.memref_squeeze %dma_wait3A_558 : memref<1x!tpu.dma_semaphore, #tpu.memory_space<semaphore_mem>> -> memref<!tpu.dma_semaphore, #tpu.memory_space<semaphore_mem>>
      tpu.wait_indirect_dma semaphore(%dma_wait3A_559 : memref<!tpu.dma_semaphore, #tpu.memory_space<semaphore_mem>>) src(%dma_wait3A_557 : memref<10000x16xf32, #tpu.memory_space<hbm>>) dst(%arg19 : memref<128x16xf32, #tpu.memory_space<vmem>>)
      %dma_start3A_560 = arith.constant 11 : i32
      %dma_start3A_561 = arith.constant 0 : i32
      %dma_start3A_562 = tpu.memref_slice %arg7[%add3A_550, %dma_start3A_561] : memref<78x128xi32, #tpu.memory_space<vmem>> -> memref<1x128xi32, #tpu.memory_space<vmem>>
      %dma_start3A_563 = tpu.memref_squeeze %dma_start3A_562 : memref<1x128xi32, #tpu.memory_space<vmem>> -> memref<128xi32, #tpu.memory_space<vmem>>
      %dma_start3A_564 = arith.constant 0 : i32
      %dma_start3A_565 = arith.constant 0 : i32
      %dma_start3A_566 = tpu.memref_slice %arg22[%dma_start3A_564, %dma_start3A_565] : memref<10112x16xf32, #tpu.memory_space<vmem_shared>> -> memref<10112x16xf32, #tpu.memory_space<vmem_shared>>
      %dma_start3A_567 = tpu.memref_slice %arg24[%dma_start3A_560] : memref<13x!tpu.dma_semaphore, #tpu.memory_space<semaphore_mem>> -> memref<1x!tpu.dma_semaphore, #tpu.memory_space<semaphore_mem>>
      %dma_start3A_568 = tpu.memref_squeeze %dma_start3A_567 : memref<1x!tpu.dma_semaphore, #tpu.memory_space<semaphore_mem>> -> memref<!tpu.dma_semaphore, #tpu.memory_space<semaphore_mem>>
      tpu.enqueue_indirect_dma source(%arg19 : memref<128x16xf32, #tpu.memory_space<vmem>>) target(%dma_start3A_566 : memref<10112x16xf32, #tpu.memory_space<vmem_shared>>) offsets(%dma_start3A_563 : memref<128xi32, #tpu.memory_space<vmem>>) semaphore(%dma_start3A_568 : memref<!tpu.dma_semaphore, #tpu.memory_space<semaphore_mem>>) {add = true}
      %add3A_569 = arith.constant 12 : i32
      %add3A_570 = arith.addi %mul3A_328, %add3A_569 : i32
      %dma_wait3A_571 = arith.constant 12 : i32
      %dma_wait3A_572 = arith.constant 0 : i32
      %dma_wait3A_573 = tpu.memref_slice %arg6[%add3A_570, %dma_wait3A_572] : memref<78x128xi32, #tpu.memory_space<vmem>> -> memref<1x128xi32, #tpu.memory_space<vmem>>
      %dma_wait3A_574 = tpu.memref_squeeze %dma_wait3A_573 : memref<1x128xi32, #tpu.memory_space<vmem>> -> memref<128xi32, #tpu.memory_space<vmem>>
      %dma_wait3A_575 = arith.constant 0 : i32
      %dma_wait3A_576 = arith.constant 0 : i32
      %dma_wait3A_577 = tpu.memref_slice %arg2[%dma_wait3A_575, %dma_wait3A_576] : memref<10000x16xf32, #tpu.memory_space<hbm>> -> memref<10000x16xf32, #tpu.memory_space<hbm>>
      %dma_wait3A_578 = tpu.memref_slice %arg23[%dma_wait3A_571] : memref<13x!tpu.dma_semaphore, #tpu.memory_space<semaphore_mem>> -> memref<1x!tpu.dma_semaphore, #tpu.memory_space<semaphore_mem>>
      %dma_wait3A_579 = tpu.memref_squeeze %dma_wait3A_578 : memref<1x!tpu.dma_semaphore, #tpu.memory_space<semaphore_mem>> -> memref<!tpu.dma_semaphore, #tpu.memory_space<semaphore_mem>>
      tpu.wait_indirect_dma semaphore(%dma_wait3A_579 : memref<!tpu.dma_semaphore, #tpu.memory_space<semaphore_mem>>) src(%dma_wait3A_577 : memref<10000x16xf32, #tpu.memory_space<hbm>>) dst(%arg20 : memref<128x16xf32, #tpu.memory_space<vmem>>)
      %dma_start3A_580 = arith.constant 12 : i32
      %dma_start3A_581 = arith.constant 0 : i32
      %dma_start3A_582 = tpu.memref_slice %arg7[%add3A_570, %dma_start3A_581] : memref<78x128xi32, #tpu.memory_space<vmem>> -> memref<1x128xi32, #tpu.memory_space<vmem>>
      %dma_start3A_583 = tpu.memref_squeeze %dma_start3A_582 : memref<1x128xi32, #tpu.memory_space<vmem>> -> memref<128xi32, #tpu.memory_space<vmem>>
      %dma_start3A_584 = arith.constant 0 : i32
      %dma_start3A_585 = arith.constant 0 : i32
      %dma_start3A_586 = tpu.memref_slice %arg22[%dma_start3A_584, %dma_start3A_585] : memref<10112x16xf32, #tpu.memory_space<vmem_shared>> -> memref<10112x16xf32, #tpu.memory_space<vmem_shared>>
      %dma_start3A_587 = tpu.memref_slice %arg24[%dma_start3A_580] : memref<13x!tpu.dma_semaphore, #tpu.memory_space<semaphore_mem>> -> memref<1x!tpu.dma_semaphore, #tpu.memory_space<semaphore_mem>>
      %dma_start3A_588 = tpu.memref_squeeze %dma_start3A_587 : memref<1x!tpu.dma_semaphore, #tpu.memory_space<semaphore_mem>> -> memref<!tpu.dma_semaphore, #tpu.memory_space<semaphore_mem>>
      tpu.enqueue_indirect_dma source(%arg20 : memref<128x16xf32, #tpu.memory_space<vmem>>) target(%dma_start3A_586 : memref<10112x16xf32, #tpu.memory_space<vmem_shared>>) offsets(%dma_start3A_583 : memref<128xi32, #tpu.memory_space<vmem>>) semaphore(%dma_start3A_588 : memref<!tpu.dma_semaphore, #tpu.memory_space<semaphore_mem>>) {add = true}
      %lt3A = arith.constant 5 : i32
      %lt3A_589 = arith.cmpi slt, %add3A_326, %lt3A : i32
      %convert_element_type3A_590 = arith.extui %lt3A_589 : i1 to i32
      %cond3A_591 = arith.constant 0 : i32
      %cond3A_592 = arith.cmpi ne, %convert_element_type3A_590, %cond3A_591 : i32
      scf.if %cond3A_592 {
        %add3A_593 = arith.constant 0 : i32
        %add3A_594 = arith.addi %mul3A_328, %add3A_593 : i32
        %dma_wait3A_595 = arith.constant 0 : i32
        %dma_wait3A_596 = arith.constant 0 : i32
        %dma_wait3A_597 = tpu.memref_slice %arg7[%add3A_594, %dma_wait3A_596] : memref<78x128xi32, #tpu.memory_space<vmem>> -> memref<1x128xi32, #tpu.memory_space<vmem>>
        %dma_wait3A_598 = tpu.memref_squeeze %dma_wait3A_597 : memref<1x128xi32, #tpu.memory_space<vmem>> -> memref<128xi32, #tpu.memory_space<vmem>>
        %dma_wait3A_599 = arith.constant 0 : i32
        %dma_wait3A_600 = arith.constant 0 : i32
        %dma_wait3A_601 = tpu.memref_slice %arg22[%dma_wait3A_599, %dma_wait3A_600] : memref<10112x16xf32, #tpu.memory_space<vmem_shared>> -> memref<10112x16xf32, #tpu.memory_space<vmem_shared>>
        %dma_wait3A_602 = tpu.memref_slice %arg24[%dma_wait3A_595] : memref<13x!tpu.dma_semaphore, #tpu.memory_space<semaphore_mem>> -> memref<1x!tpu.dma_semaphore, #tpu.memory_space<semaphore_mem>>
        %dma_wait3A_603 = tpu.memref_squeeze %dma_wait3A_602 : memref<1x!tpu.dma_semaphore, #tpu.memory_space<semaphore_mem>> -> memref<!tpu.dma_semaphore, #tpu.memory_space<semaphore_mem>>
        tpu.wait_indirect_dma semaphore(%dma_wait3A_603 : memref<!tpu.dma_semaphore, #tpu.memory_space<semaphore_mem>>) src(%arg8 : memref<128x16xf32, #tpu.memory_space<vmem>>) dst(%dma_wait3A_601 : memref<10112x16xf32, #tpu.memory_space<vmem_shared>>)
        %add3A_604 = arith.constant 13 : i32
        %add3A_605 = arith.addi %add3A_594, %add3A_604 : i32
        %dma_start3A_606 = arith.constant 0 : i32
        %dma_start3A_607 = arith.constant 0 : i32
        %dma_start3A_608 = tpu.memref_slice %arg6[%add3A_605, %dma_start3A_607] : memref<78x128xi32, #tpu.memory_space<vmem>> -> memref<1x128xi32, #tpu.memory_space<vmem>>
        %dma_start3A_609 = tpu.memref_squeeze %dma_start3A_608 : memref<1x128xi32, #tpu.memory_space<vmem>> -> memref<128xi32, #tpu.memory_space<vmem>>
        %dma_start3A_610 = arith.constant 0 : i32
        %dma_start3A_611 = arith.constant 0 : i32
        %dma_start3A_612 = tpu.memref_slice %arg2[%dma_start3A_610, %dma_start3A_611] : memref<10000x16xf32, #tpu.memory_space<hbm>> -> memref<10000x16xf32, #tpu.memory_space<hbm>>
        %dma_start3A_613 = tpu.memref_slice %arg23[%dma_start3A_606] : memref<13x!tpu.dma_semaphore, #tpu.memory_space<semaphore_mem>> -> memref<1x!tpu.dma_semaphore, #tpu.memory_space<semaphore_mem>>
        %dma_start3A_614 = tpu.memref_squeeze %dma_start3A_613 : memref<1x!tpu.dma_semaphore, #tpu.memory_space<semaphore_mem>> -> memref<!tpu.dma_semaphore, #tpu.memory_space<semaphore_mem>>
        tpu.enqueue_indirect_dma source(%dma_start3A_612 : memref<10000x16xf32, #tpu.memory_space<hbm>>) target(%arg8 : memref<128x16xf32, #tpu.memory_space<vmem>>) offsets(%dma_start3A_609 : memref<128xi32, #tpu.memory_space<vmem>>) semaphore(%dma_start3A_614 : memref<!tpu.dma_semaphore, #tpu.memory_space<semaphore_mem>>)
        %add3A_615 = arith.constant 1 : i32
        %add3A_616 = arith.addi %mul3A_328, %add3A_615 : i32
        %dma_wait3A_617 = arith.constant 1 : i32
        %dma_wait3A_618 = arith.constant 0 : i32
        %dma_wait3A_619 = tpu.memref_slice %arg7[%add3A_616, %dma_wait3A_618] : memref<78x128xi32, #tpu.memory_space<vmem>> -> memref<1x128xi32, #tpu.memory_space<vmem>>
        %dma_wait3A_620 = tpu.memref_squeeze %dma_wait3A_619 : memref<1x128xi32, #tpu.memory_space<vmem>> -> memref<128xi32, #tpu.memory_space<vmem>>
        %dma_wait3A_621 = arith.constant 0 : i32
        %dma_wait3A_622 = arith.constant 0 : i32
        %dma_wait3A_623 = tpu.memref_slice %arg22[%dma_wait3A_621, %dma_wait3A_622] : memref<10112x16xf32, #tpu.memory_space<vmem_shared>> -> memref<10112x16xf32, #tpu.memory_space<vmem_shared>>
        %dma_wait3A_624 = tpu.memref_slice %arg24[%dma_wait3A_617] : memref<13x!tpu.dma_semaphore, #tpu.memory_space<semaphore_mem>> -> memref<1x!tpu.dma_semaphore, #tpu.memory_space<semaphore_mem>>
        %dma_wait3A_625 = tpu.memref_squeeze %dma_wait3A_624 : memref<1x!tpu.dma_semaphore, #tpu.memory_space<semaphore_mem>> -> memref<!tpu.dma_semaphore, #tpu.memory_space<semaphore_mem>>
        tpu.wait_indirect_dma semaphore(%dma_wait3A_625 : memref<!tpu.dma_semaphore, #tpu.memory_space<semaphore_mem>>) src(%arg9 : memref<128x16xf32, #tpu.memory_space<vmem>>) dst(%dma_wait3A_623 : memref<10112x16xf32, #tpu.memory_space<vmem_shared>>)
        %add3A_626 = arith.constant 13 : i32
        %add3A_627 = arith.addi %add3A_616, %add3A_626 : i32
        %dma_start3A_628 = arith.constant 1 : i32
        %dma_start3A_629 = arith.constant 0 : i32
        %dma_start3A_630 = tpu.memref_slice %arg6[%add3A_627, %dma_start3A_629] : memref<78x128xi32, #tpu.memory_space<vmem>> -> memref<1x128xi32, #tpu.memory_space<vmem>>
        %dma_start3A_631 = tpu.memref_squeeze %dma_start3A_630 : memref<1x128xi32, #tpu.memory_space<vmem>> -> memref<128xi32, #tpu.memory_space<vmem>>
        %dma_start3A_632 = arith.constant 0 : i32
        %dma_start3A_633 = arith.constant 0 : i32
        %dma_start3A_634 = tpu.memref_slice %arg2[%dma_start3A_632, %dma_start3A_633] : memref<10000x16xf32, #tpu.memory_space<hbm>> -> memref<10000x16xf32, #tpu.memory_space<hbm>>
        %dma_start3A_635 = tpu.memref_slice %arg23[%dma_start3A_628] : memref<13x!tpu.dma_semaphore, #tpu.memory_space<semaphore_mem>> -> memref<1x!tpu.dma_semaphore, #tpu.memory_space<semaphore_mem>>
        %dma_start3A_636 = tpu.memref_squeeze %dma_start3A_635 : memref<1x!tpu.dma_semaphore, #tpu.memory_space<semaphore_mem>> -> memref<!tpu.dma_semaphore, #tpu.memory_space<semaphore_mem>>
        tpu.enqueue_indirect_dma source(%dma_start3A_634 : memref<10000x16xf32, #tpu.memory_space<hbm>>) target(%arg9 : memref<128x16xf32, #tpu.memory_space<vmem>>) offsets(%dma_start3A_631 : memref<128xi32, #tpu.memory_space<vmem>>) semaphore(%dma_start3A_636 : memref<!tpu.dma_semaphore, #tpu.memory_space<semaphore_mem>>)
        %add3A_637 = arith.constant 2 : i32
        %add3A_638 = arith.addi %mul3A_328, %add3A_637 : i32
        %dma_wait3A_639 = arith.constant 2 : i32
        %dma_wait3A_640 = arith.constant 0 : i32
        %dma_wait3A_641 = tpu.memref_slice %arg7[%add3A_638, %dma_wait3A_640] : memref<78x128xi32, #tpu.memory_space<vmem>> -> memref<1x128xi32, #tpu.memory_space<vmem>>
        %dma_wait3A_642 = tpu.memref_squeeze %dma_wait3A_641 : memref<1x128xi32, #tpu.memory_space<vmem>> -> memref<128xi32, #tpu.memory_space<vmem>>
        %dma_wait3A_643 = arith.constant 0 : i32
        %dma_wait3A_644 = arith.constant 0 : i32
        %dma_wait3A_645 = tpu.memref_slice %arg22[%dma_wait3A_643, %dma_wait3A_644] : memref<10112x16xf32, #tpu.memory_space<vmem_shared>> -> memref<10112x16xf32, #tpu.memory_space<vmem_shared>>
        %dma_wait3A_646 = tpu.memref_slice %arg24[%dma_wait3A_639] : memref<13x!tpu.dma_semaphore, #tpu.memory_space<semaphore_mem>> -> memref<1x!tpu.dma_semaphore, #tpu.memory_space<semaphore_mem>>
        %dma_wait3A_647 = tpu.memref_squeeze %dma_wait3A_646 : memref<1x!tpu.dma_semaphore, #tpu.memory_space<semaphore_mem>> -> memref<!tpu.dma_semaphore, #tpu.memory_space<semaphore_mem>>
        tpu.wait_indirect_dma semaphore(%dma_wait3A_647 : memref<!tpu.dma_semaphore, #tpu.memory_space<semaphore_mem>>) src(%arg10 : memref<128x16xf32, #tpu.memory_space<vmem>>) dst(%dma_wait3A_645 : memref<10112x16xf32, #tpu.memory_space<vmem_shared>>)
        %add3A_648 = arith.constant 13 : i32
        %add3A_649 = arith.addi %add3A_638, %add3A_648 : i32
        %dma_start3A_650 = arith.constant 2 : i32
        %dma_start3A_651 = arith.constant 0 : i32
        %dma_start3A_652 = tpu.memref_slice %arg6[%add3A_649, %dma_start3A_651] : memref<78x128xi32, #tpu.memory_space<vmem>> -> memref<1x128xi32, #tpu.memory_space<vmem>>
        %dma_start3A_653 = tpu.memref_squeeze %dma_start3A_652 : memref<1x128xi32, #tpu.memory_space<vmem>> -> memref<128xi32, #tpu.memory_space<vmem>>
        %dma_start3A_654 = arith.constant 0 : i32
        %dma_start3A_655 = arith.constant 0 : i32
        %dma_start3A_656 = tpu.memref_slice %arg2[%dma_start3A_654, %dma_start3A_655] : memref<10000x16xf32, #tpu.memory_space<hbm>> -> memref<10000x16xf32, #tpu.memory_space<hbm>>
        %dma_start3A_657 = tpu.memref_slice %arg23[%dma_start3A_650] : memref<13x!tpu.dma_semaphore, #tpu.memory_space<semaphore_mem>> -> memref<1x!tpu.dma_semaphore, #tpu.memory_space<semaphore_mem>>
        %dma_start3A_658 = tpu.memref_squeeze %dma_start3A_657 : memref<1x!tpu.dma_semaphore, #tpu.memory_space<semaphore_mem>> -> memref<!tpu.dma_semaphore, #tpu.memory_space<semaphore_mem>>
        tpu.enqueue_indirect_dma source(%dma_start3A_656 : memref<10000x16xf32, #tpu.memory_space<hbm>>) target(%arg10 : memref<128x16xf32, #tpu.memory_space<vmem>>) offsets(%dma_start3A_653 : memref<128xi32, #tpu.memory_space<vmem>>) semaphore(%dma_start3A_658 : memref<!tpu.dma_semaphore, #tpu.memory_space<semaphore_mem>>)
        %add3A_659 = arith.constant 3 : i32
        %add3A_660 = arith.addi %mul3A_328, %add3A_659 : i32
        %dma_wait3A_661 = arith.constant 3 : i32
        %dma_wait3A_662 = arith.constant 0 : i32
        %dma_wait3A_663 = tpu.memref_slice %arg7[%add3A_660, %dma_wait3A_662] : memref<78x128xi32, #tpu.memory_space<vmem>> -> memref<1x128xi32, #tpu.memory_space<vmem>>
        %dma_wait3A_664 = tpu.memref_squeeze %dma_wait3A_663 : memref<1x128xi32, #tpu.memory_space<vmem>> -> memref<128xi32, #tpu.memory_space<vmem>>
        %dma_wait3A_665 = arith.constant 0 : i32
        %dma_wait3A_666 = arith.constant 0 : i32
        %dma_wait3A_667 = tpu.memref_slice %arg22[%dma_wait3A_665, %dma_wait3A_666] : memref<10112x16xf32, #tpu.memory_space<vmem_shared>> -> memref<10112x16xf32, #tpu.memory_space<vmem_shared>>
        %dma_wait3A_668 = tpu.memref_slice %arg24[%dma_wait3A_661] : memref<13x!tpu.dma_semaphore, #tpu.memory_space<semaphore_mem>> -> memref<1x!tpu.dma_semaphore, #tpu.memory_space<semaphore_mem>>
        %dma_wait3A_669 = tpu.memref_squeeze %dma_wait3A_668 : memref<1x!tpu.dma_semaphore, #tpu.memory_space<semaphore_mem>> -> memref<!tpu.dma_semaphore, #tpu.memory_space<semaphore_mem>>
        tpu.wait_indirect_dma semaphore(%dma_wait3A_669 : memref<!tpu.dma_semaphore, #tpu.memory_space<semaphore_mem>>) src(%arg11 : memref<128x16xf32, #tpu.memory_space<vmem>>) dst(%dma_wait3A_667 : memref<10112x16xf32, #tpu.memory_space<vmem_shared>>)
        %add3A_670 = arith.constant 13 : i32
        %add3A_671 = arith.addi %add3A_660, %add3A_670 : i32
        %dma_start3A_672 = arith.constant 3 : i32
        %dma_start3A_673 = arith.constant 0 : i32
        %dma_start3A_674 = tpu.memref_slice %arg6[%add3A_671, %dma_start3A_673] : memref<78x128xi32, #tpu.memory_space<vmem>> -> memref<1x128xi32, #tpu.memory_space<vmem>>
        %dma_start3A_675 = tpu.memref_squeeze %dma_start3A_674 : memref<1x128xi32, #tpu.memory_space<vmem>> -> memref<128xi32, #tpu.memory_space<vmem>>
        %dma_start3A_676 = arith.constant 0 : i32
        %dma_start3A_677 = arith.constant 0 : i32
        %dma_start3A_678 = tpu.memref_slice %arg2[%dma_start3A_676, %dma_start3A_677] : memref<10000x16xf32, #tpu.memory_space<hbm>> -> memref<10000x16xf32, #tpu.memory_space<hbm>>
        %dma_start3A_679 = tpu.memref_slice %arg23[%dma_start3A_672] : memref<13x!tpu.dma_semaphore, #tpu.memory_space<semaphore_mem>> -> memref<1x!tpu.dma_semaphore, #tpu.memory_space<semaphore_mem>>
        %dma_start3A_680 = tpu.memref_squeeze %dma_start3A_679 : memref<1x!tpu.dma_semaphore, #tpu.memory_space<semaphore_mem>> -> memref<!tpu.dma_semaphore, #tpu.memory_space<semaphore_mem>>
        tpu.enqueue_indirect_dma source(%dma_start3A_678 : memref<10000x16xf32, #tpu.memory_space<hbm>>) target(%arg11 : memref<128x16xf32, #tpu.memory_space<vmem>>) offsets(%dma_start3A_675 : memref<128xi32, #tpu.memory_space<vmem>>) semaphore(%dma_start3A_680 : memref<!tpu.dma_semaphore, #tpu.memory_space<semaphore_mem>>)
        %add3A_681 = arith.constant 4 : i32
        %add3A_682 = arith.addi %mul3A_328, %add3A_681 : i32
        %dma_wait3A_683 = arith.constant 4 : i32
        %dma_wait3A_684 = arith.constant 0 : i32
        %dma_wait3A_685 = tpu.memref_slice %arg7[%add3A_682, %dma_wait3A_684] : memref<78x128xi32, #tpu.memory_space<vmem>> -> memref<1x128xi32, #tpu.memory_space<vmem>>
        %dma_wait3A_686 = tpu.memref_squeeze %dma_wait3A_685 : memref<1x128xi32, #tpu.memory_space<vmem>> -> memref<128xi32, #tpu.memory_space<vmem>>
        %dma_wait3A_687 = arith.constant 0 : i32
        %dma_wait3A_688 = arith.constant 0 : i32
        %dma_wait3A_689 = tpu.memref_slice %arg22[%dma_wait3A_687, %dma_wait3A_688] : memref<10112x16xf32, #tpu.memory_space<vmem_shared>> -> memref<10112x16xf32, #tpu.memory_space<vmem_shared>>
        %dma_wait3A_690 = tpu.memref_slice %arg24[%dma_wait3A_683] : memref<13x!tpu.dma_semaphore, #tpu.memory_space<semaphore_mem>> -> memref<1x!tpu.dma_semaphore, #tpu.memory_space<semaphore_mem>>
        %dma_wait3A_691 = tpu.memref_squeeze %dma_wait3A_690 : memref<1x!tpu.dma_semaphore, #tpu.memory_space<semaphore_mem>> -> memref<!tpu.dma_semaphore, #tpu.memory_space<semaphore_mem>>
        tpu.wait_indirect_dma semaphore(%dma_wait3A_691 : memref<!tpu.dma_semaphore, #tpu.memory_space<semaphore_mem>>) src(%arg12 : memref<128x16xf32, #tpu.memory_space<vmem>>) dst(%dma_wait3A_689 : memref<10112x16xf32, #tpu.memory_space<vmem_shared>>)
        %add3A_692 = arith.constant 13 : i32
        %add3A_693 = arith.addi %add3A_682, %add3A_692 : i32
        %dma_start3A_694 = arith.constant 4 : i32
        %dma_start3A_695 = arith.constant 0 : i32
        %dma_start3A_696 = tpu.memref_slice %arg6[%add3A_693, %dma_start3A_695] : memref<78x128xi32, #tpu.memory_space<vmem>> -> memref<1x128xi32, #tpu.memory_space<vmem>>
        %dma_start3A_697 = tpu.memref_squeeze %dma_start3A_696 : memref<1x128xi32, #tpu.memory_space<vmem>> -> memref<128xi32, #tpu.memory_space<vmem>>
        %dma_start3A_698 = arith.constant 0 : i32
        %dma_start3A_699 = arith.constant 0 : i32
        %dma_start3A_700 = tpu.memref_slice %arg2[%dma_start3A_698, %dma_start3A_699] : memref<10000x16xf32, #tpu.memory_space<hbm>> -> memref<10000x16xf32, #tpu.memory_space<hbm>>
        %dma_start3A_701 = tpu.memref_slice %arg23[%dma_start3A_694] : memref<13x!tpu.dma_semaphore, #tpu.memory_space<semaphore_mem>> -> memref<1x!tpu.dma_semaphore, #tpu.memory_space<semaphore_mem>>
        %dma_start3A_702 = tpu.memref_squeeze %dma_start3A_701 : memref<1x!tpu.dma_semaphore, #tpu.memory_space<semaphore_mem>> -> memref<!tpu.dma_semaphore, #tpu.memory_space<semaphore_mem>>
        tpu.enqueue_indirect_dma source(%dma_start3A_700 : memref<10000x16xf32, #tpu.memory_space<hbm>>) target(%arg12 : memref<128x16xf32, #tpu.memory_space<vmem>>) offsets(%dma_start3A_697 : memref<128xi32, #tpu.memory_space<vmem>>) semaphore(%dma_start3A_702 : memref<!tpu.dma_semaphore, #tpu.memory_space<semaphore_mem>>)
        %add3A_703 = arith.constant 5 : i32
        %add3A_704 = arith.addi %mul3A_328, %add3A_703 : i32
        %dma_wait3A_705 = arith.constant 5 : i32
        %dma_wait3A_706 = arith.constant 0 : i32
        %dma_wait3A_707 = tpu.memref_slice %arg7[%add3A_704, %dma_wait3A_706] : memref<78x128xi32, #tpu.memory_space<vmem>> -> memref<1x128xi32, #tpu.memory_space<vmem>>
        %dma_wait3A_708 = tpu.memref_squeeze %dma_wait3A_707 : memref<1x128xi32, #tpu.memory_space<vmem>> -> memref<128xi32, #tpu.memory_space<vmem>>
        %dma_wait3A_709 = arith.constant 0 : i32
        %dma_wait3A_710 = arith.constant 0 : i32
        %dma_wait3A_711 = tpu.memref_slice %arg22[%dma_wait3A_709, %dma_wait3A_710] : memref<10112x16xf32, #tpu.memory_space<vmem_shared>> -> memref<10112x16xf32, #tpu.memory_space<vmem_shared>>
        %dma_wait3A_712 = tpu.memref_slice %arg24[%dma_wait3A_705] : memref<13x!tpu.dma_semaphore, #tpu.memory_space<semaphore_mem>> -> memref<1x!tpu.dma_semaphore, #tpu.memory_space<semaphore_mem>>
        %dma_wait3A_713 = tpu.memref_squeeze %dma_wait3A_712 : memref<1x!tpu.dma_semaphore, #tpu.memory_space<semaphore_mem>> -> memref<!tpu.dma_semaphore, #tpu.memory_space<semaphore_mem>>
        tpu.wait_indirect_dma semaphore(%dma_wait3A_713 : memref<!tpu.dma_semaphore, #tpu.memory_space<semaphore_mem>>) src(%arg13 : memref<128x16xf32, #tpu.memory_space<vmem>>) dst(%dma_wait3A_711 : memref<10112x16xf32, #tpu.memory_space<vmem_shared>>)
        %add3A_714 = arith.constant 13 : i32
        %add3A_715 = arith.addi %add3A_704, %add3A_714 : i32
        %dma_start3A_716 = arith.constant 5 : i32
        %dma_start3A_717 = arith.constant 0 : i32
        %dma_start3A_718 = tpu.memref_slice %arg6[%add3A_715, %dma_start3A_717] : memref<78x128xi32, #tpu.memory_space<vmem>> -> memref<1x128xi32, #tpu.memory_space<vmem>>
        %dma_start3A_719 = tpu.memref_squeeze %dma_start3A_718 : memref<1x128xi32, #tpu.memory_space<vmem>> -> memref<128xi32, #tpu.memory_space<vmem>>
        %dma_start3A_720 = arith.constant 0 : i32
        %dma_start3A_721 = arith.constant 0 : i32
        %dma_start3A_722 = tpu.memref_slice %arg2[%dma_start3A_720, %dma_start3A_721] : memref<10000x16xf32, #tpu.memory_space<hbm>> -> memref<10000x16xf32, #tpu.memory_space<hbm>>
        %dma_start3A_723 = tpu.memref_slice %arg23[%dma_start3A_716] : memref<13x!tpu.dma_semaphore, #tpu.memory_space<semaphore_mem>> -> memref<1x!tpu.dma_semaphore, #tpu.memory_space<semaphore_mem>>
        %dma_start3A_724 = tpu.memref_squeeze %dma_start3A_723 : memref<1x!tpu.dma_semaphore, #tpu.memory_space<semaphore_mem>> -> memref<!tpu.dma_semaphore, #tpu.memory_space<semaphore_mem>>
        tpu.enqueue_indirect_dma source(%dma_start3A_722 : memref<10000x16xf32, #tpu.memory_space<hbm>>) target(%arg13 : memref<128x16xf32, #tpu.memory_space<vmem>>) offsets(%dma_start3A_719 : memref<128xi32, #tpu.memory_space<vmem>>) semaphore(%dma_start3A_724 : memref<!tpu.dma_semaphore, #tpu.memory_space<semaphore_mem>>)
        %add3A_725 = arith.constant 6 : i32
        %add3A_726 = arith.addi %mul3A_328, %add3A_725 : i32
        %dma_wait3A_727 = arith.constant 6 : i32
        %dma_wait3A_728 = arith.constant 0 : i32
        %dma_wait3A_729 = tpu.memref_slice %arg7[%add3A_726, %dma_wait3A_728] : memref<78x128xi32, #tpu.memory_space<vmem>> -> memref<1x128xi32, #tpu.memory_space<vmem>>
        %dma_wait3A_730 = tpu.memref_squeeze %dma_wait3A_729 : memref<1x128xi32, #tpu.memory_space<vmem>> -> memref<128xi32, #tpu.memory_space<vmem>>
        %dma_wait3A_731 = arith.constant 0 : i32
        %dma_wait3A_732 = arith.constant 0 : i32
        %dma_wait3A_733 = tpu.memref_slice %arg22[%dma_wait3A_731, %dma_wait3A_732] : memref<10112x16xf32, #tpu.memory_space<vmem_shared>> -> memref<10112x16xf32, #tpu.memory_space<vmem_shared>>
        %dma_wait3A_734 = tpu.memref_slice %arg24[%dma_wait3A_727] : memref<13x!tpu.dma_semaphore, #tpu.memory_space<semaphore_mem>> -> memref<1x!tpu.dma_semaphore, #tpu.memory_space<semaphore_mem>>
        %dma_wait3A_735 = tpu.memref_squeeze %dma_wait3A_734 : memref<1x!tpu.dma_semaphore, #tpu.memory_space<semaphore_mem>> -> memref<!tpu.dma_semaphore, #tpu.memory_space<semaphore_mem>>
        tpu.wait_indirect_dma semaphore(%dma_wait3A_735 : memref<!tpu.dma_semaphore, #tpu.memory_space<semaphore_mem>>) src(%arg14 : memref<128x16xf32, #tpu.memory_space<vmem>>) dst(%dma_wait3A_733 : memref<10112x16xf32, #tpu.memory_space<vmem_shared>>)
        %add3A_736 = arith.constant 13 : i32
        %add3A_737 = arith.addi %add3A_726, %add3A_736 : i32
        %dma_start3A_738 = arith.constant 6 : i32
        %dma_start3A_739 = arith.constant 0 : i32
        %dma_start3A_740 = tpu.memref_slice %arg6[%add3A_737, %dma_start3A_739] : memref<78x128xi32, #tpu.memory_space<vmem>> -> memref<1x128xi32, #tpu.memory_space<vmem>>
        %dma_start3A_741 = tpu.memref_squeeze %dma_start3A_740 : memref<1x128xi32, #tpu.memory_space<vmem>> -> memref<128xi32, #tpu.memory_space<vmem>>
        %dma_start3A_742 = arith.constant 0 : i32
        %dma_start3A_743 = arith.constant 0 : i32
        %dma_start3A_744 = tpu.memref_slice %arg2[%dma_start3A_742, %dma_start3A_743] : memref<10000x16xf32, #tpu.memory_space<hbm>> -> memref<10000x16xf32, #tpu.memory_space<hbm>>
        %dma_start3A_745 = tpu.memref_slice %arg23[%dma_start3A_738] : memref<13x!tpu.dma_semaphore, #tpu.memory_space<semaphore_mem>> -> memref<1x!tpu.dma_semaphore, #tpu.memory_space<semaphore_mem>>
        %dma_start3A_746 = tpu.memref_squeeze %dma_start3A_745 : memref<1x!tpu.dma_semaphore, #tpu.memory_space<semaphore_mem>> -> memref<!tpu.dma_semaphore, #tpu.memory_space<semaphore_mem>>
        tpu.enqueue_indirect_dma source(%dma_start3A_744 : memref<10000x16xf32, #tpu.memory_space<hbm>>) target(%arg14 : memref<128x16xf32, #tpu.memory_space<vmem>>) offsets(%dma_start3A_741 : memref<128xi32, #tpu.memory_space<vmem>>) semaphore(%dma_start3A_746 : memref<!tpu.dma_semaphore, #tpu.memory_space<semaphore_mem>>)
        %add3A_747 = arith.constant 7 : i32
        %add3A_748 = arith.addi %mul3A_328, %add3A_747 : i32
        %dma_wait3A_749 = arith.constant 7 : i32
        %dma_wait3A_750 = arith.constant 0 : i32
        %dma_wait3A_751 = tpu.memref_slice %arg7[%add3A_748, %dma_wait3A_750] : memref<78x128xi32, #tpu.memory_space<vmem>> -> memref<1x128xi32, #tpu.memory_space<vmem>>
        %dma_wait3A_752 = tpu.memref_squeeze %dma_wait3A_751 : memref<1x128xi32, #tpu.memory_space<vmem>> -> memref<128xi32, #tpu.memory_space<vmem>>
        %dma_wait3A_753 = arith.constant 0 : i32
        %dma_wait3A_754 = arith.constant 0 : i32
        %dma_wait3A_755 = tpu.memref_slice %arg22[%dma_wait3A_753, %dma_wait3A_754] : memref<10112x16xf32, #tpu.memory_space<vmem_shared>> -> memref<10112x16xf32, #tpu.memory_space<vmem_shared>>
        %dma_wait3A_756 = tpu.memref_slice %arg24[%dma_wait3A_749] : memref<13x!tpu.dma_semaphore, #tpu.memory_space<semaphore_mem>> -> memref<1x!tpu.dma_semaphore, #tpu.memory_space<semaphore_mem>>
        %dma_wait3A_757 = tpu.memref_squeeze %dma_wait3A_756 : memref<1x!tpu.dma_semaphore, #tpu.memory_space<semaphore_mem>> -> memref<!tpu.dma_semaphore, #tpu.memory_space<semaphore_mem>>
        tpu.wait_indirect_dma semaphore(%dma_wait3A_757 : memref<!tpu.dma_semaphore, #tpu.memory_space<semaphore_mem>>) src(%arg15 : memref<128x16xf32, #tpu.memory_space<vmem>>) dst(%dma_wait3A_755 : memref<10112x16xf32, #tpu.memory_space<vmem_shared>>)
        %add3A_758 = arith.constant 13 : i32
        %add3A_759 = arith.addi %add3A_748, %add3A_758 : i32
        %dma_start3A_760 = arith.constant 7 : i32
        %dma_start3A_761 = arith.constant 0 : i32
        %dma_start3A_762 = tpu.memref_slice %arg6[%add3A_759, %dma_start3A_761] : memref<78x128xi32, #tpu.memory_space<vmem>> -> memref<1x128xi32, #tpu.memory_space<vmem>>
        %dma_start3A_763 = tpu.memref_squeeze %dma_start3A_762 : memref<1x128xi32, #tpu.memory_space<vmem>> -> memref<128xi32, #tpu.memory_space<vmem>>
        %dma_start3A_764 = arith.constant 0 : i32
        %dma_start3A_765 = arith.constant 0 : i32
        %dma_start3A_766 = tpu.memref_slice %arg2[%dma_start3A_764, %dma_start3A_765] : memref<10000x16xf32, #tpu.memory_space<hbm>> -> memref<10000x16xf32, #tpu.memory_space<hbm>>
        %dma_start3A_767 = tpu.memref_slice %arg23[%dma_start3A_760] : memref<13x!tpu.dma_semaphore, #tpu.memory_space<semaphore_mem>> -> memref<1x!tpu.dma_semaphore, #tpu.memory_space<semaphore_mem>>
        %dma_start3A_768 = tpu.memref_squeeze %dma_start3A_767 : memref<1x!tpu.dma_semaphore, #tpu.memory_space<semaphore_mem>> -> memref<!tpu.dma_semaphore, #tpu.memory_space<semaphore_mem>>
        tpu.enqueue_indirect_dma source(%dma_start3A_766 : memref<10000x16xf32, #tpu.memory_space<hbm>>) target(%arg15 : memref<128x16xf32, #tpu.memory_space<vmem>>) offsets(%dma_start3A_763 : memref<128xi32, #tpu.memory_space<vmem>>) semaphore(%dma_start3A_768 : memref<!tpu.dma_semaphore, #tpu.memory_space<semaphore_mem>>)
        %add3A_769 = arith.constant 8 : i32
        %add3A_770 = arith.addi %mul3A_328, %add3A_769 : i32
        %dma_wait3A_771 = arith.constant 8 : i32
        %dma_wait3A_772 = arith.constant 0 : i32
        %dma_wait3A_773 = tpu.memref_slice %arg7[%add3A_770, %dma_wait3A_772] : memref<78x128xi32, #tpu.memory_space<vmem>> -> memref<1x128xi32, #tpu.memory_space<vmem>>
        %dma_wait3A_774 = tpu.memref_squeeze %dma_wait3A_773 : memref<1x128xi32, #tpu.memory_space<vmem>> -> memref<128xi32, #tpu.memory_space<vmem>>
        %dma_wait3A_775 = arith.constant 0 : i32
        %dma_wait3A_776 = arith.constant 0 : i32
        %dma_wait3A_777 = tpu.memref_slice %arg22[%dma_wait3A_775, %dma_wait3A_776] : memref<10112x16xf32, #tpu.memory_space<vmem_shared>> -> memref<10112x16xf32, #tpu.memory_space<vmem_shared>>
        %dma_wait3A_778 = tpu.memref_slice %arg24[%dma_wait3A_771] : memref<13x!tpu.dma_semaphore, #tpu.memory_space<semaphore_mem>> -> memref<1x!tpu.dma_semaphore, #tpu.memory_space<semaphore_mem>>
        %dma_wait3A_779 = tpu.memref_squeeze %dma_wait3A_778 : memref<1x!tpu.dma_semaphore, #tpu.memory_space<semaphore_mem>> -> memref<!tpu.dma_semaphore, #tpu.memory_space<semaphore_mem>>
        tpu.wait_indirect_dma semaphore(%dma_wait3A_779 : memref<!tpu.dma_semaphore, #tpu.memory_space<semaphore_mem>>) src(%arg16 : memref<128x16xf32, #tpu.memory_space<vmem>>) dst(%dma_wait3A_777 : memref<10112x16xf32, #tpu.memory_space<vmem_shared>>)
        %add3A_780 = arith.constant 13 : i32
        %add3A_781 = arith.addi %add3A_770, %add3A_780 : i32
        %dma_start3A_782 = arith.constant 8 : i32
        %dma_start3A_783 = arith.constant 0 : i32
        %dma_start3A_784 = tpu.memref_slice %arg6[%add3A_781, %dma_start3A_783] : memref<78x128xi32, #tpu.memory_space<vmem>> -> memref<1x128xi32, #tpu.memory_space<vmem>>
        %dma_start3A_785 = tpu.memref_squeeze %dma_start3A_784 : memref<1x128xi32, #tpu.memory_space<vmem>> -> memref<128xi32, #tpu.memory_space<vmem>>
        %dma_start3A_786 = arith.constant 0 : i32
        %dma_start3A_787 = arith.constant 0 : i32
        %dma_start3A_788 = tpu.memref_slice %arg2[%dma_start3A_786, %dma_start3A_787] : memref<10000x16xf32, #tpu.memory_space<hbm>> -> memref<10000x16xf32, #tpu.memory_space<hbm>>
        %dma_start3A_789 = tpu.memref_slice %arg23[%dma_start3A_782] : memref<13x!tpu.dma_semaphore, #tpu.memory_space<semaphore_mem>> -> memref<1x!tpu.dma_semaphore, #tpu.memory_space<semaphore_mem>>
        %dma_start3A_790 = tpu.memref_squeeze %dma_start3A_789 : memref<1x!tpu.dma_semaphore, #tpu.memory_space<semaphore_mem>> -> memref<!tpu.dma_semaphore, #tpu.memory_space<semaphore_mem>>
        tpu.enqueue_indirect_dma source(%dma_start3A_788 : memref<10000x16xf32, #tpu.memory_space<hbm>>) target(%arg16 : memref<128x16xf32, #tpu.memory_space<vmem>>) offsets(%dma_start3A_785 : memref<128xi32, #tpu.memory_space<vmem>>) semaphore(%dma_start3A_790 : memref<!tpu.dma_semaphore, #tpu.memory_space<semaphore_mem>>)
        %add3A_791 = arith.constant 9 : i32
        %add3A_792 = arith.addi %mul3A_328, %add3A_791 : i32
        %dma_wait3A_793 = arith.constant 9 : i32
        %dma_wait3A_794 = arith.constant 0 : i32
        %dma_wait3A_795 = tpu.memref_slice %arg7[%add3A_792, %dma_wait3A_794] : memref<78x128xi32, #tpu.memory_space<vmem>> -> memref<1x128xi32, #tpu.memory_space<vmem>>
        %dma_wait3A_796 = tpu.memref_squeeze %dma_wait3A_795 : memref<1x128xi32, #tpu.memory_space<vmem>> -> memref<128xi32, #tpu.memory_space<vmem>>
        %dma_wait3A_797 = arith.constant 0 : i32
        %dma_wait3A_798 = arith.constant 0 : i32
        %dma_wait3A_799 = tpu.memref_slice %arg22[%dma_wait3A_797, %dma_wait3A_798] : memref<10112x16xf32, #tpu.memory_space<vmem_shared>> -> memref<10112x16xf32, #tpu.memory_space<vmem_shared>>
        %dma_wait3A_800 = tpu.memref_slice %arg24[%dma_wait3A_793] : memref<13x!tpu.dma_semaphore, #tpu.memory_space<semaphore_mem>> -> memref<1x!tpu.dma_semaphore, #tpu.memory_space<semaphore_mem>>
        %dma_wait3A_801 = tpu.memref_squeeze %dma_wait3A_800 : memref<1x!tpu.dma_semaphore, #tpu.memory_space<semaphore_mem>> -> memref<!tpu.dma_semaphore, #tpu.memory_space<semaphore_mem>>
        tpu.wait_indirect_dma semaphore(%dma_wait3A_801 : memref<!tpu.dma_semaphore, #tpu.memory_space<semaphore_mem>>) src(%arg17 : memref<128x16xf32, #tpu.memory_space<vmem>>) dst(%dma_wait3A_799 : memref<10112x16xf32, #tpu.memory_space<vmem_shared>>)
        %add3A_802 = arith.constant 13 : i32
        %add3A_803 = arith.addi %add3A_792, %add3A_802 : i32
        %dma_start3A_804 = arith.constant 9 : i32
        %dma_start3A_805 = arith.constant 0 : i32
        %dma_start3A_806 = tpu.memref_slice %arg6[%add3A_803, %dma_start3A_805] : memref<78x128xi32, #tpu.memory_space<vmem>> -> memref<1x128xi32, #tpu.memory_space<vmem>>
        %dma_start3A_807 = tpu.memref_squeeze %dma_start3A_806 : memref<1x128xi32, #tpu.memory_space<vmem>> -> memref<128xi32, #tpu.memory_space<vmem>>
        %dma_start3A_808 = arith.constant 0 : i32
        %dma_start3A_809 = arith.constant 0 : i32
        %dma_start3A_810 = tpu.memref_slice %arg2[%dma_start3A_808, %dma_start3A_809] : memref<10000x16xf32, #tpu.memory_space<hbm>> -> memref<10000x16xf32, #tpu.memory_space<hbm>>
        %dma_start3A_811 = tpu.memref_slice %arg23[%dma_start3A_804] : memref<13x!tpu.dma_semaphore, #tpu.memory_space<semaphore_mem>> -> memref<1x!tpu.dma_semaphore, #tpu.memory_space<semaphore_mem>>
        %dma_start3A_812 = tpu.memref_squeeze %dma_start3A_811 : memref<1x!tpu.dma_semaphore, #tpu.memory_space<semaphore_mem>> -> memref<!tpu.dma_semaphore, #tpu.memory_space<semaphore_mem>>
        tpu.enqueue_indirect_dma source(%dma_start3A_810 : memref<10000x16xf32, #tpu.memory_space<hbm>>) target(%arg17 : memref<128x16xf32, #tpu.memory_space<vmem>>) offsets(%dma_start3A_807 : memref<128xi32, #tpu.memory_space<vmem>>) semaphore(%dma_start3A_812 : memref<!tpu.dma_semaphore, #tpu.memory_space<semaphore_mem>>)
        %add3A_813 = arith.constant 10 : i32
        %add3A_814 = arith.addi %mul3A_328, %add3A_813 : i32
        %dma_wait3A_815 = arith.constant 10 : i32
        %dma_wait3A_816 = arith.constant 0 : i32
        %dma_wait3A_817 = tpu.memref_slice %arg7[%add3A_814, %dma_wait3A_816] : memref<78x128xi32, #tpu.memory_space<vmem>> -> memref<1x128xi32, #tpu.memory_space<vmem>>
        %dma_wait3A_818 = tpu.memref_squeeze %dma_wait3A_817 : memref<1x128xi32, #tpu.memory_space<vmem>> -> memref<128xi32, #tpu.memory_space<vmem>>
        %dma_wait3A_819 = arith.constant 0 : i32
        %dma_wait3A_820 = arith.constant 0 : i32
        %dma_wait3A_821 = tpu.memref_slice %arg22[%dma_wait3A_819, %dma_wait3A_820] : memref<10112x16xf32, #tpu.memory_space<vmem_shared>> -> memref<10112x16xf32, #tpu.memory_space<vmem_shared>>
        %dma_wait3A_822 = tpu.memref_slice %arg24[%dma_wait3A_815] : memref<13x!tpu.dma_semaphore, #tpu.memory_space<semaphore_mem>> -> memref<1x!tpu.dma_semaphore, #tpu.memory_space<semaphore_mem>>
        %dma_wait3A_823 = tpu.memref_squeeze %dma_wait3A_822 : memref<1x!tpu.dma_semaphore, #tpu.memory_space<semaphore_mem>> -> memref<!tpu.dma_semaphore, #tpu.memory_space<semaphore_mem>>
        tpu.wait_indirect_dma semaphore(%dma_wait3A_823 : memref<!tpu.dma_semaphore, #tpu.memory_space<semaphore_mem>>) src(%arg18 : memref<128x16xf32, #tpu.memory_space<vmem>>) dst(%dma_wait3A_821 : memref<10112x16xf32, #tpu.memory_space<vmem_shared>>)
        %add3A_824 = arith.constant 13 : i32
        %add3A_825 = arith.addi %add3A_814, %add3A_824 : i32
        %dma_start3A_826 = arith.constant 10 : i32
        %dma_start3A_827 = arith.constant 0 : i32
        %dma_start3A_828 = tpu.memref_slice %arg6[%add3A_825, %dma_start3A_827] : memref<78x128xi32, #tpu.memory_space<vmem>> -> memref<1x128xi32, #tpu.memory_space<vmem>>
        %dma_start3A_829 = tpu.memref_squeeze %dma_start3A_828 : memref<1x128xi32, #tpu.memory_space<vmem>> -> memref<128xi32, #tpu.memory_space<vmem>>
        %dma_start3A_830 = arith.constant 0 : i32
        %dma_start3A_831 = arith.constant 0 : i32
        %dma_start3A_832 = tpu.memref_slice %arg2[%dma_start3A_830, %dma_start3A_831] : memref<10000x16xf32, #tpu.memory_space<hbm>> -> memref<10000x16xf32, #tpu.memory_space<hbm>>
        %dma_start3A_833 = tpu.memref_slice %arg23[%dma_start3A_826] : memref<13x!tpu.dma_semaphore, #tpu.memory_space<semaphore_mem>> -> memref<1x!tpu.dma_semaphore, #tpu.memory_space<semaphore_mem>>
        %dma_start3A_834 = tpu.memref_squeeze %dma_start3A_833 : memref<1x!tpu.dma_semaphore, #tpu.memory_space<semaphore_mem>> -> memref<!tpu.dma_semaphore, #tpu.memory_space<semaphore_mem>>
        tpu.enqueue_indirect_dma source(%dma_start3A_832 : memref<10000x16xf32, #tpu.memory_space<hbm>>) target(%arg18 : memref<128x16xf32, #tpu.memory_space<vmem>>) offsets(%dma_start3A_829 : memref<128xi32, #tpu.memory_space<vmem>>) semaphore(%dma_start3A_834 : memref<!tpu.dma_semaphore, #tpu.memory_space<semaphore_mem>>)
        %add3A_835 = arith.constant 11 : i32
        %add3A_836 = arith.addi %mul3A_328, %add3A_835 : i32
        %dma_wait3A_837 = arith.constant 11 : i32
        %dma_wait3A_838 = arith.constant 0 : i32
        %dma_wait3A_839 = tpu.memref_slice %arg7[%add3A_836, %dma_wait3A_838] : memref<78x128xi32, #tpu.memory_space<vmem>> -> memref<1x128xi32, #tpu.memory_space<vmem>>
        %dma_wait3A_840 = tpu.memref_squeeze %dma_wait3A_839 : memref<1x128xi32, #tpu.memory_space<vmem>> -> memref<128xi32, #tpu.memory_space<vmem>>
        %dma_wait3A_841 = arith.constant 0 : i32
        %dma_wait3A_842 = arith.constant 0 : i32
        %dma_wait3A_843 = tpu.memref_slice %arg22[%dma_wait3A_841, %dma_wait3A_842] : memref<10112x16xf32, #tpu.memory_space<vmem_shared>> -> memref<10112x16xf32, #tpu.memory_space<vmem_shared>>
        %dma_wait3A_844 = tpu.memref_slice %arg24[%dma_wait3A_837] : memref<13x!tpu.dma_semaphore, #tpu.memory_space<semaphore_mem>> -> memref<1x!tpu.dma_semaphore, #tpu.memory_space<semaphore_mem>>
        %dma_wait3A_845 = tpu.memref_squeeze %dma_wait3A_844 : memref<1x!tpu.dma_semaphore, #tpu.memory_space<semaphore_mem>> -> memref<!tpu.dma_semaphore, #tpu.memory_space<semaphore_mem>>
        tpu.wait_indirect_dma semaphore(%dma_wait3A_845 : memref<!tpu.dma_semaphore, #tpu.memory_space<semaphore_mem>>) src(%arg19 : memref<128x16xf32, #tpu.memory_space<vmem>>) dst(%dma_wait3A_843 : memref<10112x16xf32, #tpu.memory_space<vmem_shared>>)
        %add3A_846 = arith.constant 13 : i32
        %add3A_847 = arith.addi %add3A_836, %add3A_846 : i32
        %dma_start3A_848 = arith.constant 11 : i32
        %dma_start3A_849 = arith.constant 0 : i32
        %dma_start3A_850 = tpu.memref_slice %arg6[%add3A_847, %dma_start3A_849] : memref<78x128xi32, #tpu.memory_space<vmem>> -> memref<1x128xi32, #tpu.memory_space<vmem>>
        %dma_start3A_851 = tpu.memref_squeeze %dma_start3A_850 : memref<1x128xi32, #tpu.memory_space<vmem>> -> memref<128xi32, #tpu.memory_space<vmem>>
        %dma_start3A_852 = arith.constant 0 : i32
        %dma_start3A_853 = arith.constant 0 : i32
        %dma_start3A_854 = tpu.memref_slice %arg2[%dma_start3A_852, %dma_start3A_853] : memref<10000x16xf32, #tpu.memory_space<hbm>> -> memref<10000x16xf32, #tpu.memory_space<hbm>>
        %dma_start3A_855 = tpu.memref_slice %arg23[%dma_start3A_848] : memref<13x!tpu.dma_semaphore, #tpu.memory_space<semaphore_mem>> -> memref<1x!tpu.dma_semaphore, #tpu.memory_space<semaphore_mem>>
        %dma_start3A_856 = tpu.memref_squeeze %dma_start3A_855 : memref<1x!tpu.dma_semaphore, #tpu.memory_space<semaphore_mem>> -> memref<!tpu.dma_semaphore, #tpu.memory_space<semaphore_mem>>
        tpu.enqueue_indirect_dma source(%dma_start3A_854 : memref<10000x16xf32, #tpu.memory_space<hbm>>) target(%arg19 : memref<128x16xf32, #tpu.memory_space<vmem>>) offsets(%dma_start3A_851 : memref<128xi32, #tpu.memory_space<vmem>>) semaphore(%dma_start3A_856 : memref<!tpu.dma_semaphore, #tpu.memory_space<semaphore_mem>>)
        %add3A_857 = arith.constant 12 : i32
        %add3A_858 = arith.addi %mul3A_328, %add3A_857 : i32
        %dma_wait3A_859 = arith.constant 12 : i32
        %dma_wait3A_860 = arith.constant 0 : i32
        %dma_wait3A_861 = tpu.memref_slice %arg7[%add3A_858, %dma_wait3A_860] : memref<78x128xi32, #tpu.memory_space<vmem>> -> memref<1x128xi32, #tpu.memory_space<vmem>>
        %dma_wait3A_862 = tpu.memref_squeeze %dma_wait3A_861 : memref<1x128xi32, #tpu.memory_space<vmem>> -> memref<128xi32, #tpu.memory_space<vmem>>
        %dma_wait3A_863 = arith.constant 0 : i32
        %dma_wait3A_864 = arith.constant 0 : i32
        %dma_wait3A_865 = tpu.memref_slice %arg22[%dma_wait3A_863, %dma_wait3A_864] : memref<10112x16xf32, #tpu.memory_space<vmem_shared>> -> memref<10112x16xf32, #tpu.memory_space<vmem_shared>>
        %dma_wait3A_866 = tpu.memref_slice %arg24[%dma_wait3A_859] : memref<13x!tpu.dma_semaphore, #tpu.memory_space<semaphore_mem>> -> memref<1x!tpu.dma_semaphore, #tpu.memory_space<semaphore_mem>>
        %dma_wait3A_867 = tpu.memref_squeeze %dma_wait3A_866 : memref<1x!tpu.dma_semaphore, #tpu.memory_space<semaphore_mem>> -> memref<!tpu.dma_semaphore, #tpu.memory_space<semaphore_mem>>
        tpu.wait_indirect_dma semaphore(%dma_wait3A_867 : memref<!tpu.dma_semaphore, #tpu.memory_space<semaphore_mem>>) src(%arg20 : memref<128x16xf32, #tpu.memory_space<vmem>>) dst(%dma_wait3A_865 : memref<10112x16xf32, #tpu.memory_space<vmem_shared>>)
        %add3A_868 = arith.constant 13 : i32
        %add3A_869 = arith.addi %add3A_858, %add3A_868 : i32
        %dma_start3A_870 = arith.constant 12 : i32
        %dma_start3A_871 = arith.constant 0 : i32
        %dma_start3A_872 = tpu.memref_slice %arg6[%add3A_869, %dma_start3A_871] : memref<78x128xi32, #tpu.memory_space<vmem>> -> memref<1x128xi32, #tpu.memory_space<vmem>>
        %dma_start3A_873 = tpu.memref_squeeze %dma_start3A_872 : memref<1x128xi32, #tpu.memory_space<vmem>> -> memref<128xi32, #tpu.memory_space<vmem>>
        %dma_start3A_874 = arith.constant 0 : i32
        %dma_start3A_875 = arith.constant 0 : i32
        %dma_start3A_876 = tpu.memref_slice %arg2[%dma_start3A_874, %dma_start3A_875] : memref<10000x16xf32, #tpu.memory_space<hbm>> -> memref<10000x16xf32, #tpu.memory_space<hbm>>
        %dma_start3A_877 = tpu.memref_slice %arg23[%dma_start3A_870] : memref<13x!tpu.dma_semaphore, #tpu.memory_space<semaphore_mem>> -> memref<1x!tpu.dma_semaphore, #tpu.memory_space<semaphore_mem>>
        %dma_start3A_878 = tpu.memref_squeeze %dma_start3A_877 : memref<1x!tpu.dma_semaphore, #tpu.memory_space<semaphore_mem>> -> memref<!tpu.dma_semaphore, #tpu.memory_space<semaphore_mem>>
        tpu.enqueue_indirect_dma source(%dma_start3A_876 : memref<10000x16xf32, #tpu.memory_space<hbm>>) target(%arg20 : memref<128x16xf32, #tpu.memory_space<vmem>>) offsets(%dma_start3A_873 : memref<128xi32, #tpu.memory_space<vmem>>) semaphore(%dma_start3A_878 : memref<!tpu.dma_semaphore, #tpu.memory_space<semaphore_mem>>)
      } else {
      }
    }
    %scan3A_184 = arith.constant 6 : i32
    %dma_wait3A_185 = arith.constant 65 : i32
    %dma_wait3A_186 = arith.constant 0 : i32
    %dma_wait3A_187 = arith.constant 0 : i32
    %dma_wait3A_188 = tpu.memref_slice %arg7[%dma_wait3A_185, %dma_wait3A_187] : memref<78x128xi32, #tpu.memory_space<vmem>> -> memref<1x128xi32, #tpu.memory_space<vmem>>
    %dma_wait3A_189 = tpu.memref_squeeze %dma_wait3A_188 : memref<1x128xi32, #tpu.memory_space<vmem>> -> memref<128xi32, #tpu.memory_space<vmem>>
    %dma_wait3A_190 = arith.constant 0 : i32
    %dma_wait3A_191 = arith.constant 0 : i32
    %dma_wait3A_192 = tpu.memref_slice %arg22[%dma_wait3A_190, %dma_wait3A_191] : memref<10112x16xf32, #tpu.memory_space<vmem_shared>> -> memref<10112x16xf32, #tpu.memory_space<vmem_shared>>
    %dma_wait3A_193 = tpu.memref_slice %arg24[%dma_wait3A_186] : memref<13x!tpu.dma_semaphore, #tpu.memory_space<semaphore_mem>> -> memref<1x!tpu.dma_semaphore, #tpu.memory_space<semaphore_mem>>
    %dma_wait3A_194 = tpu.memref_squeeze %dma_wait3A_193 : memref<1x!tpu.dma_semaphore, #tpu.memory_space<semaphore_mem>> -> memref<!tpu.dma_semaphore, #tpu.memory_space<semaphore_mem>>
    tpu.wait_indirect_dma semaphore(%dma_wait3A_194 : memref<!tpu.dma_semaphore, #tpu.memory_space<semaphore_mem>>) src(%arg8 : memref<128x16xf32, #tpu.memory_space<vmem>>) dst(%dma_wait3A_192 : memref<10112x16xf32, #tpu.memory_space<vmem_shared>>)
    %dma_wait3A_195 = arith.constant 66 : i32
    %dma_wait3A_196 = arith.constant 1 : i32
    %dma_wait3A_197 = arith.constant 0 : i32
    %dma_wait3A_198 = tpu.memref_slice %arg7[%dma_wait3A_195, %dma_wait3A_197] : memref<78x128xi32, #tpu.memory_space<vmem>> -> memref<1x128xi32, #tpu.memory_space<vmem>>
    %dma_wait3A_199 = tpu.memref_squeeze %dma_wait3A_198 : memref<1x128xi32, #tpu.memory_space<vmem>> -> memref<128xi32, #tpu.memory_space<vmem>>
    %dma_wait3A_200 = arith.constant 0 : i32
    %dma_wait3A_201 = arith.constant 0 : i32
    %dma_wait3A_202 = tpu.memref_slice %arg22[%dma_wait3A_200, %dma_wait3A_201] : memref<10112x16xf32, #tpu.memory_space<vmem_shared>> -> memref<10112x16xf32, #tpu.memory_space<vmem_shared>>
    %dma_wait3A_203 = tpu.memref_slice %arg24[%dma_wait3A_196] : memref<13x!tpu.dma_semaphore, #tpu.memory_space<semaphore_mem>> -> memref<1x!tpu.dma_semaphore, #tpu.memory_space<semaphore_mem>>
    %dma_wait3A_204 = tpu.memref_squeeze %dma_wait3A_203 : memref<1x!tpu.dma_semaphore, #tpu.memory_space<semaphore_mem>> -> memref<!tpu.dma_semaphore, #tpu.memory_space<semaphore_mem>>
    tpu.wait_indirect_dma semaphore(%dma_wait3A_204 : memref<!tpu.dma_semaphore, #tpu.memory_space<semaphore_mem>>) src(%arg9 : memref<128x16xf32, #tpu.memory_space<vmem>>) dst(%dma_wait3A_202 : memref<10112x16xf32, #tpu.memory_space<vmem_shared>>)
    %dma_wait3A_205 = arith.constant 67 : i32
    %dma_wait3A_206 = arith.constant 2 : i32
    %dma_wait3A_207 = arith.constant 0 : i32
    %dma_wait3A_208 = tpu.memref_slice %arg7[%dma_wait3A_205, %dma_wait3A_207] : memref<78x128xi32, #tpu.memory_space<vmem>> -> memref<1x128xi32, #tpu.memory_space<vmem>>
    %dma_wait3A_209 = tpu.memref_squeeze %dma_wait3A_208 : memref<1x128xi32, #tpu.memory_space<vmem>> -> memref<128xi32, #tpu.memory_space<vmem>>
    %dma_wait3A_210 = arith.constant 0 : i32
    %dma_wait3A_211 = arith.constant 0 : i32
    %dma_wait3A_212 = tpu.memref_slice %arg22[%dma_wait3A_210, %dma_wait3A_211] : memref<10112x16xf32, #tpu.memory_space<vmem_shared>> -> memref<10112x16xf32, #tpu.memory_space<vmem_shared>>
    %dma_wait3A_213 = tpu.memref_slice %arg24[%dma_wait3A_206] : memref<13x!tpu.dma_semaphore, #tpu.memory_space<semaphore_mem>> -> memref<1x!tpu.dma_semaphore, #tpu.memory_space<semaphore_mem>>
    %dma_wait3A_214 = tpu.memref_squeeze %dma_wait3A_213 : memref<1x!tpu.dma_semaphore, #tpu.memory_space<semaphore_mem>> -> memref<!tpu.dma_semaphore, #tpu.memory_space<semaphore_mem>>
    tpu.wait_indirect_dma semaphore(%dma_wait3A_214 : memref<!tpu.dma_semaphore, #tpu.memory_space<semaphore_mem>>) src(%arg10 : memref<128x16xf32, #tpu.memory_space<vmem>>) dst(%dma_wait3A_212 : memref<10112x16xf32, #tpu.memory_space<vmem_shared>>)
    %dma_wait3A_215 = arith.constant 68 : i32
    %dma_wait3A_216 = arith.constant 3 : i32
    %dma_wait3A_217 = arith.constant 0 : i32
    %dma_wait3A_218 = tpu.memref_slice %arg7[%dma_wait3A_215, %dma_wait3A_217] : memref<78x128xi32, #tpu.memory_space<vmem>> -> memref<1x128xi32, #tpu.memory_space<vmem>>
    %dma_wait3A_219 = tpu.memref_squeeze %dma_wait3A_218 : memref<1x128xi32, #tpu.memory_space<vmem>> -> memref<128xi32, #tpu.memory_space<vmem>>
    %dma_wait3A_220 = arith.constant 0 : i32
    %dma_wait3A_221 = arith.constant 0 : i32
    %dma_wait3A_222 = tpu.memref_slice %arg22[%dma_wait3A_220, %dma_wait3A_221] : memref<10112x16xf32, #tpu.memory_space<vmem_shared>> -> memref<10112x16xf32, #tpu.memory_space<vmem_shared>>
    %dma_wait3A_223 = tpu.memref_slice %arg24[%dma_wait3A_216] : memref<13x!tpu.dma_semaphore, #tpu.memory_space<semaphore_mem>> -> memref<1x!tpu.dma_semaphore, #tpu.memory_space<semaphore_mem>>
    %dma_wait3A_224 = tpu.memref_squeeze %dma_wait3A_223 : memref<1x!tpu.dma_semaphore, #tpu.memory_space<semaphore_mem>> -> memref<!tpu.dma_semaphore, #tpu.memory_space<semaphore_mem>>
    tpu.wait_indirect_dma semaphore(%dma_wait3A_224 : memref<!tpu.dma_semaphore, #tpu.memory_space<semaphore_mem>>) src(%arg11 : memref<128x16xf32, #tpu.memory_space<vmem>>) dst(%dma_wait3A_222 : memref<10112x16xf32, #tpu.memory_space<vmem_shared>>)
    %dma_wait3A_225 = arith.constant 69 : i32
    %dma_wait3A_226 = arith.constant 4 : i32
    %dma_wait3A_227 = arith.constant 0 : i32
    %dma_wait3A_228 = tpu.memref_slice %arg7[%dma_wait3A_225, %dma_wait3A_227] : memref<78x128xi32, #tpu.memory_space<vmem>> -> memref<1x128xi32, #tpu.memory_space<vmem>>
    %dma_wait3A_229 = tpu.memref_squeeze %dma_wait3A_228 : memref<1x128xi32, #tpu.memory_space<vmem>> -> memref<128xi32, #tpu.memory_space<vmem>>
    %dma_wait3A_230 = arith.constant 0 : i32
    %dma_wait3A_231 = arith.constant 0 : i32
    %dma_wait3A_232 = tpu.memref_slice %arg22[%dma_wait3A_230, %dma_wait3A_231] : memref<10112x16xf32, #tpu.memory_space<vmem_shared>> -> memref<10112x16xf32, #tpu.memory_space<vmem_shared>>
    %dma_wait3A_233 = tpu.memref_slice %arg24[%dma_wait3A_226] : memref<13x!tpu.dma_semaphore, #tpu.memory_space<semaphore_mem>> -> memref<1x!tpu.dma_semaphore, #tpu.memory_space<semaphore_mem>>
    %dma_wait3A_234 = tpu.memref_squeeze %dma_wait3A_233 : memref<1x!tpu.dma_semaphore, #tpu.memory_space<semaphore_mem>> -> memref<!tpu.dma_semaphore, #tpu.memory_space<semaphore_mem>>
    tpu.wait_indirect_dma semaphore(%dma_wait3A_234 : memref<!tpu.dma_semaphore, #tpu.memory_space<semaphore_mem>>) src(%arg12 : memref<128x16xf32, #tpu.memory_space<vmem>>) dst(%dma_wait3A_232 : memref<10112x16xf32, #tpu.memory_space<vmem_shared>>)
    %dma_wait3A_235 = arith.constant 70 : i32
    %dma_wait3A_236 = arith.constant 5 : i32
    %dma_wait3A_237 = arith.constant 0 : i32
    %dma_wait3A_238 = tpu.memref_slice %arg7[%dma_wait3A_235, %dma_wait3A_237] : memref<78x128xi32, #tpu.memory_space<vmem>> -> memref<1x128xi32, #tpu.memory_space<vmem>>
    %dma_wait3A_239 = tpu.memref_squeeze %dma_wait3A_238 : memref<1x128xi32, #tpu.memory_space<vmem>> -> memref<128xi32, #tpu.memory_space<vmem>>
    %dma_wait3A_240 = arith.constant 0 : i32
    %dma_wait3A_241 = arith.constant 0 : i32
    %dma_wait3A_242 = tpu.memref_slice %arg22[%dma_wait3A_240, %dma_wait3A_241] : memref<10112x16xf32, #tpu.memory_space<vmem_shared>> -> memref<10112x16xf32, #tpu.memory_space<vmem_shared>>
    %dma_wait3A_243 = tpu.memref_slice %arg24[%dma_wait3A_236] : memref<13x!tpu.dma_semaphore, #tpu.memory_space<semaphore_mem>> -> memref<1x!tpu.dma_semaphore, #tpu.memory_space<semaphore_mem>>
    %dma_wait3A_244 = tpu.memref_squeeze %dma_wait3A_243 : memref<1x!tpu.dma_semaphore, #tpu.memory_space<semaphore_mem>> -> memref<!tpu.dma_semaphore, #tpu.memory_space<semaphore_mem>>
    tpu.wait_indirect_dma semaphore(%dma_wait3A_244 : memref<!tpu.dma_semaphore, #tpu.memory_space<semaphore_mem>>) src(%arg13 : memref<128x16xf32, #tpu.memory_space<vmem>>) dst(%dma_wait3A_242 : memref<10112x16xf32, #tpu.memory_space<vmem_shared>>)
    %dma_wait3A_245 = arith.constant 71 : i32
    %dma_wait3A_246 = arith.constant 6 : i32
    %dma_wait3A_247 = arith.constant 0 : i32
    %dma_wait3A_248 = tpu.memref_slice %arg7[%dma_wait3A_245, %dma_wait3A_247] : memref<78x128xi32, #tpu.memory_space<vmem>> -> memref<1x128xi32, #tpu.memory_space<vmem>>
    %dma_wait3A_249 = tpu.memref_squeeze %dma_wait3A_248 : memref<1x128xi32, #tpu.memory_space<vmem>> -> memref<128xi32, #tpu.memory_space<vmem>>
    %dma_wait3A_250 = arith.constant 0 : i32
    %dma_wait3A_251 = arith.constant 0 : i32
    %dma_wait3A_252 = tpu.memref_slice %arg22[%dma_wait3A_250, %dma_wait3A_251] : memref<10112x16xf32, #tpu.memory_space<vmem_shared>> -> memref<10112x16xf32, #tpu.memory_space<vmem_shared>>
    %dma_wait3A_253 = tpu.memref_slice %arg24[%dma_wait3A_246] : memref<13x!tpu.dma_semaphore, #tpu.memory_space<semaphore_mem>> -> memref<1x!tpu.dma_semaphore, #tpu.memory_space<semaphore_mem>>
    %dma_wait3A_254 = tpu.memref_squeeze %dma_wait3A_253 : memref<1x!tpu.dma_semaphore, #tpu.memory_space<semaphore_mem>> -> memref<!tpu.dma_semaphore, #tpu.memory_space<semaphore_mem>>
    tpu.wait_indirect_dma semaphore(%dma_wait3A_254 : memref<!tpu.dma_semaphore, #tpu.memory_space<semaphore_mem>>) src(%arg14 : memref<128x16xf32, #tpu.memory_space<vmem>>) dst(%dma_wait3A_252 : memref<10112x16xf32, #tpu.memory_space<vmem_shared>>)
    %dma_wait3A_255 = arith.constant 72 : i32
    %dma_wait3A_256 = arith.constant 7 : i32
    %dma_wait3A_257 = arith.constant 0 : i32
    %dma_wait3A_258 = tpu.memref_slice %arg7[%dma_wait3A_255, %dma_wait3A_257] : memref<78x128xi32, #tpu.memory_space<vmem>> -> memref<1x128xi32, #tpu.memory_space<vmem>>
    %dma_wait3A_259 = tpu.memref_squeeze %dma_wait3A_258 : memref<1x128xi32, #tpu.memory_space<vmem>> -> memref<128xi32, #tpu.memory_space<vmem>>
    %dma_wait3A_260 = arith.constant 0 : i32
    %dma_wait3A_261 = arith.constant 0 : i32
    %dma_wait3A_262 = tpu.memref_slice %arg22[%dma_wait3A_260, %dma_wait3A_261] : memref<10112x16xf32, #tpu.memory_space<vmem_shared>> -> memref<10112x16xf32, #tpu.memory_space<vmem_shared>>
    %dma_wait3A_263 = tpu.memref_slice %arg24[%dma_wait3A_256] : memref<13x!tpu.dma_semaphore, #tpu.memory_space<semaphore_mem>> -> memref<1x!tpu.dma_semaphore, #tpu.memory_space<semaphore_mem>>
    %dma_wait3A_264 = tpu.memref_squeeze %dma_wait3A_263 : memref<1x!tpu.dma_semaphore, #tpu.memory_space<semaphore_mem>> -> memref<!tpu.dma_semaphore, #tpu.memory_space<semaphore_mem>>
    tpu.wait_indirect_dma semaphore(%dma_wait3A_264 : memref<!tpu.dma_semaphore, #tpu.memory_space<semaphore_mem>>) src(%arg15 : memref<128x16xf32, #tpu.memory_space<vmem>>) dst(%dma_wait3A_262 : memref<10112x16xf32, #tpu.memory_space<vmem_shared>>)
    %dma_wait3A_265 = arith.constant 73 : i32
    %dma_wait3A_266 = arith.constant 8 : i32
    %dma_wait3A_267 = arith.constant 0 : i32
    %dma_wait3A_268 = tpu.memref_slice %arg7[%dma_wait3A_265, %dma_wait3A_267] : memref<78x128xi32, #tpu.memory_space<vmem>> -> memref<1x128xi32, #tpu.memory_space<vmem>>
    %dma_wait3A_269 = tpu.memref_squeeze %dma_wait3A_268 : memref<1x128xi32, #tpu.memory_space<vmem>> -> memref<128xi32, #tpu.memory_space<vmem>>
    %dma_wait3A_270 = arith.constant 0 : i32
    %dma_wait3A_271 = arith.constant 0 : i32
    %dma_wait3A_272 = tpu.memref_slice %arg22[%dma_wait3A_270, %dma_wait3A_271] : memref<10112x16xf32, #tpu.memory_space<vmem_shared>> -> memref<10112x16xf32, #tpu.memory_space<vmem_shared>>
    %dma_wait3A_273 = tpu.memref_slice %arg24[%dma_wait3A_266] : memref<13x!tpu.dma_semaphore, #tpu.memory_space<semaphore_mem>> -> memref<1x!tpu.dma_semaphore, #tpu.memory_space<semaphore_mem>>
    %dma_wait3A_274 = tpu.memref_squeeze %dma_wait3A_273 : memref<1x!tpu.dma_semaphore, #tpu.memory_space<semaphore_mem>> -> memref<!tpu.dma_semaphore, #tpu.memory_space<semaphore_mem>>
    tpu.wait_indirect_dma semaphore(%dma_wait3A_274 : memref<!tpu.dma_semaphore, #tpu.memory_space<semaphore_mem>>) src(%arg16 : memref<128x16xf32, #tpu.memory_space<vmem>>) dst(%dma_wait3A_272 : memref<10112x16xf32, #tpu.memory_space<vmem_shared>>)
    %dma_wait3A_275 = arith.constant 74 : i32
    %dma_wait3A_276 = arith.constant 9 : i32
    %dma_wait3A_277 = arith.constant 0 : i32
    %dma_wait3A_278 = tpu.memref_slice %arg7[%dma_wait3A_275, %dma_wait3A_277] : memref<78x128xi32, #tpu.memory_space<vmem>> -> memref<1x128xi32, #tpu.memory_space<vmem>>
    %dma_wait3A_279 = tpu.memref_squeeze %dma_wait3A_278 : memref<1x128xi32, #tpu.memory_space<vmem>> -> memref<128xi32, #tpu.memory_space<vmem>>
    %dma_wait3A_280 = arith.constant 0 : i32
    %dma_wait3A_281 = arith.constant 0 : i32
    %dma_wait3A_282 = tpu.memref_slice %arg22[%dma_wait3A_280, %dma_wait3A_281] : memref<10112x16xf32, #tpu.memory_space<vmem_shared>> -> memref<10112x16xf32, #tpu.memory_space<vmem_shared>>
    %dma_wait3A_283 = tpu.memref_slice %arg24[%dma_wait3A_276] : memref<13x!tpu.dma_semaphore, #tpu.memory_space<semaphore_mem>> -> memref<1x!tpu.dma_semaphore, #tpu.memory_space<semaphore_mem>>
    %dma_wait3A_284 = tpu.memref_squeeze %dma_wait3A_283 : memref<1x!tpu.dma_semaphore, #tpu.memory_space<semaphore_mem>> -> memref<!tpu.dma_semaphore, #tpu.memory_space<semaphore_mem>>
    tpu.wait_indirect_dma semaphore(%dma_wait3A_284 : memref<!tpu.dma_semaphore, #tpu.memory_space<semaphore_mem>>) src(%arg17 : memref<128x16xf32, #tpu.memory_space<vmem>>) dst(%dma_wait3A_282 : memref<10112x16xf32, #tpu.memory_space<vmem_shared>>)
    %dma_wait3A_285 = arith.constant 75 : i32
    %dma_wait3A_286 = arith.constant 10 : i32
    %dma_wait3A_287 = arith.constant 0 : i32
    %dma_wait3A_288 = tpu.memref_slice %arg7[%dma_wait3A_285, %dma_wait3A_287] : memref<78x128xi32, #tpu.memory_space<vmem>> -> memref<1x128xi32, #tpu.memory_space<vmem>>
    %dma_wait3A_289 = tpu.memref_squeeze %dma_wait3A_288 : memref<1x128xi32, #tpu.memory_space<vmem>> -> memref<128xi32, #tpu.memory_space<vmem>>
    %dma_wait3A_290 = arith.constant 0 : i32
    %dma_wait3A_291 = arith.constant 0 : i32
    %dma_wait3A_292 = tpu.memref_slice %arg22[%dma_wait3A_290, %dma_wait3A_291] : memref<10112x16xf32, #tpu.memory_space<vmem_shared>> -> memref<10112x16xf32, #tpu.memory_space<vmem_shared>>
    %dma_wait3A_293 = tpu.memref_slice %arg24[%dma_wait3A_286] : memref<13x!tpu.dma_semaphore, #tpu.memory_space<semaphore_mem>> -> memref<1x!tpu.dma_semaphore, #tpu.memory_space<semaphore_mem>>
    %dma_wait3A_294 = tpu.memref_squeeze %dma_wait3A_293 : memref<1x!tpu.dma_semaphore, #tpu.memory_space<semaphore_mem>> -> memref<!tpu.dma_semaphore, #tpu.memory_space<semaphore_mem>>
    tpu.wait_indirect_dma semaphore(%dma_wait3A_294 : memref<!tpu.dma_semaphore, #tpu.memory_space<semaphore_mem>>) src(%arg18 : memref<128x16xf32, #tpu.memory_space<vmem>>) dst(%dma_wait3A_292 : memref<10112x16xf32, #tpu.memory_space<vmem_shared>>)
    %dma_wait3A_295 = arith.constant 76 : i32
    %dma_wait3A_296 = arith.constant 11 : i32
    %dma_wait3A_297 = arith.constant 0 : i32
    %dma_wait3A_298 = tpu.memref_slice %arg7[%dma_wait3A_295, %dma_wait3A_297] : memref<78x128xi32, #tpu.memory_space<vmem>> -> memref<1x128xi32, #tpu.memory_space<vmem>>
    %dma_wait3A_299 = tpu.memref_squeeze %dma_wait3A_298 : memref<1x128xi32, #tpu.memory_space<vmem>> -> memref<128xi32, #tpu.memory_space<vmem>>
    %dma_wait3A_300 = arith.constant 0 : i32
    %dma_wait3A_301 = arith.constant 0 : i32
    %dma_wait3A_302 = tpu.memref_slice %arg22[%dma_wait3A_300, %dma_wait3A_301] : memref<10112x16xf32, #tpu.memory_space<vmem_shared>> -> memref<10112x16xf32, #tpu.memory_space<vmem_shared>>
    %dma_wait3A_303 = tpu.memref_slice %arg24[%dma_wait3A_296] : memref<13x!tpu.dma_semaphore, #tpu.memory_space<semaphore_mem>> -> memref<1x!tpu.dma_semaphore, #tpu.memory_space<semaphore_mem>>
    %dma_wait3A_304 = tpu.memref_squeeze %dma_wait3A_303 : memref<1x!tpu.dma_semaphore, #tpu.memory_space<semaphore_mem>> -> memref<!tpu.dma_semaphore, #tpu.memory_space<semaphore_mem>>
    tpu.wait_indirect_dma semaphore(%dma_wait3A_304 : memref<!tpu.dma_semaphore, #tpu.memory_space<semaphore_mem>>) src(%arg19 : memref<128x16xf32, #tpu.memory_space<vmem>>) dst(%dma_wait3A_302 : memref<10112x16xf32, #tpu.memory_space<vmem_shared>>)
    %dma_wait3A_305 = arith.constant 77 : i32
    %dma_wait3A_306 = arith.constant 12 : i32
    %dma_wait3A_307 = arith.constant 0 : i32
    %dma_wait3A_308 = tpu.memref_slice %arg7[%dma_wait3A_305, %dma_wait3A_307] : memref<78x128xi32, #tpu.memory_space<vmem>> -> memref<1x128xi32, #tpu.memory_space<vmem>>
    %dma_wait3A_309 = tpu.memref_squeeze %dma_wait3A_308 : memref<1x128xi32, #tpu.memory_space<vmem>> -> memref<128xi32, #tpu.memory_space<vmem>>
    %dma_wait3A_310 = arith.constant 0 : i32
    %dma_wait3A_311 = arith.constant 0 : i32
    %dma_wait3A_312 = tpu.memref_slice %arg22[%dma_wait3A_310, %dma_wait3A_311] : memref<10112x16xf32, #tpu.memory_space<vmem_shared>> -> memref<10112x16xf32, #tpu.memory_space<vmem_shared>>
    %dma_wait3A_313 = tpu.memref_slice %arg24[%dma_wait3A_306] : memref<13x!tpu.dma_semaphore, #tpu.memory_space<semaphore_mem>> -> memref<1x!tpu.dma_semaphore, #tpu.memory_space<semaphore_mem>>
    %dma_wait3A_314 = tpu.memref_squeeze %dma_wait3A_313 : memref<1x!tpu.dma_semaphore, #tpu.memory_space<semaphore_mem>> -> memref<!tpu.dma_semaphore, #tpu.memory_space<semaphore_mem>>
    tpu.wait_indirect_dma semaphore(%dma_wait3A_314 : memref<!tpu.dma_semaphore, #tpu.memory_space<semaphore_mem>>) src(%arg20 : memref<128x16xf32, #tpu.memory_space<vmem>>) dst(%dma_wait3A_312 : memref<10112x16xf32, #tpu.memory_space<vmem_shared>>)
    %ge3A = arith.constant 28 : i32
    %ge3A_315 = arith.cmpi sge, %add3A, %ge3A : i32
    %convert_element_type3A = arith.extui %ge3A_315 : i1 to i32
    %cond3A = arith.constant 0 : i32
    %cond3A_316 = arith.cmpi ne, %convert_element_type3A, %cond3A : i32
    scf.if %cond3A_316 {
      %add3A_322 = arith.constant 2468 : i32
      %add3A_323 = arith.addi %add3A_322, %add3A : i32
      %run_scoped3A = arith.constant 0 : i32
      %run_scoped3A_324 = arith.constant 0 : i32
      "tpu.region"() ({
        %run_scoped3A_329 = tpu.sem_alloc : memref<!tpu.dma_semaphore, #tpu.memory_space<semaphore_mem>>
        %dma_start3A_330 = arith.constant 0 : i32
        %dma_start3A_331 = tpu.memref_slice %arg6[%run_scoped3A_324, %dma_start3A_330] : memref<78x128xi32, #tpu.memory_space<vmem>> -> memref<1x128xi32, #tpu.memory_space<vmem>>
        %dma_start3A_332 = tpu.memref_squeeze %dma_start3A_331 : memref<1x128xi32, #tpu.memory_space<vmem>> -> memref<128xi32, #tpu.memory_space<vmem>>
        %dma_start3A_333 = arith.constant 0 : i32
        %dma_start3A_334 = tpu.memref_slice %arg3[%run_scoped3A, %add3A_323, %dma_start3A_333] : memref<2x2500x128xi32, #tpu.memory_space<hbm>> -> memref<1x1x128xi32, #tpu.memory_space<hbm>>
        %dma_start3A_335 = tpu.memref_squeeze %dma_start3A_334 : memref<1x1x128xi32, #tpu.memory_space<hbm>> -> memref<128xi32, #tpu.memory_space<hbm>>
        %dma_start3A_336 = arith.constant 0 : i32
        %dma_start3A_337 = tpu.memref_slice %arg6[%run_scoped3A_324, %dma_start3A_336] : memref<78x128xi32, #tpu.memory_space<vmem>> -> memref<1x128xi32, #tpu.memory_space<vmem>>
        %dma_start3A_338 = tpu.memref_squeeze %dma_start3A_337 : memref<1x128xi32, #tpu.memory_space<vmem>> -> memref<128xi32, #tpu.memory_space<vmem>>
        %dma_start3A_339 = arith.constant 0 : i32
        %dma_start3A_340 = tpu.memref_slice %arg3[%run_scoped3A, %add3A_323, %dma_start3A_339] : memref<2x2500x128xi32, #tpu.memory_space<hbm>> -> memref<1x1x128xi32, #tpu.memory_space<hbm>>
        %dma_start3A_341 = tpu.memref_squeeze %dma_start3A_340 : memref<1x1x128xi32, #tpu.memory_space<hbm>> -> memref<128xi32, #tpu.memory_space<hbm>>
        tpu.enqueue_dma source(%dma_start3A_341 : memref<128xi32, #tpu.memory_space<hbm>>) target(%dma_start3A_338 : memref<128xi32, #tpu.memory_space<vmem>>) target_semaphore(%run_scoped3A_329 : memref<!tpu.dma_semaphore, #tpu.memory_space<semaphore_mem>>)
        %dma_wait3A_342 = arith.constant 0 : i32
        %dma_wait3A_343 = tpu.memref_slice %arg6[%run_scoped3A_324, %dma_wait3A_342] : memref<78x128xi32, #tpu.memory_space<vmem>> -> memref<1x128xi32, #tpu.memory_space<vmem>>
        %dma_wait3A_344 = tpu.memref_squeeze %dma_wait3A_343 : memref<1x128xi32, #tpu.memory_space<vmem>> -> memref<128xi32, #tpu.memory_space<vmem>>
        %dma_wait3A_345 = arith.constant 0 : i32
        %dma_wait3A_346 = tpu.memref_slice %arg3[%run_scoped3A, %add3A_323, %dma_wait3A_345] : memref<2x2500x128xi32, #tpu.memory_space<hbm>> -> memref<1x1x128xi32, #tpu.memory_space<hbm>>
        %dma_wait3A_347 = tpu.memref_squeeze %dma_wait3A_346 : memref<1x1x128xi32, #tpu.memory_space<hbm>> -> memref<128xi32, #tpu.memory_space<hbm>>
        %dma_wait3A_348 = arith.constant 0 : i32
        %dma_wait3A_349 = tpu.memref_slice %arg6[%run_scoped3A_324, %dma_wait3A_348] : memref<78x128xi32, #tpu.memory_space<vmem>> -> memref<1x128xi32, #tpu.memory_space<vmem>>
        %dma_wait3A_350 = tpu.memref_squeeze %dma_wait3A_349 : memref<1x128xi32, #tpu.memory_space<vmem>> -> memref<128xi32, #tpu.memory_space<vmem>>
        %dma_wait3A_351 = arith.constant 0 : i32
        %dma_wait3A_352 = tpu.memref_slice %arg3[%run_scoped3A, %add3A_323, %dma_wait3A_351] : memref<2x2500x128xi32, #tpu.memory_space<hbm>> -> memref<1x1x128xi32, #tpu.memory_space<hbm>>
        %dma_wait3A_353 = tpu.memref_squeeze %dma_wait3A_352 : memref<1x1x128xi32, #tpu.memory_space<hbm>> -> memref<128xi32, #tpu.memory_space<hbm>>
        tpu.wait_dma2 semaphore(%run_scoped3A_329 : memref<!tpu.dma_semaphore, #tpu.memory_space<semaphore_mem>>) src(%dma_wait3A_353 : memref<128xi32, #tpu.memory_space<hbm>>) dst(%dma_wait3A_350 : memref<128xi32, #tpu.memory_space<vmem>>)
        tpu.yield
      }) : () -> ()
      %run_scoped3A_325 = arith.constant 1 : i32
      %run_scoped3A_326 = arith.constant 0 : i32
      "tpu.region"() ({
        %run_scoped3A_329 = tpu.sem_alloc : memref<!tpu.dma_semaphore, #tpu.memory_space<semaphore_mem>>
        %dma_start3A_330 = arith.constant 0 : i32
        %dma_start3A_331 = tpu.memref_slice %arg7[%run_scoped3A_326, %dma_start3A_330] : memref<78x128xi32, #tpu.memory_space<vmem>> -> memref<1x128xi32, #tpu.memory_space<vmem>>
        %dma_start3A_332 = tpu.memref_squeeze %dma_start3A_331 : memref<1x128xi32, #tpu.memory_space<vmem>> -> memref<128xi32, #tpu.memory_space<vmem>>
        %dma_start3A_333 = arith.constant 0 : i32
        %dma_start3A_334 = tpu.memref_slice %arg3[%run_scoped3A_325, %add3A_323, %dma_start3A_333] : memref<2x2500x128xi32, #tpu.memory_space<hbm>> -> memref<1x1x128xi32, #tpu.memory_space<hbm>>
        %dma_start3A_335 = tpu.memref_squeeze %dma_start3A_334 : memref<1x1x128xi32, #tpu.memory_space<hbm>> -> memref<128xi32, #tpu.memory_space<hbm>>
        %dma_start3A_336 = arith.constant 0 : i32
        %dma_start3A_337 = tpu.memref_slice %arg7[%run_scoped3A_326, %dma_start3A_336] : memref<78x128xi32, #tpu.memory_space<vmem>> -> memref<1x128xi32, #tpu.memory_space<vmem>>
        %dma_start3A_338 = tpu.memref_squeeze %dma_start3A_337 : memref<1x128xi32, #tpu.memory_space<vmem>> -> memref<128xi32, #tpu.memory_space<vmem>>
        %dma_start3A_339 = arith.constant 0 : i32
        %dma_start3A_340 = tpu.memref_slice %arg3[%run_scoped3A_325, %add3A_323, %dma_start3A_339] : memref<2x2500x128xi32, #tpu.memory_space<hbm>> -> memref<1x1x128xi32, #tpu.memory_space<hbm>>
        %dma_start3A_341 = tpu.memref_squeeze %dma_start3A_340 : memref<1x1x128xi32, #tpu.memory_space<hbm>> -> memref<128xi32, #tpu.memory_space<hbm>>
        tpu.enqueue_dma source(%dma_start3A_341 : memref<128xi32, #tpu.memory_space<hbm>>) target(%dma_start3A_338 : memref<128xi32, #tpu.memory_space<vmem>>) target_semaphore(%run_scoped3A_329 : memref<!tpu.dma_semaphore, #tpu.memory_space<semaphore_mem>>)
        %dma_wait3A_342 = arith.constant 0 : i32
        %dma_wait3A_343 = tpu.memref_slice %arg7[%run_scoped3A_326, %dma_wait3A_342] : memref<78x128xi32, #tpu.memory_space<vmem>> -> memref<1x128xi32, #tpu.memory_space<vmem>>
        %dma_wait3A_344 = tpu.memref_squeeze %dma_wait3A_343 : memref<1x128xi32, #tpu.memory_space<vmem>> -> memref<128xi32, #tpu.memory_space<vmem>>
        %dma_wait3A_345 = arith.constant 0 : i32
        %dma_wait3A_346 = tpu.memref_slice %arg3[%run_scoped3A_325, %add3A_323, %dma_wait3A_345] : memref<2x2500x128xi32, #tpu.memory_space<hbm>> -> memref<1x1x128xi32, #tpu.memory_space<hbm>>
        %dma_wait3A_347 = tpu.memref_squeeze %dma_wait3A_346 : memref<1x1x128xi32, #tpu.memory_space<hbm>> -> memref<128xi32, #tpu.memory_space<hbm>>
        %dma_wait3A_348 = arith.constant 0 : i32
        %dma_wait3A_349 = tpu.memref_slice %arg7[%run_scoped3A_326, %dma_wait3A_348] : memref<78x128xi32, #tpu.memory_space<vmem>> -> memref<1x128xi32, #tpu.memory_space<vmem>>
        %dma_wait3A_350 = tpu.memref_squeeze %dma_wait3A_349 : memref<1x128xi32, #tpu.memory_space<vmem>> -> memref<128xi32, #tpu.memory_space<vmem>>
        %dma_wait3A_351 = arith.constant 0 : i32
        %dma_wait3A_352 = tpu.memref_slice %arg3[%run_scoped3A_325, %add3A_323, %dma_wait3A_351] : memref<2x2500x128xi32, #tpu.memory_space<hbm>> -> memref<1x1x128xi32, #tpu.memory_space<hbm>>
        %dma_wait3A_353 = tpu.memref_squeeze %dma_wait3A_352 : memref<1x1x128xi32, #tpu.memory_space<hbm>> -> memref<128xi32, #tpu.memory_space<hbm>>
        tpu.wait_dma2 semaphore(%run_scoped3A_329 : memref<!tpu.dma_semaphore, #tpu.memory_space<semaphore_mem>>) src(%dma_wait3A_353 : memref<128xi32, #tpu.memory_space<hbm>>) dst(%dma_wait3A_350 : memref<128xi32, #tpu.memory_space<vmem>>)
        tpu.yield
      }) : () -> ()
      %run_scoped3A_327 = arith.constant 0 : i32
      "tpu.region"() ({
        %run_scoped3A_329 = tpu.sem_alloc : memref<!tpu.dma_semaphore, #tpu.memory_space<semaphore_mem>>
        %dma_start3A_330 = arith.constant 0 : i32
        %dma_start3A_331 = tpu.memref_slice %arg6[%run_scoped3A_327, %dma_start3A_330] : memref<78x128xi32, #tpu.memory_space<vmem>> -> memref<1x128xi32, #tpu.memory_space<vmem>>
        %dma_start3A_332 = tpu.memref_squeeze %dma_start3A_331 : memref<1x128xi32, #tpu.memory_space<vmem>> -> memref<128xi32, #tpu.memory_space<vmem>>
        %dma_start3A_333 = arith.constant 0 : i32
        %dma_start3A_334 = arith.constant 0 : i32
        %dma_start3A_335 = tpu.memref_slice %arg2[%dma_start3A_333, %dma_start3A_334] : memref<10000x16xf32, #tpu.memory_space<hbm>> -> memref<10000x16xf32, #tpu.memory_space<hbm>>
        tpu.enqueue_indirect_dma source(%dma_start3A_335 : memref<10000x16xf32, #tpu.memory_space<hbm>>) target(%arg8 : memref<128x16xf32, #tpu.memory_space<vmem>>) offsets(%dma_start3A_332 : memref<128xi32, #tpu.memory_space<vmem>>) semaphore(%run_scoped3A_329 : memref<!tpu.dma_semaphore, #tpu.memory_space<semaphore_mem>>)
        %dma_wait3A_336 = arith.constant 0 : i32
        %dma_wait3A_337 = tpu.memref_slice %arg6[%run_scoped3A_327, %dma_wait3A_336] : memref<78x128xi32, #tpu.memory_space<vmem>> -> memref<1x128xi32, #tpu.memory_space<vmem>>
        %dma_wait3A_338 = tpu.memref_squeeze %dma_wait3A_337 : memref<1x128xi32, #tpu.memory_space<vmem>> -> memref<128xi32, #tpu.memory_space<vmem>>
        %dma_wait3A_339 = arith.constant 0 : i32
        %dma_wait3A_340 = arith.constant 0 : i32
        %dma_wait3A_341 = tpu.memref_slice %arg2[%dma_wait3A_339, %dma_wait3A_340] : memref<10000x16xf32, #tpu.memory_space<hbm>> -> memref<10000x16xf32, #tpu.memory_space<hbm>>
        tpu.wait_indirect_dma semaphore(%run_scoped3A_329 : memref<!tpu.dma_semaphore, #tpu.memory_space<semaphore_mem>>) src(%dma_wait3A_341 : memref<10000x16xf32, #tpu.memory_space<hbm>>) dst(%arg8 : memref<128x16xf32, #tpu.memory_space<vmem>>)
        tpu.yield
      }) : () -> ()
      %run_scoped3A_328 = arith.constant 0 : i32
      "tpu.region"() ({
        %run_scoped3A_329 = tpu.sem_alloc : memref<!tpu.dma_semaphore, #tpu.memory_space<semaphore_mem>>
        %dma_start3A_330 = arith.constant 0 : i32
        %dma_start3A_331 = tpu.memref_slice %arg7[%run_scoped3A_328, %dma_start3A_330] : memref<78x128xi32, #tpu.memory_space<vmem>> -> memref<1x128xi32, #tpu.memory_space<vmem>>
        %dma_start3A_332 = tpu.memref_squeeze %dma_start3A_331 : memref<1x128xi32, #tpu.memory_space<vmem>> -> memref<128xi32, #tpu.memory_space<vmem>>
        %dma_start3A_333 = arith.constant 0 : i32
        %dma_start3A_334 = arith.constant 0 : i32
        %dma_start3A_335 = tpu.memref_slice %arg22[%dma_start3A_333, %dma_start3A_334] : memref<10112x16xf32, #tpu.memory_space<vmem_shared>> -> memref<10112x16xf32, #tpu.memory_space<vmem_shared>>
        tpu.enqueue_indirect_dma source(%arg8 : memref<128x16xf32, #tpu.memory_space<vmem>>) target(%dma_start3A_335 : memref<10112x16xf32, #tpu.memory_space<vmem_shared>>) offsets(%dma_start3A_332 : memref<128xi32, #tpu.memory_space<vmem>>) semaphore(%run_scoped3A_329 : memref<!tpu.dma_semaphore, #tpu.memory_space<semaphore_mem>>) {add = true}
        %dma_wait3A_336 = arith.constant 0 : i32
        %dma_wait3A_337 = tpu.memref_slice %arg7[%run_scoped3A_328, %dma_wait3A_336] : memref<78x128xi32, #tpu.memory_space<vmem>> -> memref<1x128xi32, #tpu.memory_space<vmem>>
        %dma_wait3A_338 = tpu.memref_squeeze %dma_wait3A_337 : memref<1x128xi32, #tpu.memory_space<vmem>> -> memref<128xi32, #tpu.memory_space<vmem>>
        %dma_wait3A_339 = arith.constant 0 : i32
        %dma_wait3A_340 = arith.constant 0 : i32
        %dma_wait3A_341 = tpu.memref_slice %arg22[%dma_wait3A_339, %dma_wait3A_340] : memref<10112x16xf32, #tpu.memory_space<vmem_shared>> -> memref<10112x16xf32, #tpu.memory_space<vmem_shared>>
        tpu.wait_indirect_dma semaphore(%run_scoped3A_329 : memref<!tpu.dma_semaphore, #tpu.memory_space<semaphore_mem>>) src(%arg8 : memref<128x16xf32, #tpu.memory_space<vmem>>) dst(%dma_wait3A_341 : memref<10112x16xf32, #tpu.memory_space<vmem_shared>>)
        tpu.yield
      }) : () -> ()
    } else {
    }
    %barrier3A_317 = arith.constant 0 : index
    tpu.barrier barrier_id(%barrier3A_317)
    %mul3A_318 = arith.constant 632 : i32
    %mul3A_319 = arith.muli %arg1, %mul3A_318 : i32
    %mul3A_320 = arith.constant 632 : i32
    %mul3A_321 = arith.muli %arg1, %mul3A_320 : i32
    "tpu.region"() ({
      %run_scoped3A = tpu.sem_alloc : memref<!tpu.dma_semaphore, #tpu.memory_space<semaphore_mem>>
      %dma_start3A_322 = arith.constant 0 : i32
      %dma_start3A_323 = tpu.memref_slice %arg5[%arg0, %mul3A_321, %dma_start3A_322] : memref<2x10112x16xf32, #tpu.memory_space<hbm>> -> memref<1x632x16xf32, #tpu.memory_space<hbm>>
      %dma_start3A_324 = tpu.memref_squeeze %dma_start3A_323 : memref<1x632x16xf32, #tpu.memory_space<hbm>> -> memref<632x16xf32, #tpu.memory_space<hbm>>
      %dma_start3A_325 = arith.constant 0 : i32
      %dma_start3A_326 = tpu.memref_slice %arg22[%mul3A_319, %dma_start3A_325] : memref<10112x16xf32, #tpu.memory_space<vmem_shared>> -> memref<632x16xf32, #tpu.memory_space<vmem_shared>>
      tpu.enqueue_dma source(%dma_start3A_326 : memref<632x16xf32, #tpu.memory_space<vmem_shared>>) target(%dma_start3A_324 : memref<632x16xf32, #tpu.memory_space<hbm>>) target_semaphore(%run_scoped3A : memref<!tpu.dma_semaphore, #tpu.memory_space<semaphore_mem>>)
      %dma_wait3A_327 = arith.constant 0 : i32
      %dma_wait3A_328 = tpu.memref_slice %arg5[%arg0, %mul3A_321, %dma_wait3A_327] : memref<2x10112x16xf32, #tpu.memory_space<hbm>> -> memref<1x632x16xf32, #tpu.memory_space<hbm>>
      %dma_wait3A_329 = tpu.memref_squeeze %dma_wait3A_328 : memref<1x632x16xf32, #tpu.memory_space<hbm>> -> memref<632x16xf32, #tpu.memory_space<hbm>>
      %dma_wait3A_330 = arith.constant 0 : i32
      %dma_wait3A_331 = tpu.memref_slice %arg22[%mul3A_319, %dma_wait3A_330] : memref<10112x16xf32, #tpu.memory_space<vmem_shared>> -> memref<632x16xf32, #tpu.memory_space<vmem_shared>>
      tpu.wait_dma2 semaphore(%run_scoped3A : memref<!tpu.dma_semaphore, #tpu.memory_space<semaphore_mem>>) src(%dma_wait3A_331 : memref<632x16xf32, #tpu.memory_space<vmem_shared>>) dst(%dma_wait3A_329 : memref<632x16xf32, #tpu.memory_space<hbm>>)
      tpu.yield
    }) : () -> ()
    return
  }
}

module attributes {stable_mosaic.version = 14 : i64} {
  func.func @_norm_body(%arg0: memref<2x1264x128xf32, #tpu.memory_space<vmem>>, %arg1: memref<1250x128xf32, #tpu.memory_space<vmem>>, %arg2: memref<1x128xf32, #tpu.memory_space<vmem>>, %arg3: memref<1250x128xf32, #tpu.memory_space<vmem>>, %arg4: memref<1250x128xf32, #tpu.memory_space<vmem>>, %arg5: memref<1250x128xf32, #tpu.memory_space<vmem>>) attributes {dimension_semantics = [], scalar_prefetch = 0 : i64, scratch_operands = 0 : i64, tpu.core_type = #tpu.core_type<tc>} {
    %get3A = arith.constant 0 : index
    %get3A_0 = arith.constant 0 : index
    %get3A_1 = arith.constant 0 : index
    %get3A_2 = vector.load %arg0[%get3A, %get3A_0, %get3A_1] : memref<2x1264x128xf32, #tpu.memory_space<vmem>>, vector<2x1264x128xf32>
    %slice3A = vector.extract_strided_slice %get3A_2 {offsets = [0, 0, 0], sizes = [1, 1250, 128], strides = [1, 1, 1]} : vector<2x1264x128xf32> to vector<1x1250x128xf32>
    %squeeze3A = vector.shape_cast %slice3A : vector<1x1250x128xf32> to vector<1250x128xf32>
    %slice3A_3 = vector.extract_strided_slice %get3A_2 {offsets = [1, 0, 0], sizes = [1, 1250, 128], strides = [1, 1, 1]} : vector<2x1264x128xf32> to vector<1x1250x128xf32>
    %squeeze3A_4 = vector.shape_cast %slice3A_3 : vector<1x1250x128xf32> to vector<1250x128xf32>
    %add3A = arith.addf %squeeze3A, %squeeze3A_4 : vector<1250x128xf32>
    %add3A_5 = arith.constant 1.000000e+00 : f32
    %add3A_6 = vector.broadcast %add3A_5 : f32 to vector<1250x128xf32>
    %add3A_7 = arith.addf %add3A, %add3A_6 : vector<1250x128xf32>
    %sqrt3A = math.sqrt %add3A_7 : vector<1250x128xf32>
    %div3A = arith.constant 1.000000e+00 : f32
    %div3A_8 = vector.broadcast %div3A : f32 to vector<1250x128xf32>
    %div3A_9 = arith.divf %div3A_8, %sqrt3A : vector<1250x128xf32>
    %get3A_10 = arith.constant 0 : index
    %get3A_11 = arith.constant 0 : index
    %get3A_12 = vector.load %arg1[%get3A_10, %get3A_11] : memref<1250x128xf32, #tpu.memory_space<vmem>>, vector<1250x128xf32>
    %mul3A = arith.mulf %div3A_9, %get3A_12 : vector<1250x128xf32>
    %swap3A = arith.constant 0 : index
    %swap3A_13 = arith.constant 0 : index
    %swap3A_14 = vector.load %arg3[%swap3A, %swap3A_13] : memref<1250x128xf32, #tpu.memory_space<vmem>>, vector<1250x128xf32>
    tpu.vector_store %arg3[%swap3A, %swap3A_13], %mul3A {strides = array<i32>} : memref<1250x128xf32, #tpu.memory_space<vmem>>, vector<1250x128xf32>,
    %swap3A_15 = arith.constant 0 : index
    %swap3A_16 = arith.constant 0 : index
    %swap3A_17 = vector.load %arg4[%swap3A_15, %swap3A_16] : memref<1250x128xf32, #tpu.memory_space<vmem>>, vector<1250x128xf32>
    tpu.vector_store %arg4[%swap3A_15, %swap3A_16], %div3A_9 {strides = array<i32>} : memref<1250x128xf32, #tpu.memory_space<vmem>>, vector<1250x128xf32>,
    %mul3A_18 = arith.mulf %div3A_9, %div3A_9 : vector<1250x128xf32>
    %mul3A_19 = arith.mulf %mul3A_18, %get3A_12 : vector<1250x128xf32>
    %get3A_20 = arith.constant 0 : index
    %get3A_21 = arith.constant 0 : index
    %get3A_22 = vector.load %arg2[%get3A_20, %get3A_21] : memref<1x128xf32, #tpu.memory_space<vmem>>, vector<1x128xf32>
    %add3A_23 = vector.broadcast %get3A_22 : vector<1x128xf32> to vector<1250x128xf32>
    %add3A_24 = arith.addf %mul3A_19, %add3A_23 : vector<1250x128xf32>
    %swap3A_25 = arith.constant 0 : index
    %swap3A_26 = arith.constant 0 : index
    %swap3A_27 = vector.load %arg5[%swap3A_25, %swap3A_26] : memref<1250x128xf32, #tpu.memory_space<vmem>>, vector<1250x128xf32>
    tpu.vector_store %arg5[%swap3A_25, %swap3A_26], %add3A_24 {strides = array<i32>} : memref<1250x128xf32, #tpu.memory_space<vmem>>, vector<1250x128xf32>,
    return
  }
}

module attributes {stable_mosaic.version = 14 : i64} {
  func.func @_mm_body(%arg0: memref<1250x1024xf32, #tpu.memory_space<vmem>>, %arg1: memref<1024x128xf32, #tpu.memory_space<vmem>>, %arg2: memref<1250x128xf32, #tpu.memory_space<vmem>>) attributes {dimension_semantics = [], scalar_prefetch = 0 : i64, scratch_operands = 0 : i64, tpu.core_type = #tpu.core_type<tc>} {
    %get3A = arith.constant 0 : index
    %get3A_0 = arith.constant 0 : index
    %get3A_1 = vector.load %arg0[%get3A, %get3A_0] : memref<1250x1024xf32, #tpu.memory_space<vmem>>, vector<1250x1024xf32>
    %get3A_2 = arith.constant 0 : index
    %get3A_3 = arith.constant 0 : index
    %get3A_4 = vector.load %arg1[%get3A_2, %get3A_3] : memref<1024x128xf32, #tpu.memory_space<vmem>>, vector<1024x128xf32>
    %dot_general3A = arith.constant dense<0.000000e+00> : vector<1250x128xf32>
    %dot_general3A_5 = tpu.matmul %get3A_1, %get3A_4, %dot_general3A {dimension_numbers = #tpu.dot_dimension_numbers<[1], [0], [0], [1], [0, 0, 1, 1], [], []>, transpose_lhs_hint = false} : vector<1250x1024xf32>, vector<1024x128xf32>, vector<1250x128xf32> -> vector<1250x128xf32>
    %swap3A = arith.constant 0 : index
    %swap3A_6 = arith.constant 0 : index
    %swap3A_7 = vector.load %arg2[%swap3A, %swap3A_6] : memref<1250x128xf32, #tpu.memory_space<vmem>>, vector<1250x128xf32>
    tpu.vector_store %arg2[%swap3A, %swap3A_6], %dot_general3A_5 {strides = array<i32>} : memref<1250x128xf32, #tpu.memory_space<vmem>>, vector<1250x128xf32>,
    return
  }
}

module attributes {stable_mosaic.version = 14 : i64} {
  func.func @_mid_body(%arg0: memref<2x1264x128xf32, #tpu.memory_space<vmem>>, %arg1: memref<1250x128xf32, #tpu.memory_space<vmem>>, %arg2: memref<1250x128xf32, #tpu.memory_space<vmem>>, %arg3: memref<128x128xf32, #tpu.memory_space<vmem>>, %arg4: memref<1x128xf32, #tpu.memory_space<vmem>>, %arg5: memref<1250x128xf32, #tpu.memory_space<vmem>>, %arg6: memref<1250x128xf32, #tpu.memory_space<vmem>>) attributes {dimension_semantics = [], scalar_prefetch = 0 : i64, scratch_operands = 0 : i64, tpu.core_type = #tpu.core_type<tc>} {
    %get3A = arith.constant 0 : index
    %get3A_0 = arith.constant 0 : index
    %get3A_1 = vector.load %arg1[%get3A, %get3A_0] : memref<1250x128xf32, #tpu.memory_space<vmem>>, vector<1250x128xf32>
    %get3A_2 = arith.constant 0 : index
    %get3A_3 = arith.constant 0 : index
    %get3A_4 = arith.constant 0 : index
    %get3A_5 = vector.load %arg0[%get3A_2, %get3A_3, %get3A_4] : memref<2x1264x128xf32, #tpu.memory_space<vmem>>, vector<2x1264x128xf32>
    %slice3A = vector.extract_strided_slice %get3A_5 {offsets = [0, 0, 0], sizes = [1, 1250, 128], strides = [1, 1, 1]} : vector<2x1264x128xf32> to vector<1x1250x128xf32>
    %squeeze3A = vector.shape_cast %slice3A : vector<1x1250x128xf32> to vector<1250x128xf32>
    %slice3A_6 = vector.extract_strided_slice %get3A_5 {offsets = [1, 0, 0], sizes = [1, 1250, 128], strides = [1, 1, 1]} : vector<2x1264x128xf32> to vector<1x1250x128xf32>
    %squeeze3A_7 = vector.shape_cast %slice3A_6 : vector<1x1250x128xf32> to vector<1250x128xf32>
    %add3A = arith.addf %squeeze3A, %squeeze3A_7 : vector<1250x128xf32>
    %mul3A = arith.mulf %get3A_1, %add3A : vector<1250x128xf32>
    %get3A_8 = arith.constant 0 : index
    %get3A_9 = arith.constant 0 : index
    %get3A_10 = vector.load %arg2[%get3A_8, %get3A_9] : memref<1250x128xf32, #tpu.memory_space<vmem>>, vector<1250x128xf32>
    %add3A_11 = arith.addf %mul3A, %get3A_10 : vector<1250x128xf32>
    %max3A = arith.constant 0.000000e+00 : f32
    %max3A_12 = vector.broadcast %max3A : f32 to vector<1250x128xf32>
    %max3A_13 = arith.maximumf %add3A_11, %max3A_12 : vector<1250x128xf32>
    %get3A_14 = arith.constant 0 : index
    %get3A_15 = arith.constant 0 : index
    %get3A_16 = vector.load %arg3[%get3A_14, %get3A_15] : memref<128x128xf32, #tpu.memory_space<vmem>>, vector<128x128xf32>
    %dot_general3A = arith.constant dense<0.000000e+00> : vector<1250x128xf32>
    %dot_general3A_17 = tpu.matmul %max3A_13, %get3A_16, %dot_general3A {dimension_numbers = #tpu.dot_dimension_numbers<[1], [0], [0], [1], [0, 0, 1, 1], [], []>, transpose_lhs_hint = false} : vector<1250x128xf32>, vector<128x128xf32>, vector<1250x128xf32> -> vector<1250x128xf32>
    %mul3A_18 = arith.mulf %get3A_1, %dot_general3A_17 : vector<1250x128xf32>
    %swap3A = arith.constant 0 : index
    %swap3A_19 = arith.constant 0 : index
    %swap3A_20 = vector.load %arg5[%swap3A, %swap3A_19] : memref<1250x128xf32, #tpu.memory_space<vmem>>, vector<1250x128xf32>
    tpu.vector_store %arg5[%swap3A, %swap3A_19], %mul3A_18 {strides = array<i32>} : memref<1250x128xf32, #tpu.memory_space<vmem>>, vector<1250x128xf32>,
    %mul3A_21 = arith.mulf %get3A_1, %get3A_1 : vector<1250x128xf32>
    %mul3A_22 = arith.mulf %mul3A_21, %dot_general3A_17 : vector<1250x128xf32>
    %get3A_23 = arith.constant 0 : index
    %get3A_24 = arith.constant 0 : index
    %get3A_25 = vector.load %arg4[%get3A_23, %get3A_24] : memref<1x128xf32, #tpu.memory_space<vmem>>, vector<1x128xf32>
    %add3A_26 = vector.broadcast %get3A_25 : vector<1x128xf32> to vector<1250x128xf32>
    %add3A_27 = arith.addf %mul3A_22, %add3A_26 : vector<1250x128xf32>
    %swap3A_28 = arith.constant 0 : index
    %swap3A_29 = arith.constant 0 : index
    %swap3A_30 = vector.load %arg6[%swap3A_28, %swap3A_29] : memref<1250x128xf32, #tpu.memory_space<vmem>>, vector<1250x128xf32>
    tpu.vector_store %arg6[%swap3A_28, %swap3A_29], %add3A_27 {strides = array<i32>} : memref<1250x128xf32, #tpu.memory_space<vmem>>, vector<1250x128xf32>,
    return
  }
}

module attributes {stable_mosaic.version = 14 : i64} {
  func.func @_final_body(%arg0: memref<2x1264x128xf32, #tpu.memory_space<vmem>>, %arg1: memref<1250x128xf32, #tpu.memory_space<vmem>>, %arg2: memref<1250x128xf32, #tpu.memory_space<vmem>>, %arg3: memref<1250x128xf32, #tpu.memory_space<vmem>>) attributes {dimension_semantics = [], scalar_prefetch = 0 : i64, scratch_operands = 0 : i64, tpu.core_type = #tpu.core_type<tc>} {
    %get3A = arith.constant 0 : index
    %get3A_0 = arith.constant 0 : index
    %get3A_1 = arith.constant 0 : index
    %get3A_2 = vector.load %arg0[%get3A, %get3A_0, %get3A_1] : memref<2x1264x128xf32, #tpu.memory_space<vmem>>, vector<2x1264x128xf32>
    %get3A_3 = arith.constant 0 : index
    %get3A_4 = arith.constant 0 : index
    %get3A_5 = vector.load %arg1[%get3A_3, %get3A_4] : memref<1250x128xf32, #tpu.memory_space<vmem>>, vector<1250x128xf32>
    %slice3A = vector.extract_strided_slice %get3A_2 {offsets = [0, 0, 0], sizes = [1, 1250, 128], strides = [1, 1, 1]} : vector<2x1264x128xf32> to vector<1x1250x128xf32>
    %squeeze3A = vector.shape_cast %slice3A : vector<1x1250x128xf32> to vector<1250x128xf32>
    %slice3A_6 = vector.extract_strided_slice %get3A_2 {offsets = [1, 0, 0], sizes = [1, 1250, 128], strides = [1, 1, 1]} : vector<2x1264x128xf32> to vector<1x1250x128xf32>
    %squeeze3A_7 = vector.shape_cast %slice3A_6 : vector<1x1250x128xf32> to vector<1250x128xf32>
    %add3A = arith.addf %squeeze3A, %squeeze3A_7 : vector<1250x128xf32>
    %mul3A = arith.mulf %get3A_5, %add3A : vector<1250x128xf32>
    %get3A_8 = arith.constant 0 : index
    %get3A_9 = arith.constant 0 : index
    %get3A_10 = vector.load %arg2[%get3A_8, %get3A_9] : memref<1250x128xf32, #tpu.memory_space<vmem>>, vector<1250x128xf32>
    %add3A_11 = arith.addf %mul3A, %get3A_10 : vector<1250x128xf32>
    %slice3A_12 = vector.extract_strided_slice %add3A_11 {offsets = [0, 0], sizes = [1250, 16], strides = [1, 1]} : vector<1250x128xf32> to vector<1250x16xf32>
    %reduce_max3A = arith.constant dense<0xFF800000> : vector<1250xf32>
    %reduce_max3A_13 = vector.multi_reduction <maximumf>, %slice3A_12, %reduce_max3A [1] : vector<1250x16xf32> to vector<1250xf32>
    %broadcast_in_dim3A = vector.shape_cast %reduce_max3A_13 : vector<1250xf32> to vector<1250x1xf32>
    %sub3A = vector.broadcast %broadcast_in_dim3A : vector<1250x1xf32> to vector<1250x16xf32>
    %sub3A_14 = arith.subf %slice3A_12, %sub3A : vector<1250x16xf32>
    %exp3A = math.exp %sub3A_14 : vector<1250x16xf32>
    %reduce_sum3A = arith.constant dense<0.000000e+00> : vector<1250xf32>
    %reduce_sum3A_15 = vector.multi_reduction <add>, %exp3A, %reduce_sum3A [1] : vector<1250x16xf32> to vector<1250xf32>
    %broadcast_in_dim3A_16 = vector.shape_cast %reduce_sum3A_15 : vector<1250xf32> to vector<1250x1xf32>
    %broadcast_in_dim3A_17 = vector.shape_cast %broadcast_in_dim3A_16 : vector<1250x1xf32> to vector<1250x1xf32>
    %broadcast_in_dim3A_18 = vector.broadcast %broadcast_in_dim3A_17 : vector<1250x1xf32> to vector<1250x16xf32>
    %slice3A_19 = vector.extract_strided_slice %add3A_11 {offsets = [0, 16], sizes = [1250, 16], strides = [1, 1]} : vector<1250x128xf32> to vector<1250x16xf32>
    %reduce_max3A_20 = arith.constant dense<0xFF800000> : vector<1250xf32>
    %reduce_max3A_21 = vector.multi_reduction <maximumf>, %slice3A_19, %reduce_max3A_20 [1] : vector<1250x16xf32> to vector<1250xf32>
    %broadcast_in_dim3A_22 = vector.shape_cast %reduce_max3A_21 : vector<1250xf32> to vector<1250x1xf32>
    %sub3A_23 = vector.broadcast %broadcast_in_dim3A_22 : vector<1250x1xf32> to vector<1250x16xf32>
    %sub3A_24 = arith.subf %slice3A_19, %sub3A_23 : vector<1250x16xf32>
    %exp3A_25 = math.exp %sub3A_24 : vector<1250x16xf32>
    %reduce_sum3A_26 = arith.constant dense<0.000000e+00> : vector<1250xf32>
    %reduce_sum3A_27 = vector.multi_reduction <add>, %exp3A_25, %reduce_sum3A_26 [1] : vector<1250x16xf32> to vector<1250xf32>
    %broadcast_in_dim3A_28 = vector.shape_cast %reduce_sum3A_27 : vector<1250xf32> to vector<1250x1xf32>
    %broadcast_in_dim3A_29 = vector.shape_cast %broadcast_in_dim3A_28 : vector<1250x1xf32> to vector<1250x1xf32>
    %broadcast_in_dim3A_30 = vector.broadcast %broadcast_in_dim3A_29 : vector<1250x1xf32> to vector<1250x16xf32>
    %slice3A_31 = vector.extract_strided_slice %add3A_11 {offsets = [0, 32], sizes = [1250, 16], strides = [1, 1]} : vector<1250x128xf32> to vector<1250x16xf32>
    %reduce_max3A_32 = arith.constant dense<0xFF800000> : vector<1250xf32>
    %reduce_max3A_33 = vector.multi_reduction <maximumf>, %slice3A_31, %reduce_max3A_32 [1] : vector<1250x16xf32> to vector<1250xf32>
    %broadcast_in_dim3A_34 = vector.shape_cast %reduce_max3A_33 : vector<1250xf32> to vector<1250x1xf32>
    %sub3A_35 = vector.broadcast %broadcast_in_dim3A_34 : vector<1250x1xf32> to vector<1250x16xf32>
    %sub3A_36 = arith.subf %slice3A_31, %sub3A_35 : vector<1250x16xf32>
    %exp3A_37 = math.exp %sub3A_36 : vector<1250x16xf32>
    %reduce_sum3A_38 = arith.constant dense<0.000000e+00> : vector<1250xf32>
    %reduce_sum3A_39 = vector.multi_reduction <add>, %exp3A_37, %reduce_sum3A_38 [1] : vector<1250x16xf32> to vector<1250xf32>
    %broadcast_in_dim3A_40 = vector.shape_cast %reduce_sum3A_39 : vector<1250xf32> to vector<1250x1xf32>
    %broadcast_in_dim3A_41 = vector.shape_cast %broadcast_in_dim3A_40 : vector<1250x1xf32> to vector<1250x1xf32>
    %broadcast_in_dim3A_42 = vector.broadcast %broadcast_in_dim3A_41 : vector<1250x1xf32> to vector<1250x16xf32>
    %slice3A_43 = vector.extract_strided_slice %add3A_11 {offsets = [0, 48], sizes = [1250, 16], strides = [1, 1]} : vector<1250x128xf32> to vector<1250x16xf32>
    %reduce_max3A_44 = arith.constant dense<0xFF800000> : vector<1250xf32>
    %reduce_max3A_45 = vector.multi_reduction <maximumf>, %slice3A_43, %reduce_max3A_44 [1] : vector<1250x16xf32> to vector<1250xf32>
    %broadcast_in_dim3A_46 = vector.shape_cast %reduce_max3A_45 : vector<1250xf32> to vector<1250x1xf32>
    %sub3A_47 = vector.broadcast %broadcast_in_dim3A_46 : vector<1250x1xf32> to vector<1250x16xf32>
    %sub3A_48 = arith.subf %slice3A_43, %sub3A_47 : vector<1250x16xf32>
    %exp3A_49 = math.exp %sub3A_48 : vector<1250x16xf32>
    %reduce_sum3A_50 = arith.constant dense<0.000000e+00> : vector<1250xf32>
    %reduce_sum3A_51 = vector.multi_reduction <add>, %exp3A_49, %reduce_sum3A_50 [1] : vector<1250x16xf32> to vector<1250xf32>
    %broadcast_in_dim3A_52 = vector.shape_cast %reduce_sum3A_51 : vector<1250xf32> to vector<1250x1xf32>
    %broadcast_in_dim3A_53 = vector.shape_cast %broadcast_in_dim3A_52 : vector<1250x1xf32> to vector<1250x1xf32>
    %broadcast_in_dim3A_54 = vector.broadcast %broadcast_in_dim3A_53 : vector<1250x1xf32> to vector<1250x16xf32>
    %slice3A_55 = vector.extract_strided_slice %add3A_11 {offsets = [0, 64], sizes = [1250, 16], strides = [1, 1]} : vector<1250x128xf32> to vector<1250x16xf32>
    %reduce_max3A_56 = arith.constant dense<0xFF800000> : vector<1250xf32>
    %reduce_max3A_57 = vector.multi_reduction <maximumf>, %slice3A_55, %reduce_max3A_56 [1] : vector<1250x16xf32> to vector<1250xf32>
    %broadcast_in_dim3A_58 = vector.shape_cast %reduce_max3A_57 : vector<1250xf32> to vector<1250x1xf32>
    %sub3A_59 = vector.broadcast %broadcast_in_dim3A_58 : vector<1250x1xf32> to vector<1250x16xf32>
    %sub3A_60 = arith.subf %slice3A_55, %sub3A_59 : vector<1250x16xf32>
    %exp3A_61 = math.exp %sub3A_60 : vector<1250x16xf32>
    %reduce_sum3A_62 = arith.constant dense<0.000000e+00> : vector<1250xf32>
    %reduce_sum3A_63 = vector.multi_reduction <add>, %exp3A_61, %reduce_sum3A_62 [1] : vector<1250x16xf32> to vector<1250xf32>
    %broadcast_in_dim3A_64 = vector.shape_cast %reduce_sum3A_63 : vector<1250xf32> to vector<1250x1xf32>
    %broadcast_in_dim3A_65 = vector.shape_cast %broadcast_in_dim3A_64 : vector<1250x1xf32> to vector<1250x1xf32>
    %broadcast_in_dim3A_66 = vector.broadcast %broadcast_in_dim3A_65 : vector<1250x1xf32> to vector<1250x16xf32>
    %slice3A_67 = vector.extract_strided_slice %add3A_11 {offsets = [0, 80], sizes = [1250, 16], strides = [1, 1]} : vector<1250x128xf32> to vector<1250x16xf32>
    %reduce_max3A_68 = arith.constant dense<0xFF800000> : vector<1250xf32>
    %reduce_max3A_69 = vector.multi_reduction <maximumf>, %slice3A_67, %reduce_max3A_68 [1] : vector<1250x16xf32> to vector<1250xf32>
    %broadcast_in_dim3A_70 = vector.shape_cast %reduce_max3A_69 : vector<1250xf32> to vector<1250x1xf32>
    %sub3A_71 = vector.broadcast %broadcast_in_dim3A_70 : vector<1250x1xf32> to vector<1250x16xf32>
    %sub3A_72 = arith.subf %slice3A_67, %sub3A_71 : vector<1250x16xf32>
    %exp3A_73 = math.exp %sub3A_72 : vector<1250x16xf32>
    %reduce_sum3A_74 = arith.constant dense<0.000000e+00> : vector<1250xf32>
    %reduce_sum3A_75 = vector.multi_reduction <add>, %exp3A_73, %reduce_sum3A_74 [1] : vector<1250x16xf32> to vector<1250xf32>
    %broadcast_in_dim3A_76 = vector.shape_cast %reduce_sum3A_75 : vector<1250xf32> to vector<1250x1xf32>
    %broadcast_in_dim3A_77 = vector.shape_cast %broadcast_in_dim3A_76 : vector<1250x1xf32> to vector<1250x1xf32>
    %broadcast_in_dim3A_78 = vector.broadcast %broadcast_in_dim3A_77 : vector<1250x1xf32> to vector<1250x16xf32>
    %slice3A_79 = vector.extract_strided_slice %add3A_11 {offsets = [0, 96], sizes = [1250, 16], strides = [1, 1]} : vector<1250x128xf32> to vector<1250x16xf32>
    %reduce_max3A_80 = arith.constant dense<0xFF800000> : vector<1250xf32>
    %reduce_max3A_81 = vector.multi_reduction <maximumf>, %slice3A_79, %reduce_max3A_80 [1] : vector<1250x16xf32> to vector<1250xf32>
    %broadcast_in_dim3A_82 = vector.shape_cast %reduce_max3A_81 : vector<1250xf32> to vector<1250x1xf32>
    %sub3A_83 = vector.broadcast %broadcast_in_dim3A_82 : vector<1250x1xf32> to vector<1250x16xf32>
    %sub3A_84 = arith.subf %slice3A_79, %sub3A_83 : vector<1250x16xf32>
    %exp3A_85 = math.exp %sub3A_84 : vector<1250x16xf32>
    %reduce_sum3A_86 = arith.constant dense<0.000000e+00> : vector<1250xf32>
    %reduce_sum3A_87 = vector.multi_reduction <add>, %exp3A_85, %reduce_sum3A_86 [1] : vector<1250x16xf32> to vector<1250xf32>
    %broadcast_in_dim3A_88 = vector.shape_cast %reduce_sum3A_87 : vector<1250xf32> to vector<1250x1xf32>
    %broadcast_in_dim3A_89 = vector.shape_cast %broadcast_in_dim3A_88 : vector<1250x1xf32> to vector<1250x1xf32>
    %broadcast_in_dim3A_90 = vector.broadcast %broadcast_in_dim3A_89 : vector<1250x1xf32> to vector<1250x16xf32>
    %slice3A_91 = vector.extract_strided_slice %add3A_11 {offsets = [0, 112], sizes = [1250, 16], strides = [1, 1]} : vector<1250x128xf32> to vector<1250x16xf32>
    %reduce_max3A_92 = arith.constant dense<0xFF800000> : vector<1250xf32>
    %reduce_max3A_93 = vector.multi_reduction <maximumf>, %slice3A_91, %reduce_max3A_92 [1] : vector<1250x16xf32> to vector<1250xf32>
    %broadcast_in_dim3A_94 = vector.shape_cast %reduce_max3A_93 : vector<1250xf32> to vector<1250x1xf32>
    %sub3A_95 = vector.broadcast %broadcast_in_dim3A_94 : vector<1250x1xf32> to vector<1250x16xf32>
    %sub3A_96 = arith.subf %slice3A_91, %sub3A_95 : vector<1250x16xf32>
    %exp3A_97 = math.exp %sub3A_96 : vector<1250x16xf32>
    %reduce_sum3A_98 = arith.constant dense<0.000000e+00> : vector<1250xf32>
    %reduce_sum3A_99 = vector.multi_reduction <add>, %exp3A_97, %reduce_sum3A_98 [1] : vector<1250x16xf32> to vector<1250xf32>
    %broadcast_in_dim3A_100 = vector.shape_cast %reduce_sum3A_99 : vector<1250xf32> to vector<1250x1xf32>
    %broadcast_in_dim3A_101 = vector.shape_cast %broadcast_in_dim3A_100 : vector<1250x1xf32> to vector<1250x1xf32>
    %broadcast_in_dim3A_102 = vector.broadcast %broadcast_in_dim3A_101 : vector<1250x1xf32> to vector<1250x16xf32>
    %concatenate3A = tpu.concatenate %sub3A_14, %sub3A_24, %sub3A_36, %sub3A_48, %sub3A_60, %sub3A_72, %sub3A_84, %sub3A_96 in 1 : vector<1250x16xf32>, vector<1250x16xf32>, vector<1250x16xf32>, vector<1250x16xf32>, vector<1250x16xf32>, vector<1250x16xf32>, vector<1250x16xf32>, vector<1250x16xf32> -> vector<1250x128xf32>
    %concatenate3A_103 = tpu.concatenate %broadcast_in_dim3A_18, %broadcast_in_dim3A_30, %broadcast_in_dim3A_42, %broadcast_in_dim3A_54, %broadcast_in_dim3A_66, %broadcast_in_dim3A_78, %broadcast_in_dim3A_90, %broadcast_in_dim3A_102 in 1 : vector<1250x16xf32>, vector<1250x16xf32>, vector<1250x16xf32>, vector<1250x16xf32>, vector<1250x16xf32>, vector<1250x16xf32>, vector<1250x16xf32>, vector<1250x16xf32> -> vector<1250x128xf32>
    %log3A = math.log %concatenate3A_103 : vector<1250x128xf32>
    %sub3A_104 = arith.subf %concatenate3A, %log3A : vector<1250x128xf32>
    %swap3A = arith.constant 0 : index
    %swap3A_105 = arith.constant 0 : index
    %swap3A_106 = vector.load %arg3[%swap3A, %swap3A_105] : memref<1250x128xf32, #tpu.memory_space<vmem>>, vector<1250x128xf32>
    tpu.vector_store %arg3[%swap3A, %swap3A_105], %sub3A_104 {strides = array<i32>} : memref<1250x128xf32, #tpu.memory_space<vmem>>, vector<1250x128xf32>,
    return
  }
}

</mosaic_0001>

<sc_bundles>
// kernel: _gcn.12.cloned.1.call-start
scs
__scs_entry_jumppad:
0x0: {  	(pc) =	sbr.rel $0x88, $3  }
0x1: {  	(tag) =	ssettag $0x0;
	lr =	simm.s32 $0x1  }
0x2: {  	[smem:$0x3F9B] =	sst lr;
	_ =	strace $0xD0000000  }
0x3: {  	_ = 	snop  }
0x4: {  	_ = 	snop  }
0x5: {  	_ = 	snop  }
0x6: {  	_ = 	snop  }
0x7: {  	_ = 	snop  }
__scs_overlays_trampoline_lowered:
0x8: {  	[smem:$0x3FAA] =	sst s0  }
0x9: {  	[smem:$0x3FAB] =	sst s1  }
0xa: {  	[smem:$0x3FAC] =	sst s2  }
0xb: {  	[smem:$0x3FAD] =	sst s3  }
0xc: {  	[smem:$0x3FAE] =	sst s4  }
0xd: {  	[smem:$0x3FAF] =	sst s5  }
0xe: {  	[smem:$0x3FB0] =	sst s6  }
0xf: {  	[smem:$0x3FB1] =	sst s7  }
0x10: {  	[smem:$0x3FB2] =	sst s8  }
0x11: {  	[smem:$0x3FB3] =	sst s9;
	s0 =	simm.s32 @!p0 $0x0  }
0x12: {  	s1 =	sld [smem:$0x3F99];
	s0 =	simm.s32 @p0 $0x1  }
0x13: {  	[smem:$0x3FB4] =	sst s0;
	s0 =	simm.s32 @!p1 $0x0  }
0x14: {  	s2 =	sld [smem:$0x3F98];
	s0 =	simm.s32 @p1 $0x1  }
0x15: {  	[smem:$0x3FB5] =	sst s0;
	s0 =	simm.s32 @!p2 $0x0  }
0x16: {  	s3 =	sld [smem:$0x3FDB];
	s0 =	simm.s32 @p2 $0x1  }
0x17: {  	s4 =	simm.s32 $0x1BF5;
	[smem:$0x3FB7] =	sst s0  }
0x18: {  	s0 =	sld [smem:$0x3F9A];
	_ =	swait.ge [sflag:s4], $0x0  }
0x19: {  	s7 =	sld [smem:$0x3F9B]  }
0x1a: {  	s8 =	sadd.s32 $0xFFFFE003, lr  }
0x1b: {  	s9 =	sadd.s32 $0xFFFFFEF7, lr;
	s5 =	simm.s32 $0xFFFFFFFF;
	p2 =	slt.u32 s8, $0xFFFFF086  }
0x1c: {  	p1 =	slt.u32 s9, $0xF7A;
	s5 =	simm.s32 @!p2 $0x0  }
0x1d: {  	s5 =	simm.s32 @p1 $0x1;
	p0 =	seq.s32 s7, s2  }
0x1e: {  	s7 =	smul.u32 @!p0 $0xF7A, s2;
	p2 =	seq.s32 @!p0 s5, $0x0  }
0x1f: {  	s9 =	smul.u32 $0xF7A, s1;
	s8 =	simm.s32 @!p0 $0x1BF5;
	p2 =	por !p2, p0  }
0x20: {  	[sflag:s8] =	ssyncset.s32 @!p0 $0xFFFFF086;
	s6 =	sadd.s32 @!p0 s3, s7;
	s7 =	simm.s32 @!p0 $0x108  }
0x21: {  	s3 =	sadd.s32 s3, s9;
	s6 =	sadd.s32 @!p0 $0x88, s6;
	s7 =	simm.s32 @p2 $0x1082  }
0x22: {  	[simem:s7], [sflag:s8] =	dma.local @!p0 [hbm:s6], $0xF7A  }
0x23: {  	s9 =	sor.u32 $0xD0000000, s2;
	s6 =	simm.s32 $0x108;
	_ =	swait.ge @!p0 [sflag:s8], $0x0  }
0x24: {  	s3 =	sadd.s32 $0x88, s3;
	s6 =	simm.s32 @!p1 $0x1082;
	[sflag:s4] =	ssyncset.s32 $0xFFFFF086  }
0x25: {  	[simem:s6], [sflag:s4] =	dma.local [hbm:s3], $0xF7A  }
0x26: {  	[smem:$0x3F9B] =	sst s1;
	(tag) =	ssettag s2;
	_ =	strace s9  }
0x27: {  	s1 =	sld [smem:$0x3FAB]  }
0x28: {  	s2 =	sld [smem:$0x3FAC]  }
0x29: {  	s4 =	sld [smem:$0x3FAE]  }
0x2a: {  	p0 =	seq.s32 s5, $0x0;
	s5 =	sld [smem:$0x3FAF]  }
0x2b: {  	s6 =	sld [smem:$0x3FB0]  }
0x2c: {  	s7 =	sld [smem:$0x3FB1]  }
0x2d: {  	s3 =	simm.s32 $0x108;
	s8 =	sld [smem:$0x3FB2]  }
0x2e: {  	s3 =	simm.s32 @!p0 $0x1082;
	s9 =	sld [smem:$0x3FB3]  }
0x2f: {  	lr =	sadd.s32 s0, s3;
	s0 =	sld [smem:$0x3FAA]  }
0x30: {  	s3 =	sld [smem:$0x3FAD]  }
0x31: {  	[smem:$0x3FB6] =	sst s10  }
0x32: {  	s10 =	sld [smem:$0x3FB4];
	_ =	sdelay $0x3  }
0x33: {  	p0 =	seq.s32 s10, $0x1;
	s10 =	sld [smem:$0x3FB6];
	_ =	sdelay $0x3  }
0x34: {  	[smem:$0x3FB6] =	sst s10  }
0x35: {  	s10 =	sld [smem:$0x3FB5];
	_ =	sdelay $0x3  }
0x36: {  	p1 =	seq.s32 s10, $0x1;
	s10 =	sld [smem:$0x3FB6];
	_ =	sdelay $0x3  }
0x37: {  	[smem:$0x3FB6] =	sst s10  }
0x38: {  	s10 =	sld [smem:$0x3FB7]  }
0x39: {  	_ = 	snop;
	(pc) =	sbr.ind lr, $3  }
0x3a: {  	_ = 	snop  }
0x3b: {  	_ = 	snop  }
0x3c: {  	p2 =	seq.s32 s10, $0x1;
	s10 =	sld [smem:$0x3FB6]  }
0x3d: {  	_ =	shalt  }
0x3e: {  	_ =	shalt  }
0x3f: {  	_ =	shalt  }
0x40: {  	_ =	shalt  }
0x41: {  	_ =	shalt  }
0x42: {  	_ =	shalt  }
0x43: {  	_ =	shalt  }
0x44: {  	_ =	shalt  }
0x45: {  	_ =	shalt  }
0x46: {  	_ =	shalt  }
0x47: {  	_ =	shalt  }
0x48: {  	_ =	shalt  }
0x49: {  	_ =	shalt  }
0x4a: {  	_ =	shalt  }
0x4b: {  	_ =	shalt  }
0x4c: {  	_ =	shalt  }
0x4d: {  	_ =	shalt  }
0x4e: {  	_ =	shalt  }
0x4f: {  	_ =	shalt  }
0x50: {  	_ =	shalt  }
0x51: {  	_ =	shalt  }
0x52: {  	_ =	shalt  }
0x53: {  	_ =	shalt  }
0x54: {  	_ =	shalt  }
0x55: {  	_ =	shalt  }
0x56: {  	_ =	shalt  }
0x57: {  	_ =	shalt  }
0x58: {  	_ =	shalt  }
0x59: {  	_ =	shalt  }
0x5a: {  	_ =	shalt  }
0x5b: {  	_ =	shalt  }
0x5c: {  	_ =	shalt  }
0x5d: {  	_ =	shalt  }
0x5e: {  	_ =	shalt  }
0x5f: {  	_ =	shalt  }
0x60: {  	_ =	shalt  }
0x61: {  	_ =	shalt  }
0x62: {  	_ =	shalt  }
0x63: {  	_ =	shalt  }
0x64: {  	_ =	shalt  }
0x65: {  	_ =	shalt  }
0x66: {  	_ =	shalt  }
0x67: {  	_ =	shalt  }
0x68: {  	_ =	shalt  }
0x69: {  	_ =	shalt  }
0x6a: {  	_ =	shalt  }
0x6b: {  	_ =	shalt  }
0x6c: {  	_ =	shalt  }
0x6d: {  	_ =	shalt  }
0x6e: {  	_ =	shalt  }
0x6f: {  	_ =	shalt  }
0x70: {  	_ =	shalt  }
0x71: {  	_ =	shalt  }
0x72: {  	_ =	shalt  }
0x73: {  	_ =	shalt  }
0x74: {  	_ =	shalt  }
0x75: {  	_ =	shalt  }
0x76: {  	_ =	shalt  }
0x77: {  	_ =	shalt  }
0x78: {  	_ =	shalt  }
0x79: {  	_ =	shalt  }
0x7a: {  	_ =	shalt  }
0x7b: {  	_ =	shalt  }
0x7c: {  	_ =	shalt  }
0x7d: {  	_ =	shalt  }
0x7e: {  	_ =	shalt  }
0x7f: {  	_ =	shalt  }
0x80: {  	_ =	shalt  }
0x81: {  	_ =	shalt  }
0x82: {  	_ =	shalt  }
0x83: {  	_ =	shalt  }
0x84: {  	_ =	shalt  }
0x85: {  	_ =	shalt  }
0x86: {  	_ =	shalt  }
0x87: {  	_ =	shalt  }
.Lfunc_end0:
.L_simem_size_0:
called_computation.1_lowered:
.L_overlay_start_0:
0x88: {  	s2 =	sld [smem:$0x3FD9]  }
0x89: {  	s3 =	sld [smem:$0x3FFE];
	_ =	sdelay $0x1  }
0x8a: {  	s1 =	srdreg.scid  }
0x8b: {  	s0 =	sand.u32 $0x1, s1  }
0x8c: {  	s17 =	sshll.u32 s0, $0xA;
	s2 =	sadd.s32 s3, s2  }
0x8d: {  	s2 =	sadd.s32 s2, s17  }
0x8e: {  	[smem:$0x3FC2] =	sst s2  }
0x8f: {  	_ = 	snop  }
0x90: {  	s2 =	sld [smem:$0x3FD0];
	(tm) =	ssettm $0x1  }
0x91: {  	s18 =	sld [smem:$0x3FFB];
	_ =	sdelay $0x3  }
0x92: {  	_ =	strace s18  }
0x93: {  	s3 =	sld [smem:$0x3FFC];
	_ =	sdelay $0x3  }
0x94: {  	_ =	strace s3  }
0x95: {  	s3 =	sld [smem:$0x3FFD];
	_ =	sdelay $0x3  }
0x96: {  	_ =	strace s3  }
0x97: {  	_ =	strace $0x8FFFFFFF  }
0x98: {  	s19 =	sld [smem:$0x3FDB];
	_ =	sdelay $0x1  }
0x99: {  	s4 =	simm.s32 $_scs_section_size  }
0x9a: {  	s5 =	simm.s32 $_size__tile_overlayer_lowered;
	s6 =	simm.s32 $_tile_overlayer_lowered  }
0x9b: {  	s22 =	simm.s32 $0x1BFF;
	s21 =	sshll.u32 s6, $0x1;
	s3 =	sadd.s32 s4, s19  }
0x9c: {  	s7 =	simm.s32 $0x0;
	s20 =	sshll.u32 s5, $0x1;
	s5 =	sadd.s32 s21, s3  }
0x9d: {  	[timem:s7], [sflag:s22] =	dma.local [hbm:s5], s20  }
0x9e: {  	_ =	swait.ge [sflag:s22], s20  }
0x9f: {  	s4 =	ssub.s32 $0x0, s20;
	[sflag:s22] =	ssyncset.done $0x0  }
0xa0: {  	[sflag:s22] =	ssyncadd.s32 s4;
	_ =	sdelay $0x1  }
0xa1: {  	s23 =	simm.s32 $0x1B8B  }
0xa2: {  	_ =	swait.ge [sflag:s23], $0x1  }
0xa3: {  	[sflag:s23] =	ssyncset.done $0x0  }
0xa4: {  	s25 =	simm.s32 $0x1B8E;
	s24 =	sld [smem:$0x3FFE];
	[sflag:s23] =	ssyncadd.s32 $0xFFFFFFFF  }
0xa5: {  	s26 =	simm.s32 $execute0_lowered;
	[smem:$0x3FD2] =	sst s25  }
0xa6: {  	s5 =	sshll.u32 s26, $0x1;
	_ =	strace $0x80000049;
	[dreg:$0x1] =	wrdreg $0xFFFFFFFF  }
0xa7: {  	s28 =	simm.s32 $_size_execute0_lowered;
	s3 =	sadd.s32 s3, s5;
	[dreg:$0x0] =	wrdreg $0x0  }
0xa8: {  	s5 =	sshll.u32 s28, $0x1;
	[dreg:$0x2] =	wrdreg s3  }
0xa9: {  	[dreg:$0x3] =	wrdreg s5  }
0xaa: {  	[dreg:$0x4] =	wrdreg $0xC0  }
0xab: {  	_ =	task [dreg:s7], $0x5FFFF  }
0xac: {  	[dreg:$0x1] =	wrdreg $0xFFFFFFFF  }
0xad: {  	[dreg:$0x0] =	wrdreg $0x60  }
0xae: {  	[dreg:$0x2] =	wrdreg s2  }
0xaf: {  	[dreg:$0x3] =	wrdreg s24  }
0xb0: {  	[dreg:$0x4] =	wrdreg $0xDD800  }
0xb1: {  	[dreg:$0x5] =	wrdreg $0x9  }
0xb2: {  	_ =	task.clear_ibuf [dreg:s7], $0x6FFFF;
	_ =	strace $0x90000049  }
0xb3: {  	s29 =	simm.s32 $0x9;
	_ =	strace $0x8000004B  }
0xb4: {  	_ =	swait.ge [sflag:s29], $0x1  }
0xb5: {  	[sflag:s29] =	ssyncadd.s32 $0xFFFFFFFF  }
0xb6: {  	_ =	strace $0x9000004B  }
0xb7: {  	_ =	sfence  }
0xb8: {  	s30 =	sld [smem:$0x0];
	_ =	sdelay $0x2  }
0xb9: {  	s31 =	sshll.u32 s1, $0xD;
	s1 =	sshrl.u32 s1, $0x2  }
0xba: {  	s3 =	sand.u32 $0x4000, s31;
	s1 =	sadd.s32 s1, s30  }
0xbb: {  	s0 =	sor.u32 s3, s0;
	s1 =	sshll.u32 s1, $0x11  }
0xbc: {  	s0 =	sor.u32 s1, s0  }
0xbd: {  	s0 =	sadd.s32 $0x8F2B, s0  }
0xbe: {  	[sflag:s0] =	ssyncadd.remote.s32 $0x1  }
0xbf: {  	_ =	sfence.sel $0xFFFF  }
0xc0: {  	[dreg:$0x0] =	wrdreg $0xFFFFFFFF;
	(pc) =	sbr.abs _section_cstart, $3  }
0xc1: {  	[dreg:$0x1] =	wrdreg $0xFFFFFFFF  }
0xc2: {  	_ =	task.clear_ibuf [dreg:s7], $0x2FFFF;
	_ =	strace $0x9FFFFFFF  }
0xc3: {  	(tm) =	ssettm $0x7FFFFFFF  }
tec
execute0_lowered:
.L_overlay_start_1:
0x0: {  	(tag) =	ssettag $0x1  }
0x1: {  	s1 =	rddreg [dreg:$0x0]  }
0x2: {  	s0 =	rddreg [dreg:$0x1]  }
0x3: {  	s3 =	rddreg [dreg:$0x2]  }
0x4: {  	s2 =	srdreg.scid;
	s7 =	stileid.u32;
	s5 =	simm.s32 $0x0  }
0x5: {  	s16 =	simm.s32 $0x80;
	s21 =	simm.s32 $0xD;
	s17 =	simm.s32 $0x10  }
0x6: {  	s18 =	simm.s32 $0x11;
	s20 =	simm.s32 $0x12;
	s29 =	simm.s32 $0x16  }
0x7: {  	s31 =	simm.s32 $0x17;
	s19 =	simm.s32 $0x19;
	s30 =	simm.s32 $0x4E00  }
0x8: {  	s13 =	simm.s32 $0x6600;
	s10 =	simm.s32 $0x7600;
	s14 =	simm.s32 $0x7E00  }
0x9: {  	s11 =	simm.s32 $0x8600;
	s12 =	simm.s32 $0x8E00;
	s2 =	sand.u32 $0x1, s2  }
0xa: {  	s4 =	smul.u32 $0x2780, s7;
	[smem:$0x7FF] =	sst s5;
	s23 =	sadd.s32 $0x2A00, s0  }
0xb: {  	s9 =	sadd.s32 $0x16400, s0;
	s22 =	smul.u32 $0x27800, s2;
	s6 =	sshll.u32 s2, $0x4  }
0xc: {  	_ =	strace $0x8000004A;
	[dreg:$0x4] =	wrdreg s9;
	s2 =	ssub.s32 $0x2, s2  }
0xd: {  	s9 =	simm.s32 $0x6E00;
	s6 =	sor.u32 s7, s6;
	s24 =	sshrl.u32 s2, $0x1  }
0xe: {  	s7 =	simm.s32 $0x5E00;
	s5 =	sadd.s32 s4, s22;
	s8 =	smul.u32 $0x2700, s6  }
0xf: {  	s2 =	ssub.s32 s2, s24;
	s25 =	sshll.u32 s6, $0x4;
	p0 =	slt.u32 s6, $0x1C  }
0x10: {  	s22 =	simm.s32 $0x13;
	s24 =	simm.s32 $0x14;
	s5 =	sshrl.u32 s5, $0x3  }
0x11: {  	s26 =	sadd.s32 s23, s25;
	s28 =	smax.u32 s2, $0x1;
	s0 =	sadd.s32 s5, s0  }
0x12: {  	s8 =	sshrl.u32 s8, $0x3;
	s5 =	sadd.s32 $0x9A40, s26;
	[dreg:$0xb] =	wrdreg s28  }
0x13: {  	s6 =	simm.s32 $0x9E00;
	s8 =	sadd.s32 s23, s8;
	[dreg:$0x8] =	wrdreg s5  }
.Ltmp0:
0x14: {  	s0 =	sadd.s32 $0x16A00, s0;
	[dreg:$0x5] =	wrdreg s8;
	(pc) =	sbr.rel .LBB2_1-.Ltmp0, $4  }
0x15: {  	s2 =	simm.s32 $0x18;
	s8 =	sadd.s32 $0x9C40, s8;
	[dreg:$0xa] =	wrdreg s0  }
0x16: {  	[dreg:$0x6] =	wrdreg s8;
	s8 =	sadd.s32 s4, s3;
	s4 =	sadd.s32 $0x13680, s26  }
0x17: {  	s25 =	simm.s32 $0x9600;
	s23 =	simm.s32 $0x1A;
	[dreg:$0x9] =	wrdreg s4  }
0x18: {  	s5 =	simm.s32 $0x0;
	s26 =	simm.s32 $0x15;
	[dreg:$0x7] =	wrdreg s8  }
.LBB2_4:
0x19: {  	s0 =	simm.s32 $0xF  }
0x1a: {  	_ =	swait.ge [sflag:s0], $0x800  }
0x1b: {  	[sflag:s0] =	ssyncset.done $0x0  }
0x1c: {  	[sflag:s0] =	ssyncadd.s32 $0xFFFFF800  }
0x1d: {  	_ =	swait.ge [sflag:s17], $0x800  }
0x1e: {  	[sflag:s17] =	ssyncset.done $0x0  }
0x1f: {  	[sflag:s17] =	ssyncadd.s32 $0xFFFFF800  }
0x20: {  	_ =	swait.ge [sflag:s18], $0x800  }
0x21: {  	[sflag:s18] =	ssyncset.done $0x0  }
0x22: {  	[sflag:s18] =	ssyncadd.s32 $0xFFFFF800  }
0x23: {  	_ =	swait.ge [sflag:s20], $0x800  }
0x24: {  	[sflag:s20] =	ssyncset.done $0x0  }
0x25: {  	[sflag:s20] =	ssyncadd.s32 $0xFFFFF800  }
0x26: {  	_ =	swait.ge [sflag:s22], $0x800  }
0x27: {  	[sflag:s22] =	ssyncset.done $0x0  }
0x28: {  	[sflag:s22] =	ssyncadd.s32 $0xFFFFF800  }
0x29: {  	_ =	swait.ge [sflag:s24], $0x800  }
0x2a: {  	[sflag:s24] =	ssyncset.done $0x0  }
0x2b: {  	[sflag:s24] =	ssyncadd.s32 $0xFFFFF800  }
0x2c: {  	_ =	swait.ge [sflag:s26], $0x800  }
0x2d: {  	[sflag:s26] =	ssyncset.done $0x0  }
0x2e: {  	[sflag:s26] =	ssyncadd.s32 $0xFFFFF800  }
0x2f: {  	_ =	swait.ge [sflag:s29], $0x800  }
0x30: {  	[sflag:s29] =	ssyncset.done $0x0  }
0x31: {  	[sflag:s29] =	ssyncadd.s32 $0xFFFFF800  }
0x32: {  	_ =	swait.ge [sflag:s31], $0x800  }
0x33: {  	[sflag:s31] =	ssyncset.done $0x0  }
0x34: {  	[sflag:s31] =	ssyncadd.s32 $0xFFFFF800  }
0x35: {  	_ =	swait.ge [sflag:s2], $0x800  }
0x36: {  	[sflag:s2] =	ssyncset.done $0x0  }
0x37: {  	[sflag:s2] =	ssyncadd.s32 $0xFFFFF800  }
0x38: {  	_ =	swait.ge [sflag:s19], $0x800  }
0x39: {  	[sflag:s19] =	ssyncset.done $0x0  }
0x3a: {  	[sflag:s19] =	ssyncadd.s32 $0xFFFFF800  }
0x3b: {  	_ =	swait.ge [sflag:s23], $0x800  }
0x3c: {  	[sflag:s23] =	ssyncset.done $0x0  }
0x3d: {  	s0 =	simm.s32 @!p0 $0x0;
	s15 =	rddreg [dreg:$0x8];
	[sflag:s23] =	ssyncadd.s32 $0xFFFFF800  }
0x3e: {  	[tilespmem:s0], [sflag:$0x1B] =	stream.linear.gather @!p0 [hbm4b:s15+s0], $0x80, $0x38;
	[tilespmem:$0x10500] =	vst v63  }
0x3f: {  	s15 =	simm.s32 @!p0 $0x1B  }
0x40: {  	_ =	swait.ge @!p0 [sflag:s15], $0x80  }
0x41: {  	[sflag:s15] =	ssyncset.done @!p0 $0x0  }
0x42: {  	s4 =	simm.s32 @!p0 $0x2700;
	s28 =	rddreg [dreg:$0x9];
	[sflag:s15] =	ssyncadd.s32 @!p0 $0xFFFFFF80  }
0x43: {  	[tilespmem:s4], [sflag:$0x1B] =	stream.linear.gather @!p0 [hbm4b:s28+s0], $0x80, $0x38;
	[tilespmem:$0x10500] =	vst v63  }
0x44: {  	_ =	swait.ge @!p0 [sflag:s15], $0x80  }
0x45: {  	[sflag:s15] =	ssyncset.done @!p0 $0x0  }
0x46: {  	s5 =	simm.s32 @!p0 $0x80;
	s28 =	simm.s32 @!p0 $0x4E00;
	[sflag:s15] =	ssyncadd.s32 @!p0 $0xFFFFFF80  }
0x47: {  	[tilespmem:s28], [sflag:$0x1B] =	stream.indirect.gather @!p0 [hbm4b:s1+s5], $0x10, s0, s5, $0xb8;
	[tilespmem:$0x10500] =	vst v63  }
0x48: {  	_ =	swait.ge @!p0 [sflag:s15], $0x800  }
0x49: {  	[sflag:s15] =	ssyncset.done @!p0 $0x0  }
0x4a: {  	[sflag:s15] =	ssyncadd.s32 @!p0 $0xFFFFF800  }
0x4b: {  	[spmem:s3] =	stream.indirect.scatter.add.f32 @!p0 [tilespmem:s28], [sflag:$0x1B], $0x10, s4, s5, $0xb8;
	[tilespmem:$0x10500] =	vst v63  }
0x4c: {  	_ =	swait.ge @!p0 [sflag:s15], $0x800  }
0x4d: {  	[sflag:s15] =	ssyncset.done @!p0 $0x0  }
0x4e: {  	[sflag:s15] =	ssyncadd.s32 @!p0 $0xFFFFF800  }
0x4f: {  	s28 =	stileid.u32;
	[bflag:$0x0] =	sbarrier.arrive $0xFFFF  }
0x50: {  	s0 =	sshll.u32 s28, $0x6;
	s8 =	rddreg [dreg:$0x7]  }
0x51: {  	s0 =	sor.u32 $0x1C1B, s0;
	s5 =	rddreg [dreg:$0xa];
	s4 =	sshrl.u32 s8, $0x3  }
0x52: {  	[hbm:s5], [sflag:s0] =	dma.local [spmem:s4], $0x4F0  }
0x53: {  	s4 =	simm.s32 $0x1B  }
0x54: {  	_ =	swait.ge [sflag:s4], $0x4F0  }
0x55: {  	s15 =	rddreg [dreg:$0xc]  }
0x56: {  	s28 =	rddreg [dreg:$0xb];
	s5 =	sadd.s32 $0x1, s15  }
0x57: {  	p1 =	sne.s32 s5, s28  }
.Ltmp1:
0x58: {  	_ = 	snop;
	(pc) =	sbr.rel @!p1 .LBB2_5-.Ltmp1, $3  }
0x59: {  	_ =	sdelay $0x1  }
0x5a: {  	[sflag:s4] =	ssyncset.done $0x0  }
0x5b: {  	[sflag:s4] =	ssyncadd.s32 $0xFFFFFB10  }
.LBB2_1:
0x5c: {  	[dreg:$0xc] =	wrdreg s5  }
0x5d: {  	s0 =	simm.s32 $0x0;
	s15 =	rddreg [dreg:$0x4];
	s4 =	simm.s32 $0xB600  }
0x5e: {  	[tilespmem:s4], [sflag:$0xE] =	stream.linear.gather [hbm4b:s15+s0], $0x2780, $0x38;
	[tilespmem:$0x10500] =	vst v63  }
0x5f: {  	s5 =	rddreg [dreg:$0x5]  }
0x60: {  	[tilespmem:s0], [sflag:$0x1] =	stream.linear.gather [hbm4b:s5+s0], $0x2700, $0x38;
	[tilespmem:$0x10500] =	vst v63  }
0x61: {  	s28 =	simm.s32 $0x2700;
	s4 =	rddreg [dreg:$0x6];
	s5 =	simm.s32 $0x1  }
0x62: {  	[tilespmem:s28], [sflag:$0xF] =	stream.linear.gather [hbm4b:s4+s0], $0x2700, $0x38;
	[tilespmem:$0x10500] =	vst v63  }
0x63: {  	_ =	swait.ge [sflag:s5], $0x2700  }
0x64: {  	[sflag:s5] =	ssyncset.done $0x0  }
0x65: {  	[sflag:s5] =	ssyncadd.s32 $0xFFFFD900  }
0x66: {  	[tilespmem:s30], [sflag:$0x1] =	stream.indirect.gather [hbm4b:s1+s16], $0x10, s0, s16, $0xb8;
	[tilespmem:$0x10500] =	vst v63  }
0x67: {  	s5 =	simm.s32 $0x5600  }
0x68: {  	[tilespmem:s5], [sflag:$0x2] =	stream.indirect.gather [hbm4b:s1+s16], $0x10, s16, s16, $0xb8;
	[tilespmem:$0x10500] =	vst v63  }
0x69: {  	s4 =	simm.s32 $0x100  }
0x6a: {  	[tilespmem:s7], [sflag:$0x3] =	stream.indirect.gather [hbm4b:s1+s16], $0x10, s4, s16, $0xb8;
	[tilespmem:$0x10500] =	vst v63  }
0x6b: {  	s15 =	simm.s32 $0x180  }
0x6c: {  	[tilespmem:s13], [sflag:$0x4] =	stream.indirect.gather [hbm4b:s1+s16], $0x10, s15, s16, $0xb8;
	[tilespmem:$0x10500] =	vst v63  }
0x6d: {  	s4 =	simm.s32 $0x200  }
0x6e: {  	[tilespmem:s9], [sflag:$0x5] =	stream.indirect.gather [hbm4b:s1+s16], $0x10, s4, s16, $0xb8;
	[tilespmem:$0x10500] =	vst v63  }
0x6f: {  	s15 =	simm.s32 $0x280  }
0x70: {  	[tilespmem:s10], [sflag:$0x6] =	stream.indirect.gather [hbm4b:s1+s16], $0x10, s15, s16, $0xb8;
	[tilespmem:$0x10500] =	vst v63  }
0x71: {  	s4 =	simm.s32 $0x300  }
0x72: {  	[tilespmem:s14], [sflag:$0x7] =	stream.indirect.gather [hbm4b:s1+s16], $0x10, s4, s16, $0xb8;
	[tilespmem:$0x10500] =	vst v63  }
0x73: {  	s15 =	simm.s32 $0x380  }
0x74: {  	[tilespmem:s11], [sflag:$0x8] =	stream.indirect.gather [hbm4b:s1+s16], $0x10, s15, s16, $0xb8;
	[tilespmem:$0x10500] =	vst v63  }
0x75: {  	s4 =	simm.s32 $0x400  }
0x76: {  	[tilespmem:s12], [sflag:$0x9] =	stream.indirect.gather [hbm4b:s1+s16], $0x10, s4, s16, $0xb8;
	[tilespmem:$0x10500] =	vst v63  }
0x77: {  	s15 =	simm.s32 $0x480  }
0x78: {  	[tilespmem:s25], [sflag:$0xA] =	stream.indirect.gather [hbm4b:s1+s16], $0x10, s15, s16, $0xb8;
	[tilespmem:$0x10500] =	vst v63  }
0x79: {  	s4 =	simm.s32 $0x500  }
0x7a: {  	[tilespmem:s6], [sflag:$0xB] =	stream.indirect.gather [hbm4b:s1+s16], $0x10, s4, s16, $0xb8;
	[tilespmem:$0x10500] =	vst v63  }
0x7b: {  	s15 =	simm.s32 $0x580;
	s4 =	simm.s32 $0xA600  }
0x7c: {  	[tilespmem:s4], [sflag:$0xC] =	stream.indirect.gather [hbm4b:s1+s16], $0x10, s15, s16, $0xb8;
	[tilespmem:$0x10500] =	vst v63  }
0x7d: {  	s0 =	simm.s32 $0x600;
	s15 =	smov.u32 s8;
	s8 =	simm.s32 $0xAE00  }
0x7e: {  	[tilespmem:s8], [sflag:$0xD] =	stream.indirect.gather [hbm4b:s1+s16], $0x10, s0, s16, $0xb8;
	[tilespmem:$0x10500] =	vst v63  }
0x7f: {  	s0 =	simm.s32 $0xE  }
0x80: {  	_ =	swait.ge [sflag:s0], $0x2780  }
0x81: {  	[sflag:s0] =	ssyncset.done $0x0  }
0x82: {  	s28 =	simm.s32 $0x1B;
	[sflag:s0] =	ssyncadd.s32 $0xFFFFD880;
	s0 =	simm.s32 $0xB600  }
0x83: {  	[spmem:s15] =	stream.linear.scatter [tilespmem:s0], [sflag:$0x1B], $0x2780, $0x38;
	[tilespmem:$0x10500] =	vst v63  }
0x84: {  	_ =	swait.ge [sflag:s28], $0x2780  }
0x85: {  	[sflag:s28] =	ssyncset.done $0x0  }
0x86: {  	s15 =	simm.s32 $0xF;
	[sflag:s28] =	ssyncadd.s32 $0xFFFFD880  }
0x87: {  	_ =	swait.ge [sflag:s15], $0x2700  }
0x88: {  	[sflag:s15] =	ssyncset.done $0x0  }
0x89: {  	[sflag:s15] =	ssyncadd.s32 $0xFFFFD900  }
0x8a: {  	s28 =	simm.s32 $0x0;
	[bflag:$0x0] =	sbarrier.arrive $0xFFFF  }
.LBB2_2:
0x8b: {  	s15 =	simm.s32 $0x1  }
0x8c: {  	_ =	swait.ge [sflag:s15], $0x800  }
0x8d: {  	s0 =	sshra.s32 s28, $0x2;
	[sflag:s15] =	ssyncset.done $0x0  }
0x8e: {  	[sflag:s15] =	ssyncadd.s32 $0xFFFFF800;
	s15 =	sadd.s32 $0x2700, s0  }
0x8f: {  	[spmem:s3] =	stream.indirect.scatter.add.f32 [tilespmem:s30], [sflag:$0xE], $0x10, s15, s16, $0xb8;
	[tilespmem:$0x10500] =	vst v63  }
0x90: {  	s15 =	simm.s32 $0x2  }
0x91: {  	_ =	swait.ge [sflag:s15], $0x800  }
0x92: {  	[sflag:s15] =	ssyncset.done $0x0  }
0x93: {  	[sflag:s15] =	ssyncadd.s32 $0xFFFFF800;
	s15 =	sadd.s32 $0x2780, s0  }
0x94: {  	[spmem:s3] =	stream.indirect.scatter.add.f32 [tilespmem:s5], [sflag:$0xF], $0x10, s15, s16, $0xb8;
	[tilespmem:$0x10500] =	vst v63  }
0x95: {  	s15 =	simm.s32 $0x3  }
0x96: {  	_ =	swait.ge [sflag:s15], $0x800  }
0x97: {  	[sflag:s15] =	ssyncset.done $0x0  }
0x98: {  	[sflag:s15] =	ssyncadd.s32 $0xFFFFF800;
	s15 =	sadd.s32 $0x2800, s0  }
0x99: {  	[spmem:s3] =	stream.indirect.scatter.add.f32 [tilespmem:s7], [sflag:$0x10], $0x10, s15, s16, $0xb8;
	[tilespmem:$0x10500] =	vst v63  }
0x9a: {  	s15 =	simm.s32 $0x4  }
0x9b: {  	_ =	swait.ge [sflag:s15], $0x800  }
0x9c: {  	[sflag:s15] =	ssyncset.done $0x0  }
0x9d: {  	[sflag:s15] =	ssyncadd.s32 $0xFFFFF800;
	s15 =	sadd.s32 $0x2880, s0  }
0x9e: {  	[spmem:s3] =	stream.indirect.scatter.add.f32 [tilespmem:s13], [sflag:$0x11], $0x10, s15, s16, $0xb8;
	[tilespmem:$0x10500] =	vst v63  }
0x9f: {  	s15 =	simm.s32 $0x5  }
0xa0: {  	_ =	swait.ge [sflag:s15], $0x800  }
0xa1: {  	[sflag:s15] =	ssyncset.done $0x0  }
0xa2: {  	[sflag:s15] =	ssyncadd.s32 $0xFFFFF800;
	s15 =	sadd.s32 $0x2900, s0  }
0xa3: {  	[spmem:s3] =	stream.indirect.scatter.add.f32 [tilespmem:s9], [sflag:$0x12], $0x10, s15, s16, $0xb8;
	[tilespmem:$0x10500] =	vst v63  }
0xa4: {  	s15 =	simm.s32 $0x6  }
0xa5: {  	_ =	swait.ge [sflag:s15], $0x800  }
0xa6: {  	[sflag:s15] =	ssyncset.done $0x0  }
0xa7: {  	[sflag:s15] =	ssyncadd.s32 $0xFFFFF800;
	s15 =	sadd.s32 $0x2980, s0  }
0xa8: {  	[spmem:s3] =	stream.indirect.scatter.add.f32 [tilespmem:s10], [sflag:$0x13], $0x10, s15, s16, $0xb8;
	[tilespmem:$0x10500] =	vst v63  }
0xa9: {  	s15 =	simm.s32 $0x7  }
0xaa: {  	_ =	swait.ge [sflag:s15], $0x800  }
0xab: {  	[sflag:s15] =	ssyncset.done $0x0  }
0xac: {  	[sflag:s15] =	ssyncadd.s32 $0xFFFFF800;
	s15 =	sadd.s32 $0x2A00, s0  }
0xad: {  	[spmem:s3] =	stream.indirect.scatter.add.f32 [tilespmem:s14], [sflag:$0x14], $0x10, s15, s16, $0xb8;
	[tilespmem:$0x10500] =	vst v63  }
0xae: {  	s15 =	simm.s32 $0x8  }
0xaf: {  	_ =	swait.ge [sflag:s15], $0x800  }
0xb0: {  	[sflag:s15] =	ssyncset.done $0x0  }
0xb1: {  	[sflag:s15] =	ssyncadd.s32 $0xFFFFF800;
	s15 =	sadd.s32 $0x2A80, s0  }
0xb2: {  	[spmem:s3] =	stream.indirect.scatter.add.f32 [tilespmem:s11], [sflag:$0x15], $0x10, s15, s16, $0xb8;
	[tilespmem:$0x10500] =	vst v63  }
0xb3: {  	s15 =	simm.s32 $0x9  }
0xb4: {  	_ =	swait.ge [sflag:s15], $0x800  }
0xb5: {  	[sflag:s15] =	ssyncset.done $0x0  }
0xb6: {  	[sflag:s15] =	ssyncadd.s32 $0xFFFFF800;
	s15 =	sadd.s32 $0x2B00, s0  }
0xb7: {  	[spmem:s3] =	stream.indirect.scatter.add.f32 [tilespmem:s12], [sflag:$0x16], $0x10, s15, s16, $0xb8;
	[tilespmem:$0x10500] =	vst v63  }
0xb8: {  	s15 =	simm.s32 $0xA  }
0xb9: {  	_ =	swait.ge [sflag:s15], $0x800  }
0xba: {  	[sflag:s15] =	ssyncset.done $0x0  }
0xbb: {  	[sflag:s15] =	ssyncadd.s32 $0xFFFFF800;
	s15 =	sadd.s32 $0x2B80, s0  }
0xbc: {  	[spmem:s3] =	stream.indirect.scatter.add.f32 [tilespmem:s25], [sflag:$0x17], $0x10, s15, s16, $0xb8;
	[tilespmem:$0x10500] =	vst v63  }
0xbd: {  	s15 =	simm.s32 $0xB  }
0xbe: {  	_ =	swait.ge [sflag:s15], $0x800  }
0xbf: {  	[sflag:s15] =	ssyncset.done $0x0  }
0xc0: {  	[sflag:s15] =	ssyncadd.s32 $0xFFFFF800;
	s15 =	sadd.s32 $0x2C00, s0  }
0xc1: {  	[spmem:s3] =	stream.indirect.scatter.add.f32 [tilespmem:s6], [sflag:$0x18], $0x10, s15, s16, $0xb8;
	[tilespmem:$0x10500] =	vst v63  }
0xc2: {  	s15 =	simm.s32 $0xC  }
0xc3: {  	_ =	swait.ge [sflag:s15], $0x800  }
0xc4: {  	[sflag:s15] =	ssyncset.done $0x0  }
0xc5: {  	[sflag:s15] =	ssyncadd.s32 $0xFFFFF800;
	s15 =	sadd.s32 $0x2C80, s0  }
0xc6: {  	[spmem:s3] =	stream.indirect.scatter.add.f32 [tilespmem:s4], [sflag:$0x19], $0x10, s15, s16, $0xb8;
	[tilespmem:$0x10500] =	vst v63  }
0xc7: {  	_ =	swait.ge [sflag:s21], $0x800  }
0xc8: {  	[sflag:s21] =	ssyncset.done $0x0  }
0xc9: {  	p1 =	seq.s32 s28, $0x8200;
	s15 =	sadd.s32 $0x2D00, s0;
	[sflag:s21] =	ssyncadd.s32 $0xFFFFF800  }
0xca: {  	[spmem:s3] =	stream.indirect.scatter.add.f32 [tilespmem:s8], [sflag:$0x1A], $0x10, s15, s16, $0xb8;
	[tilespmem:$0x10500] =	vst v63  }
.Ltmp2:
0xcb: {  	_ = 	snop;
	(pc) =	sbr.rel @p1 .LBB2_4-.Ltmp2, $4  }
0xcc: {  	s15 =	simm.s32 $0xE  }
0xcd: {  	_ =	swait.ge [sflag:s15], $0x800  }
0xce: {  	[sflag:s15] =	ssyncset.done $0x0  }
0xcf: {  	[sflag:s15] =	ssyncadd.s32 $0xFFFFF800  }
0xd0: {  	s15 =	sadd.s32 $0x680, s0  }
0xd1: {  	[tilespmem:s30], [sflag:$0x1] =	stream.indirect.gather [hbm4b:s1+s16], $0x10, s15, s16, $0xb8;
	[tilespmem:$0x10500] =	vst v63  }
0xd2: {  	s15 =	simm.s32 $0xF  }
0xd3: {  	_ =	swait.ge [sflag:s15], $0x800  }
0xd4: {  	[sflag:s15] =	ssyncset.done $0x0  }
0xd5: {  	[sflag:s15] =	ssyncadd.s32 $0xFFFFF800;
	s15 =	sadd.s32 $0x700, s0  }
0xd6: {  	[tilespmem:s5], [sflag:$0x2] =	stream.indirect.gather [hbm4b:s1+s16], $0x10, s15, s16, $0xb8;
	[tilespmem:$0x10500] =	vst v63  }
0xd7: {  	_ =	swait.ge [sflag:s17], $0x800  }
0xd8: {  	[sflag:s17] =	ssyncset.done $0x0  }
0xd9: {  	s15 =	sadd.s32 $0x780, s0;
	[sflag:s17] =	ssyncadd.s32 $0xFFFFF800  }
0xda: {  	[tilespmem:s7], [sflag:$0x3] =	stream.indirect.gather [hbm4b:s1+s16], $0x10, s15, s16, $0xb8;
	[tilespmem:$0x10500] =	vst v63  }
0xdb: {  	_ =	swait.ge [sflag:s18], $0x800  }
0xdc: {  	[sflag:s18] =	ssyncset.done $0x0  }
0xdd: {  	s15 =	sadd.s32 $0x800, s0;
	[sflag:s18] =	ssyncadd.s32 $0xFFFFF800  }
0xde: {  	[tilespmem:s13], [sflag:$0x4] =	stream.indirect.gather [hbm4b:s1+s16], $0x10, s15, s16, $0xb8;
	[tilespmem:$0x10500] =	vst v63  }
0xdf: {  	_ =	swait.ge [sflag:s20], $0x800  }
0xe0: {  	[sflag:s20] =	ssyncset.done $0x0  }
0xe1: {  	s15 =	sadd.s32 $0x880, s0;
	[sflag:s20] =	ssyncadd.s32 $0xFFFFF800  }
0xe2: {  	[tilespmem:s9], [sflag:$0x5] =	stream.indirect.gather [hbm4b:s1+s16], $0x10, s15, s16, $0xb8;
	[tilespmem:$0x10500] =	vst v63  }
0xe3: {  	_ =	swait.ge [sflag:s22], $0x800  }
0xe4: {  	[sflag:s22] =	ssyncset.done $0x0  }
0xe5: {  	s15 =	sadd.s32 $0x900, s0;
	[sflag:s22] =	ssyncadd.s32 $0xFFFFF800  }
0xe6: {  	[tilespmem:s10], [sflag:$0x6] =	stream.indirect.gather [hbm4b:s1+s16], $0x10, s15, s16, $0xb8;
	[tilespmem:$0x10500] =	vst v63  }
0xe7: {  	_ =	swait.ge [sflag:s24], $0x800  }
0xe8: {  	[sflag:s24] =	ssyncset.done $0x0  }
0xe9: {  	s15 =	sadd.s32 $0x980, s0;
	[sflag:s24] =	ssyncadd.s32 $0xFFFFF800  }
0xea: {  	[tilespmem:s14], [sflag:$0x7] =	stream.indirect.gather [hbm4b:s1+s16], $0x10, s15, s16, $0xb8;
	[tilespmem:$0x10500] =	vst v63  }
0xeb: {  	_ =	swait.ge [sflag:s26], $0x800  }
0xec: {  	[sflag:s26] =	ssyncset.done $0x0  }
0xed: {  	s15 =	sadd.s32 $0xA00, s0;
	[sflag:s26] =	ssyncadd.s32 $0xFFFFF800  }
0xee: {  	[tilespmem:s11], [sflag:$0x8] =	stream.indirect.gather [hbm4b:s1+s16], $0x10, s15, s16, $0xb8;
	[tilespmem:$0x10500] =	vst v63  }
0xef: {  	_ =	swait.ge [sflag:s29], $0x800  }
0xf0: {  	[sflag:s29] =	ssyncset.done $0x0  }
0xf1: {  	s15 =	sadd.s32 $0xA80, s0;
	[sflag:s29] =	ssyncadd.s32 $0xFFFFF800  }
0xf2: {  	[tilespmem:s12], [sflag:$0x9] =	stream.indirect.gather [hbm4b:s1+s16], $0x10, s15, s16, $0xb8;
	[tilespmem:$0x10500] =	vst v63  }
0xf3: {  	_ =	swait.ge [sflag:s31], $0x800  }
0xf4: {  	[sflag:s31] =	ssyncset.done $0x0  }
0xf5: {  	s15 =	sadd.s32 $0xB00, s0;
	[sflag:s31] =	ssyncadd.s32 $0xFFFFF800  }
0xf6: {  	[tilespmem:s25], [sflag:$0xA] =	stream.indirect.gather [hbm4b:s1+s16], $0x10, s15, s16, $0xb8;
	[tilespmem:$0x10500] =	vst v63  }
0xf7: {  	_ =	swait.ge [sflag:s2], $0x800  }
0xf8: {  	[sflag:s2] =	ssyncset.done $0x0  }
0xf9: {  	s15 =	sadd.s32 $0xB80, s0;
	[sflag:s2] =	ssyncadd.s32 $0xFFFFF800  }
0xfa: {  	[tilespmem:s6], [sflag:$0xB] =	stream.indirect.gather [hbm4b:s1+s16], $0x10, s15, s16, $0xb8;
	[tilespmem:$0x10500] =	vst v63  }
0xfb: {  	_ =	swait.ge [sflag:s19], $0x800  }
0xfc: {  	[sflag:s19] =	ssyncset.done $0x0  }
0xfd: {  	s15 =	sadd.s32 $0xC00, s0;
	[sflag:s19] =	ssyncadd.s32 $0xFFFFF800  }
0xfe: {  	[tilespmem:s4], [sflag:$0xC] =	stream.indirect.gather [hbm4b:s1+s16], $0x10, s15, s16, $0xb8;
	[tilespmem:$0x10500] =	vst v63  }
.Ltmp3:
0xff: {  	_ = 	snop;
	(pc) =	sbr.rel .LBB2_2-.Ltmp3, $4  }
0x100: {  	_ =	swait.ge [sflag:s23], $0x800  }
0x101: {  	[sflag:s23] =	ssyncset.done $0x0  }
0x102: {  	s28 =	sadd.s32 $0x1A00, s28;
	s15 =	sadd.s32 $0xC80, s0;
	[sflag:s23] =	ssyncadd.s32 $0xFFFFF800  }
0x103: {  	[tilespmem:s8], [sflag:$0xD] =	stream.indirect.gather [hbm4b:s1+s16], $0x10, s15, s16, $0xb8;
	[tilespmem:$0x10500] =	vst v63  }
.LBB2_5:
0x104: {  	_ =	sfence.sel $0x180000  }
0x105: {  	[bflag:$0x0] =	sbarrier.arrive $0xFFFF  }
0x106: {  	_ =	strace $0x9000004A  }
0x107: {  	s0 =	stileid.u32;
	[bflag:$0x2] =	sbarrier.arrive $0xFFFF  }
0x108: {  	p0 =	sne.s32 s0, $0x0;
	s0 =	rddreg [dreg:$0x3]  }
0x109: {  	s0 =	sadd.s32 @!p0 $0x100000, s0  }
0x10a: {  	[sflag:s0] =	ssyncadd.tile.s32 @!p0 $0x1;
	_ =	shalt  }
.Lfunc_end2:
_tile_overlayer_lowered:
.L_overlay_start_2:
0x10b: {  	(tag) =	ssettag $0x2  }
0x10c: {  	s0 =	rddreg [dreg:$0x0];
	s2 =	stileid.u32  }
0x10d: {  	s1 =	rddreg [dreg:$0x1];
	p0 =	sne.s32 s2, $0x0  }
0x10e: {  	s3 =	rddreg [dreg:$0x2];
	[bflag:$0x3] =	sbarrier.arrive $0xFFFF;
	s2 =	simm.s32 @!p0 $0x1C1B  }
0x10f: {  	[timem:s3], [sflag:s2] =	dma.local @!p0 [hbm:s0], s1  }
0x110: {  	s0 =	simm.s32 @!p0 $0x1B  }
0x111: {  	_ =	swait.ge @!p0 [sflag:s0], s1  }
0x112: {  	s1 =	ssub.s32 @!p0 $0x0, s1;
	[sflag:s0] =	ssyncset.done @!p0 $0x0  }
0x113: {  	[sflag:s0] =	ssyncadd.s32 @!p0 s1  }
0x114: {  	[bflag:$0x3] =	sbarrier.arrive $0xFFFF  }
0x115: {  	_ =	shalt  }

// kernel: _gcn.15.cloned.1.call-start
scs
__scs_entry_jumppad:
0x0: {  	(pc) =	sbr.rel $0x88, $3  }
0x1: {  	(tag) =	ssettag $0x0;
	lr =	simm.s32 $0x1  }
0x2: {  	[smem:$0x3F9B] =	sst lr;
	_ =	strace $0xD0000000  }
0x3: {  	_ = 	snop  }
0x4: {  	_ = 	snop  }
0x5: {  	_ = 	snop  }
0x6: {  	_ = 	snop  }
0x7: {  	_ = 	snop  }
__scs_overlays_trampoline_lowered:
0x8: {  	[smem:$0x3FAA] =	sst s0  }
0x9: {  	[smem:$0x3FAB] =	sst s1  }
0xa: {  	[smem:$0x3FAC] =	sst s2  }
0xb: {  	[smem:$0x3FAD] =	sst s3  }
0xc: {  	[smem:$0x3FAE] =	sst s4  }
0xd: {  	[smem:$0x3FAF] =	sst s5  }
0xe: {  	[smem:$0x3FB0] =	sst s6  }
0xf: {  	[smem:$0x3FB1] =	sst s7  }
0x10: {  	[smem:$0x3FB2] =	sst s8  }
0x11: {  	[smem:$0x3FB3] =	sst s9;
	s0 =	simm.s32 @!p0 $0x0  }
0x12: {  	s1 =	sld [smem:$0x3F99];
	s0 =	simm.s32 @p0 $0x1  }
0x13: {  	[smem:$0x3FB4] =	sst s0;
	s0 =	simm.s32 @!p1 $0x0  }
0x14: {  	s2 =	sld [smem:$0x3F98];
	s0 =	simm.s32 @p1 $0x1  }
0x15: {  	[smem:$0x3FB5] =	sst s0;
	s0 =	simm.s32 @!p2 $0x0  }
0x16: {  	s3 =	sld [smem:$0x3FDB];
	s0 =	simm.s32 @p2 $0x1  }
0x17: {  	s4 =	simm.s32 $0x1BF5;
	[smem:$0x3FB7] =	sst s0  }
0x18: {  	s0 =	sld [smem:$0x3F9A];
	_ =	swait.ge [sflag:s4], $0x0  }
0x19: {  	s7 =	sld [smem:$0x3F9B]  }
0x1a: {  	s8 =	sadd.s32 $0xFFFFE003, lr  }
0x1b: {  	s9 =	sadd.s32 $0xFFFFFEF7, lr;
	s5 =	simm.s32 $0xFFFFFFFF;
	p2 =	slt.u32 s8, $0xFFFFF086  }
0x1c: {  	p1 =	slt.u32 s9, $0xF7A;
	s5 =	simm.s32 @!p2 $0x0  }
0x1d: {  	s5 =	simm.s32 @p1 $0x1;
	p0 =	seq.s32 s7, s2  }
0x1e: {  	s7 =	smul.u32 @!p0 $0xF7A, s2;
	p2 =	seq.s32 @!p0 s5, $0x0  }
0x1f: {  	s9 =	smul.u32 $0xF7A, s1;
	s8 =	simm.s32 @!p0 $0x1BF5;
	p2 =	por !p2, p0  }
0x20: {  	[sflag:s8] =	ssyncset.s32 @!p0 $0xFFFFF086;
	s6 =	sadd.s32 @!p0 s3, s7;
	s7 =	simm.s32 @!p0 $0x108  }
0x21: {  	s3 =	sadd.s32 s3, s9;
	s6 =	sadd.s32 @!p0 $0x88, s6;
	s7 =	simm.s32 @p2 $0x1082  }
0x22: {  	[simem:s7], [sflag:s8] =	dma.local @!p0 [hbm:s6], $0xF7A  }
0x23: {  	s9 =	sor.u32 $0xD0000000, s2;
	s6 =	simm.s32 $0x108;
	_ =	swait.ge @!p0 [sflag:s8], $0x0  }
0x24: {  	s3 =	sadd.s32 $0x88, s3;
	s6 =	simm.s32 @!p1 $0x1082;
	[sflag:s4] =	ssyncset.s32 $0xFFFFF086  }
0x25: {  	[simem:s6], [sflag:s4] =	dma.local [hbm:s3], $0xF7A  }
0x26: {  	[smem:$0x3F9B] =	sst s1;
	(tag) =	ssettag s2;
	_ =	strace s9  }
0x27: {  	s1 =	sld [smem:$0x3FAB]  }
0x28: {  	s2 =	sld [smem:$0x3FAC]  }
0x29: {  	s4 =	sld [smem:$0x3FAE]  }
0x2a: {  	p0 =	seq.s32 s5, $0x0;
	s5 =	sld [smem:$0x3FAF]  }
0x2b: {  	s6 =	sld [smem:$0x3FB0]  }
0x2c: {  	s7 =	sld [smem:$0x3FB1]  }
0x2d: {  	s3 =	simm.s32 $0x108;
	s8 =	sld [smem:$0x3FB2]  }
0x2e: {  	s3 =	simm.s32 @!p0 $0x1082;
	s9 =	sld [smem:$0x3FB3]  }
0x2f: {  	lr =	sadd.s32 s0, s3;
	s0 =	sld [smem:$0x3FAA]  }
0x30: {  	s3 =	sld [smem:$0x3FAD]  }
0x31: {  	[smem:$0x3FB6] =	sst s10  }
0x32: {  	s10 =	sld [smem:$0x3FB4];
	_ =	sdelay $0x3  }
0x33: {  	p0 =	seq.s32 s10, $0x1;
	s10 =	sld [smem:$0x3FB6];
	_ =	sdelay $0x3  }
0x34: {  	[smem:$0x3FB6] =	sst s10  }
0x35: {  	s10 =	sld [smem:$0x3FB5];
	_ =	sdelay $0x3  }
0x36: {  	p1 =	seq.s32 s10, $0x1;
	s10 =	sld [smem:$0x3FB6];
	_ =	sdelay $0x3  }
0x37: {  	[smem:$0x3FB6] =	sst s10  }
0x38: {  	s10 =	sld [smem:$0x3FB7]  }
0x39: {  	_ = 	snop;
	(pc) =	sbr.ind lr, $3  }
0x3a: {  	_ = 	snop  }
0x3b: {  	_ = 	snop  }
0x3c: {  	p2 =	seq.s32 s10, $0x1;
	s10 =	sld [smem:$0x3FB6]  }
0x3d: {  	_ =	shalt  }
0x3e: {  	_ =	shalt  }
0x3f: {  	_ =	shalt  }
0x40: {  	_ =	shalt  }
0x41: {  	_ =	shalt  }
0x42: {  	_ =	shalt  }
0x43: {  	_ =	shalt  }
0x44: {  	_ =	shalt  }
0x45: {  	_ =	shalt  }
0x46: {  	_ =	shalt  }
0x47: {  	_ =	shalt  }
0x48: {  	_ =	shalt  }
0x49: {  	_ =	shalt  }
0x4a: {  	_ =	shalt  }
0x4b: {  	_ =	shalt  }
0x4c: {  	_ =	shalt  }
0x4d: {  	_ =	shalt  }
0x4e: {  	_ =	shalt  }
0x4f: {  	_ =	shalt  }
0x50: {  	_ =	shalt  }
0x51: {  	_ =	shalt  }
0x52: {  	_ =	shalt  }
0x53: {  	_ =	shalt  }
0x54: {  	_ =	shalt  }
0x55: {  	_ =	shalt  }
0x56: {  	_ =	shalt  }
0x57: {  	_ =	shalt  }
0x58: {  	_ =	shalt  }
0x59: {  	_ =	shalt  }
0x5a: {  	_ =	shalt  }
0x5b: {  	_ =	shalt  }
0x5c: {  	_ =	shalt  }
0x5d: {  	_ =	shalt  }
0x5e: {  	_ =	shalt  }
0x5f: {  	_ =	shalt  }
0x60: {  	_ =	shalt  }
0x61: {  	_ =	shalt  }
0x62: {  	_ =	shalt  }
0x63: {  	_ =	shalt  }
0x64: {  	_ =	shalt  }
0x65: {  	_ =	shalt  }
0x66: {  	_ =	shalt  }
0x67: {  	_ =	shalt  }
0x68: {  	_ =	shalt  }
0x69: {  	_ =	shalt  }
0x6a: {  	_ =	shalt  }
0x6b: {  	_ =	shalt  }
0x6c: {  	_ =	shalt  }
0x6d: {  	_ =	shalt  }
0x6e: {  	_ =	shalt  }
0x6f: {  	_ =	shalt  }
0x70: {  	_ =	shalt  }
0x71: {  	_ =	shalt  }
0x72: {  	_ =	shalt  }
0x73: {  	_ =	shalt  }
0x74: {  	_ =	shalt  }
0x75: {  	_ =	shalt  }
0x76: {  	_ =	shalt  }
0x77: {  	_ =	shalt  }
0x78: {  	_ =	shalt  }
0x79: {  	_ =	shalt  }
0x7a: {  	_ =	shalt  }
0x7b: {  	_ =	shalt  }
0x7c: {  	_ =	shalt  }
0x7d: {  	_ =	shalt  }
0x7e: {  	_ =	shalt  }
0x7f: {  	_ =	shalt  }
0x80: {  	_ =	shalt  }
0x81: {  	_ =	shalt  }
0x82: {  	_ =	shalt  }
0x83: {  	_ =	shalt  }
0x84: {  	_ =	shalt  }
0x85: {  	_ =	shalt  }
0x86: {  	_ =	shalt  }
0x87: {  	_ =	shalt  }
.Lfunc_end0:
.L_simem_size_0:
called_computation.2_lowered:
.L_overlay_start_0:
0x88: {  	s2 =	sld [smem:$0x3FD9]  }
0x89: {  	s3 =	sld [smem:$0x3FFE];
	_ =	sdelay $0x1  }
0x8a: {  	s1 =	srdreg.scid  }
0x8b: {  	s0 =	sand.u32 $0x1, s1  }
0x8c: {  	s17 =	sshll.u32 s0, $0xA;
	s2 =	sadd.s32 s3, s2  }
0x8d: {  	s2 =	sadd.s32 s2, s17  }
0x8e: {  	[smem:$0x3FC2] =	sst s2  }
0x8f: {  	_ = 	snop  }
0x90: {  	s2 =	sld [smem:$0x3FD0];
	(tm) =	ssettm $0x1  }
0x91: {  	s18 =	sld [smem:$0x3FFB];
	_ =	sdelay $0x3  }
0x92: {  	_ =	strace s18  }
0x93: {  	s3 =	sld [smem:$0x3FFC];
	_ =	sdelay $0x3  }
0x94: {  	_ =	strace s3  }
0x95: {  	s3 =	sld [smem:$0x3FFD];
	_ =	sdelay $0x3  }
0x96: {  	_ =	strace s3  }
0x97: {  	_ =	strace $0x8FFFFFFF  }
0x98: {  	s19 =	sld [smem:$0x3FDB];
	_ =	sdelay $0x1  }
0x99: {  	s4 =	simm.s32 $_scs_section_size  }
0x9a: {  	s5 =	simm.s32 $_size__tile_overlayer_lowered;
	s6 =	simm.s32 $_tile_overlayer_lowered  }
0x9b: {  	s22 =	simm.s32 $0x1BFF;
	s21 =	sshll.u32 s6, $0x1;
	s3 =	sadd.s32 s4, s19  }
0x9c: {  	s7 =	simm.s32 $0x0;
	s20 =	sshll.u32 s5, $0x1;
	s5 =	sadd.s32 s21, s3  }
0x9d: {  	[timem:s7], [sflag:s22] =	dma.local [hbm:s5], s20  }
0x9e: {  	_ =	swait.ge [sflag:s22], s20  }
0x9f: {  	s4 =	ssub.s32 $0x0, s20;
	[sflag:s22] =	ssyncset.done $0x0  }
0xa0: {  	[sflag:s22] =	ssyncadd.s32 s4;
	_ =	sdelay $0x1  }
0xa1: {  	s23 =	simm.s32 $0x1B8B  }
0xa2: {  	_ =	swait.ge [sflag:s23], $0x1  }
0xa3: {  	[sflag:s23] =	ssyncset.done $0x0  }
0xa4: {  	s25 =	simm.s32 $0x1B8E;
	s24 =	sld [smem:$0x3FFE];
	[sflag:s23] =	ssyncadd.s32 $0xFFFFFFFF  }
0xa5: {  	s26 =	simm.s32 $execute0_lowered;
	[smem:$0x3FD2] =	sst s25  }
0xa6: {  	s5 =	sshll.u32 s26, $0x1;
	_ =	strace $0x8000004C;
	[dreg:$0x1] =	wrdreg $0xFFFFFFFF  }
0xa7: {  	s28 =	simm.s32 $_size_execute0_lowered;
	s3 =	sadd.s32 s3, s5;
	[dreg:$0x0] =	wrdreg $0x0  }
0xa8: {  	s5 =	sshll.u32 s28, $0x1;
	[dreg:$0x2] =	wrdreg s3  }
0xa9: {  	[dreg:$0x3] =	wrdreg s5  }
0xaa: {  	[dreg:$0x4] =	wrdreg $0xC0  }
0xab: {  	_ =	task [dreg:s7], $0x5FFFF  }
0xac: {  	[dreg:$0x1] =	wrdreg $0xFFFFFFFF  }
0xad: {  	[dreg:$0x0] =	wrdreg $0x60  }
0xae: {  	[dreg:$0x2] =	wrdreg s2  }
0xaf: {  	[dreg:$0x3] =	wrdreg s24  }
0xb0: {  	[dreg:$0x4] =	wrdreg $0xDD800  }
0xb1: {  	[dreg:$0x5] =	wrdreg $0x9  }
0xb2: {  	_ =	task.clear_ibuf [dreg:s7], $0x6FFFF;
	_ =	strace $0x9000004C  }
0xb3: {  	s29 =	simm.s32 $0x9;
	_ =	strace $0x8000004E  }
0xb4: {  	_ =	swait.ge [sflag:s29], $0x1  }
0xb5: {  	[sflag:s29] =	ssyncadd.s32 $0xFFFFFFFF  }
0xb6: {  	_ =	strace $0x9000004E  }
0xb7: {  	_ =	sfence  }
0xb8: {  	s30 =	sld [smem:$0x0];
	_ =	sdelay $0x2  }
0xb9: {  	s31 =	sshll.u32 s1, $0xD;
	s1 =	sshrl.u32 s1, $0x2  }
0xba: {  	s3 =	sand.u32 $0x4000, s31;
	s1 =	sadd.s32 s1, s30  }
0xbb: {  	s0 =	sor.u32 s3, s0;
	s1 =	sshll.u32 s1, $0x11  }
0xbc: {  	s0 =	sor.u32 s1, s0  }
0xbd: {  	s0 =	sadd.s32 $0x8F2B, s0  }
0xbe: {  	[sflag:s0] =	ssyncadd.remote.s32 $0x1  }
0xbf: {  	_ =	sfence.sel $0xFFFF  }
0xc0: {  	[dreg:$0x0] =	wrdreg $0xFFFFFFFF;
	(pc) =	sbr.abs _section_cstart, $3  }
0xc1: {  	[dreg:$0x1] =	wrdreg $0xFFFFFFFF  }
0xc2: {  	_ =	task.clear_ibuf [dreg:s7], $0x2FFFF;
	_ =	strace $0x9FFFFFFF  }
0xc3: {  	(tm) =	ssettm $0x7FFFFFFF  }
tec
execute0_lowered:
.L_overlay_start_1:
0x0: {  	(tag) =	ssettag $0x1  }
0x1: {  	s1 =	rddreg [dreg:$0x0]  }
0x2: {  	s0 =	rddreg [dreg:$0x1]  }
0x3: {  	s3 =	rddreg [dreg:$0x2]  }
0x4: {  	s2 =	srdreg.scid;
	s7 =	stileid.u32;
	s5 =	simm.s32 $0x0  }
0x5: {  	s16 =	simm.s32 $0x80;
	s21 =	simm.s32 $0xD;
	s17 =	simm.s32 $0x10  }
0x6: {  	s18 =	simm.s32 $0x11;
	s20 =	simm.s32 $0x12;
	s29 =	simm.s32 $0x16  }
0x7: {  	s31 =	simm.s32 $0x17;
	s19 =	simm.s32 $0x19;
	s30 =	simm.s32 $0x4E00  }
0x8: {  	s13 =	simm.s32 $0x6600;
	s10 =	simm.s32 $0x7600;
	s14 =	simm.s32 $0x7E00  }
0x9: {  	s11 =	simm.s32 $0x8600;
	s12 =	simm.s32 $0x8E00;
	s2 =	sand.u32 $0x1, s2  }
0xa: {  	s4 =	smul.u32 $0x2780, s7;
	[smem:$0x7FF] =	sst s5;
	s23 =	sadd.s32 $0x2A00, s0  }
0xb: {  	s9 =	sadd.s32 $0x16400, s0;
	s22 =	smul.u32 $0x27800, s2;
	s6 =	sshll.u32 s2, $0x4  }
0xc: {  	_ =	strace $0x8000004D;
	[dreg:$0x4] =	wrdreg s9;
	s2 =	ssub.s32 $0x2, s2  }
0xd: {  	s9 =	simm.s32 $0x6E00;
	s6 =	sor.u32 s7, s6;
	s24 =	sshrl.u32 s2, $0x1  }
0xe: {  	s7 =	simm.s32 $0x5E00;
	s5 =	sadd.s32 s4, s22;
	s8 =	smul.u32 $0x2700, s6  }
0xf: {  	s2 =	ssub.s32 s2, s24;
	s25 =	sshll.u32 s6, $0x4;
	p0 =	slt.u32 s6, $0x1C  }
0x10: {  	s22 =	simm.s32 $0x13;
	s24 =	simm.s32 $0x14;
	s5 =	sshrl.u32 s5, $0x3  }
0x11: {  	s26 =	sadd.s32 s23, s25;
	s28 =	smax.u32 s2, $0x1;
	s0 =	sadd.s32 s5, s0  }
0x12: {  	s8 =	sshrl.u32 s8, $0x3;
	s5 =	sadd.s32 $0x9A40, s26;
	[dreg:$0xb] =	wrdreg s28  }
0x13: {  	s6 =	simm.s32 $0x9E00;
	s8 =	sadd.s32 s23, s8;
	[dreg:$0x8] =	wrdreg s5  }
.Ltmp0:
0x14: {  	s0 =	sadd.s32 $0x16A00, s0;
	[dreg:$0x5] =	wrdreg s8;
	(pc) =	sbr.rel .LBB2_1-.Ltmp0, $4  }
0x15: {  	s2 =	simm.s32 $0x18;
	s8 =	sadd.s32 $0x9C40, s8;
	[dreg:$0xa] =	wrdreg s0  }
0x16: {  	[dreg:$0x6] =	wrdreg s8;
	s8 =	sadd.s32 s4, s3;
	s4 =	sadd.s32 $0x13680, s26  }
0x17: {  	s25 =	simm.s32 $0x9600;
	s23 =	simm.s32 $0x1A;
	[dreg:$0x9] =	wrdreg s4  }
0x18: {  	s5 =	simm.s32 $0x0;
	s26 =	simm.s32 $0x15;
	[dreg:$0x7] =	wrdreg s8  }
.LBB2_4:
0x19: {  	s0 =	simm.s32 $0xF  }
0x1a: {  	_ =	swait.ge [sflag:s0], $0x800  }
0x1b: {  	[sflag:s0] =	ssyncset.done $0x0  }
0x1c: {  	[sflag:s0] =	ssyncadd.s32 $0xFFFFF800  }
0x1d: {  	_ =	swait.ge [sflag:s17], $0x800  }
0x1e: {  	[sflag:s17] =	ssyncset.done $0x0  }
0x1f: {  	[sflag:s17] =	ssyncadd.s32 $0xFFFFF800  }
0x20: {  	_ =	swait.ge [sflag:s18], $0x800  }
0x21: {  	[sflag:s18] =	ssyncset.done $0x0  }
0x22: {  	[sflag:s18] =	ssyncadd.s32 $0xFFFFF800  }
0x23: {  	_ =	swait.ge [sflag:s20], $0x800  }
0x24: {  	[sflag:s20] =	ssyncset.done $0x0  }
0x25: {  	[sflag:s20] =	ssyncadd.s32 $0xFFFFF800  }
0x26: {  	_ =	swait.ge [sflag:s22], $0x800  }
0x27: {  	[sflag:s22] =	ssyncset.done $0x0  }
0x28: {  	[sflag:s22] =	ssyncadd.s32 $0xFFFFF800  }
0x29: {  	_ =	swait.ge [sflag:s24], $0x800  }
0x2a: {  	[sflag:s24] =	ssyncset.done $0x0  }
0x2b: {  	[sflag:s24] =	ssyncadd.s32 $0xFFFFF800  }
0x2c: {  	_ =	swait.ge [sflag:s26], $0x800  }
0x2d: {  	[sflag:s26] =	ssyncset.done $0x0  }
0x2e: {  	[sflag:s26] =	ssyncadd.s32 $0xFFFFF800  }
0x2f: {  	_ =	swait.ge [sflag:s29], $0x800  }
0x30: {  	[sflag:s29] =	ssyncset.done $0x0  }
0x31: {  	[sflag:s29] =	ssyncadd.s32 $0xFFFFF800  }
0x32: {  	_ =	swait.ge [sflag:s31], $0x800  }
0x33: {  	[sflag:s31] =	ssyncset.done $0x0  }
0x34: {  	[sflag:s31] =	ssyncadd.s32 $0xFFFFF800  }
0x35: {  	_ =	swait.ge [sflag:s2], $0x800  }
0x36: {  	[sflag:s2] =	ssyncset.done $0x0  }
0x37: {  	[sflag:s2] =	ssyncadd.s32 $0xFFFFF800  }
0x38: {  	_ =	swait.ge [sflag:s19], $0x800  }
0x39: {  	[sflag:s19] =	ssyncset.done $0x0  }
0x3a: {  	[sflag:s19] =	ssyncadd.s32 $0xFFFFF800  }
0x3b: {  	_ =	swait.ge [sflag:s23], $0x800  }
0x3c: {  	[sflag:s23] =	ssyncset.done $0x0  }
0x3d: {  	s0 =	simm.s32 @!p0 $0x0;
	s15 =	rddreg [dreg:$0x8];
	[sflag:s23] =	ssyncadd.s32 $0xFFFFF800  }
0x3e: {  	[tilespmem:s0], [sflag:$0x1B] =	stream.linear.gather @!p0 [hbm4b:s15+s0], $0x80, $0x38;
	[tilespmem:$0x10500] =	vst v63  }
0x3f: {  	s15 =	simm.s32 @!p0 $0x1B  }
0x40: {  	_ =	swait.ge @!p0 [sflag:s15], $0x80  }
0x41: {  	[sflag:s15] =	ssyncset.done @!p0 $0x0  }
0x42: {  	s4 =	simm.s32 @!p0 $0x2700;
	s28 =	rddreg [dreg:$0x9];
	[sflag:s15] =	ssyncadd.s32 @!p0 $0xFFFFFF80  }
0x43: {  	[tilespmem:s4], [sflag:$0x1B] =	stream.linear.gather @!p0 [hbm4b:s28+s0], $0x80, $0x38;
	[tilespmem:$0x10500] =	vst v63  }
0x44: {  	_ =	swait.ge @!p0 [sflag:s15], $0x80  }
0x45: {  	[sflag:s15] =	ssyncset.done @!p0 $0x0  }
0x46: {  	s5 =	simm.s32 @!p0 $0x80;
	s28 =	simm.s32 @!p0 $0x4E00;
	[sflag:s15] =	ssyncadd.s32 @!p0 $0xFFFFFF80  }
0x47: {  	[tilespmem:s28], [sflag:$0x1B] =	stream.indirect.gather @!p0 [hbm4b:s1+s5], $0x10, s0, s5, $0xb8;
	[tilespmem:$0x10500] =	vst v63  }
0x48: {  	_ =	swait.ge @!p0 [sflag:s15], $0x800  }
0x49: {  	[sflag:s15] =	ssyncset.done @!p0 $0x0  }
0x4a: {  	[sflag:s15] =	ssyncadd.s32 @!p0 $0xFFFFF800  }
0x4b: {  	[spmem:s3] =	stream.indirect.scatter.add.f32 @!p0 [tilespmem:s28], [sflag:$0x1B], $0x10, s4, s5, $0xb8;
	[tilespmem:$0x10500] =	vst v63  }
0x4c: {  	_ =	swait.ge @!p0 [sflag:s15], $0x800  }
0x4d: {  	[sflag:s15] =	ssyncset.done @!p0 $0x0  }
0x4e: {  	[sflag:s15] =	ssyncadd.s32 @!p0 $0xFFFFF800  }
0x4f: {  	s28 =	stileid.u32;
	[bflag:$0x0] =	sbarrier.arrive $0xFFFF  }
0x50: {  	s0 =	sshll.u32 s28, $0x6;
	s8 =	rddreg [dreg:$0x7]  }
0x51: {  	s0 =	sor.u32 $0x1C1B, s0;
	s5 =	rddreg [dreg:$0xa];
	s4 =	sshrl.u32 s8, $0x3  }
0x52: {  	[hbm:s5], [sflag:s0] =	dma.local [spmem:s4], $0x4F0  }
0x53: {  	s4 =	simm.s32 $0x1B  }
0x54: {  	_ =	swait.ge [sflag:s4], $0x4F0  }
0x55: {  	s15 =	rddreg [dreg:$0xc]  }
0x56: {  	s28 =	rddreg [dreg:$0xb];
	s5 =	sadd.s32 $0x1, s15  }
0x57: {  	p1 =	sne.s32 s5, s28  }
.Ltmp1:
0x58: {  	_ = 	snop;
	(pc) =	sbr.rel @!p1 .LBB2_5-.Ltmp1, $3  }
0x59: {  	_ =	sdelay $0x1  }
0x5a: {  	[sflag:s4] =	ssyncset.done $0x0  }
0x5b: {  	[sflag:s4] =	ssyncadd.s32 $0xFFFFFB10  }
.LBB2_1:
0x5c: {  	[dreg:$0xc] =	wrdreg s5  }
0x5d: {  	s0 =	simm.s32 $0x0;
	s15 =	rddreg [dreg:$0x4];
	s4 =	simm.s32 $0xB600  }
0x5e: {  	[tilespmem:s4], [sflag:$0xE] =	stream.linear.gather [hbm4b:s15+s0], $0x2780, $0x38;
	[tilespmem:$0x10500] =	vst v63  }
0x5f: {  	s5 =	rddreg [dreg:$0x5]  }
0x60: {  	[tilespmem:s0], [sflag:$0x1] =	stream.linear.gather [hbm4b:s5+s0], $0x2700, $0x38;
	[tilespmem:$0x10500] =	vst v63  }
0x61: {  	s28 =	simm.s32 $0x2700;
	s4 =	rddreg [dreg:$0x6];
	s5 =	simm.s32 $0x1  }
0x62: {  	[tilespmem:s28], [sflag:$0xF] =	stream.linear.gather [hbm4b:s4+s0], $0x2700, $0x38;
	[tilespmem:$0x10500] =	vst v63  }
0x63: {  	_ =	swait.ge [sflag:s5], $0x2700  }
0x64: {  	[sflag:s5] =	ssyncset.done $0x0  }
0x65: {  	[sflag:s5] =	ssyncadd.s32 $0xFFFFD900  }
0x66: {  	[tilespmem:s30], [sflag:$0x1] =	stream.indirect.gather [hbm4b:s1+s16], $0x10, s0, s16, $0xb8;
	[tilespmem:$0x10500] =	vst v63  }
0x67: {  	s5 =	simm.s32 $0x5600  }
0x68: {  	[tilespmem:s5], [sflag:$0x2] =	stream.indirect.gather [hbm4b:s1+s16], $0x10, s16, s16, $0xb8;
	[tilespmem:$0x10500] =	vst v63  }
0x69: {  	s4 =	simm.s32 $0x100  }
0x6a: {  	[tilespmem:s7], [sflag:$0x3] =	stream.indirect.gather [hbm4b:s1+s16], $0x10, s4, s16, $0xb8;
	[tilespmem:$0x10500] =	vst v63  }
0x6b: {  	s15 =	simm.s32 $0x180  }
0x6c: {  	[tilespmem:s13], [sflag:$0x4] =	stream.indirect.gather [hbm4b:s1+s16], $0x10, s15, s16, $0xb8;
	[tilespmem:$0x10500] =	vst v63  }
0x6d: {  	s4 =	simm.s32 $0x200  }
0x6e: {  	[tilespmem:s9], [sflag:$0x5] =	stream.indirect.gather [hbm4b:s1+s16], $0x10, s4, s16, $0xb8;
	[tilespmem:$0x10500] =	vst v63  }
0x6f: {  	s15 =	simm.s32 $0x280  }
0x70: {  	[tilespmem:s10], [sflag:$0x6] =	stream.indirect.gather [hbm4b:s1+s16], $0x10, s15, s16, $0xb8;
	[tilespmem:$0x10500] =	vst v63  }
0x71: {  	s4 =	simm.s32 $0x300  }
0x72: {  	[tilespmem:s14], [sflag:$0x7] =	stream.indirect.gather [hbm4b:s1+s16], $0x10, s4, s16, $0xb8;
	[tilespmem:$0x10500] =	vst v63  }
0x73: {  	s15 =	simm.s32 $0x380  }
0x74: {  	[tilespmem:s11], [sflag:$0x8] =	stream.indirect.gather [hbm4b:s1+s16], $0x10, s15, s16, $0xb8;
	[tilespmem:$0x10500] =	vst v63  }
0x75: {  	s4 =	simm.s32 $0x400  }
0x76: {  	[tilespmem:s12], [sflag:$0x9] =	stream.indirect.gather [hbm4b:s1+s16], $0x10, s4, s16, $0xb8;
	[tilespmem:$0x10500] =	vst v63  }
0x77: {  	s15 =	simm.s32 $0x480  }
0x78: {  	[tilespmem:s25], [sflag:$0xA] =	stream.indirect.gather [hbm4b:s1+s16], $0x10, s15, s16, $0xb8;
	[tilespmem:$0x10500] =	vst v63  }
0x79: {  	s4 =	simm.s32 $0x500  }
0x7a: {  	[tilespmem:s6], [sflag:$0xB] =	stream.indirect.gather [hbm4b:s1+s16], $0x10, s4, s16, $0xb8;
	[tilespmem:$0x10500] =	vst v63  }
0x7b: {  	s15 =	simm.s32 $0x580;
	s4 =	simm.s32 $0xA600  }
0x7c: {  	[tilespmem:s4], [sflag:$0xC] =	stream.indirect.gather [hbm4b:s1+s16], $0x10, s15, s16, $0xb8;
	[tilespmem:$0x10500] =	vst v63  }
0x7d: {  	s0 =	simm.s32 $0x600;
	s15 =	smov.u32 s8;
	s8 =	simm.s32 $0xAE00  }
0x7e: {  	[tilespmem:s8], [sflag:$0xD] =	stream.indirect.gather [hbm4b:s1+s16], $0x10, s0, s16, $0xb8;
	[tilespmem:$0x10500] =	vst v63  }
0x7f: {  	s0 =	simm.s32 $0xE  }
0x80: {  	_ =	swait.ge [sflag:s0], $0x2780  }
0x81: {  	[sflag:s0] =	ssyncset.done $0x0  }
0x82: {  	s28 =	simm.s32 $0x1B;
	[sflag:s0] =	ssyncadd.s32 $0xFFFFD880;
	s0 =	simm.s32 $0xB600  }
0x83: {  	[spmem:s15] =	stream.linear.scatter [tilespmem:s0], [sflag:$0x1B], $0x2780, $0x38;
	[tilespmem:$0x10500] =	vst v63  }
0x84: {  	_ =	swait.ge [sflag:s28], $0x2780  }
0x85: {  	[sflag:s28] =	ssyncset.done $0x0  }
0x86: {  	s15 =	simm.s32 $0xF;
	[sflag:s28] =	ssyncadd.s32 $0xFFFFD880  }
0x87: {  	_ =	swait.ge [sflag:s15], $0x2700  }
0x88: {  	[sflag:s15] =	ssyncset.done $0x0  }
0x89: {  	[sflag:s15] =	ssyncadd.s32 $0xFFFFD900  }
0x8a: {  	s28 =	simm.s32 $0x0;
	[bflag:$0x0] =	sbarrier.arrive $0xFFFF  }
.LBB2_2:
0x8b: {  	s15 =	simm.s32 $0x1  }
0x8c: {  	_ =	swait.ge [sflag:s15], $0x800  }
0x8d: {  	s0 =	sshra.s32 s28, $0x2;
	[sflag:s15] =	ssyncset.done $0x0  }
0x8e: {  	[sflag:s15] =	ssyncadd.s32 $0xFFFFF800;
	s15 =	sadd.s32 $0x2700, s0  }
0x8f: {  	[spmem:s3] =	stream.indirect.scatter.add.f32 [tilespmem:s30], [sflag:$0xE], $0x10, s15, s16, $0xb8;
	[tilespmem:$0x10500] =	vst v63  }
0x90: {  	s15 =	simm.s32 $0x2  }
0x91: {  	_ =	swait.ge [sflag:s15], $0x800  }
0x92: {  	[sflag:s15] =	ssyncset.done $0x0  }
0x93: {  	[sflag:s15] =	ssyncadd.s32 $0xFFFFF800;
	s15 =	sadd.s32 $0x2780, s0  }
0x94: {  	[spmem:s3] =	stream.indirect.scatter.add.f32 [tilespmem:s5], [sflag:$0xF], $0x10, s15, s16, $0xb8;
	[tilespmem:$0x10500] =	vst v63  }
0x95: {  	s15 =	simm.s32 $0x3  }
0x96: {  	_ =	swait.ge [sflag:s15], $0x800  }
0x97: {  	[sflag:s15] =	ssyncset.done $0x0  }
0x98: {  	[sflag:s15] =	ssyncadd.s32 $0xFFFFF800;
	s15 =	sadd.s32 $0x2800, s0  }
0x99: {  	[spmem:s3] =	stream.indirect.scatter.add.f32 [tilespmem:s7], [sflag:$0x10], $0x10, s15, s16, $0xb8;
	[tilespmem:$0x10500] =	vst v63  }
0x9a: {  	s15 =	simm.s32 $0x4  }
0x9b: {  	_ =	swait.ge [sflag:s15], $0x800  }
0x9c: {  	[sflag:s15] =	ssyncset.done $0x0  }
0x9d: {  	[sflag:s15] =	ssyncadd.s32 $0xFFFFF800;
	s15 =	sadd.s32 $0x2880, s0  }
0x9e: {  	[spmem:s3] =	stream.indirect.scatter.add.f32 [tilespmem:s13], [sflag:$0x11], $0x10, s15, s16, $0xb8;
	[tilespmem:$0x10500] =	vst v63  }
0x9f: {  	s15 =	simm.s32 $0x5  }
0xa0: {  	_ =	swait.ge [sflag:s15], $0x800  }
0xa1: {  	[sflag:s15] =	ssyncset.done $0x0  }
0xa2: {  	[sflag:s15] =	ssyncadd.s32 $0xFFFFF800;
	s15 =	sadd.s32 $0x2900, s0  }
0xa3: {  	[spmem:s3] =	stream.indirect.scatter.add.f32 [tilespmem:s9], [sflag:$0x12], $0x10, s15, s16, $0xb8;
	[tilespmem:$0x10500] =	vst v63  }
0xa4: {  	s15 =	simm.s32 $0x6  }
0xa5: {  	_ =	swait.ge [sflag:s15], $0x800  }
0xa6: {  	[sflag:s15] =	ssyncset.done $0x0  }
0xa7: {  	[sflag:s15] =	ssyncadd.s32 $0xFFFFF800;
	s15 =	sadd.s32 $0x2980, s0  }
0xa8: {  	[spmem:s3] =	stream.indirect.scatter.add.f32 [tilespmem:s10], [sflag:$0x13], $0x10, s15, s16, $0xb8;
	[tilespmem:$0x10500] =	vst v63  }
0xa9: {  	s15 =	simm.s32 $0x7  }
0xaa: {  	_ =	swait.ge [sflag:s15], $0x800  }
0xab: {  	[sflag:s15] =	ssyncset.done $0x0  }
0xac: {  	[sflag:s15] =	ssyncadd.s32 $0xFFFFF800;
	s15 =	sadd.s32 $0x2A00, s0  }
0xad: {  	[spmem:s3] =	stream.indirect.scatter.add.f32 [tilespmem:s14], [sflag:$0x14], $0x10, s15, s16, $0xb8;
	[tilespmem:$0x10500] =	vst v63  }
0xae: {  	s15 =	simm.s32 $0x8  }
0xaf: {  	_ =	swait.ge [sflag:s15], $0x800  }
0xb0: {  	[sflag:s15] =	ssyncset.done $0x0  }
0xb1: {  	[sflag:s15] =	ssyncadd.s32 $0xFFFFF800;
	s15 =	sadd.s32 $0x2A80, s0  }
0xb2: {  	[spmem:s3] =	stream.indirect.scatter.add.f32 [tilespmem:s11], [sflag:$0x15], $0x10, s15, s16, $0xb8;
	[tilespmem:$0x10500] =	vst v63  }
0xb3: {  	s15 =	simm.s32 $0x9  }
0xb4: {  	_ =	swait.ge [sflag:s15], $0x800  }
0xb5: {  	[sflag:s15] =	ssyncset.done $0x0  }
0xb6: {  	[sflag:s15] =	ssyncadd.s32 $0xFFFFF800;
	s15 =	sadd.s32 $0x2B00, s0  }
0xb7: {  	[spmem:s3] =	stream.indirect.scatter.add.f32 [tilespmem:s12], [sflag:$0x16], $0x10, s15, s16, $0xb8;
	[tilespmem:$0x10500] =	vst v63  }
0xb8: {  	s15 =	simm.s32 $0xA  }
0xb9: {  	_ =	swait.ge [sflag:s15], $0x800  }
0xba: {  	[sflag:s15] =	ssyncset.done $0x0  }
0xbb: {  	[sflag:s15] =	ssyncadd.s32 $0xFFFFF800;
	s15 =	sadd.s32 $0x2B80, s0  }
0xbc: {  	[spmem:s3] =	stream.indirect.scatter.add.f32 [tilespmem:s25], [sflag:$0x17], $0x10, s15, s16, $0xb8;
	[tilespmem:$0x10500] =	vst v63  }
0xbd: {  	s15 =	simm.s32 $0xB  }
0xbe: {  	_ =	swait.ge [sflag:s15], $0x800  }
0xbf: {  	[sflag:s15] =	ssyncset.done $0x0  }
0xc0: {  	[sflag:s15] =	ssyncadd.s32 $0xFFFFF800;
	s15 =	sadd.s32 $0x2C00, s0  }
0xc1: {  	[spmem:s3] =	stream.indirect.scatter.add.f32 [tilespmem:s6], [sflag:$0x18], $0x10, s15, s16, $0xb8;
	[tilespmem:$0x10500] =	vst v63  }
0xc2: {  	s15 =	simm.s32 $0xC  }
0xc3: {  	_ =	swait.ge [sflag:s15], $0x800  }
0xc4: {  	[sflag:s15] =	ssyncset.done $0x0  }
0xc5: {  	[sflag:s15] =	ssyncadd.s32 $0xFFFFF800;
	s15 =	sadd.s32 $0x2C80, s0  }
0xc6: {  	[spmem:s3] =	stream.indirect.scatter.add.f32 [tilespmem:s4], [sflag:$0x19], $0x10, s15, s16, $0xb8;
	[tilespmem:$0x10500] =	vst v63  }
0xc7: {  	_ =	swait.ge [sflag:s21], $0x800  }
0xc8: {  	[sflag:s21] =	ssyncset.done $0x0  }
0xc9: {  	p1 =	seq.s32 s28, $0x8200;
	s15 =	sadd.s32 $0x2D00, s0;
	[sflag:s21] =	ssyncadd.s32 $0xFFFFF800  }
0xca: {  	[spmem:s3] =	stream.indirect.scatter.add.f32 [tilespmem:s8], [sflag:$0x1A], $0x10, s15, s16, $0xb8;
	[tilespmem:$0x10500] =	vst v63  }
.Ltmp2:
0xcb: {  	_ = 	snop;
	(pc) =	sbr.rel @p1 .LBB2_4-.Ltmp2, $4  }
0xcc: {  	s15 =	simm.s32 $0xE  }
0xcd: {  	_ =	swait.ge [sflag:s15], $0x800  }
0xce: {  	[sflag:s15] =	ssyncset.done $0x0  }
0xcf: {  	[sflag:s15] =	ssyncadd.s32 $0xFFFFF800  }
0xd0: {  	s15 =	sadd.s32 $0x680, s0  }
0xd1: {  	[tilespmem:s30], [sflag:$0x1] =	stream.indirect.gather [hbm4b:s1+s16], $0x10, s15, s16, $0xb8;
	[tilespmem:$0x10500] =	vst v63  }
0xd2: {  	s15 =	simm.s32 $0xF  }
0xd3: {  	_ =	swait.ge [sflag:s15], $0x800  }
0xd4: {  	[sflag:s15] =	ssyncset.done $0x0  }
0xd5: {  	[sflag:s15] =	ssyncadd.s32 $0xFFFFF800;
	s15 =	sadd.s32 $0x700, s0  }
0xd6: {  	[tilespmem:s5], [sflag:$0x2] =	stream.indirect.gather [hbm4b:s1+s16], $0x10, s15, s16, $0xb8;
	[tilespmem:$0x10500] =	vst v63  }
0xd7: {  	_ =	swait.ge [sflag:s17], $0x800  }
0xd8: {  	[sflag:s17] =	ssyncset.done $0x0  }
0xd9: {  	s15 =	sadd.s32 $0x780, s0;
	[sflag:s17] =	ssyncadd.s32 $0xFFFFF800  }
0xda: {  	[tilespmem:s7], [sflag:$0x3] =	stream.indirect.gather [hbm4b:s1+s16], $0x10, s15, s16, $0xb8;
	[tilespmem:$0x10500] =	vst v63  }
0xdb: {  	_ =	swait.ge [sflag:s18], $0x800  }
0xdc: {  	[sflag:s18] =	ssyncset.done $0x0  }
0xdd: {  	s15 =	sadd.s32 $0x800, s0;
	[sflag:s18] =	ssyncadd.s32 $0xFFFFF800  }
0xde: {  	[tilespmem:s13], [sflag:$0x4] =	stream.indirect.gather [hbm4b:s1+s16], $0x10, s15, s16, $0xb8;
	[tilespmem:$0x10500] =	vst v63  }
0xdf: {  	_ =	swait.ge [sflag:s20], $0x800  }
0xe0: {  	[sflag:s20] =	ssyncset.done $0x0  }
0xe1: {  	s15 =	sadd.s32 $0x880, s0;
	[sflag:s20] =	ssyncadd.s32 $0xFFFFF800  }
0xe2: {  	[tilespmem:s9], [sflag:$0x5] =	stream.indirect.gather [hbm4b:s1+s16], $0x10, s15, s16, $0xb8;
	[tilespmem:$0x10500] =	vst v63  }
0xe3: {  	_ =	swait.ge [sflag:s22], $0x800  }
0xe4: {  	[sflag:s22] =	ssyncset.done $0x0  }
0xe5: {  	s15 =	sadd.s32 $0x900, s0;
	[sflag:s22] =	ssyncadd.s32 $0xFFFFF800  }
0xe6: {  	[tilespmem:s10], [sflag:$0x6] =	stream.indirect.gather [hbm4b:s1+s16], $0x10, s15, s16, $0xb8;
	[tilespmem:$0x10500] =	vst v63  }
0xe7: {  	_ =	swait.ge [sflag:s24], $0x800  }
0xe8: {  	[sflag:s24] =	ssyncset.done $0x0  }
0xe9: {  	s15 =	sadd.s32 $0x980, s0;
	[sflag:s24] =	ssyncadd.s32 $0xFFFFF800  }
0xea: {  	[tilespmem:s14], [sflag:$0x7] =	stream.indirect.gather [hbm4b:s1+s16], $0x10, s15, s16, $0xb8;
	[tilespmem:$0x10500] =	vst v63  }
0xeb: {  	_ =	swait.ge [sflag:s26], $0x800  }
0xec: {  	[sflag:s26] =	ssyncset.done $0x0  }
0xed: {  	s15 =	sadd.s32 $0xA00, s0;
	[sflag:s26] =	ssyncadd.s32 $0xFFFFF800  }
0xee: {  	[tilespmem:s11], [sflag:$0x8] =	stream.indirect.gather [hbm4b:s1+s16], $0x10, s15, s16, $0xb8;
	[tilespmem:$0x10500] =	vst v63  }
0xef: {  	_ =	swait.ge [sflag:s29], $0x800  }
0xf0: {  	[sflag:s29] =	ssyncset.done $0x0  }
0xf1: {  	s15 =	sadd.s32 $0xA80, s0;
	[sflag:s29] =	ssyncadd.s32 $0xFFFFF800  }
0xf2: {  	[tilespmem:s12], [sflag:$0x9] =	stream.indirect.gather [hbm4b:s1+s16], $0x10, s15, s16, $0xb8;
	[tilespmem:$0x10500] =	vst v63  }
0xf3: {  	_ =	swait.ge [sflag:s31], $0x800  }
0xf4: {  	[sflag:s31] =	ssyncset.done $0x0  }
0xf5: {  	s15 =	sadd.s32 $0xB00, s0;
	[sflag:s31] =	ssyncadd.s32 $0xFFFFF800  }
0xf6: {  	[tilespmem:s25], [sflag:$0xA] =	stream.indirect.gather [hbm4b:s1+s16], $0x10, s15, s16, $0xb8;
	[tilespmem:$0x10500] =	vst v63  }
0xf7: {  	_ =	swait.ge [sflag:s2], $0x800  }
0xf8: {  	[sflag:s2] =	ssyncset.done $0x0  }
0xf9: {  	s15 =	sadd.s32 $0xB80, s0;
	[sflag:s2] =	ssyncadd.s32 $0xFFFFF800  }
0xfa: {  	[tilespmem:s6], [sflag:$0xB] =	stream.indirect.gather [hbm4b:s1+s16], $0x10, s15, s16, $0xb8;
	[tilespmem:$0x10500] =	vst v63  }
0xfb: {  	_ =	swait.ge [sflag:s19], $0x800  }
0xfc: {  	[sflag:s19] =	ssyncset.done $0x0  }
0xfd: {  	s15 =	sadd.s32 $0xC00, s0;
	[sflag:s19] =	ssyncadd.s32 $0xFFFFF800  }
0xfe: {  	[tilespmem:s4], [sflag:$0xC] =	stream.indirect.gather [hbm4b:s1+s16], $0x10, s15, s16, $0xb8;
	[tilespmem:$0x10500] =	vst v63  }
.Ltmp3:
0xff: {  	_ = 	snop;
	(pc) =	sbr.rel .LBB2_2-.Ltmp3, $4  }
0x100: {  	_ =	swait.ge [sflag:s23], $0x800  }
0x101: {  	[sflag:s23] =	ssyncset.done $0x0  }
0x102: {  	s28 =	sadd.s32 $0x1A00, s28;
	s15 =	sadd.s32 $0xC80, s0;
	[sflag:s23] =	ssyncadd.s32 $0xFFFFF800  }
0x103: {  	[tilespmem:s8], [sflag:$0xD] =	stream.indirect.gather [hbm4b:s1+s16], $0x10, s15, s16, $0xb8;
	[tilespmem:$0x10500] =	vst v63  }
.LBB2_5:
0x104: {  	_ =	sfence.sel $0x180000  }
0x105: {  	[bflag:$0x0] =	sbarrier.arrive $0xFFFF  }
0x106: {  	_ =	strace $0x9000004D  }
0x107: {  	s0 =	stileid.u32;
	[bflag:$0x2] =	sbarrier.arrive $0xFFFF  }
0x108: {  	p0 =	sne.s32 s0, $0x0;
	s0 =	rddreg [dreg:$0x3]  }
0x109: {  	s0 =	sadd.s32 @!p0 $0x100000, s0  }
0x10a: {  	[sflag:s0] =	ssyncadd.tile.s32 @!p0 $0x1;
	_ =	shalt  }
.Lfunc_end2:
_tile_overlayer_lowered:
.L_overlay_start_2:
0x10b: {  	(tag) =	ssettag $0x2  }
0x10c: {  	s0 =	rddreg [dreg:$0x0];
	s2 =	stileid.u32  }
0x10d: {  	s1 =	rddreg [dreg:$0x1];
	p0 =	sne.s32 s2, $0x0  }
0x10e: {  	s3 =	rddreg [dreg:$0x2];
	[bflag:$0x3] =	sbarrier.arrive $0xFFFF;
	s2 =	simm.s32 @!p0 $0x1C1B  }
0x10f: {  	[timem:s3], [sflag:s2] =	dma.local @!p0 [hbm:s0], s1  }
0x110: {  	s0 =	simm.s32 @!p0 $0x1B  }
0x111: {  	_ =	swait.ge @!p0 [sflag:s0], s1  }
0x112: {  	s1 =	ssub.s32 @!p0 $0x0, s1;
	[sflag:s0] =	ssyncset.done @!p0 $0x0  }
0x113: {  	[sflag:s0] =	ssyncadd.s32 @!p0 s1  }
0x114: {  	[bflag:$0x3] =	sbarrier.arrive $0xFFFF  }
0x115: {  	_ =	shalt  }

// kernel: _gcn.9.cloned.1.call-start
scs
__scs_entry_jumppad:
0x0: {  	(pc) =	sbr.rel $0x88, $3  }
0x1: {  	(tag) =	ssettag $0x0;
	lr =	simm.s32 $0x1  }
0x2: {  	[smem:$0x3F9B] =	sst lr;
	_ =	strace $0xD0000000  }
0x3: {  	_ = 	snop  }
0x4: {  	_ = 	snop  }
0x5: {  	_ = 	snop  }
0x6: {  	_ = 	snop  }
0x7: {  	_ = 	snop  }
__scs_overlays_trampoline_lowered:
0x8: {  	[smem:$0x3FAA] =	sst s0  }
0x9: {  	[smem:$0x3FAB] =	sst s1  }
0xa: {  	[smem:$0x3FAC] =	sst s2  }
0xb: {  	[smem:$0x3FAD] =	sst s3  }
0xc: {  	[smem:$0x3FAE] =	sst s4  }
0xd: {  	[smem:$0x3FAF] =	sst s5  }
0xe: {  	[smem:$0x3FB0] =	sst s6  }
0xf: {  	[smem:$0x3FB1] =	sst s7  }
0x10: {  	[smem:$0x3FB2] =	sst s8  }
0x11: {  	[smem:$0x3FB3] =	sst s9;
	s0 =	simm.s32 @!p0 $0x0  }
0x12: {  	s1 =	sld [smem:$0x3F99];
	s0 =	simm.s32 @p0 $0x1  }
0x13: {  	[smem:$0x3FB4] =	sst s0;
	s0 =	simm.s32 @!p1 $0x0  }
0x14: {  	s2 =	sld [smem:$0x3F98];
	s0 =	simm.s32 @p1 $0x1  }
0x15: {  	[smem:$0x3FB5] =	sst s0;
	s0 =	simm.s32 @!p2 $0x0  }
0x16: {  	s3 =	sld [smem:$0x3FDB];
	s0 =	simm.s32 @p2 $0x1  }
0x17: {  	s4 =	simm.s32 $0x1BF5;
	[smem:$0x3FB7] =	sst s0  }
0x18: {  	s0 =	sld [smem:$0x3F9A];
	_ =	swait.ge [sflag:s4], $0x0  }
0x19: {  	s7 =	sld [smem:$0x3F9B]  }
0x1a: {  	s8 =	sadd.s32 $0xFFFFE003, lr  }
0x1b: {  	s9 =	sadd.s32 $0xFFFFFEF7, lr;
	s5 =	simm.s32 $0xFFFFFFFF;
	p2 =	slt.u32 s8, $0xFFFFF086  }
0x1c: {  	p1 =	slt.u32 s9, $0xF7A;
	s5 =	simm.s32 @!p2 $0x0  }
0x1d: {  	s5 =	simm.s32 @p1 $0x1;
	p0 =	seq.s32 s7, s2  }
0x1e: {  	s7 =	smul.u32 @!p0 $0xF7A, s2;
	p2 =	seq.s32 @!p0 s5, $0x0  }
0x1f: {  	s9 =	smul.u32 $0xF7A, s1;
	s8 =	simm.s32 @!p0 $0x1BF5;
	p2 =	por !p2, p0  }
0x20: {  	[sflag:s8] =	ssyncset.s32 @!p0 $0xFFFFF086;
	s6 =	sadd.s32 @!p0 s3, s7;
	s7 =	simm.s32 @!p0 $0x108  }
0x21: {  	s3 =	sadd.s32 s3, s9;
	s6 =	sadd.s32 @!p0 $0x88, s6;
	s7 =	simm.s32 @p2 $0x1082  }
0x22: {  	[simem:s7], [sflag:s8] =	dma.local @!p0 [hbm:s6], $0xF7A  }
0x23: {  	s9 =	sor.u32 $0xD0000000, s2;
	s6 =	simm.s32 $0x108;
	_ =	swait.ge @!p0 [sflag:s8], $0x0  }
0x24: {  	s3 =	sadd.s32 $0x88, s3;
	s6 =	simm.s32 @!p1 $0x1082;
	[sflag:s4] =	ssyncset.s32 $0xFFFFF086  }
0x25: {  	[simem:s6], [sflag:s4] =	dma.local [hbm:s3], $0xF7A  }
0x26: {  	[smem:$0x3F9B] =	sst s1;
	(tag) =	ssettag s2;
	_ =	strace s9  }
0x27: {  	s1 =	sld [smem:$0x3FAB]  }
0x28: {  	s2 =	sld [smem:$0x3FAC]  }
0x29: {  	s4 =	sld [smem:$0x3FAE]  }
0x2a: {  	p0 =	seq.s32 s5, $0x0;
	s5 =	sld [smem:$0x3FAF]  }
0x2b: {  	s6 =	sld [smem:$0x3FB0]  }
0x2c: {  	s7 =	sld [smem:$0x3FB1]  }
0x2d: {  	s3 =	simm.s32 $0x108;
	s8 =	sld [smem:$0x3FB2]  }
0x2e: {  	s3 =	simm.s32 @!p0 $0x1082;
	s9 =	sld [smem:$0x3FB3]  }
0x2f: {  	lr =	sadd.s32 s0, s3;
	s0 =	sld [smem:$0x3FAA]  }
0x30: {  	s3 =	sld [smem:$0x3FAD]  }
0x31: {  	[smem:$0x3FB6] =	sst s10  }
0x32: {  	s10 =	sld [smem:$0x3FB4];
	_ =	sdelay $0x3  }
0x33: {  	p0 =	seq.s32 s10, $0x1;
	s10 =	sld [smem:$0x3FB6];
	_ =	sdelay $0x3  }
0x34: {  	[smem:$0x3FB6] =	sst s10  }
0x35: {  	s10 =	sld [smem:$0x3FB5];
	_ =	sdelay $0x3  }
0x36: {  	p1 =	seq.s32 s10, $0x1;
	s10 =	sld [smem:$0x3FB6];
	_ =	sdelay $0x3  }
0x37: {  	[smem:$0x3FB6] =	sst s10  }
0x38: {  	s10 =	sld [smem:$0x3FB7]  }
0x39: {  	_ = 	snop;
	(pc) =	sbr.ind lr, $3  }
0x3a: {  	_ = 	snop  }
0x3b: {  	_ = 	snop  }
0x3c: {  	p2 =	seq.s32 s10, $0x1;
	s10 =	sld [smem:$0x3FB6]  }
0x3d: {  	_ =	shalt  }
0x3e: {  	_ =	shalt  }
0x3f: {  	_ =	shalt  }
0x40: {  	_ =	shalt  }
0x41: {  	_ =	shalt  }
0x42: {  	_ =	shalt  }
0x43: {  	_ =	shalt  }
0x44: {  	_ =	shalt  }
0x45: {  	_ =	shalt  }
0x46: {  	_ =	shalt  }
0x47: {  	_ =	shalt  }
0x48: {  	_ =	shalt  }
0x49: {  	_ =	shalt  }
0x4a: {  	_ =	shalt  }
0x4b: {  	_ =	shalt  }
0x4c: {  	_ =	shalt  }
0x4d: {  	_ =	shalt  }
0x4e: {  	_ =	shalt  }
0x4f: {  	_ =	shalt  }
0x50: {  	_ =	shalt  }
0x51: {  	_ =	shalt  }
0x52: {  	_ =	shalt  }
0x53: {  	_ =	shalt  }
0x54: {  	_ =	shalt  }
0x55: {  	_ =	shalt  }
0x56: {  	_ =	shalt  }
0x57: {  	_ =	shalt  }
0x58: {  	_ =	shalt  }
0x59: {  	_ =	shalt  }
0x5a: {  	_ =	shalt  }
0x5b: {  	_ =	shalt  }
0x5c: {  	_ =	shalt  }
0x5d: {  	_ =	shalt  }
0x5e: {  	_ =	shalt  }
0x5f: {  	_ =	shalt  }
0x60: {  	_ =	shalt  }
0x61: {  	_ =	shalt  }
0x62: {  	_ =	shalt  }
0x63: {  	_ =	shalt  }
0x64: {  	_ =	shalt  }
0x65: {  	_ =	shalt  }
0x66: {  	_ =	shalt  }
0x67: {  	_ =	shalt  }
0x68: {  	_ =	shalt  }
0x69: {  	_ =	shalt  }
0x6a: {  	_ =	shalt  }
0x6b: {  	_ =	shalt  }
0x6c: {  	_ =	shalt  }
0x6d: {  	_ =	shalt  }
0x6e: {  	_ =	shalt  }
0x6f: {  	_ =	shalt  }
0x70: {  	_ =	shalt  }
0x71: {  	_ =	shalt  }
0x72: {  	_ =	shalt  }
0x73: {  	_ =	shalt  }
0x74: {  	_ =	shalt  }
0x75: {  	_ =	shalt  }
0x76: {  	_ =	shalt  }
0x77: {  	_ =	shalt  }
0x78: {  	_ =	shalt  }
0x79: {  	_ =	shalt  }
0x7a: {  	_ =	shalt  }
0x7b: {  	_ =	shalt  }
0x7c: {  	_ =	shalt  }
0x7d: {  	_ =	shalt  }
0x7e: {  	_ =	shalt  }
0x7f: {  	_ =	shalt  }
0x80: {  	_ =	shalt  }
0x81: {  	_ =	shalt  }
0x82: {  	_ =	shalt  }
0x83: {  	_ =	shalt  }
0x84: {  	_ =	shalt  }
0x85: {  	_ =	shalt  }
0x86: {  	_ =	shalt  }
0x87: {  	_ =	shalt  }
.Lfunc_end0:
.L_simem_size_0:
called_computation_lowered:
.L_overlay_start_0:
0x88: {  	s2 =	sld [smem:$0x3FD9]  }
0x89: {  	s3 =	sld [smem:$0x3FFE];
	_ =	sdelay $0x1  }
0x8a: {  	s1 =	srdreg.scid  }
0x8b: {  	s0 =	sand.u32 $0x1, s1  }
0x8c: {  	s17 =	sshll.u32 s0, $0xA;
	s2 =	sadd.s32 s3, s2  }
0x8d: {  	s2 =	sadd.s32 s2, s17  }
0x8e: {  	[smem:$0x3FC2] =	sst s2  }
0x8f: {  	_ = 	snop  }
0x90: {  	s2 =	sld [smem:$0x3FD0];
	(tm) =	ssettm $0x1  }
0x91: {  	s18 =	sld [smem:$0x3FFB];
	_ =	sdelay $0x3  }
0x92: {  	_ =	strace s18  }
0x93: {  	s3 =	sld [smem:$0x3FFC];
	_ =	sdelay $0x3  }
0x94: {  	_ =	strace s3  }
0x95: {  	s3 =	sld [smem:$0x3FFD];
	_ =	sdelay $0x3  }
0x96: {  	_ =	strace s3  }
0x97: {  	_ =	strace $0x8FFFFFFF  }
0x98: {  	s19 =	sld [smem:$0x3FDB];
	_ =	sdelay $0x1  }
0x99: {  	s4 =	simm.s32 $_scs_section_size  }
0x9a: {  	s5 =	simm.s32 $_size__tile_overlayer_lowered;
	s6 =	simm.s32 $_tile_overlayer_lowered  }
0x9b: {  	s22 =	simm.s32 $0x1BFF;
	s21 =	sshll.u32 s6, $0x1;
	s3 =	sadd.s32 s4, s19  }
0x9c: {  	s7 =	simm.s32 $0x0;
	s20 =	sshll.u32 s5, $0x1;
	s5 =	sadd.s32 s21, s3  }
0x9d: {  	[timem:s7], [sflag:s22] =	dma.local [hbm:s5], s20  }
0x9e: {  	_ =	swait.ge [sflag:s22], s20  }
0x9f: {  	s4 =	ssub.s32 $0x0, s20;
	[sflag:s22] =	ssyncset.done $0x0  }
0xa0: {  	[sflag:s22] =	ssyncadd.s32 s4;
	_ =	sdelay $0x1  }
0xa1: {  	s23 =	simm.s32 $0x1B8B  }
0xa2: {  	_ =	swait.ge [sflag:s23], $0x1  }
0xa3: {  	[sflag:s23] =	ssyncset.done $0x0  }
0xa4: {  	s25 =	simm.s32 $0x1B8E;
	s24 =	sld [smem:$0x3FFE];
	[sflag:s23] =	ssyncadd.s32 $0xFFFFFFFF  }
0xa5: {  	s26 =	simm.s32 $execute0_lowered;
	[smem:$0x3FD2] =	sst s25  }
0xa6: {  	s5 =	sshll.u32 s26, $0x1;
	_ =	strace $0x80000046;
	[dreg:$0x1] =	wrdreg $0xFFFFFFFF  }
0xa7: {  	s28 =	simm.s32 $_size_execute0_lowered;
	s3 =	sadd.s32 s3, s5;
	[dreg:$0x0] =	wrdreg $0x0  }
0xa8: {  	s5 =	sshll.u32 s28, $0x1;
	[dreg:$0x2] =	wrdreg s3  }
0xa9: {  	[dreg:$0x3] =	wrdreg s5  }
0xaa: {  	[dreg:$0x4] =	wrdreg $0xC0  }
0xab: {  	_ =	task [dreg:s7], $0x5FFFF  }
0xac: {  	[dreg:$0x1] =	wrdreg $0xFFFFFFFF  }
0xad: {  	[dreg:$0x0] =	wrdreg $0x60  }
0xae: {  	[dreg:$0x2] =	wrdreg s24  }
0xaf: {  	[dreg:$0x3] =	wrdreg s2  }
0xb0: {  	[dreg:$0x4] =	wrdreg $0x56800  }
0xb1: {  	[dreg:$0x5] =	wrdreg $0x9  }
0xb2: {  	_ =	task.clear_ibuf [dreg:s7], $0x6FFFF;
	_ =	strace $0x90000046  }
0xb3: {  	s29 =	simm.s32 $0x9;
	_ =	strace $0x80000048  }
0xb4: {  	_ =	swait.ge [sflag:s29], $0x1  }
0xb5: {  	[sflag:s29] =	ssyncadd.s32 $0xFFFFFFFF  }
0xb6: {  	_ =	strace $0x90000048  }
0xb7: {  	_ =	sfence  }
0xb8: {  	s30 =	sld [smem:$0x0];
	_ =	sdelay $0x2  }
0xb9: {  	s31 =	sshll.u32 s1, $0xD;
	s1 =	sshrl.u32 s1, $0x2  }
0xba: {  	s3 =	sand.u32 $0x4000, s31;
	s1 =	sadd.s32 s1, s30  }
0xbb: {  	s0 =	sor.u32 s3, s0;
	s1 =	sshll.u32 s1, $0x11  }
0xbc: {  	s0 =	sor.u32 s1, s0  }
0xbd: {  	s0 =	sadd.s32 $0x8F2B, s0  }
0xbe: {  	[sflag:s0] =	ssyncadd.remote.s32 $0x1  }
0xbf: {  	_ =	sfence.sel $0xFFFF  }
0xc0: {  	[dreg:$0x0] =	wrdreg $0xFFFFFFFF;
	(pc) =	sbr.abs _section_cstart, $3  }
0xc1: {  	[dreg:$0x1] =	wrdreg $0xFFFFFFFF  }
0xc2: {  	_ =	task.clear_ibuf [dreg:s7], $0x2FFFF;
	_ =	strace $0x9FFFFFFF  }
0xc3: {  	(tm) =	ssettm $0x7FFFFFFF  }
tec
execute0_lowered:
.L_overlay_start_1:
0x0: {  	(tag) =	ssettag $0x1  }
0x1: {  	s6 =	rddreg [dreg:$0x0]  }
0x2: {  	s2 =	rddreg [dreg:$0x1];
	s1 =	srdreg.scid  }
0x3: {  	s0 =	stileid.u32;
	s3 =	rddreg [dreg:$0x2];
	s4 =	simm.s32 $0x0  }
0x4: {  	s14 =	simm.s32 $0x5;
	s15 =	simm.s32 $0x2;
	s16 =	simm.s32 $0x3  }
0x5: {  	s17 =	simm.s32 $0x80;
	s18 =	simm.s32 $0x4;
	s21 =	simm.s32 $0x0  }
0x6: {  	s7 =	sand.u32 $0x1, s1;
	s8 =	smul.u32 $0x2780, s0;
	s1 =	rddreg [dreg:$0x3]  }
0x7: {  	[smem:$0x7FF] =	sst s4;
	s28 =	sadd.s32 $0x2A00, s6;
	s31 =	sshll.u32 s0, $0x6  }
0x8: {  	s5 =	smul.u32 $0x27800, s7;
	s9 =	sshll.u32 s7, $0x4;
	s29 =	ssub.s32 $0x2, s7  }
0x9: {  	_ =	strace $0x80000047;
	s19 =	sor.u32 s0, s9;
	s7 =	sshrl.u32 s29, $0x1  }
0xa: {  	s5 =	sadd.s32 s8, s5;
	s11 =	smul.u32 $0x2700, s19;
	s12 =	sshll.u32 s19, $0x4  }
0xb: {  	s13 =	ssub.s32 s29, s7;
	s7 =	sadd.s32 s8, s3;
	p0 =	slt.u32 s19, $0x1C  }
0xc: {  	s19 =	sor.u32 $0x1C05, s31;
	s10 =	sshrl.u32 s5, $0x3;
	s5 =	sadd.s32 $0x16400, s6  }
0xd: {  	s9 =	sadd.s32 s12, s28;
	s12 =	simm.s32 $0x2700;
	s20 =	sshrl.u32 s7, $0x3  }
0xe: {  	s10 =	sadd.s32 s10, s6;
	s11 =	sshrl.u32 s11, $0x3;
	s8 =	sadd.s32 $0x13680, s9  }
0xf: {  	s30 =	sadd.s32 s28, s11;
	s9 =	sadd.s32 $0x16A00, s10;
	s10 =	smax.u32 s13, $0x1  }
0x10: {  	s11 =	simm.s32 $0x2F00;
	s13 =	simm.s32 $0x1;
	s6 =	sadd.s32 $0x9C40, s30  }
.LBB2_1:
0x11: {  	[tilespmem:s11], [sflag:$0x1] =	stream.linear.gather [hbm4b:s5+s4], $0x2780, $0x38;
	[tilespmem:$0x7E00] =	vst v63  }
0x12: {  	_ = 	snop  }
0x13: {  	[tilespmem:s12], [sflag:$0x2] =	stream.linear.gather [hbm4b:s2+s4], $0x800, $0x38;
	[tilespmem:$0x7E00] =	vst v63  }
0x14: {  	_ = 	snop  }
0x15: {  	[tilespmem:s4], [sflag:$0x3] =	stream.linear.gather [hbm4b:s6+s4], $0x2700, $0x38;
	[tilespmem:$0x7E00] =	vst v63  }
0x16: {  	_ =	swait.ge [sflag:s13], $0x2780  }
0x17: {  	[sflag:s13] =	ssyncset.done $0x0  }
0x18: {  	[sflag:s13] =	ssyncadd.s32 $0xFFFFD880  }
0x19: {  	[spmem:s7] =	stream.linear.scatter [tilespmem:s11], [sflag:$0x5], $0x2780, $0x38;
	[tilespmem:$0x7E00] =	vst v63  }
0x1a: {  	_ =	swait.ge [sflag:s14], $0x2780  }
0x1b: {  	[sflag:s14] =	ssyncset.done $0x0  }
0x1c: {  	[sflag:s14] =	ssyncadd.s32 $0xFFFFD880  }
0x1d: {  	_ =	swait.ge [sflag:s15], $0x800  }
0x1e: {  	[sflag:s15] =	ssyncset.done $0x0  }
0x1f: {  	[sflag:s15] =	ssyncadd.s32 $0xFFFFF800  }
0x20: {  	_ =	swait.ge [sflag:s16], $0x2700  }
0x21: {  	[sflag:s16] =	ssyncset.done $0x0  }
0x22: {  	[sflag:s16] =	ssyncadd.s32 $0xFFFFD900  }
0x23: {  	s22 =	simm.s32 $0x0;
	[bflag:$0x0] =	sbarrier.arrive $0xFFFF  }
0x24: {  	[spmem:s3] =	stream.indirect.scatter.add.f32 [tilespmem:s12], [sflag:$0x4], $0x10, s22, s17, $0xb8;
	[tilespmem:$0x7E00] =	vst v63  }
0x25: {  	s31 =	simm.s32 $0x80  }
0x26: {  	[spmem:s3] =	stream.indirect.scatter.add.f32 [tilespmem:s12], [sflag:$0x4], $0x10, s31, s17, $0xb8;
	[tilespmem:$0x7E00] =	vst v63  }
0x27: {  	s23 =	simm.s32 $0x100  }
0x28: {  	[spmem:s3] =	stream.indirect.scatter.add.f32 [tilespmem:s12], [sflag:$0x4], $0x10, s23, s17, $0xb8;
	[tilespmem:$0x7E00] =	vst v63  }
0x29: {  	s24 =	simm.s32 $0x180  }
0x2a: {  	[spmem:s3] =	stream.indirect.scatter.add.f32 [tilespmem:s12], [sflag:$0x4], $0x10, s24, s17, $0xb8;
	[tilespmem:$0x7E00] =	vst v63  }
0x2b: {  	s25 =	simm.s32 $0x200  }
0x2c: {  	[spmem:s3] =	stream.indirect.scatter.add.f32 [tilespmem:s12], [sflag:$0x4], $0x10, s25, s17, $0xb8;
	[tilespmem:$0x7E00] =	vst v63  }
0x2d: {  	s26 =	simm.s32 $0x280  }
0x2e: {  	[spmem:s3] =	stream.indirect.scatter.add.f32 [tilespmem:s12], [sflag:$0x4], $0x10, s26, s17, $0xb8;
	[tilespmem:$0x7E00] =	vst v63  }
0x2f: {  	s28 =	simm.s32 $0x300  }
0x30: {  	[spmem:s3] =	stream.indirect.scatter.add.f32 [tilespmem:s12], [sflag:$0x4], $0x10, s28, s17, $0xb8;
	[tilespmem:$0x7E00] =	vst v63  }
0x31: {  	s29 =	simm.s32 $0x380  }
0x32: {  	[spmem:s3] =	stream.indirect.scatter.add.f32 [tilespmem:s12], [sflag:$0x4], $0x10, s29, s17, $0xb8;
	[tilespmem:$0x7E00] =	vst v63  }
0x33: {  	s30 =	simm.s32 $0x400  }
0x34: {  	[spmem:s3] =	stream.indirect.scatter.add.f32 [tilespmem:s12], [sflag:$0x4], $0x10, s30, s17, $0xb8;
	[tilespmem:$0x7E00] =	vst v63  }
0x35: {  	s31 =	simm.s32 $0x480  }
0x36: {  	[spmem:s3] =	stream.indirect.scatter.add.f32 [tilespmem:s12], [sflag:$0x4], $0x10, s31, s17, $0xb8;
	[tilespmem:$0x7E00] =	vst v63  }
0x37: {  	s23 =	simm.s32 $0x500  }
0x38: {  	[spmem:s3] =	stream.indirect.scatter.add.f32 [tilespmem:s12], [sflag:$0x4], $0x10, s23, s17, $0xb8;
	[tilespmem:$0x7E00] =	vst v63  }
0x39: {  	s24 =	simm.s32 $0x580  }
0x3a: {  	[spmem:s3] =	stream.indirect.scatter.add.f32 [tilespmem:s12], [sflag:$0x4], $0x10, s24, s17, $0xb8;
	[tilespmem:$0x7E00] =	vst v63  }
0x3b: {  	s25 =	simm.s32 $0x600  }
0x3c: {  	[spmem:s3] =	stream.indirect.scatter.add.f32 [tilespmem:s12], [sflag:$0x4], $0x10, s25, s17, $0xb8;
	[tilespmem:$0x7E00] =	vst v63  }
0x3d: {  	s26 =	simm.s32 $0x680  }
0x3e: {  	[spmem:s3] =	stream.indirect.scatter.add.f32 [tilespmem:s12], [sflag:$0x4], $0x10, s26, s17, $0xb8;
	[tilespmem:$0x7E00] =	vst v63  }
0x3f: {  	s28 =	simm.s32 $0x700  }
0x40: {  	[spmem:s3] =	stream.indirect.scatter.add.f32 [tilespmem:s12], [sflag:$0x4], $0x10, s28, s17, $0xb8;
	[tilespmem:$0x7E00] =	vst v63  }
0x41: {  	s29 =	simm.s32 $0x780  }
0x42: {  	[spmem:s3] =	stream.indirect.scatter.add.f32 [tilespmem:s12], [sflag:$0x4], $0x10, s29, s17, $0xb8;
	[tilespmem:$0x7E00] =	vst v63  }
0x43: {  	s30 =	simm.s32 $0x800  }
0x44: {  	[spmem:s3] =	stream.indirect.scatter.add.f32 [tilespmem:s12], [sflag:$0x4], $0x10, s30, s17, $0xb8;
	[tilespmem:$0x7E00] =	vst v63  }
0x45: {  	s31 =	simm.s32 $0x880  }
0x46: {  	[spmem:s3] =	stream.indirect.scatter.add.f32 [tilespmem:s12], [sflag:$0x4], $0x10, s31, s17, $0xb8;
	[tilespmem:$0x7E00] =	vst v63  }
0x47: {  	s23 =	simm.s32 $0x900  }
0x48: {  	[spmem:s3] =	stream.indirect.scatter.add.f32 [tilespmem:s12], [sflag:$0x4], $0x10, s23, s17, $0xb8;
	[tilespmem:$0x7E00] =	vst v63  }
0x49: {  	s24 =	simm.s32 $0x980  }
0x4a: {  	[spmem:s3] =	stream.indirect.scatter.add.f32 [tilespmem:s12], [sflag:$0x4], $0x10, s24, s17, $0xb8;
	[tilespmem:$0x7E00] =	vst v63  }
0x4b: {  	s25 =	simm.s32 $0xA00  }
0x4c: {  	[spmem:s3] =	stream.indirect.scatter.add.f32 [tilespmem:s12], [sflag:$0x4], $0x10, s25, s17, $0xb8;
	[tilespmem:$0x7E00] =	vst v63  }
0x4d: {  	s26 =	simm.s32 $0xA80  }
0x4e: {  	[spmem:s3] =	stream.indirect.scatter.add.f32 [tilespmem:s12], [sflag:$0x4], $0x10, s26, s17, $0xb8;
	[tilespmem:$0x7E00] =	vst v63  }
0x4f: {  	s28 =	simm.s32 $0xB00  }
0x50: {  	[spmem:s3] =	stream.indirect.scatter.add.f32 [tilespmem:s12], [sflag:$0x4], $0x10, s28, s17, $0xb8;
	[tilespmem:$0x7E00] =	vst v63  }
0x51: {  	s29 =	simm.s32 $0xB80  }
0x52: {  	[spmem:s3] =	stream.indirect.scatter.add.f32 [tilespmem:s12], [sflag:$0x4], $0x10, s29, s17, $0xb8;
	[tilespmem:$0x7E00] =	vst v63  }
0x53: {  	s30 =	simm.s32 $0xC00  }
0x54: {  	[spmem:s3] =	stream.indirect.scatter.add.f32 [tilespmem:s12], [sflag:$0x4], $0x10, s30, s17, $0xb8;
	[tilespmem:$0x7E00] =	vst v63  }
0x55: {  	s31 =	simm.s32 $0xC80  }
0x56: {  	[spmem:s3] =	stream.indirect.scatter.add.f32 [tilespmem:s12], [sflag:$0x4], $0x10, s31, s17, $0xb8;
	[tilespmem:$0x7E00] =	vst v63  }
0x57: {  	_ =	swait.ge [sflag:s18], $0x800  }
0x58: {  	[sflag:s18] =	ssyncset.done $0x0  }
0x59: {  	[sflag:s18] =	ssyncadd.s32 $0xFFFFF800  }
0x5a: {  	_ =	swait.ge [sflag:s18], $0x800  }
0x5b: {  	[sflag:s18] =	ssyncset.done $0x0  }
0x5c: {  	[sflag:s18] =	ssyncadd.s32 $0xFFFFF800  }
0x5d: {  	_ =	swait.ge [sflag:s18], $0x800  }
0x5e: {  	[sflag:s18] =	ssyncset.done $0x0  }
0x5f: {  	[sflag:s18] =	ssyncadd.s32 $0xFFFFF800  }
0x60: {  	_ =	swait.ge [sflag:s18], $0x800  }
0x61: {  	[sflag:s18] =	ssyncset.done $0x0  }
0x62: {  	[sflag:s18] =	ssyncadd.s32 $0xFFFFF800  }
0x63: {  	_ =	swait.ge [sflag:s18], $0x800  }
0x64: {  	[sflag:s18] =	ssyncset.done $0x0  }
0x65: {  	[sflag:s18] =	ssyncadd.s32 $0xFFFFF800  }
0x66: {  	_ =	swait.ge [sflag:s18], $0x800  }
0x67: {  	[sflag:s18] =	ssyncset.done $0x0  }
0x68: {  	[sflag:s18] =	ssyncadd.s32 $0xFFFFF800  }
0x69: {  	_ =	swait.ge [sflag:s18], $0x800  }
0x6a: {  	[sflag:s18] =	ssyncset.done $0x0  }
0x6b: {  	[sflag:s18] =	ssyncadd.s32 $0xFFFFF800  }
0x6c: {  	_ =	swait.ge [sflag:s18], $0x800  }
0x6d: {  	[sflag:s18] =	ssyncset.done $0x0  }
0x6e: {  	[sflag:s18] =	ssyncadd.s32 $0xFFFFF800  }
0x6f: {  	_ =	swait.ge [sflag:s18], $0x800  }
0x70: {  	[sflag:s18] =	ssyncset.done $0x0  }
0x71: {  	[sflag:s18] =	ssyncadd.s32 $0xFFFFF800  }
0x72: {  	_ =	swait.ge [sflag:s18], $0x800  }
0x73: {  	[sflag:s18] =	ssyncset.done $0x0  }
0x74: {  	[sflag:s18] =	ssyncadd.s32 $0xFFFFF800  }
0x75: {  	_ =	swait.ge [sflag:s18], $0x800  }
0x76: {  	[sflag:s18] =	ssyncset.done $0x0  }
0x77: {  	[sflag:s18] =	ssyncadd.s32 $0xFFFFF800  }
0x78: {  	_ =	swait.ge [sflag:s18], $0x800  }
0x79: {  	[sflag:s18] =	ssyncset.done $0x0  }
0x7a: {  	[sflag:s18] =	ssyncadd.s32 $0xFFFFF800  }
0x7b: {  	_ =	swait.ge [sflag:s18], $0x800  }
0x7c: {  	[sflag:s18] =	ssyncset.done $0x0  }
0x7d: {  	[sflag:s18] =	ssyncadd.s32 $0xFFFFF800  }
0x7e: {  	_ =	swait.ge [sflag:s18], $0x800  }
0x7f: {  	[sflag:s18] =	ssyncset.done $0x0  }
0x80: {  	[sflag:s18] =	ssyncadd.s32 $0xFFFFF800  }
0x81: {  	_ =	swait.ge [sflag:s18], $0x800  }
0x82: {  	[sflag:s18] =	ssyncset.done $0x0  }
0x83: {  	[sflag:s18] =	ssyncadd.s32 $0xFFFFF800  }
0x84: {  	_ =	swait.ge [sflag:s18], $0x800  }
0x85: {  	[sflag:s18] =	ssyncset.done $0x0  }
0x86: {  	[sflag:s18] =	ssyncadd.s32 $0xFFFFF800  }
0x87: {  	_ =	swait.ge [sflag:s18], $0x800  }
0x88: {  	[sflag:s18] =	ssyncset.done $0x0  }
0x89: {  	[sflag:s18] =	ssyncadd.s32 $0xFFFFF800  }
0x8a: {  	_ =	swait.ge [sflag:s18], $0x800  }
0x8b: {  	[sflag:s18] =	ssyncset.done $0x0  }
0x8c: {  	[sflag:s18] =	ssyncadd.s32 $0xFFFFF800  }
0x8d: {  	_ =	swait.ge [sflag:s18], $0x800  }
0x8e: {  	[sflag:s18] =	ssyncset.done $0x0  }
0x8f: {  	[sflag:s18] =	ssyncadd.s32 $0xFFFFF800  }
0x90: {  	_ =	swait.ge [sflag:s18], $0x800  }
0x91: {  	[sflag:s18] =	ssyncset.done $0x0  }
0x92: {  	[sflag:s18] =	ssyncadd.s32 $0xFFFFF800  }
0x93: {  	_ =	swait.ge [sflag:s18], $0x800  }
0x94: {  	[sflag:s18] =	ssyncset.done $0x0  }
0x95: {  	[sflag:s18] =	ssyncadd.s32 $0xFFFFF800  }
0x96: {  	_ =	swait.ge [sflag:s18], $0x800  }
0x97: {  	[sflag:s18] =	ssyncset.done $0x0  }
0x98: {  	[sflag:s18] =	ssyncadd.s32 $0xFFFFF800  }
0x99: {  	_ =	swait.ge [sflag:s18], $0x800  }
0x9a: {  	[sflag:s18] =	ssyncset.done $0x0  }
0x9b: {  	[sflag:s18] =	ssyncadd.s32 $0xFFFFF800  }
0x9c: {  	_ =	swait.ge [sflag:s18], $0x800  }
0x9d: {  	[sflag:s18] =	ssyncset.done $0x0  }
0x9e: {  	[sflag:s18] =	ssyncadd.s32 $0xFFFFF800  }
0x9f: {  	_ =	swait.ge [sflag:s18], $0x800  }
0xa0: {  	[sflag:s18] =	ssyncset.done $0x0  }
0xa1: {  	[sflag:s18] =	ssyncadd.s32 $0xFFFFF800  }
0xa2: {  	_ =	swait.ge [sflag:s18], $0x800  }
0xa3: {  	s22 =	simm.s32 $0x3400;
	[sflag:s18] =	ssyncset.done $0x0  }
.LBB2_2:
0xa4: {  	p1 =	sne.s32 s22, $0x6800  }
0xa5: {  	[sflag:s18] =	ssyncadd.s32 $0xFFFFF800;
	s23 =	smov.u32 s22;
	s22 =	sadd.s32 $0x3400, s22  }
0xa6: {  	s23 =	sshra.s32 s23, $0x2  }
0xa7: {  	[spmem:s3] =	stream.indirect.scatter.add.f32 [tilespmem:s12], [sflag:$0x4], $0x10, s23, s17, $0xb8;
	[tilespmem:$0x7E00] =	vst v63  }
0xa8: {  	s24 =	sadd.s32 $0x80, s23  }
0xa9: {  	[spmem:s3] =	stream.indirect.scatter.add.f32 [tilespmem:s12], [sflag:$0x4], $0x10, s24, s17, $0xb8;
	[tilespmem:$0x7E00] =	vst v63  }
0xaa: {  	s24 =	sadd.s32 $0x100, s23  }
0xab: {  	[spmem:s3] =	stream.indirect.scatter.add.f32 [tilespmem:s12], [sflag:$0x4], $0x10, s24, s17, $0xb8;
	[tilespmem:$0x7E00] =	vst v63  }
0xac: {  	s24 =	sadd.s32 $0x180, s23  }
0xad: {  	[spmem:s3] =	stream.indirect.scatter.add.f32 [tilespmem:s12], [sflag:$0x4], $0x10, s24, s17, $0xb8;
	[tilespmem:$0x7E00] =	vst v63  }
0xae: {  	s24 =	sadd.s32 $0x200, s23  }
0xaf: {  	[spmem:s3] =	stream.indirect.scatter.add.f32 [tilespmem:s12], [sflag:$0x4], $0x10, s24, s17, $0xb8;
	[tilespmem:$0x7E00] =	vst v63  }
0xb0: {  	s24 =	sadd.s32 $0x280, s23  }
0xb1: {  	[spmem:s3] =	stream.indirect.scatter.add.f32 [tilespmem:s12], [sflag:$0x4], $0x10, s24, s17, $0xb8;
	[tilespmem:$0x7E00] =	vst v63  }
0xb2: {  	s24 =	sadd.s32 $0x300, s23  }
0xb3: {  	[spmem:s3] =	stream.indirect.scatter.add.f32 [tilespmem:s12], [sflag:$0x4], $0x10, s24, s17, $0xb8;
	[tilespmem:$0x7E00] =	vst v63  }
0xb4: {  	s24 =	sadd.s32 $0x380, s23  }
0xb5: {  	[spmem:s3] =	stream.indirect.scatter.add.f32 [tilespmem:s12], [sflag:$0x4], $0x10, s24, s17, $0xb8;
	[tilespmem:$0x7E00] =	vst v63  }
0xb6: {  	s24 =	sadd.s32 $0x400, s23  }
0xb7: {  	[spmem:s3] =	stream.indirect.scatter.add.f32 [tilespmem:s12], [sflag:$0x4], $0x10, s24, s17, $0xb8;
	[tilespmem:$0x7E00] =	vst v63  }
0xb8: {  	s24 =	sadd.s32 $0x480, s23  }
0xb9: {  	[spmem:s3] =	stream.indirect.scatter.add.f32 [tilespmem:s12], [sflag:$0x4], $0x10, s24, s17, $0xb8;
	[tilespmem:$0x7E00] =	vst v63  }
0xba: {  	s24 =	sadd.s32 $0x500, s23  }
0xbb: {  	[spmem:s3] =	stream.indirect.scatter.add.f32 [tilespmem:s12], [sflag:$0x4], $0x10, s24, s17, $0xb8;
	[tilespmem:$0x7E00] =	vst v63  }
0xbc: {  	s24 =	sadd.s32 $0x580, s23  }
0xbd: {  	[spmem:s3] =	stream.indirect.scatter.add.f32 [tilespmem:s12], [sflag:$0x4], $0x10, s24, s17, $0xb8;
	[tilespmem:$0x7E00] =	vst v63  }
0xbe: {  	s24 =	sadd.s32 $0x600, s23  }
0xbf: {  	[spmem:s3] =	stream.indirect.scatter.add.f32 [tilespmem:s12], [sflag:$0x4], $0x10, s24, s17, $0xb8;
	[tilespmem:$0x7E00] =	vst v63  }
0xc0: {  	s24 =	sadd.s32 $0x680, s23  }
0xc1: {  	[spmem:s3] =	stream.indirect.scatter.add.f32 [tilespmem:s12], [sflag:$0x4], $0x10, s24, s17, $0xb8;
	[tilespmem:$0x7E00] =	vst v63  }
0xc2: {  	s24 =	sadd.s32 $0x700, s23  }
0xc3: {  	[spmem:s3] =	stream.indirect.scatter.add.f32 [tilespmem:s12], [sflag:$0x4], $0x10, s24, s17, $0xb8;
	[tilespmem:$0x7E00] =	vst v63  }
0xc4: {  	s24 =	sadd.s32 $0x780, s23  }
0xc5: {  	[spmem:s3] =	stream.indirect.scatter.add.f32 [tilespmem:s12], [sflag:$0x4], $0x10, s24, s17, $0xb8;
	[tilespmem:$0x7E00] =	vst v63  }
0xc6: {  	s24 =	sadd.s32 $0x800, s23  }
0xc7: {  	[spmem:s3] =	stream.indirect.scatter.add.f32 [tilespmem:s12], [sflag:$0x4], $0x10, s24, s17, $0xb8;
	[tilespmem:$0x7E00] =	vst v63  }
0xc8: {  	s24 =	sadd.s32 $0x880, s23  }
0xc9: {  	[spmem:s3] =	stream.indirect.scatter.add.f32 [tilespmem:s12], [sflag:$0x4], $0x10, s24, s17, $0xb8;
	[tilespmem:$0x7E00] =	vst v63  }
0xca: {  	s24 =	sadd.s32 $0x900, s23  }
0xcb: {  	[spmem:s3] =	stream.indirect.scatter.add.f32 [tilespmem:s12], [sflag:$0x4], $0x10, s24, s17, $0xb8;
	[tilespmem:$0x7E00] =	vst v63  }
0xcc: {  	s24 =	sadd.s32 $0x980, s23  }
0xcd: {  	[spmem:s3] =	stream.indirect.scatter.add.f32 [tilespmem:s12], [sflag:$0x4], $0x10, s24, s17, $0xb8;
	[tilespmem:$0x7E00] =	vst v63  }
0xce: {  	s24 =	sadd.s32 $0xA00, s23  }
0xcf: {  	[spmem:s3] =	stream.indirect.scatter.add.f32 [tilespmem:s12], [sflag:$0x4], $0x10, s24, s17, $0xb8;
	[tilespmem:$0x7E00] =	vst v63  }
0xd0: {  	s24 =	sadd.s32 $0xA80, s23  }
0xd1: {  	[spmem:s3] =	stream.indirect.scatter.add.f32 [tilespmem:s12], [sflag:$0x4], $0x10, s24, s17, $0xb8;
	[tilespmem:$0x7E00] =	vst v63  }
0xd2: {  	s24 =	sadd.s32 $0xB00, s23  }
0xd3: {  	[spmem:s3] =	stream.indirect.scatter.add.f32 [tilespmem:s12], [sflag:$0x4], $0x10, s24, s17, $0xb8;
	[tilespmem:$0x7E00] =	vst v63  }
0xd4: {  	s24 =	sadd.s32 $0xB80, s23  }
0xd5: {  	[spmem:s3] =	stream.indirect.scatter.add.f32 [tilespmem:s12], [sflag:$0x4], $0x10, s24, s17, $0xb8;
	[tilespmem:$0x7E00] =	vst v63  }
0xd6: {  	s24 =	sadd.s32 $0xC00, s23  }
0xd7: {  	[spmem:s3] =	stream.indirect.scatter.add.f32 [tilespmem:s12], [sflag:$0x4], $0x10, s24, s17, $0xb8;
	[tilespmem:$0x7E00] =	vst v63  }
0xd8: {  	s23 =	sadd.s32 $0xC80, s23  }
0xd9: {  	[spmem:s3] =	stream.indirect.scatter.add.f32 [tilespmem:s12], [sflag:$0x4], $0x10, s23, s17, $0xb8;
	[tilespmem:$0x7E00] =	vst v63  }
0xda: {  	_ =	swait.ge [sflag:s18], $0x800  }
0xdb: {  	[sflag:s18] =	ssyncset.done $0x0  }
0xdc: {  	[sflag:s18] =	ssyncadd.s32 $0xFFFFF800  }
0xdd: {  	_ =	swait.ge [sflag:s18], $0x800  }
0xde: {  	[sflag:s18] =	ssyncset.done $0x0  }
0xdf: {  	[sflag:s18] =	ssyncadd.s32 $0xFFFFF800  }
0xe0: {  	_ =	swait.ge [sflag:s18], $0x800  }
0xe1: {  	[sflag:s18] =	ssyncset.done $0x0  }
0xe2: {  	[sflag:s18] =	ssyncadd.s32 $0xFFFFF800  }
0xe3: {  	_ =	swait.ge [sflag:s18], $0x800  }
0xe4: {  	[sflag:s18] =	ssyncset.done $0x0  }
0xe5: {  	[sflag:s18] =	ssyncadd.s32 $0xFFFFF800  }
0xe6: {  	_ =	swait.ge [sflag:s18], $0x800  }
0xe7: {  	[sflag:s18] =	ssyncset.done $0x0  }
0xe8: {  	[sflag:s18] =	ssyncadd.s32 $0xFFFFF800  }
0xe9: {  	_ =	swait.ge [sflag:s18], $0x800  }
0xea: {  	[sflag:s18] =	ssyncset.done $0x0  }
0xeb: {  	[sflag:s18] =	ssyncadd.s32 $0xFFFFF800  }
0xec: {  	_ =	swait.ge [sflag:s18], $0x800  }
0xed: {  	[sflag:s18] =	ssyncset.done $0x0  }
0xee: {  	[sflag:s18] =	ssyncadd.s32 $0xFFFFF800  }
0xef: {  	_ =	swait.ge [sflag:s18], $0x800  }
0xf0: {  	[sflag:s18] =	ssyncset.done $0x0  }
0xf1: {  	[sflag:s18] =	ssyncadd.s32 $0xFFFFF800  }
0xf2: {  	_ =	swait.ge [sflag:s18], $0x800  }
0xf3: {  	[sflag:s18] =	ssyncset.done $0x0  }
0xf4: {  	[sflag:s18] =	ssyncadd.s32 $0xFFFFF800  }
0xf5: {  	_ =	swait.ge [sflag:s18], $0x800  }
0xf6: {  	[sflag:s18] =	ssyncset.done $0x0  }
0xf7: {  	[sflag:s18] =	ssyncadd.s32 $0xFFFFF800  }
0xf8: {  	_ =	swait.ge [sflag:s18], $0x800  }
0xf9: {  	[sflag:s18] =	ssyncset.done $0x0  }
0xfa: {  	[sflag:s18] =	ssyncadd.s32 $0xFFFFF800  }
0xfb: {  	_ =	swait.ge [sflag:s18], $0x800  }
0xfc: {  	[sflag:s18] =	ssyncset.done $0x0  }
0xfd: {  	[sflag:s18] =	ssyncadd.s32 $0xFFFFF800  }
0xfe: {  	_ =	swait.ge [sflag:s18], $0x800  }
0xff: {  	[sflag:s18] =	ssyncset.done $0x0  }
0x100: {  	[sflag:s18] =	ssyncadd.s32 $0xFFFFF800  }
0x101: {  	_ =	swait.ge [sflag:s18], $0x800  }
0x102: {  	[sflag:s18] =	ssyncset.done $0x0  }
0x103: {  	[sflag:s18] =	ssyncadd.s32 $0xFFFFF800  }
0x104: {  	_ =	swait.ge [sflag:s18], $0x800  }
0x105: {  	[sflag:s18] =	ssyncset.done $0x0  }
0x106: {  	[sflag:s18] =	ssyncadd.s32 $0xFFFFF800  }
0x107: {  	_ =	swait.ge [sflag:s18], $0x800  }
0x108: {  	[sflag:s18] =	ssyncset.done $0x0  }
0x109: {  	[sflag:s18] =	ssyncadd.s32 $0xFFFFF800  }
0x10a: {  	_ =	swait.ge [sflag:s18], $0x800  }
0x10b: {  	[sflag:s18] =	ssyncset.done $0x0  }
0x10c: {  	[sflag:s18] =	ssyncadd.s32 $0xFFFFF800  }
0x10d: {  	_ =	swait.ge [sflag:s18], $0x800  }
0x10e: {  	[sflag:s18] =	ssyncset.done $0x0  }
0x10f: {  	[sflag:s18] =	ssyncadd.s32 $0xFFFFF800  }
0x110: {  	_ =	swait.ge [sflag:s18], $0x800  }
0x111: {  	[sflag:s18] =	ssyncset.done $0x0  }
0x112: {  	[sflag:s18] =	ssyncadd.s32 $0xFFFFF800  }
0x113: {  	_ =	swait.ge [sflag:s18], $0x800  }
0x114: {  	[sflag:s18] =	ssyncset.done $0x0  }
0x115: {  	[sflag:s18] =	ssyncadd.s32 $0xFFFFF800  }
0x116: {  	_ =	swait.ge [sflag:s18], $0x800  }
0x117: {  	[sflag:s18] =	ssyncset.done $0x0  }
0x118: {  	[sflag:s18] =	ssyncadd.s32 $0xFFFFF800  }
0x119: {  	_ =	swait.ge [sflag:s18], $0x800  }
0x11a: {  	[sflag:s18] =	ssyncset.done $0x0  }
0x11b: {  	[sflag:s18] =	ssyncadd.s32 $0xFFFFF800  }
0x11c: {  	_ =	swait.ge [sflag:s18], $0x800  }
0x11d: {  	[sflag:s18] =	ssyncset.done $0x0  }
0x11e: {  	[sflag:s18] =	ssyncadd.s32 $0xFFFFF800  }
0x11f: {  	_ =	swait.ge [sflag:s18], $0x800  }
0x120: {  	[sflag:s18] =	ssyncset.done $0x0  }
0x121: {  	[sflag:s18] =	ssyncadd.s32 $0xFFFFF800  }
.Ltmp0:
0x122: {  	_ =	swait.ge [sflag:s18], $0x800;
	(pc) =	sbr.rel @p1 .LBB2_2-.Ltmp0, $4  }
0x123: {  	[sflag:s18] =	ssyncset.done $0x0  }
0x124: {  	[sflag:s18] =	ssyncadd.s32 $0xFFFFF800  }
0x125: {  	_ =	swait.ge [sflag:s18], $0x800  }
0x126: {  	[sflag:s18] =	ssyncset.done $0x0  }
0x127: {  	[sflag:s18] =	ssyncadd.s32 $0xFFFFF800;
	s22 =	simm.s32 @!p0 $0x0;
	s23 =	simm.s32 @!p0 $0x5  }
0x128: {  	[tilespmem:s22], [sflag:$0x5] =	stream.linear.gather @!p0 [hbm4b:s8+s22], $0x80, $0x38;
	[tilespmem:$0x7E00] =	vst v63  }
0x129: {  	_ =	swait.ge @!p0 [sflag:s23], $0x80  }
0x12a: {  	[sflag:s23] =	ssyncset.done @!p0 $0x0  }
0x12b: {  	s24 =	simm.s32 @!p0 $0x80;
	s25 =	simm.s32 @!p0 $0x2700;
	[sflag:s23] =	ssyncadd.s32 @!p0 $0xFFFFFF80  }
0x12c: {  	[spmem:s3] =	stream.indirect.scatter.add.f32 @!p0 [tilespmem:s25], [sflag:$0x5], $0x10, s22, s24, $0xb8;
	[tilespmem:$0x7E00] =	vst v63  }
0x12d: {  	_ =	swait.ge @!p0 [sflag:s23], $0x800  }
0x12e: {  	s21 =	sadd.s32 $0x1, s21;
	[sflag:s23] =	ssyncset.done @!p0 $0x0  }
0x12f: {  	p1 =	sne.s32 s21, s10;
	[sflag:s23] =	ssyncadd.s32 @!p0 $0xFFFFF800  }
.Ltmp1:
0x130: {  	[bflag:$0x0] =	sbarrier.arrive $0xFFFF;
	(pc) =	sbr.rel @p1 .LBB2_1-.Ltmp1, $4  }
0x131: {  	[hbm:s9], [sflag:s19] =	dma.local [spmem:s20], $0x4F0  }
0x132: {  	_ =	swait.ge [sflag:s14], $0x4F0  }
0x133: {  	[sflag:s14] =	ssyncset.done $0x0  }
0x134: {  	[sflag:s14] =	ssyncadd.s32 $0xFFFFFB10  }
0x135: {  	_ =	sfence.sel $0x180000  }
0x136: {  	[bflag:$0x0] =	sbarrier.arrive $0xFFFF  }
0x137: {  	p0 =	sne.s32 s0, $0x0;
	_ =	strace $0x90000047  }
0x138: {  	s0 =	sadd.s32 @!p0 $0x100000, s1;
	[bflag:$0x2] =	sbarrier.arrive $0xFFFF  }
0x139: {  	[sflag:s0] =	ssyncadd.tile.s32 @!p0 $0x1;
	_ =	shalt  }
.Lfunc_end2:
_tile_overlayer_lowered:
.L_overlay_start_2:
0x13a: {  	(tag) =	ssettag $0x2  }
0x13b: {  	s0 =	rddreg [dreg:$0x0];
	s2 =	stileid.u32  }
0x13c: {  	s1 =	rddreg [dreg:$0x1];
	p0 =	sne.s32 s2, $0x0  }
0x13d: {  	s3 =	rddreg [dreg:$0x2];
	[bflag:$0x3] =	sbarrier.arrive $0xFFFF;
	s2 =	simm.s32 @!p0 $0x1C05  }
0x13e: {  	[timem:s3], [sflag:s2] =	dma.local @!p0 [hbm:s0], s1  }
0x13f: {  	s0 =	simm.s32 @!p0 $0x5  }
0x140: {  	_ =	swait.ge @!p0 [sflag:s0], s1  }
0x141: {  	s1 =	ssub.s32 @!p0 $0x0, s1;
	[sflag:s0] =	ssyncset.done @!p0 $0x0  }
0x142: {  	[sflag:s0] =	ssyncadd.s32 @!p0 s1  }
0x143: {  	[bflag:$0x3] =	sbarrier.arrive $0xFFFF  }
0x144: {  	_ =	shalt  }

</sc_bundles>
